<compile_context>
chip_gen: v7x
topology: tpu7x:2x2x1
jax: 0.10.2.dev20260603
libtpu: 0.0.44.dev20260713+nightly
codegen_flags: <defaults>
</compile_context>

<pallas_src>
import functools

import jax
import jax.numpy as jnp
from jax import lax
from jax.experimental import pallas as pl
from jax.experimental.pallas import tpu as pltpu
from jax.experimental.pallas import tpu_sc as plsc

N_NODES = 10000
N_EDGES = 320000
D = 128

NC, NS = 2, 16
NW = NC * NS
SR = 10112
STRIPE = SR // NS
BW = 128
NFULL = STRIPE // BW
TAIL = STRIPE - NFULL * BW

CW = 64
NCHUNKS = N_EDGES // CW
CPT = NCHUNKS // NW
EXTRA = NCHUNKS - CPT * NW
NB = 4


_mesh = plsc.VectorSubcoreMesh(
    core_axis_name="c", subcore_axis_name="s", num_cores=NC, num_subcores=NS)


@functools.partial(
    pl.kernel,
    out_type=[
        jax.ShapeDtypeStruct((NC * SR, D), jnp.float32),
        jax.ShapeDtypeStruct((NC * SR, D), jnp.float32),
    ],
    mesh=_mesh,
    scratch_types=[
        [pltpu.VMEM((CW,), jnp.int32) for _ in range(NB)],
        [pltpu.VMEM((CW,), jnp.int32) for _ in range(NB)],
        [pltpu.VMEM((CW, D), jnp.float32) for _ in range(NB)],
        pltpu.VMEM_SHARED((SR, D), jnp.float32),
        [pltpu.SemaphoreType.DMA for _ in range(NB)],
        [pltpu.SemaphoreType.DMA for _ in range(NB)],
        [pltpu.SemaphoreType.DMA for _ in range(NB)],
        [pltpu.SemaphoreType.DMA for _ in range(NB)],
    ],
)
def _sc_fused(x_hbm, edge_hbm, zrows_hbm, orows_hbm, s_out, cnt_out,
              si, di, rows, s_sh, sg, ss, sis, sid):
    c = lax.axis_index("c")
    s = lax.axis_index("s")
    wid = c * NS + s

    pltpu.sync_copy(zrows_hbm.at[pl.ds(0, CW)], rows[0])
    pltpu.sync_copy(zrows_hbm.at[pl.ds(CW, CW)], rows[1])
    base = s * STRIPE

    def zero_block(r0, n):
        pltpu.sync_copy(rows[0].at[pl.ds(0, min(n, CW))],
                        s_sh.at[pl.ds(r0, min(n, CW))])
        if n > CW:
            pltpu.sync_copy(rows[1].at[pl.ds(0, n - CW)],
                            s_sh.at[pl.ds(r0 + CW, n - CW)])

    for k in range(NFULL):
        zero_block(base + k * BW, BW)
    if TAIL:
        zero_block(base + NFULL * BW, TAIL)
    plsc.subcore_barrier()

    cbase = wid * CPT

    def start_src(b, ch):
        off = pl.multiple_of(ch * CW, CW)
        pltpu.async_copy(edge_hbm.at[pl.ds(off, CW)], si[b], sis[b])

    def wait_src(b):
        pltpu.make_async_copy(edge_hbm.at[pl.ds(0, CW)], si[b], sis[b]).wait()

    def start_dst(b, ch):
        off = pl.multiple_of(ch * CW, CW)
        pltpu.async_copy(edge_hbm.at[pl.ds(N_EDGES + off, CW)], di[b], sid[b])

    def wait_dst(b):
        pltpu.make_async_copy(edge_hbm.at[pl.ds(0, CW)], di[b], sid[b]).wait()

    def start_gather(b):
        pltpu.async_copy(x_hbm.at[si[b]], rows[b], sg[b])

    def wait_gather(b):
        pltpu.make_async_copy(x_hbm.at[si[b]], rows[b], sg[b]).wait()

    def start_scatter(b):
        pltpu.async_copy(rows[b], s_sh.at[di[b]], ss[b], add=True)

    def wait_scatter(b):
        pltpu.make_async_copy(rows[b], s_sh.at[di[b]], ss[b]).wait()

    for b in range(NB):
        start_src(b, cbase + b)
        start_dst(b, cbase + b)
    for b in range(NB):
        wait_src(b)
        start_gather(b)
    for b in range(NB):
        wait_gather(b)
        wait_dst(b)
        start_scatter(b)

    def group(g, carry):
        l = cbase + g * NB
        for b in range(NB):
            wait_scatter(b)
            start_src(b, l + b)
            start_dst(b, l + b)
            wait_src(b)
            start_gather(b)
        for b in range(NB):
            wait_gather(b)
            wait_dst(b)
            start_scatter(b)
        return carry

    lax.fori_loop(1, CPT // NB, group, 0)
    for b in range(NB):
        wait_scatter(b)

    @pl.when(wid < EXTRA)
    def _():
        ch = NW * CPT + wid
        start_src(0, ch)
        start_dst(0, ch)
        wait_src(0)
        wait_dst(0)
        start_gather(0)
        wait_gather(0)
        start_scatter(0)
        wait_scatter(0)

    plsc.subcore_barrier()

    def writeback(r0, n):
        n0 = min(n, CW)
        pltpu.sync_copy(s_sh.at[pl.ds(r0, n0)], rows[0].at[pl.ds(0, n0)])
        pltpu.sync_copy(rows[0].at[pl.ds(0, n0)],
                        s_out.at[pl.ds(c * SR + r0, n0)])
        if n > CW:
            pltpu.sync_copy(s_sh.at[pl.ds(r0 + CW, n - CW)],
                            rows[1].at[pl.ds(0, n - CW)])
            pltpu.sync_copy(rows[1].at[pl.ds(0, n - CW)],
                            s_out.at[pl.ds(c * SR + r0 + CW, n - CW)])

    for k in range(NFULL):
        writeback(base + k * BW, BW)
    if TAIL:
        writeback(base + NFULL * BW, TAIL)

    pltpu.sync_copy(zrows_hbm.at[pl.ds(0, CW)], rows[0])
    pltpu.sync_copy(zrows_hbm.at[pl.ds(CW, CW)], rows[1])
    for k in range(NFULL):
        zero_block(base + k * BW, BW)
    if TAIL:
        zero_block(base + NFULL * BW, TAIL)
    pltpu.sync_copy(orows_hbm.at[pl.ds(0, CW)], rows[0])
    plsc.subcore_barrier()

    def start_cscatter(b):
        pltpu.async_copy(rows[0], s_sh.at[di[b]], ss[b], add=True)

    def wait_cscatter(b):
        pltpu.make_async_copy(rows[0], s_sh.at[di[b]], ss[b]).wait()

    for b in range(NB):
        start_dst(b, cbase + b)
    for b in range(NB):
        wait_dst(b)
        start_cscatter(b)

    def cgroup(g, carry):
        l = cbase + g * NB
        for b in range(NB):
            wait_cscatter(b)
            start_dst(b, l + b)
        for b in range(NB):
            wait_dst(b)
            start_cscatter(b)
        return carry

    lax.fori_loop(1, CPT // NB, cgroup, 0)
    for b in range(NB):
        wait_cscatter(b)

    @pl.when(wid < EXTRA)
    def _():
        start_dst(0, NW * CPT + wid)
        wait_dst(0)
        start_cscatter(0)
        wait_cscatter(0)

    plsc.subcore_barrier()

    def cwriteback(r0, n):
        n0 = min(n, CW)
        pltpu.sync_copy(s_sh.at[pl.ds(r0, n0)], rows[1].at[pl.ds(0, n0)])
        pltpu.sync_copy(rows[1].at[pl.ds(0, n0)],
                        cnt_out.at[pl.ds(c * SR + r0, n0)])
        if n > CW:
            pltpu.sync_copy(s_sh.at[pl.ds(r0 + CW, n - CW)],
                            rows[2].at[pl.ds(0, n - CW)])
            pltpu.sync_copy(rows[2].at[pl.ds(0, n - CW)],
                            cnt_out.at[pl.ds(c * SR + r0 + CW, n - CW)])

    for k in range(NFULL):
        cwriteback(base + k * BW, BW)
    if TAIL:
        cwriteback(base + NFULL * BW, TAIL)


RB = 2000


def _tc_body(x_ref, s_ref, c_ref, wi_ref, wj_ref, b_ref, o_ref):
    cnt = c_ref[0, :, 0:1] + c_ref[1, :, 0:1]
    ssum = s_ref[0] + s_ref[1]
    smean = ssum / jnp.maximum(cnt, 1.0)
    o = (jnp.dot(x_ref[...], wi_ref[...], preferred_element_type=jnp.float32)
         + jnp.dot(smean, wj_ref[...], preferred_element_type=jnp.float32)
         + b_ref[...])
    o_ref[...] = jnp.where(cnt > 0.0, o, 0.0)


def kernel(x, edge_index, W, b):
    edge1d = edge_index.astype(jnp.int32).reshape(2 * N_EDGES)
    zrows = jnp.zeros((BW, D), jnp.float32)
    orows = jnp.ones((BW, D), jnp.float32)

    s_out, cnt_out = _sc_fused(x, edge1d, zrows, orows)
    s3 = s_out.reshape(NC, SR, D)
    c3 = cnt_out.reshape(NC, SR, D)

    wi_t = W[:, :D].T
    wj_t = W[:, D:].T
    b2 = b.reshape(1, D)

    out = pl.pallas_call(
        _tc_body,
        grid=(N_NODES // RB,),
        in_specs=[
            pl.BlockSpec((RB, D), lambda i: (i, 0)),
            pl.BlockSpec((NC, RB, D), lambda i: (0, i, 0)),
            pl.BlockSpec((NC, RB, D), lambda i: (0, i, 0)),
            pl.BlockSpec((D, D), lambda i: (0, 0)),
            pl.BlockSpec((D, D), lambda i: (0, 0)),
            pl.BlockSpec((1, D), lambda i: (0, 0)),
        ],
        out_specs=pl.BlockSpec((RB, D), lambda i: (i, 0)),
        out_shape=jax.ShapeDtypeStruct((N_NODES, D), jnp.float32),
    )(x, s3, c3, wi_t, wj_t, b2)
    return out

# --- scband reference (transcript-rebuilt; emitter-appended) ---
"""Pipeline reference for scband-scene-generator-59889023975663 (READ-ONLY COPY).

The authoritative reference and input builder live on the scoring server;
editing this copy changes nothing except your own understanding.
"""

import jax, jax.numpy as jnp
import numpy as np

N_NODES = 10000
N_EDGES = 320000
IN_CH = 128
OUT_CH = 128


def setup_inputs(seed: int = 0) -> dict:
    key = jax.random.key(seed)
    k1, k2, k3, k4 = jax.random.split(key, 4)
    x = jax.random.normal(k1, (N_NODES, IN_CH), dtype=jnp.float32)
    edge_index = jax.random.randint(k2, (2, N_EDGES), 0, N_NODES, dtype=jnp.int64)
    # Linear(in_channels * 2, out_channels): weight [out, 2*in], bias [out]
    fan_in = 2 * IN_CH
    bound = float(np.sqrt(6.0 / (fan_in + OUT_CH))) * float(np.sqrt(2.0))  # xavier_uniform w/ relu gain
    W = jax.random.uniform(k3, (OUT_CH, fan_in), dtype=jnp.float32, minval=-bound, maxval=bound)
    b = jax.random.uniform(k4, (OUT_CH,), dtype=jnp.float32, minval=-1.0 / np.sqrt(fan_in), maxval=1.0 / np.sqrt(fan_in))
    return {"x": x, "edge_index": edge_index, "W": W, "b": b}


def reference(x, edge_index, W, b):
    # NaiveMsgPass (PyG MessagePassing, aggr='mean', flow=source_to_target):
    #   x_j = x[edge_index[0]] (source), x_i = x[edge_index[1]] (target)
    #   message = Linear(cat([x_i, x_j], dim=1))
    #   aggregate: mean-scatter messages to target nodes edge_index[1]
    src = edge_index[0]
    dst = edge_index[1]
    x_j = jnp.take(x, src, axis=0)
    x_i = jnp.take(x, dst, axis=0)
    msg = jnp.concatenate([x_i, x_j], axis=1) @ W.T + b
    summed = jax.ops.segment_sum(msg, dst, num_segments=x.shape[0])
    count = jax.ops.segment_sum(jnp.ones((msg.shape[0],), dtype=msg.dtype), dst, num_segments=x.shape[0])
    out = summed / jnp.clip(count, 1.0, None)[:, None]
    return out

if __name__ == "__main__":
    import jax
    _d = setup_inputs()
    print(jax.jit(kernel)(*tuple(_d.values())))

</pallas_src>

<mosaic_0001>
#map = affine_map<(d0, d1) -> (0, 0)>
#map1 = affine_map<(d0, d1) -> (0)>
module attributes {stable_mosaic.version = 14 : i64} {
  func.func @_sc_fused(%arg0: i32, %arg1: i32, %arg2: memref<10000x128xf32, #tpu.memory_space<hbm>>, %arg3: memref<640000xi32, #tpu.memory_space<hbm>>, %arg4: memref<128x128xf32, #tpu.memory_space<hbm>>, %arg5: memref<128x128xf32, #tpu.memory_space<hbm>>, %arg6: memref<20224x128xf32, #tpu.memory_space<hbm>>, %arg7: memref<20224x128xf32, #tpu.memory_space<hbm>>, %arg8: memref<64xi32, #tpu.memory_space<vmem>>, %arg9: memref<64xi32, #tpu.memory_space<vmem>>, %arg10: memref<64xi32, #tpu.memory_space<vmem>>, %arg11: memref<64xi32, #tpu.memory_space<vmem>>, %arg12: memref<64xi32, #tpu.memory_space<vmem>>, %arg13: memref<64xi32, #tpu.memory_space<vmem>>, %arg14: memref<64xi32, #tpu.memory_space<vmem>>, %arg15: memref<64xi32, #tpu.memory_space<vmem>>, %arg16: memref<64x128xf32, #tpu.memory_space<vmem>>, %arg17: memref<64x128xf32, #tpu.memory_space<vmem>>, %arg18: memref<64x128xf32, #tpu.memory_space<vmem>>, %arg19: memref<64x128xf32, #tpu.memory_space<vmem>>, %arg20: memref<10112x128xf32, #tpu.memory_space<vmem_shared>>, %arg21: memref<!tpu.dma_semaphore, #tpu.memory_space<semaphore_mem>>, %arg22: memref<!tpu.dma_semaphore, #tpu.memory_space<semaphore_mem>>, %arg23: memref<!tpu.dma_semaphore, #tpu.memory_space<semaphore_mem>>, %arg24: memref<!tpu.dma_semaphore, #tpu.memory_space<semaphore_mem>>, %arg25: memref<!tpu.dma_semaphore, #tpu.memory_space<semaphore_mem>>, %arg26: memref<!tpu.dma_semaphore, #tpu.memory_space<semaphore_mem>>, %arg27: memref<!tpu.dma_semaphore, #tpu.memory_space<semaphore_mem>>, %arg28: memref<!tpu.dma_semaphore, #tpu.memory_space<semaphore_mem>>, %arg29: memref<!tpu.dma_semaphore, #tpu.memory_space<semaphore_mem>>, %arg30: memref<!tpu.dma_semaphore, #tpu.memory_space<semaphore_mem>>, %arg31: memref<!tpu.dma_semaphore, #tpu.memory_space<semaphore_mem>>, %arg32: memref<!tpu.dma_semaphore, #tpu.memory_space<semaphore_mem>>, %arg33: memref<!tpu.dma_semaphore, #tpu.memory_space<semaphore_mem>>, %arg34: memref<!tpu.dma_semaphore, #tpu.memory_space<semaphore_mem>>, %arg35: memref<!tpu.dma_semaphore, #tpu.memory_space<semaphore_mem>>, %arg36: memref<!tpu.dma_semaphore, #tpu.memory_space<semaphore_mem>>) attributes {dimension_semantics = [#tpu.dimension_semantics<core_parallel>, #tpu.dimension_semantics<subcore_parallel>], iteration_bounds = array<i64: 2, 16>, scalar_prefetch = 0 : i64, scratch_operands = 29 : i64, tpu.core_type = #tpu.core_type<sc_vector_subcore>, window_params = [{transform_indices = #map}, {transform_indices = #map1}, {transform_indices = #map}, {transform_indices = #map}, {transform_indices = #map}, {transform_indices = #map}]} {
    %mul3A = arith.constant 16 : i32
    %mul3A_0 = arith.muli %arg0, %mul3A : i32
    %add3A = arith.addi %mul3A_0, %arg1 : i32
    "tpu.region"() ({
      %run_scoped3A = tpu.sem_alloc : memref<!tpu.dma_semaphore, #tpu.memory_space<semaphore_mem>>
      %dma_start3A_403 = arith.constant 0 : i32
      %dma_start3A_404 = arith.constant 0 : i32
      %dma_start3A_405 = tpu.memref_slice %arg4[%dma_start3A_403, %dma_start3A_404] : memref<128x128xf32, #tpu.memory_space<hbm>> -> memref<64x128xf32, #tpu.memory_space<hbm>>
      %dma_start3A_406 = arith.constant 0 : i32
      %dma_start3A_407 = arith.constant 0 : i32
      %dma_start3A_408 = tpu.memref_slice %arg4[%dma_start3A_406, %dma_start3A_407] : memref<128x128xf32, #tpu.memory_space<hbm>> -> memref<64x128xf32, #tpu.memory_space<hbm>>
      tpu.enqueue_dma source(%dma_start3A_408 : memref<64x128xf32, #tpu.memory_space<hbm>>) target(%arg16 : memref<64x128xf32, #tpu.memory_space<vmem>>) target_semaphore(%run_scoped3A : memref<!tpu.dma_semaphore, #tpu.memory_space<semaphore_mem>>)
      %dma_wait3A_409 = arith.constant 0 : i32
      %dma_wait3A_410 = arith.constant 0 : i32
      %dma_wait3A_411 = tpu.memref_slice %arg4[%dma_wait3A_409, %dma_wait3A_410] : memref<128x128xf32, #tpu.memory_space<hbm>> -> memref<64x128xf32, #tpu.memory_space<hbm>>
      %dma_wait3A_412 = arith.constant 0 : i32
      %dma_wait3A_413 = arith.constant 0 : i32
      %dma_wait3A_414 = tpu.memref_slice %arg4[%dma_wait3A_412, %dma_wait3A_413] : memref<128x128xf32, #tpu.memory_space<hbm>> -> memref<64x128xf32, #tpu.memory_space<hbm>>
      tpu.wait_dma2 semaphore(%run_scoped3A : memref<!tpu.dma_semaphore, #tpu.memory_space<semaphore_mem>>) src(%dma_wait3A_414 : memref<64x128xf32, #tpu.memory_space<hbm>>) dst(%arg16 : memref<64x128xf32, #tpu.memory_space<vmem>>)
      tpu.yield
    }) : () -> ()
    "tpu.region"() ({
      %run_scoped3A = tpu.sem_alloc : memref<!tpu.dma_semaphore, #tpu.memory_space<semaphore_mem>>
      %dma_start3A_403 = arith.constant 64 : i32
      %dma_start3A_404 = arith.constant 0 : i32
      %dma_start3A_405 = tpu.memref_slice %arg4[%dma_start3A_403, %dma_start3A_404] : memref<128x128xf32, #tpu.memory_space<hbm>> -> memref<64x128xf32, #tpu.memory_space<hbm>>
      %dma_start3A_406 = arith.constant 64 : i32
      %dma_start3A_407 = arith.constant 0 : i32
      %dma_start3A_408 = tpu.memref_slice %arg4[%dma_start3A_406, %dma_start3A_407] : memref<128x128xf32, #tpu.memory_space<hbm>> -> memref<64x128xf32, #tpu.memory_space<hbm>>
      tpu.enqueue_dma source(%dma_start3A_408 : memref<64x128xf32, #tpu.memory_space<hbm>>) target(%arg17 : memref<64x128xf32, #tpu.memory_space<vmem>>) target_semaphore(%run_scoped3A : memref<!tpu.dma_semaphore, #tpu.memory_space<semaphore_mem>>)
      %dma_wait3A_409 = arith.constant 64 : i32
      %dma_wait3A_410 = arith.constant 0 : i32
      %dma_wait3A_411 = tpu.memref_slice %arg4[%dma_wait3A_409, %dma_wait3A_410] : memref<128x128xf32, #tpu.memory_space<hbm>> -> memref<64x128xf32, #tpu.memory_space<hbm>>
      %dma_wait3A_412 = arith.constant 64 : i32
      %dma_wait3A_413 = arith.constant 0 : i32
      %dma_wait3A_414 = tpu.memref_slice %arg4[%dma_wait3A_412, %dma_wait3A_413] : memref<128x128xf32, #tpu.memory_space<hbm>> -> memref<64x128xf32, #tpu.memory_space<hbm>>
      tpu.wait_dma2 semaphore(%run_scoped3A : memref<!tpu.dma_semaphore, #tpu.memory_space<semaphore_mem>>) src(%dma_wait3A_414 : memref<64x128xf32, #tpu.memory_space<hbm>>) dst(%arg17 : memref<64x128xf32, #tpu.memory_space<vmem>>)
      tpu.yield
    }) : () -> ()
    %mul3A_1 = arith.constant 632 : i32
    %mul3A_2 = arith.muli %arg1, %mul3A_1 : i32
    %add3A_3 = arith.constant 0 : i32
    %add3A_4 = arith.addi %mul3A_2, %add3A_3 : i32
    "tpu.region"() ({
      %run_scoped3A = tpu.sem_alloc : memref<!tpu.dma_semaphore, #tpu.memory_space<semaphore_mem>>
      %dma_start3A_403 = arith.constant 0 : i32
      %dma_start3A_404 = arith.constant 0 : i32
      %dma_start3A_405 = tpu.memref_slice %arg16[%dma_start3A_403, %dma_start3A_404] : memref<64x128xf32, #tpu.memory_space<vmem>> -> memref<64x128xf32, #tpu.memory_space<vmem>>
      %dma_start3A_406 = arith.constant 0 : i32
      %dma_start3A_407 = tpu.memref_slice %arg20[%add3A_4, %dma_start3A_406] : memref<10112x128xf32, #tpu.memory_space<vmem_shared>> -> memref<64x128xf32, #tpu.memory_space<vmem_shared>>
      %dma_start3A_408 = arith.constant 0 : i32
      %dma_start3A_409 = tpu.memref_slice %arg20[%add3A_4, %dma_start3A_408] : memref<10112x128xf32, #tpu.memory_space<vmem_shared>> -> memref<64x128xf32, #tpu.memory_space<vmem_shared>>
      %dma_start3A_410 = arith.constant 0 : i32
      %dma_start3A_411 = arith.constant 0 : i32
      %dma_start3A_412 = tpu.memref_slice %arg16[%dma_start3A_410, %dma_start3A_411] : memref<64x128xf32, #tpu.memory_space<vmem>> -> memref<64x128xf32, #tpu.memory_space<vmem>>
      tpu.enqueue_dma source(%dma_start3A_412 : memref<64x128xf32, #tpu.memory_space<vmem>>) target(%dma_start3A_409 : memref<64x128xf32, #tpu.memory_space<vmem_shared>>) target_semaphore(%run_scoped3A : memref<!tpu.dma_semaphore, #tpu.memory_space<semaphore_mem>>)
      %dma_wait3A_413 = arith.constant 0 : i32
      %dma_wait3A_414 = arith.constant 0 : i32
      %dma_wait3A_415 = tpu.memref_slice %arg16[%dma_wait3A_413, %dma_wait3A_414] : memref<64x128xf32, #tpu.memory_space<vmem>> -> memref<64x128xf32, #tpu.memory_space<vmem>>
      %dma_wait3A_416 = arith.constant 0 : i32
      %dma_wait3A_417 = tpu.memref_slice %arg20[%add3A_4, %dma_wait3A_416] : memref<10112x128xf32, #tpu.memory_space<vmem_shared>> -> memref<64x128xf32, #tpu.memory_space<vmem_shared>>
      %dma_wait3A_418 = arith.constant 0 : i32
      %dma_wait3A_419 = tpu.memref_slice %arg20[%add3A_4, %dma_wait3A_418] : memref<10112x128xf32, #tpu.memory_space<vmem_shared>> -> memref<64x128xf32, #tpu.memory_space<vmem_shared>>
      %dma_wait3A_420 = arith.constant 0 : i32
      %dma_wait3A_421 = arith.constant 0 : i32
      %dma_wait3A_422 = tpu.memref_slice %arg16[%dma_wait3A_420, %dma_wait3A_421] : memref<64x128xf32, #tpu.memory_space<vmem>> -> memref<64x128xf32, #tpu.memory_space<vmem>>
      tpu.wait_dma2 semaphore(%run_scoped3A : memref<!tpu.dma_semaphore, #tpu.memory_space<semaphore_mem>>) src(%dma_wait3A_422 : memref<64x128xf32, #tpu.memory_space<vmem>>) dst(%dma_wait3A_419 : memref<64x128xf32, #tpu.memory_space<vmem_shared>>)
      tpu.yield
    }) : () -> ()
    %add3A_5 = arith.constant 64 : i32
    %add3A_6 = arith.addi %add3A_4, %add3A_5 : i32
    "tpu.region"() ({
      %run_scoped3A = tpu.sem_alloc : memref<!tpu.dma_semaphore, #tpu.memory_space<semaphore_mem>>
      %dma_start3A_403 = arith.constant 0 : i32
      %dma_start3A_404 = arith.constant 0 : i32
      %dma_start3A_405 = tpu.memref_slice %arg17[%dma_start3A_403, %dma_start3A_404] : memref<64x128xf32, #tpu.memory_space<vmem>> -> memref<64x128xf32, #tpu.memory_space<vmem>>
      %dma_start3A_406 = arith.constant 0 : i32
      %dma_start3A_407 = tpu.memref_slice %arg20[%add3A_6, %dma_start3A_406] : memref<10112x128xf32, #tpu.memory_space<vmem_shared>> -> memref<64x128xf32, #tpu.memory_space<vmem_shared>>
      %dma_start3A_408 = arith.constant 0 : i32
      %dma_start3A_409 = tpu.memref_slice %arg20[%add3A_6, %dma_start3A_408] : memref<10112x128xf32, #tpu.memory_space<vmem_shared>> -> memref<64x128xf32, #tpu.memory_space<vmem_shared>>
      %dma_start3A_410 = arith.constant 0 : i32
      %dma_start3A_411 = arith.constant 0 : i32
      %dma_start3A_412 = tpu.memref_slice %arg17[%dma_start3A_410, %dma_start3A_411] : memref<64x128xf32, #tpu.memory_space<vmem>> -> memref<64x128xf32, #tpu.memory_space<vmem>>
      tpu.enqueue_dma source(%dma_start3A_412 : memref<64x128xf32, #tpu.memory_space<vmem>>) target(%dma_start3A_409 : memref<64x128xf32, #tpu.memory_space<vmem_shared>>) target_semaphore(%run_scoped3A : memref<!tpu.dma_semaphore, #tpu.memory_space<semaphore_mem>>)
      %dma_wait3A_413 = arith.constant 0 : i32
      %dma_wait3A_414 = arith.constant 0 : i32
      %dma_wait3A_415 = tpu.memref_slice %arg17[%dma_wait3A_413, %dma_wait3A_414] : memref<64x128xf32, #tpu.memory_space<vmem>> -> memref<64x128xf32, #tpu.memory_space<vmem>>
      %dma_wait3A_416 = arith.constant 0 : i32
      %dma_wait3A_417 = tpu.memref_slice %arg20[%add3A_6, %dma_wait3A_416] : memref<10112x128xf32, #tpu.memory_space<vmem_shared>> -> memref<64x128xf32, #tpu.memory_space<vmem_shared>>
      %dma_wait3A_418 = arith.constant 0 : i32
      %dma_wait3A_419 = tpu.memref_slice %arg20[%add3A_6, %dma_wait3A_418] : memref<10112x128xf32, #tpu.memory_space<vmem_shared>> -> memref<64x128xf32, #tpu.memory_space<vmem_shared>>
      %dma_wait3A_420 = arith.constant 0 : i32
      %dma_wait3A_421 = arith.constant 0 : i32
      %dma_wait3A_422 = tpu.memref_slice %arg17[%dma_wait3A_420, %dma_wait3A_421] : memref<64x128xf32, #tpu.memory_space<vmem>> -> memref<64x128xf32, #tpu.memory_space<vmem>>
      tpu.wait_dma2 semaphore(%run_scoped3A : memref<!tpu.dma_semaphore, #tpu.memory_space<semaphore_mem>>) src(%dma_wait3A_422 : memref<64x128xf32, #tpu.memory_space<vmem>>) dst(%dma_wait3A_419 : memref<64x128xf32, #tpu.memory_space<vmem_shared>>)
      tpu.yield
    }) : () -> ()
    %add3A_7 = arith.constant 128 : i32
    %add3A_8 = arith.addi %mul3A_2, %add3A_7 : i32
    "tpu.region"() ({
      %run_scoped3A = tpu.sem_alloc : memref<!tpu.dma_semaphore, #tpu.memory_space<semaphore_mem>>
      %dma_start3A_403 = arith.constant 0 : i32
      %dma_start3A_404 = arith.constant 0 : i32
      %dma_start3A_405 = tpu.memref_slice %arg16[%dma_start3A_403, %dma_start3A_404] : memref<64x128xf32, #tpu.memory_space<vmem>> -> memref<64x128xf32, #tpu.memory_space<vmem>>
      %dma_start3A_406 = arith.constant 0 : i32
      %dma_start3A_407 = tpu.memref_slice %arg20[%add3A_8, %dma_start3A_406] : memref<10112x128xf32, #tpu.memory_space<vmem_shared>> -> memref<64x128xf32, #tpu.memory_space<vmem_shared>>
      %dma_start3A_408 = arith.constant 0 : i32
      %dma_start3A_409 = tpu.memref_slice %arg20[%add3A_8, %dma_start3A_408] : memref<10112x128xf32, #tpu.memory_space<vmem_shared>> -> memref<64x128xf32, #tpu.memory_space<vmem_shared>>
      %dma_start3A_410 = arith.constant 0 : i32
      %dma_start3A_411 = arith.constant 0 : i32
      %dma_start3A_412 = tpu.memref_slice %arg16[%dma_start3A_410, %dma_start3A_411] : memref<64x128xf32, #tpu.memory_space<vmem>> -> memref<64x128xf32, #tpu.memory_space<vmem>>
      tpu.enqueue_dma source(%dma_start3A_412 : memref<64x128xf32, #tpu.memory_space<vmem>>) target(%dma_start3A_409 : memref<64x128xf32, #tpu.memory_space<vmem_shared>>) target_semaphore(%run_scoped3A : memref<!tpu.dma_semaphore, #tpu.memory_space<semaphore_mem>>)
      %dma_wait3A_413 = arith.constant 0 : i32
      %dma_wait3A_414 = arith.constant 0 : i32
      %dma_wait3A_415 = tpu.memref_slice %arg16[%dma_wait3A_413, %dma_wait3A_414] : memref<64x128xf32, #tpu.memory_space<vmem>> -> memref<64x128xf32, #tpu.memory_space<vmem>>
      %dma_wait3A_416 = arith.constant 0 : i32
      %dma_wait3A_417 = tpu.memref_slice %arg20[%add3A_8, %dma_wait3A_416] : memref<10112x128xf32, #tpu.memory_space<vmem_shared>> -> memref<64x128xf32, #tpu.memory_space<vmem_shared>>
      %dma_wait3A_418 = arith.constant 0 : i32
      %dma_wait3A_419 = tpu.memref_slice %arg20[%add3A_8, %dma_wait3A_418] : memref<10112x128xf32, #tpu.memory_space<vmem_shared>> -> memref<64x128xf32, #tpu.memory_space<vmem_shared>>
      %dma_wait3A_420 = arith.constant 0 : i32
      %dma_wait3A_421 = arith.constant 0 : i32
      %dma_wait3A_422 = tpu.memref_slice %arg16[%dma_wait3A_420, %dma_wait3A_421] : memref<64x128xf32, #tpu.memory_space<vmem>> -> memref<64x128xf32, #tpu.memory_space<vmem>>
      tpu.wait_dma2 semaphore(%run_scoped3A : memref<!tpu.dma_semaphore, #tpu.memory_space<semaphore_mem>>) src(%dma_wait3A_422 : memref<64x128xf32, #tpu.memory_space<vmem>>) dst(%dma_wait3A_419 : memref<64x128xf32, #tpu.memory_space<vmem_shared>>)
      tpu.yield
    }) : () -> ()
    %add3A_9 = arith.constant 64 : i32
    %add3A_10 = arith.addi %add3A_8, %add3A_9 : i32
    "tpu.region"() ({
      %run_scoped3A = tpu.sem_alloc : memref<!tpu.dma_semaphore, #tpu.memory_space<semaphore_mem>>
      %dma_start3A_403 = arith.constant 0 : i32
      %dma_start3A_404 = arith.constant 0 : i32
      %dma_start3A_405 = tpu.memref_slice %arg17[%dma_start3A_403, %dma_start3A_404] : memref<64x128xf32, #tpu.memory_space<vmem>> -> memref<64x128xf32, #tpu.memory_space<vmem>>
      %dma_start3A_406 = arith.constant 0 : i32
      %dma_start3A_407 = tpu.memref_slice %arg20[%add3A_10, %dma_start3A_406] : memref<10112x128xf32, #tpu.memory_space<vmem_shared>> -> memref<64x128xf32, #tpu.memory_space<vmem_shared>>
      %dma_start3A_408 = arith.constant 0 : i32
      %dma_start3A_409 = tpu.memref_slice %arg20[%add3A_10, %dma_start3A_408] : memref<10112x128xf32, #tpu.memory_space<vmem_shared>> -> memref<64x128xf32, #tpu.memory_space<vmem_shared>>
      %dma_start3A_410 = arith.constant 0 : i32
      %dma_start3A_411 = arith.constant 0 : i32
      %dma_start3A_412 = tpu.memref_slice %arg17[%dma_start3A_410, %dma_start3A_411] : memref<64x128xf32, #tpu.memory_space<vmem>> -> memref<64x128xf32, #tpu.memory_space<vmem>>
      tpu.enqueue_dma source(%dma_start3A_412 : memref<64x128xf32, #tpu.memory_space<vmem>>) target(%dma_start3A_409 : memref<64x128xf32, #tpu.memory_space<vmem_shared>>) target_semaphore(%run_scoped3A : memref<!tpu.dma_semaphore, #tpu.memory_space<semaphore_mem>>)
      %dma_wait3A_413 = arith.constant 0 : i32
      %dma_wait3A_414 = arith.constant 0 : i32
      %dma_wait3A_415 = tpu.memref_slice %arg17[%dma_wait3A_413, %dma_wait3A_414] : memref<64x128xf32, #tpu.memory_space<vmem>> -> memref<64x128xf32, #tpu.memory_space<vmem>>
      %dma_wait3A_416 = arith.constant 0 : i32
      %dma_wait3A_417 = tpu.memref_slice %arg20[%add3A_10, %dma_wait3A_416] : memref<10112x128xf32, #tpu.memory_space<vmem_shared>> -> memref<64x128xf32, #tpu.memory_space<vmem_shared>>
      %dma_wait3A_418 = arith.constant 0 : i32
      %dma_wait3A_419 = tpu.memref_slice %arg20[%add3A_10, %dma_wait3A_418] : memref<10112x128xf32, #tpu.memory_space<vmem_shared>> -> memref<64x128xf32, #tpu.memory_space<vmem_shared>>
      %dma_wait3A_420 = arith.constant 0 : i32
      %dma_wait3A_421 = arith.constant 0 : i32
      %dma_wait3A_422 = tpu.memref_slice %arg17[%dma_wait3A_420, %dma_wait3A_421] : memref<64x128xf32, #tpu.memory_space<vmem>> -> memref<64x128xf32, #tpu.memory_space<vmem>>
      tpu.wait_dma2 semaphore(%run_scoped3A : memref<!tpu.dma_semaphore, #tpu.memory_space<semaphore_mem>>) src(%dma_wait3A_422 : memref<64x128xf32, #tpu.memory_space<vmem>>) dst(%dma_wait3A_419 : memref<64x128xf32, #tpu.memory_space<vmem_shared>>)
      tpu.yield
    }) : () -> ()
    %add3A_11 = arith.constant 256 : i32
    %add3A_12 = arith.addi %mul3A_2, %add3A_11 : i32
    "tpu.region"() ({
      %run_scoped3A = tpu.sem_alloc : memref<!tpu.dma_semaphore, #tpu.memory_space<semaphore_mem>>
      %dma_start3A_403 = arith.constant 0 : i32
      %dma_start3A_404 = arith.constant 0 : i32
      %dma_start3A_405 = tpu.memref_slice %arg16[%dma_start3A_403, %dma_start3A_404] : memref<64x128xf32, #tpu.memory_space<vmem>> -> memref<64x128xf32, #tpu.memory_space<vmem>>
      %dma_start3A_406 = arith.constant 0 : i32
      %dma_start3A_407 = tpu.memref_slice %arg20[%add3A_12, %dma_start3A_406] : memref<10112x128xf32, #tpu.memory_space<vmem_shared>> -> memref<64x128xf32, #tpu.memory_space<vmem_shared>>
      %dma_start3A_408 = arith.constant 0 : i32
      %dma_start3A_409 = tpu.memref_slice %arg20[%add3A_12, %dma_start3A_408] : memref<10112x128xf32, #tpu.memory_space<vmem_shared>> -> memref<64x128xf32, #tpu.memory_space<vmem_shared>>
      %dma_start3A_410 = arith.constant 0 : i32
      %dma_start3A_411 = arith.constant 0 : i32
      %dma_start3A_412 = tpu.memref_slice %arg16[%dma_start3A_410, %dma_start3A_411] : memref<64x128xf32, #tpu.memory_space<vmem>> -> memref<64x128xf32, #tpu.memory_space<vmem>>
      tpu.enqueue_dma source(%dma_start3A_412 : memref<64x128xf32, #tpu.memory_space<vmem>>) target(%dma_start3A_409 : memref<64x128xf32, #tpu.memory_space<vmem_shared>>) target_semaphore(%run_scoped3A : memref<!tpu.dma_semaphore, #tpu.memory_space<semaphore_mem>>)
      %dma_wait3A_413 = arith.constant 0 : i32
      %dma_wait3A_414 = arith.constant 0 : i32
      %dma_wait3A_415 = tpu.memref_slice %arg16[%dma_wait3A_413, %dma_wait3A_414] : memref<64x128xf32, #tpu.memory_space<vmem>> -> memref<64x128xf32, #tpu.memory_space<vmem>>
      %dma_wait3A_416 = arith.constant 0 : i32
      %dma_wait3A_417 = tpu.memref_slice %arg20[%add3A_12, %dma_wait3A_416] : memref<10112x128xf32, #tpu.memory_space<vmem_shared>> -> memref<64x128xf32, #tpu.memory_space<vmem_shared>>
      %dma_wait3A_418 = arith.constant 0 : i32
      %dma_wait3A_419 = tpu.memref_slice %arg20[%add3A_12, %dma_wait3A_418] : memref<10112x128xf32, #tpu.memory_space<vmem_shared>> -> memref<64x128xf32, #tpu.memory_space<vmem_shared>>
      %dma_wait3A_420 = arith.constant 0 : i32
      %dma_wait3A_421 = arith.constant 0 : i32
      %dma_wait3A_422 = tpu.memref_slice %arg16[%dma_wait3A_420, %dma_wait3A_421] : memref<64x128xf32, #tpu.memory_space<vmem>> -> memref<64x128xf32, #tpu.memory_space<vmem>>
      tpu.wait_dma2 semaphore(%run_scoped3A : memref<!tpu.dma_semaphore, #tpu.memory_space<semaphore_mem>>) src(%dma_wait3A_422 : memref<64x128xf32, #tpu.memory_space<vmem>>) dst(%dma_wait3A_419 : memref<64x128xf32, #tpu.memory_space<vmem_shared>>)
      tpu.yield
    }) : () -> ()
    %add3A_13 = arith.constant 64 : i32
    %add3A_14 = arith.addi %add3A_12, %add3A_13 : i32
    "tpu.region"() ({
      %run_scoped3A = tpu.sem_alloc : memref<!tpu.dma_semaphore, #tpu.memory_space<semaphore_mem>>
      %dma_start3A_403 = arith.constant 0 : i32
      %dma_start3A_404 = arith.constant 0 : i32
      %dma_start3A_405 = tpu.memref_slice %arg17[%dma_start3A_403, %dma_start3A_404] : memref<64x128xf32, #tpu.memory_space<vmem>> -> memref<64x128xf32, #tpu.memory_space<vmem>>
      %dma_start3A_406 = arith.constant 0 : i32
      %dma_start3A_407 = tpu.memref_slice %arg20[%add3A_14, %dma_start3A_406] : memref<10112x128xf32, #tpu.memory_space<vmem_shared>> -> memref<64x128xf32, #tpu.memory_space<vmem_shared>>
      %dma_start3A_408 = arith.constant 0 : i32
      %dma_start3A_409 = tpu.memref_slice %arg20[%add3A_14, %dma_start3A_408] : memref<10112x128xf32, #tpu.memory_space<vmem_shared>> -> memref<64x128xf32, #tpu.memory_space<vmem_shared>>
      %dma_start3A_410 = arith.constant 0 : i32
      %dma_start3A_411 = arith.constant 0 : i32
      %dma_start3A_412 = tpu.memref_slice %arg17[%dma_start3A_410, %dma_start3A_411] : memref<64x128xf32, #tpu.memory_space<vmem>> -> memref<64x128xf32, #tpu.memory_space<vmem>>
      tpu.enqueue_dma source(%dma_start3A_412 : memref<64x128xf32, #tpu.memory_space<vmem>>) target(%dma_start3A_409 : memref<64x128xf32, #tpu.memory_space<vmem_shared>>) target_semaphore(%run_scoped3A : memref<!tpu.dma_semaphore, #tpu.memory_space<semaphore_mem>>)
      %dma_wait3A_413 = arith.constant 0 : i32
      %dma_wait3A_414 = arith.constant 0 : i32
      %dma_wait3A_415 = tpu.memref_slice %arg17[%dma_wait3A_413, %dma_wait3A_414] : memref<64x128xf32, #tpu.memory_space<vmem>> -> memref<64x128xf32, #tpu.memory_space<vmem>>
      %dma_wait3A_416 = arith.constant 0 : i32
      %dma_wait3A_417 = tpu.memref_slice %arg20[%add3A_14, %dma_wait3A_416] : memref<10112x128xf32, #tpu.memory_space<vmem_shared>> -> memref<64x128xf32, #tpu.memory_space<vmem_shared>>
      %dma_wait3A_418 = arith.constant 0 : i32
      %dma_wait3A_419 = tpu.memref_slice %arg20[%add3A_14, %dma_wait3A_418] : memref<10112x128xf32, #tpu.memory_space<vmem_shared>> -> memref<64x128xf32, #tpu.memory_space<vmem_shared>>
      %dma_wait3A_420 = arith.constant 0 : i32
      %dma_wait3A_421 = arith.constant 0 : i32
      %dma_wait3A_422 = tpu.memref_slice %arg17[%dma_wait3A_420, %dma_wait3A_421] : memref<64x128xf32, #tpu.memory_space<vmem>> -> memref<64x128xf32, #tpu.memory_space<vmem>>
      tpu.wait_dma2 semaphore(%run_scoped3A : memref<!tpu.dma_semaphore, #tpu.memory_space<semaphore_mem>>) src(%dma_wait3A_422 : memref<64x128xf32, #tpu.memory_space<vmem>>) dst(%dma_wait3A_419 : memref<64x128xf32, #tpu.memory_space<vmem_shared>>)
      tpu.yield
    }) : () -> ()
    %add3A_15 = arith.constant 384 : i32
    %add3A_16 = arith.addi %mul3A_2, %add3A_15 : i32
    "tpu.region"() ({
      %run_scoped3A = tpu.sem_alloc : memref<!tpu.dma_semaphore, #tpu.memory_space<semaphore_mem>>
      %dma_start3A_403 = arith.constant 0 : i32
      %dma_start3A_404 = arith.constant 0 : i32
      %dma_start3A_405 = tpu.memref_slice %arg16[%dma_start3A_403, %dma_start3A_404] : memref<64x128xf32, #tpu.memory_space<vmem>> -> memref<64x128xf32, #tpu.memory_space<vmem>>
      %dma_start3A_406 = arith.constant 0 : i32
      %dma_start3A_407 = tpu.memref_slice %arg20[%add3A_16, %dma_start3A_406] : memref<10112x128xf32, #tpu.memory_space<vmem_shared>> -> memref<64x128xf32, #tpu.memory_space<vmem_shared>>
      %dma_start3A_408 = arith.constant 0 : i32
      %dma_start3A_409 = tpu.memref_slice %arg20[%add3A_16, %dma_start3A_408] : memref<10112x128xf32, #tpu.memory_space<vmem_shared>> -> memref<64x128xf32, #tpu.memory_space<vmem_shared>>
      %dma_start3A_410 = arith.constant 0 : i32
      %dma_start3A_411 = arith.constant 0 : i32
      %dma_start3A_412 = tpu.memref_slice %arg16[%dma_start3A_410, %dma_start3A_411] : memref<64x128xf32, #tpu.memory_space<vmem>> -> memref<64x128xf32, #tpu.memory_space<vmem>>
      tpu.enqueue_dma source(%dma_start3A_412 : memref<64x128xf32, #tpu.memory_space<vmem>>) target(%dma_start3A_409 : memref<64x128xf32, #tpu.memory_space<vmem_shared>>) target_semaphore(%run_scoped3A : memref<!tpu.dma_semaphore, #tpu.memory_space<semaphore_mem>>)
      %dma_wait3A_413 = arith.constant 0 : i32
      %dma_wait3A_414 = arith.constant 0 : i32
      %dma_wait3A_415 = tpu.memref_slice %arg16[%dma_wait3A_413, %dma_wait3A_414] : memref<64x128xf32, #tpu.memory_space<vmem>> -> memref<64x128xf32, #tpu.memory_space<vmem>>
      %dma_wait3A_416 = arith.constant 0 : i32
      %dma_wait3A_417 = tpu.memref_slice %arg20[%add3A_16, %dma_wait3A_416] : memref<10112x128xf32, #tpu.memory_space<vmem_shared>> -> memref<64x128xf32, #tpu.memory_space<vmem_shared>>
      %dma_wait3A_418 = arith.constant 0 : i32
      %dma_wait3A_419 = tpu.memref_slice %arg20[%add3A_16, %dma_wait3A_418] : memref<10112x128xf32, #tpu.memory_space<vmem_shared>> -> memref<64x128xf32, #tpu.memory_space<vmem_shared>>
      %dma_wait3A_420 = arith.constant 0 : i32
      %dma_wait3A_421 = arith.constant 0 : i32
      %dma_wait3A_422 = tpu.memref_slice %arg16[%dma_wait3A_420, %dma_wait3A_421] : memref<64x128xf32, #tpu.memory_space<vmem>> -> memref<64x128xf32, #tpu.memory_space<vmem>>
      tpu.wait_dma2 semaphore(%run_scoped3A : memref<!tpu.dma_semaphore, #tpu.memory_space<semaphore_mem>>) src(%dma_wait3A_422 : memref<64x128xf32, #tpu.memory_space<vmem>>) dst(%dma_wait3A_419 : memref<64x128xf32, #tpu.memory_space<vmem_shared>>)
      tpu.yield
    }) : () -> ()
    %add3A_17 = arith.constant 64 : i32
    %add3A_18 = arith.addi %add3A_16, %add3A_17 : i32
    "tpu.region"() ({
      %run_scoped3A = tpu.sem_alloc : memref<!tpu.dma_semaphore, #tpu.memory_space<semaphore_mem>>
      %dma_start3A_403 = arith.constant 0 : i32
      %dma_start3A_404 = arith.constant 0 : i32
      %dma_start3A_405 = tpu.memref_slice %arg17[%dma_start3A_403, %dma_start3A_404] : memref<64x128xf32, #tpu.memory_space<vmem>> -> memref<64x128xf32, #tpu.memory_space<vmem>>
      %dma_start3A_406 = arith.constant 0 : i32
      %dma_start3A_407 = tpu.memref_slice %arg20[%add3A_18, %dma_start3A_406] : memref<10112x128xf32, #tpu.memory_space<vmem_shared>> -> memref<64x128xf32, #tpu.memory_space<vmem_shared>>
      %dma_start3A_408 = arith.constant 0 : i32
      %dma_start3A_409 = tpu.memref_slice %arg20[%add3A_18, %dma_start3A_408] : memref<10112x128xf32, #tpu.memory_space<vmem_shared>> -> memref<64x128xf32, #tpu.memory_space<vmem_shared>>
      %dma_start3A_410 = arith.constant 0 : i32
      %dma_start3A_411 = arith.constant 0 : i32
      %dma_start3A_412 = tpu.memref_slice %arg17[%dma_start3A_410, %dma_start3A_411] : memref<64x128xf32, #tpu.memory_space<vmem>> -> memref<64x128xf32, #tpu.memory_space<vmem>>
      tpu.enqueue_dma source(%dma_start3A_412 : memref<64x128xf32, #tpu.memory_space<vmem>>) target(%dma_start3A_409 : memref<64x128xf32, #tpu.memory_space<vmem_shared>>) target_semaphore(%run_scoped3A : memref<!tpu.dma_semaphore, #tpu.memory_space<semaphore_mem>>)
      %dma_wait3A_413 = arith.constant 0 : i32
      %dma_wait3A_414 = arith.constant 0 : i32
      %dma_wait3A_415 = tpu.memref_slice %arg17[%dma_wait3A_413, %dma_wait3A_414] : memref<64x128xf32, #tpu.memory_space<vmem>> -> memref<64x128xf32, #tpu.memory_space<vmem>>
      %dma_wait3A_416 = arith.constant 0 : i32
      %dma_wait3A_417 = tpu.memref_slice %arg20[%add3A_18, %dma_wait3A_416] : memref<10112x128xf32, #tpu.memory_space<vmem_shared>> -> memref<64x128xf32, #tpu.memory_space<vmem_shared>>
      %dma_wait3A_418 = arith.constant 0 : i32
      %dma_wait3A_419 = tpu.memref_slice %arg20[%add3A_18, %dma_wait3A_418] : memref<10112x128xf32, #tpu.memory_space<vmem_shared>> -> memref<64x128xf32, #tpu.memory_space<vmem_shared>>
      %dma_wait3A_420 = arith.constant 0 : i32
      %dma_wait3A_421 = arith.constant 0 : i32
      %dma_wait3A_422 = tpu.memref_slice %arg17[%dma_wait3A_420, %dma_wait3A_421] : memref<64x128xf32, #tpu.memory_space<vmem>> -> memref<64x128xf32, #tpu.memory_space<vmem>>
      tpu.wait_dma2 semaphore(%run_scoped3A : memref<!tpu.dma_semaphore, #tpu.memory_space<semaphore_mem>>) src(%dma_wait3A_422 : memref<64x128xf32, #tpu.memory_space<vmem>>) dst(%dma_wait3A_419 : memref<64x128xf32, #tpu.memory_space<vmem_shared>>)
      tpu.yield
    }) : () -> ()
    %add3A_19 = arith.constant 512 : i32
    %add3A_20 = arith.addi %mul3A_2, %add3A_19 : i32
    "tpu.region"() ({
      %run_scoped3A = tpu.sem_alloc : memref<!tpu.dma_semaphore, #tpu.memory_space<semaphore_mem>>
      %dma_start3A_403 = arith.constant 0 : i32
      %dma_start3A_404 = arith.constant 0 : i32
      %dma_start3A_405 = tpu.memref_slice %arg16[%dma_start3A_403, %dma_start3A_404] : memref<64x128xf32, #tpu.memory_space<vmem>> -> memref<64x128xf32, #tpu.memory_space<vmem>>
      %dma_start3A_406 = arith.constant 0 : i32
      %dma_start3A_407 = tpu.memref_slice %arg20[%add3A_20, %dma_start3A_406] : memref<10112x128xf32, #tpu.memory_space<vmem_shared>> -> memref<64x128xf32, #tpu.memory_space<vmem_shared>>
      %dma_start3A_408 = arith.constant 0 : i32
      %dma_start3A_409 = tpu.memref_slice %arg20[%add3A_20, %dma_start3A_408] : memref<10112x128xf32, #tpu.memory_space<vmem_shared>> -> memref<64x128xf32, #tpu.memory_space<vmem_shared>>
      %dma_start3A_410 = arith.constant 0 : i32
      %dma_start3A_411 = arith.constant 0 : i32
      %dma_start3A_412 = tpu.memref_slice %arg16[%dma_start3A_410, %dma_start3A_411] : memref<64x128xf32, #tpu.memory_space<vmem>> -> memref<64x128xf32, #tpu.memory_space<vmem>>
      tpu.enqueue_dma source(%dma_start3A_412 : memref<64x128xf32, #tpu.memory_space<vmem>>) target(%dma_start3A_409 : memref<64x128xf32, #tpu.memory_space<vmem_shared>>) target_semaphore(%run_scoped3A : memref<!tpu.dma_semaphore, #tpu.memory_space<semaphore_mem>>)
      %dma_wait3A_413 = arith.constant 0 : i32
      %dma_wait3A_414 = arith.constant 0 : i32
      %dma_wait3A_415 = tpu.memref_slice %arg16[%dma_wait3A_413, %dma_wait3A_414] : memref<64x128xf32, #tpu.memory_space<vmem>> -> memref<64x128xf32, #tpu.memory_space<vmem>>
      %dma_wait3A_416 = arith.constant 0 : i32
      %dma_wait3A_417 = tpu.memref_slice %arg20[%add3A_20, %dma_wait3A_416] : memref<10112x128xf32, #tpu.memory_space<vmem_shared>> -> memref<64x128xf32, #tpu.memory_space<vmem_shared>>
      %dma_wait3A_418 = arith.constant 0 : i32
      %dma_wait3A_419 = tpu.memref_slice %arg20[%add3A_20, %dma_wait3A_418] : memref<10112x128xf32, #tpu.memory_space<vmem_shared>> -> memref<64x128xf32, #tpu.memory_space<vmem_shared>>
      %dma_wait3A_420 = arith.constant 0 : i32
      %dma_wait3A_421 = arith.constant 0 : i32
      %dma_wait3A_422 = tpu.memref_slice %arg16[%dma_wait3A_420, %dma_wait3A_421] : memref<64x128xf32, #tpu.memory_space<vmem>> -> memref<64x128xf32, #tpu.memory_space<vmem>>
      tpu.wait_dma2 semaphore(%run_scoped3A : memref<!tpu.dma_semaphore, #tpu.memory_space<semaphore_mem>>) src(%dma_wait3A_422 : memref<64x128xf32, #tpu.memory_space<vmem>>) dst(%dma_wait3A_419 : memref<64x128xf32, #tpu.memory_space<vmem_shared>>)
      tpu.yield
    }) : () -> ()
    %add3A_21 = arith.constant 64 : i32
    %add3A_22 = arith.addi %add3A_20, %add3A_21 : i32
    "tpu.region"() ({
      %run_scoped3A = tpu.sem_alloc : memref<!tpu.dma_semaphore, #tpu.memory_space<semaphore_mem>>
      %dma_start3A_403 = arith.constant 0 : i32
      %dma_start3A_404 = arith.constant 0 : i32
      %dma_start3A_405 = tpu.memref_slice %arg17[%dma_start3A_403, %dma_start3A_404] : memref<64x128xf32, #tpu.memory_space<vmem>> -> memref<56x128xf32, #tpu.memory_space<vmem>>
      %dma_start3A_406 = arith.constant 0 : i32
      %dma_start3A_407 = tpu.memref_slice %arg20[%add3A_22, %dma_start3A_406] : memref<10112x128xf32, #tpu.memory_space<vmem_shared>> -> memref<56x128xf32, #tpu.memory_space<vmem_shared>>
      %dma_start3A_408 = arith.constant 0 : i32
      %dma_start3A_409 = tpu.memref_slice %arg20[%add3A_22, %dma_start3A_408] : memref<10112x128xf32, #tpu.memory_space<vmem_shared>> -> memref<56x128xf32, #tpu.memory_space<vmem_shared>>
      %dma_start3A_410 = arith.constant 0 : i32
      %dma_start3A_411 = arith.constant 0 : i32
      %dma_start3A_412 = tpu.memref_slice %arg17[%dma_start3A_410, %dma_start3A_411] : memref<64x128xf32, #tpu.memory_space<vmem>> -> memref<56x128xf32, #tpu.memory_space<vmem>>
      tpu.enqueue_dma source(%dma_start3A_412 : memref<56x128xf32, #tpu.memory_space<vmem>>) target(%dma_start3A_409 : memref<56x128xf32, #tpu.memory_space<vmem_shared>>) target_semaphore(%run_scoped3A : memref<!tpu.dma_semaphore, #tpu.memory_space<semaphore_mem>>)
      %dma_wait3A_413 = arith.constant 0 : i32
      %dma_wait3A_414 = arith.constant 0 : i32
      %dma_wait3A_415 = tpu.memref_slice %arg17[%dma_wait3A_413, %dma_wait3A_414] : memref<64x128xf32, #tpu.memory_space<vmem>> -> memref<56x128xf32, #tpu.memory_space<vmem>>
      %dma_wait3A_416 = arith.constant 0 : i32
      %dma_wait3A_417 = tpu.memref_slice %arg20[%add3A_22, %dma_wait3A_416] : memref<10112x128xf32, #tpu.memory_space<vmem_shared>> -> memref<56x128xf32, #tpu.memory_space<vmem_shared>>
      %dma_wait3A_418 = arith.constant 0 : i32
      %dma_wait3A_419 = tpu.memref_slice %arg20[%add3A_22, %dma_wait3A_418] : memref<10112x128xf32, #tpu.memory_space<vmem_shared>> -> memref<56x128xf32, #tpu.memory_space<vmem_shared>>
      %dma_wait3A_420 = arith.constant 0 : i32
      %dma_wait3A_421 = arith.constant 0 : i32
      %dma_wait3A_422 = tpu.memref_slice %arg17[%dma_wait3A_420, %dma_wait3A_421] : memref<64x128xf32, #tpu.memory_space<vmem>> -> memref<56x128xf32, #tpu.memory_space<vmem>>
      tpu.wait_dma2 semaphore(%run_scoped3A : memref<!tpu.dma_semaphore, #tpu.memory_space<semaphore_mem>>) src(%dma_wait3A_422 : memref<56x128xf32, #tpu.memory_space<vmem>>) dst(%dma_wait3A_419 : memref<56x128xf32, #tpu.memory_space<vmem_shared>>)
      tpu.yield
    }) : () -> ()
    %barrier3A = arith.constant 0 : index
    tpu.barrier barrier_id(%barrier3A)
    %mul3A_23 = arith.constant 156 : i32
    %mul3A_24 = arith.muli %add3A, %mul3A_23 : i32
    %add3A_25 = arith.constant 0 : i32
    %add3A_26 = arith.addi %mul3A_24, %add3A_25 : i32
    %mul3A_27 = arith.constant 64 : i32
    %mul3A_28 = arith.muli %add3A_26, %mul3A_27 : i32
    %multiple_of3A = tpu.assume_multiple %mul3A_28, 64 : i32
    %dma_start3A = tpu.memref_slice %arg3[%multiple_of3A] : memref<640000xi32, #tpu.memory_space<hbm>> -> memref<64xi32, #tpu.memory_space<hbm>>
    %dma_start3A_29 = tpu.memref_slice %arg3[%multiple_of3A] : memref<640000xi32, #tpu.memory_space<hbm>> -> memref<64xi32, #tpu.memory_space<hbm>>
    tpu.enqueue_dma source(%dma_start3A_29 : memref<64xi32, #tpu.memory_space<hbm>>) target(%arg8 : memref<64xi32, #tpu.memory_space<vmem>>) target_semaphore(%arg29 : memref<!tpu.dma_semaphore, #tpu.memory_space<semaphore_mem>>)
    %add3A_30 = arith.constant 0 : i32
    %add3A_31 = arith.addi %mul3A_24, %add3A_30 : i32
    %mul3A_32 = arith.constant 64 : i32
    %mul3A_33 = arith.muli %add3A_31, %mul3A_32 : i32
    %multiple_of3A_34 = tpu.assume_multiple %mul3A_33, 64 : i32
    %add3A_35 = arith.constant 320000 : i32
    %add3A_36 = arith.addi %add3A_35, %multiple_of3A_34 : i32
    %dma_start3A_37 = tpu.memref_slice %arg3[%add3A_36] : memref<640000xi32, #tpu.memory_space<hbm>> -> memref<64xi32, #tpu.memory_space<hbm>>
    %dma_start3A_38 = tpu.memref_slice %arg3[%add3A_36] : memref<640000xi32, #tpu.memory_space<hbm>> -> memref<64xi32, #tpu.memory_space<hbm>>
    tpu.enqueue_dma source(%dma_start3A_38 : memref<64xi32, #tpu.memory_space<hbm>>) target(%arg12 : memref<64xi32, #tpu.memory_space<vmem>>) target_semaphore(%arg33 : memref<!tpu.dma_semaphore, #tpu.memory_space<semaphore_mem>>)
    %add3A_39 = arith.constant 1 : i32
    %add3A_40 = arith.addi %mul3A_24, %add3A_39 : i32
    %mul3A_41 = arith.constant 64 : i32
    %mul3A_42 = arith.muli %add3A_40, %mul3A_41 : i32
    %multiple_of3A_43 = tpu.assume_multiple %mul3A_42, 64 : i32
    %dma_start3A_44 = tpu.memref_slice %arg3[%multiple_of3A_43] : memref<640000xi32, #tpu.memory_space<hbm>> -> memref<64xi32, #tpu.memory_space<hbm>>
    %dma_start3A_45 = tpu.memref_slice %arg3[%multiple_of3A_43] : memref<640000xi32, #tpu.memory_space<hbm>> -> memref<64xi32, #tpu.memory_space<hbm>>
    tpu.enqueue_dma source(%dma_start3A_45 : memref<64xi32, #tpu.memory_space<hbm>>) target(%arg9 : memref<64xi32, #tpu.memory_space<vmem>>) target_semaphore(%arg30 : memref<!tpu.dma_semaphore, #tpu.memory_space<semaphore_mem>>)
    %add3A_46 = arith.constant 1 : i32
    %add3A_47 = arith.addi %mul3A_24, %add3A_46 : i32
    %mul3A_48 = arith.constant 64 : i32
    %mul3A_49 = arith.muli %add3A_47, %mul3A_48 : i32
    %multiple_of3A_50 = tpu.assume_multiple %mul3A_49, 64 : i32
    %add3A_51 = arith.constant 320000 : i32
    %add3A_52 = arith.addi %add3A_51, %multiple_of3A_50 : i32
    %dma_start3A_53 = tpu.memref_slice %arg3[%add3A_52] : memref<640000xi32, #tpu.memory_space<hbm>> -> memref<64xi32, #tpu.memory_space<hbm>>
    %dma_start3A_54 = tpu.memref_slice %arg3[%add3A_52] : memref<640000xi32, #tpu.memory_space<hbm>> -> memref<64xi32, #tpu.memory_space<hbm>>
    tpu.enqueue_dma source(%dma_start3A_54 : memref<64xi32, #tpu.memory_space<hbm>>) target(%arg13 : memref<64xi32, #tpu.memory_space<vmem>>) target_semaphore(%arg34 : memref<!tpu.dma_semaphore, #tpu.memory_space<semaphore_mem>>)
    %add3A_55 = arith.constant 2 : i32
    %add3A_56 = arith.addi %mul3A_24, %add3A_55 : i32
    %mul3A_57 = arith.constant 64 : i32
    %mul3A_58 = arith.muli %add3A_56, %mul3A_57 : i32
    %multiple_of3A_59 = tpu.assume_multiple %mul3A_58, 64 : i32
    %dma_start3A_60 = tpu.memref_slice %arg3[%multiple_of3A_59] : memref<640000xi32, #tpu.memory_space<hbm>> -> memref<64xi32, #tpu.memory_space<hbm>>
    %dma_start3A_61 = tpu.memref_slice %arg3[%multiple_of3A_59] : memref<640000xi32, #tpu.memory_space<hbm>> -> memref<64xi32, #tpu.memory_space<hbm>>
    tpu.enqueue_dma source(%dma_start3A_61 : memref<64xi32, #tpu.memory_space<hbm>>) target(%arg10 : memref<64xi32, #tpu.memory_space<vmem>>) target_semaphore(%arg31 : memref<!tpu.dma_semaphore, #tpu.memory_space<semaphore_mem>>)
    %add3A_62 = arith.constant 2 : i32
    %add3A_63 = arith.addi %mul3A_24, %add3A_62 : i32
    %mul3A_64 = arith.constant 64 : i32
    %mul3A_65 = arith.muli %add3A_63, %mul3A_64 : i32
    %multiple_of3A_66 = tpu.assume_multiple %mul3A_65, 64 : i32
    %add3A_67 = arith.constant 320000 : i32
    %add3A_68 = arith.addi %add3A_67, %multiple_of3A_66 : i32
    %dma_start3A_69 = tpu.memref_slice %arg3[%add3A_68] : memref<640000xi32, #tpu.memory_space<hbm>> -> memref<64xi32, #tpu.memory_space<hbm>>
    %dma_start3A_70 = tpu.memref_slice %arg3[%add3A_68] : memref<640000xi32, #tpu.memory_space<hbm>> -> memref<64xi32, #tpu.memory_space<hbm>>
    tpu.enqueue_dma source(%dma_start3A_70 : memref<64xi32, #tpu.memory_space<hbm>>) target(%arg14 : memref<64xi32, #tpu.memory_space<vmem>>) target_semaphore(%arg35 : memref<!tpu.dma_semaphore, #tpu.memory_space<semaphore_mem>>)
    %add3A_71 = arith.constant 3 : i32
    %add3A_72 = arith.addi %mul3A_24, %add3A_71 : i32
    %mul3A_73 = arith.constant 64 : i32
    %mul3A_74 = arith.muli %add3A_72, %mul3A_73 : i32
    %multiple_of3A_75 = tpu.assume_multiple %mul3A_74, 64 : i32
    %dma_start3A_76 = tpu.memref_slice %arg3[%multiple_of3A_75] : memref<640000xi32, #tpu.memory_space<hbm>> -> memref<64xi32, #tpu.memory_space<hbm>>
    %dma_start3A_77 = tpu.memref_slice %arg3[%multiple_of3A_75] : memref<640000xi32, #tpu.memory_space<hbm>> -> memref<64xi32, #tpu.memory_space<hbm>>
    tpu.enqueue_dma source(%dma_start3A_77 : memref<64xi32, #tpu.memory_space<hbm>>) target(%arg11 : memref<64xi32, #tpu.memory_space<vmem>>) target_semaphore(%arg32 : memref<!tpu.dma_semaphore, #tpu.memory_space<semaphore_mem>>)
    %add3A_78 = arith.constant 3 : i32
    %add3A_79 = arith.addi %mul3A_24, %add3A_78 : i32
    %mul3A_80 = arith.constant 64 : i32
    %mul3A_81 = arith.muli %add3A_79, %mul3A_80 : i32
    %multiple_of3A_82 = tpu.assume_multiple %mul3A_81, 64 : i32
    %add3A_83 = arith.constant 320000 : i32
    %add3A_84 = arith.addi %add3A_83, %multiple_of3A_82 : i32
    %dma_start3A_85 = tpu.memref_slice %arg3[%add3A_84] : memref<640000xi32, #tpu.memory_space<hbm>> -> memref<64xi32, #tpu.memory_space<hbm>>
    %dma_start3A_86 = tpu.memref_slice %arg3[%add3A_84] : memref<640000xi32, #tpu.memory_space<hbm>> -> memref<64xi32, #tpu.memory_space<hbm>>
    tpu.enqueue_dma source(%dma_start3A_86 : memref<64xi32, #tpu.memory_space<hbm>>) target(%arg15 : memref<64xi32, #tpu.memory_space<vmem>>) target_semaphore(%arg36 : memref<!tpu.dma_semaphore, #tpu.memory_space<semaphore_mem>>)
    %dma_wait3A = arith.constant 0 : i32
    %dma_wait3A_87 = tpu.memref_slice %arg3[%dma_wait3A] : memref<640000xi32, #tpu.memory_space<hbm>> -> memref<64xi32, #tpu.memory_space<hbm>>
    %dma_wait3A_88 = arith.constant 0 : i32
    %dma_wait3A_89 = tpu.memref_slice %arg3[%dma_wait3A_88] : memref<640000xi32, #tpu.memory_space<hbm>> -> memref<64xi32, #tpu.memory_space<hbm>>
    tpu.wait_dma2 semaphore(%arg29 : memref<!tpu.dma_semaphore, #tpu.memory_space<semaphore_mem>>) src(%dma_wait3A_89 : memref<64xi32, #tpu.memory_space<hbm>>) dst(%arg8 : memref<64xi32, #tpu.memory_space<vmem>>)
    %dma_start3A_90 = arith.constant 0 : i32
    %dma_start3A_91 = arith.constant 0 : i32
    %dma_start3A_92 = tpu.memref_slice %arg2[%dma_start3A_90, %dma_start3A_91] : memref<10000x128xf32, #tpu.memory_space<hbm>> -> memref<10000x128xf32, #tpu.memory_space<hbm>>
    tpu.enqueue_indirect_dma source(%dma_start3A_92 : memref<10000x128xf32, #tpu.memory_space<hbm>>) target(%arg16 : memref<64x128xf32, #tpu.memory_space<vmem>>) offsets(%arg8 : memref<64xi32, #tpu.memory_space<vmem>>) semaphore(%arg21 : memref<!tpu.dma_semaphore, #tpu.memory_space<semaphore_mem>>)
    %dma_wait3A_93 = arith.constant 0 : i32
    %dma_wait3A_94 = tpu.memref_slice %arg3[%dma_wait3A_93] : memref<640000xi32, #tpu.memory_space<hbm>> -> memref<64xi32, #tpu.memory_space<hbm>>
    %dma_wait3A_95 = arith.constant 0 : i32
    %dma_wait3A_96 = tpu.memref_slice %arg3[%dma_wait3A_95] : memref<640000xi32, #tpu.memory_space<hbm>> -> memref<64xi32, #tpu.memory_space<hbm>>
    tpu.wait_dma2 semaphore(%arg30 : memref<!tpu.dma_semaphore, #tpu.memory_space<semaphore_mem>>) src(%dma_wait3A_96 : memref<64xi32, #tpu.memory_space<hbm>>) dst(%arg9 : memref<64xi32, #tpu.memory_space<vmem>>)
    %dma_start3A_97 = arith.constant 0 : i32
    %dma_start3A_98 = arith.constant 0 : i32
    %dma_start3A_99 = tpu.memref_slice %arg2[%dma_start3A_97, %dma_start3A_98] : memref<10000x128xf32, #tpu.memory_space<hbm>> -> memref<10000x128xf32, #tpu.memory_space<hbm>>
    tpu.enqueue_indirect_dma source(%dma_start3A_99 : memref<10000x128xf32, #tpu.memory_space<hbm>>) target(%arg17 : memref<64x128xf32, #tpu.memory_space<vmem>>) offsets(%arg9 : memref<64xi32, #tpu.memory_space<vmem>>) semaphore(%arg22 : memref<!tpu.dma_semaphore, #tpu.memory_space<semaphore_mem>>)
    %dma_wait3A_100 = arith.constant 0 : i32
    %dma_wait3A_101 = tpu.memref_slice %arg3[%dma_wait3A_100] : memref<640000xi32, #tpu.memory_space<hbm>> -> memref<64xi32, #tpu.memory_space<hbm>>
    %dma_wait3A_102 = arith.constant 0 : i32
    %dma_wait3A_103 = tpu.memref_slice %arg3[%dma_wait3A_102] : memref<640000xi32, #tpu.memory_space<hbm>> -> memref<64xi32, #tpu.memory_space<hbm>>
    tpu.wait_dma2 semaphore(%arg31 : memref<!tpu.dma_semaphore, #tpu.memory_space<semaphore_mem>>) src(%dma_wait3A_103 : memref<64xi32, #tpu.memory_space<hbm>>) dst(%arg10 : memref<64xi32, #tpu.memory_space<vmem>>)
    %dma_start3A_104 = arith.constant 0 : i32
    %dma_start3A_105 = arith.constant 0 : i32
    %dma_start3A_106 = tpu.memref_slice %arg2[%dma_start3A_104, %dma_start3A_105] : memref<10000x128xf32, #tpu.memory_space<hbm>> -> memref<10000x128xf32, #tpu.memory_space<hbm>>
    tpu.enqueue_indirect_dma source(%dma_start3A_106 : memref<10000x128xf32, #tpu.memory_space<hbm>>) target(%arg18 : memref<64x128xf32, #tpu.memory_space<vmem>>) offsets(%arg10 : memref<64xi32, #tpu.memory_space<vmem>>) semaphore(%arg23 : memref<!tpu.dma_semaphore, #tpu.memory_space<semaphore_mem>>)
    %dma_wait3A_107 = arith.constant 0 : i32
    %dma_wait3A_108 = tpu.memref_slice %arg3[%dma_wait3A_107] : memref<640000xi32, #tpu.memory_space<hbm>> -> memref<64xi32, #tpu.memory_space<hbm>>
    %dma_wait3A_109 = arith.constant 0 : i32
    %dma_wait3A_110 = tpu.memref_slice %arg3[%dma_wait3A_109] : memref<640000xi32, #tpu.memory_space<hbm>> -> memref<64xi32, #tpu.memory_space<hbm>>
    tpu.wait_dma2 semaphore(%arg32 : memref<!tpu.dma_semaphore, #tpu.memory_space<semaphore_mem>>) src(%dma_wait3A_110 : memref<64xi32, #tpu.memory_space<hbm>>) dst(%arg11 : memref<64xi32, #tpu.memory_space<vmem>>)
    %dma_start3A_111 = arith.constant 0 : i32
    %dma_start3A_112 = arith.constant 0 : i32
    %dma_start3A_113 = tpu.memref_slice %arg2[%dma_start3A_111, %dma_start3A_112] : memref<10000x128xf32, #tpu.memory_space<hbm>> -> memref<10000x128xf32, #tpu.memory_space<hbm>>
    tpu.enqueue_indirect_dma source(%dma_start3A_113 : memref<10000x128xf32, #tpu.memory_space<hbm>>) target(%arg19 : memref<64x128xf32, #tpu.memory_space<vmem>>) offsets(%arg11 : memref<64xi32, #tpu.memory_space<vmem>>) semaphore(%arg24 : memref<!tpu.dma_semaphore, #tpu.memory_space<semaphore_mem>>)
    %dma_wait3A_114 = arith.constant 0 : i32
    %dma_wait3A_115 = arith.constant 0 : i32
    %dma_wait3A_116 = tpu.memref_slice %arg2[%dma_wait3A_114, %dma_wait3A_115] : memref<10000x128xf32, #tpu.memory_space<hbm>> -> memref<10000x128xf32, #tpu.memory_space<hbm>>
    tpu.wait_indirect_dma semaphore(%arg21 : memref<!tpu.dma_semaphore, #tpu.memory_space<semaphore_mem>>) src(%dma_wait3A_116 : memref<10000x128xf32, #tpu.memory_space<hbm>>) dst(%arg16 : memref<64x128xf32, #tpu.memory_space<vmem>>)
    %dma_wait3A_117 = arith.constant 0 : i32
    %dma_wait3A_118 = tpu.memref_slice %arg3[%dma_wait3A_117] : memref<640000xi32, #tpu.memory_space<hbm>> -> memref<64xi32, #tpu.memory_space<hbm>>
    %dma_wait3A_119 = arith.constant 0 : i32
    %dma_wait3A_120 = tpu.memref_slice %arg3[%dma_wait3A_119] : memref<640000xi32, #tpu.memory_space<hbm>> -> memref<64xi32, #tpu.memory_space<hbm>>
    tpu.wait_dma2 semaphore(%arg33 : memref<!tpu.dma_semaphore, #tpu.memory_space<semaphore_mem>>) src(%dma_wait3A_120 : memref<64xi32, #tpu.memory_space<hbm>>) dst(%arg12 : memref<64xi32, #tpu.memory_space<vmem>>)
    %dma_start3A_121 = arith.constant 0 : i32
    %dma_start3A_122 = arith.constant 0 : i32
    %dma_start3A_123 = tpu.memref_slice %arg20[%dma_start3A_121, %dma_start3A_122] : memref<10112x128xf32, #tpu.memory_space<vmem_shared>> -> memref<10112x128xf32, #tpu.memory_space<vmem_shared>>
    tpu.enqueue_indirect_dma source(%arg16 : memref<64x128xf32, #tpu.memory_space<vmem>>) target(%dma_start3A_123 : memref<10112x128xf32, #tpu.memory_space<vmem_shared>>) offsets(%arg12 : memref<64xi32, #tpu.memory_space<vmem>>) semaphore(%arg25 : memref<!tpu.dma_semaphore, #tpu.memory_space<semaphore_mem>>) {add = true}
    %dma_wait3A_124 = arith.constant 0 : i32
    %dma_wait3A_125 = arith.constant 0 : i32
    %dma_wait3A_126 = tpu.memref_slice %arg2[%dma_wait3A_124, %dma_wait3A_125] : memref<10000x128xf32, #tpu.memory_space<hbm>> -> memref<10000x128xf32, #tpu.memory_space<hbm>>
    tpu.wait_indirect_dma semaphore(%arg22 : memref<!tpu.dma_semaphore, #tpu.memory_space<semaphore_mem>>) src(%dma_wait3A_126 : memref<10000x128xf32, #tpu.memory_space<hbm>>) dst(%arg17 : memref<64x128xf32, #tpu.memory_space<vmem>>)
    %dma_wait3A_127 = arith.constant 0 : i32
    %dma_wait3A_128 = tpu.memref_slice %arg3[%dma_wait3A_127] : memref<640000xi32, #tpu.memory_space<hbm>> -> memref<64xi32, #tpu.memory_space<hbm>>
    %dma_wait3A_129 = arith.constant 0 : i32
    %dma_wait3A_130 = tpu.memref_slice %arg3[%dma_wait3A_129] : memref<640000xi32, #tpu.memory_space<hbm>> -> memref<64xi32, #tpu.memory_space<hbm>>
    tpu.wait_dma2 semaphore(%arg34 : memref<!tpu.dma_semaphore, #tpu.memory_space<semaphore_mem>>) src(%dma_wait3A_130 : memref<64xi32, #tpu.memory_space<hbm>>) dst(%arg13 : memref<64xi32, #tpu.memory_space<vmem>>)
    %dma_start3A_131 = arith.constant 0 : i32
    %dma_start3A_132 = arith.constant 0 : i32
    %dma_start3A_133 = tpu.memref_slice %arg20[%dma_start3A_131, %dma_start3A_132] : memref<10112x128xf32, #tpu.memory_space<vmem_shared>> -> memref<10112x128xf32, #tpu.memory_space<vmem_shared>>
    tpu.enqueue_indirect_dma source(%arg17 : memref<64x128xf32, #tpu.memory_space<vmem>>) target(%dma_start3A_133 : memref<10112x128xf32, #tpu.memory_space<vmem_shared>>) offsets(%arg13 : memref<64xi32, #tpu.memory_space<vmem>>) semaphore(%arg26 : memref<!tpu.dma_semaphore, #tpu.memory_space<semaphore_mem>>) {add = true}
    %dma_wait3A_134 = arith.constant 0 : i32
    %dma_wait3A_135 = arith.constant 0 : i32
    %dma_wait3A_136 = tpu.memref_slice %arg2[%dma_wait3A_134, %dma_wait3A_135] : memref<10000x128xf32, #tpu.memory_space<hbm>> -> memref<10000x128xf32, #tpu.memory_space<hbm>>
    tpu.wait_indirect_dma semaphore(%arg23 : memref<!tpu.dma_semaphore, #tpu.memory_space<semaphore_mem>>) src(%dma_wait3A_136 : memref<10000x128xf32, #tpu.memory_space<hbm>>) dst(%arg18 : memref<64x128xf32, #tpu.memory_space<vmem>>)
    %dma_wait3A_137 = arith.constant 0 : i32
    %dma_wait3A_138 = tpu.memref_slice %arg3[%dma_wait3A_137] : memref<640000xi32, #tpu.memory_space<hbm>> -> memref<64xi32, #tpu.memory_space<hbm>>
    %dma_wait3A_139 = arith.constant 0 : i32
    %dma_wait3A_140 = tpu.memref_slice %arg3[%dma_wait3A_139] : memref<640000xi32, #tpu.memory_space<hbm>> -> memref<64xi32, #tpu.memory_space<hbm>>
    tpu.wait_dma2 semaphore(%arg35 : memref<!tpu.dma_semaphore, #tpu.memory_space<semaphore_mem>>) src(%dma_wait3A_140 : memref<64xi32, #tpu.memory_space<hbm>>) dst(%arg14 : memref<64xi32, #tpu.memory_space<vmem>>)
    %dma_start3A_141 = arith.constant 0 : i32
    %dma_start3A_142 = arith.constant 0 : i32
    %dma_start3A_143 = tpu.memref_slice %arg20[%dma_start3A_141, %dma_start3A_142] : memref<10112x128xf32, #tpu.memory_space<vmem_shared>> -> memref<10112x128xf32, #tpu.memory_space<vmem_shared>>
    tpu.enqueue_indirect_dma source(%arg18 : memref<64x128xf32, #tpu.memory_space<vmem>>) target(%dma_start3A_143 : memref<10112x128xf32, #tpu.memory_space<vmem_shared>>) offsets(%arg14 : memref<64xi32, #tpu.memory_space<vmem>>) semaphore(%arg27 : memref<!tpu.dma_semaphore, #tpu.memory_space<semaphore_mem>>) {add = true}
    %dma_wait3A_144 = arith.constant 0 : i32
    %dma_wait3A_145 = arith.constant 0 : i32
    %dma_wait3A_146 = tpu.memref_slice %arg2[%dma_wait3A_144, %dma_wait3A_145] : memref<10000x128xf32, #tpu.memory_space<hbm>> -> memref<10000x128xf32, #tpu.memory_space<hbm>>
    tpu.wait_indirect_dma semaphore(%arg24 : memref<!tpu.dma_semaphore, #tpu.memory_space<semaphore_mem>>) src(%dma_wait3A_146 : memref<10000x128xf32, #tpu.memory_space<hbm>>) dst(%arg19 : memref<64x128xf32, #tpu.memory_space<vmem>>)
    %dma_wait3A_147 = arith.constant 0 : i32
    %dma_wait3A_148 = tpu.memref_slice %arg3[%dma_wait3A_147] : memref<640000xi32, #tpu.memory_space<hbm>> -> memref<64xi32, #tpu.memory_space<hbm>>
    %dma_wait3A_149 = arith.constant 0 : i32
    %dma_wait3A_150 = tpu.memref_slice %arg3[%dma_wait3A_149] : memref<640000xi32, #tpu.memory_space<hbm>> -> memref<64xi32, #tpu.memory_space<hbm>>
    tpu.wait_dma2 semaphore(%arg36 : memref<!tpu.dma_semaphore, #tpu.memory_space<semaphore_mem>>) src(%dma_wait3A_150 : memref<64xi32, #tpu.memory_space<hbm>>) dst(%arg15 : memref<64xi32, #tpu.memory_space<vmem>>)
    %dma_start3A_151 = arith.constant 0 : i32
    %dma_start3A_152 = arith.constant 0 : i32
    %dma_start3A_153 = tpu.memref_slice %arg20[%dma_start3A_151, %dma_start3A_152] : memref<10112x128xf32, #tpu.memory_space<vmem_shared>> -> memref<10112x128xf32, #tpu.memory_space<vmem_shared>>
    tpu.enqueue_indirect_dma source(%arg19 : memref<64x128xf32, #tpu.memory_space<vmem>>) target(%dma_start3A_153 : memref<10112x128xf32, #tpu.memory_space<vmem_shared>>) offsets(%arg15 : memref<64xi32, #tpu.memory_space<vmem>>) semaphore(%arg28 : memref<!tpu.dma_semaphore, #tpu.memory_space<semaphore_mem>>) {add = true}
    %scan3A = arith.constant 0 : i32
    %scan3A_154 = arith.constant 1 : i32
    %scan3A_155 = arith.constant 38 : i32
    %scan3A_156 = arith.addi %scan3A_154, %scan3A_155 : i32
    %scan3A_157 = arith.constant 1 : i32
    scf.for %scan3A_403 = %scan3A_154 to %scan3A_156 step %scan3A_157  : i32 {
      %mul3A_404 = arith.constant 4 : i32
      %mul3A_405 = arith.muli %scan3A_403, %mul3A_404 : i32
      %add3A_406 = arith.addi %mul3A_24, %mul3A_405 : i32
      %dma_wait3A_407 = arith.constant 0 : i32
      %dma_wait3A_408 = arith.constant 0 : i32
      %dma_wait3A_409 = tpu.memref_slice %arg20[%dma_wait3A_407, %dma_wait3A_408] : memref<10112x128xf32, #tpu.memory_space<vmem_shared>> -> memref<10112x128xf32, #tpu.memory_space<vmem_shared>>
      tpu.wait_indirect_dma semaphore(%arg25 : memref<!tpu.dma_semaphore, #tpu.memory_space<semaphore_mem>>) src(%arg16 : memref<64x128xf32, #tpu.memory_space<vmem>>) dst(%dma_wait3A_409 : memref<10112x128xf32, #tpu.memory_space<vmem_shared>>)
      %add3A_410 = arith.constant 0 : i32
      %add3A_411 = arith.addi %add3A_406, %add3A_410 : i32
      %mul3A_412 = arith.constant 64 : i32
      %mul3A_413 = arith.muli %add3A_411, %mul3A_412 : i32
      %multiple_of3A_414 = tpu.assume_multiple %mul3A_413, 64 : i32
      %dma_start3A_415 = tpu.memref_slice %arg3[%multiple_of3A_414] : memref<640000xi32, #tpu.memory_space<hbm>> -> memref<64xi32, #tpu.memory_space<hbm>>
      %dma_start3A_416 = tpu.memref_slice %arg3[%multiple_of3A_414] : memref<640000xi32, #tpu.memory_space<hbm>> -> memref<64xi32, #tpu.memory_space<hbm>>
      tpu.enqueue_dma source(%dma_start3A_416 : memref<64xi32, #tpu.memory_space<hbm>>) target(%arg8 : memref<64xi32, #tpu.memory_space<vmem>>) target_semaphore(%arg29 : memref<!tpu.dma_semaphore, #tpu.memory_space<semaphore_mem>>)
      %add3A_417 = arith.constant 0 : i32
      %add3A_418 = arith.addi %add3A_406, %add3A_417 : i32
      %mul3A_419 = arith.constant 64 : i32
      %mul3A_420 = arith.muli %add3A_418, %mul3A_419 : i32
      %multiple_of3A_421 = tpu.assume_multiple %mul3A_420, 64 : i32
      %add3A_422 = arith.constant 320000 : i32
      %add3A_423 = arith.addi %add3A_422, %multiple_of3A_421 : i32
      %dma_start3A_424 = tpu.memref_slice %arg3[%add3A_423] : memref<640000xi32, #tpu.memory_space<hbm>> -> memref<64xi32, #tpu.memory_space<hbm>>
      %dma_start3A_425 = tpu.memref_slice %arg3[%add3A_423] : memref<640000xi32, #tpu.memory_space<hbm>> -> memref<64xi32, #tpu.memory_space<hbm>>
      tpu.enqueue_dma source(%dma_start3A_425 : memref<64xi32, #tpu.memory_space<hbm>>) target(%arg12 : memref<64xi32, #tpu.memory_space<vmem>>) target_semaphore(%arg33 : memref<!tpu.dma_semaphore, #tpu.memory_space<semaphore_mem>>)
      %dma_wait3A_426 = arith.constant 0 : i32
      %dma_wait3A_427 = tpu.memref_slice %arg3[%dma_wait3A_426] : memref<640000xi32, #tpu.memory_space<hbm>> -> memref<64xi32, #tpu.memory_space<hbm>>
      %dma_wait3A_428 = arith.constant 0 : i32
      %dma_wait3A_429 = tpu.memref_slice %arg3[%dma_wait3A_428] : memref<640000xi32, #tpu.memory_space<hbm>> -> memref<64xi32, #tpu.memory_space<hbm>>
      tpu.wait_dma2 semaphore(%arg29 : memref<!tpu.dma_semaphore, #tpu.memory_space<semaphore_mem>>) src(%dma_wait3A_429 : memref<64xi32, #tpu.memory_space<hbm>>) dst(%arg8 : memref<64xi32, #tpu.memory_space<vmem>>)
      %dma_start3A_430 = arith.constant 0 : i32
      %dma_start3A_431 = arith.constant 0 : i32
      %dma_start3A_432 = tpu.memref_slice %arg2[%dma_start3A_430, %dma_start3A_431] : memref<10000x128xf32, #tpu.memory_space<hbm>> -> memref<10000x128xf32, #tpu.memory_space<hbm>>
      tpu.enqueue_indirect_dma source(%dma_start3A_432 : memref<10000x128xf32, #tpu.memory_space<hbm>>) target(%arg16 : memref<64x128xf32, #tpu.memory_space<vmem>>) offsets(%arg8 : memref<64xi32, #tpu.memory_space<vmem>>) semaphore(%arg21 : memref<!tpu.dma_semaphore, #tpu.memory_space<semaphore_mem>>)
      %dma_wait3A_433 = arith.constant 0 : i32
      %dma_wait3A_434 = arith.constant 0 : i32
      %dma_wait3A_435 = tpu.memref_slice %arg20[%dma_wait3A_433, %dma_wait3A_434] : memref<10112x128xf32, #tpu.memory_space<vmem_shared>> -> memref<10112x128xf32, #tpu.memory_space<vmem_shared>>
      tpu.wait_indirect_dma semaphore(%arg26 : memref<!tpu.dma_semaphore, #tpu.memory_space<semaphore_mem>>) src(%arg17 : memref<64x128xf32, #tpu.memory_space<vmem>>) dst(%dma_wait3A_435 : memref<10112x128xf32, #tpu.memory_space<vmem_shared>>)
      %add3A_436 = arith.constant 1 : i32
      %add3A_437 = arith.addi %add3A_406, %add3A_436 : i32
      %mul3A_438 = arith.constant 64 : i32
      %mul3A_439 = arith.muli %add3A_437, %mul3A_438 : i32
      %multiple_of3A_440 = tpu.assume_multiple %mul3A_439, 64 : i32
      %dma_start3A_441 = tpu.memref_slice %arg3[%multiple_of3A_440] : memref<640000xi32, #tpu.memory_space<hbm>> -> memref<64xi32, #tpu.memory_space<hbm>>
      %dma_start3A_442 = tpu.memref_slice %arg3[%multiple_of3A_440] : memref<640000xi32, #tpu.memory_space<hbm>> -> memref<64xi32, #tpu.memory_space<hbm>>
      tpu.enqueue_dma source(%dma_start3A_442 : memref<64xi32, #tpu.memory_space<hbm>>) target(%arg9 : memref<64xi32, #tpu.memory_space<vmem>>) target_semaphore(%arg30 : memref<!tpu.dma_semaphore, #tpu.memory_space<semaphore_mem>>)
      %add3A_443 = arith.constant 1 : i32
      %add3A_444 = arith.addi %add3A_406, %add3A_443 : i32
      %mul3A_445 = arith.constant 64 : i32
      %mul3A_446 = arith.muli %add3A_444, %mul3A_445 : i32
      %multiple_of3A_447 = tpu.assume_multiple %mul3A_446, 64 : i32
      %add3A_448 = arith.constant 320000 : i32
      %add3A_449 = arith.addi %add3A_448, %multiple_of3A_447 : i32
      %dma_start3A_450 = tpu.memref_slice %arg3[%add3A_449] : memref<640000xi32, #tpu.memory_space<hbm>> -> memref<64xi32, #tpu.memory_space<hbm>>
      %dma_start3A_451 = tpu.memref_slice %arg3[%add3A_449] : memref<640000xi32, #tpu.memory_space<hbm>> -> memref<64xi32, #tpu.memory_space<hbm>>
      tpu.enqueue_dma source(%dma_start3A_451 : memref<64xi32, #tpu.memory_space<hbm>>) target(%arg13 : memref<64xi32, #tpu.memory_space<vmem>>) target_semaphore(%arg34 : memref<!tpu.dma_semaphore, #tpu.memory_space<semaphore_mem>>)
      %dma_wait3A_452 = arith.constant 0 : i32
      %dma_wait3A_453 = tpu.memref_slice %arg3[%dma_wait3A_452] : memref<640000xi32, #tpu.memory_space<hbm>> -> memref<64xi32, #tpu.memory_space<hbm>>
      %dma_wait3A_454 = arith.constant 0 : i32
      %dma_wait3A_455 = tpu.memref_slice %arg3[%dma_wait3A_454] : memref<640000xi32, #tpu.memory_space<hbm>> -> memref<64xi32, #tpu.memory_space<hbm>>
      tpu.wait_dma2 semaphore(%arg30 : memref<!tpu.dma_semaphore, #tpu.memory_space<semaphore_mem>>) src(%dma_wait3A_455 : memref<64xi32, #tpu.memory_space<hbm>>) dst(%arg9 : memref<64xi32, #tpu.memory_space<vmem>>)
      %dma_start3A_456 = arith.constant 0 : i32
      %dma_start3A_457 = arith.constant 0 : i32
      %dma_start3A_458 = tpu.memref_slice %arg2[%dma_start3A_456, %dma_start3A_457] : memref<10000x128xf32, #tpu.memory_space<hbm>> -> memref<10000x128xf32, #tpu.memory_space<hbm>>
      tpu.enqueue_indirect_dma source(%dma_start3A_458 : memref<10000x128xf32, #tpu.memory_space<hbm>>) target(%arg17 : memref<64x128xf32, #tpu.memory_space<vmem>>) offsets(%arg9 : memref<64xi32, #tpu.memory_space<vmem>>) semaphore(%arg22 : memref<!tpu.dma_semaphore, #tpu.memory_space<semaphore_mem>>)
      %dma_wait3A_459 = arith.constant 0 : i32
      %dma_wait3A_460 = arith.constant 0 : i32
      %dma_wait3A_461 = tpu.memref_slice %arg20[%dma_wait3A_459, %dma_wait3A_460] : memref<10112x128xf32, #tpu.memory_space<vmem_shared>> -> memref<10112x128xf32, #tpu.memory_space<vmem_shared>>
      tpu.wait_indirect_dma semaphore(%arg27 : memref<!tpu.dma_semaphore, #tpu.memory_space<semaphore_mem>>) src(%arg18 : memref<64x128xf32, #tpu.memory_space<vmem>>) dst(%dma_wait3A_461 : memref<10112x128xf32, #tpu.memory_space<vmem_shared>>)
      %add3A_462 = arith.constant 2 : i32
      %add3A_463 = arith.addi %add3A_406, %add3A_462 : i32
      %mul3A_464 = arith.constant 64 : i32
      %mul3A_465 = arith.muli %add3A_463, %mul3A_464 : i32
      %multiple_of3A_466 = tpu.assume_multiple %mul3A_465, 64 : i32
      %dma_start3A_467 = tpu.memref_slice %arg3[%multiple_of3A_466] : memref<640000xi32, #tpu.memory_space<hbm>> -> memref<64xi32, #tpu.memory_space<hbm>>
      %dma_start3A_468 = tpu.memref_slice %arg3[%multiple_of3A_466] : memref<640000xi32, #tpu.memory_space<hbm>> -> memref<64xi32, #tpu.memory_space<hbm>>
      tpu.enqueue_dma source(%dma_start3A_468 : memref<64xi32, #tpu.memory_space<hbm>>) target(%arg10 : memref<64xi32, #tpu.memory_space<vmem>>) target_semaphore(%arg31 : memref<!tpu.dma_semaphore, #tpu.memory_space<semaphore_mem>>)
      %add3A_469 = arith.constant 2 : i32
      %add3A_470 = arith.addi %add3A_406, %add3A_469 : i32
      %mul3A_471 = arith.constant 64 : i32
      %mul3A_472 = arith.muli %add3A_470, %mul3A_471 : i32
      %multiple_of3A_473 = tpu.assume_multiple %mul3A_472, 64 : i32
      %add3A_474 = arith.constant 320000 : i32
      %add3A_475 = arith.addi %add3A_474, %multiple_of3A_473 : i32
      %dma_start3A_476 = tpu.memref_slice %arg3[%add3A_475] : memref<640000xi32, #tpu.memory_space<hbm>> -> memref<64xi32, #tpu.memory_space<hbm>>
      %dma_start3A_477 = tpu.memref_slice %arg3[%add3A_475] : memref<640000xi32, #tpu.memory_space<hbm>> -> memref<64xi32, #tpu.memory_space<hbm>>
      tpu.enqueue_dma source(%dma_start3A_477 : memref<64xi32, #tpu.memory_space<hbm>>) target(%arg14 : memref<64xi32, #tpu.memory_space<vmem>>) target_semaphore(%arg35 : memref<!tpu.dma_semaphore, #tpu.memory_space<semaphore_mem>>)
      %dma_wait3A_478 = arith.constant 0 : i32
      %dma_wait3A_479 = tpu.memref_slice %arg3[%dma_wait3A_478] : memref<640000xi32, #tpu.memory_space<hbm>> -> memref<64xi32, #tpu.memory_space<hbm>>
      %dma_wait3A_480 = arith.constant 0 : i32
      %dma_wait3A_481 = tpu.memref_slice %arg3[%dma_wait3A_480] : memref<640000xi32, #tpu.memory_space<hbm>> -> memref<64xi32, #tpu.memory_space<hbm>>
      tpu.wait_dma2 semaphore(%arg31 : memref<!tpu.dma_semaphore, #tpu.memory_space<semaphore_mem>>) src(%dma_wait3A_481 : memref<64xi32, #tpu.memory_space<hbm>>) dst(%arg10 : memref<64xi32, #tpu.memory_space<vmem>>)
      %dma_start3A_482 = arith.constant 0 : i32
      %dma_start3A_483 = arith.constant 0 : i32
      %dma_start3A_484 = tpu.memref_slice %arg2[%dma_start3A_482, %dma_start3A_483] : memref<10000x128xf32, #tpu.memory_space<hbm>> -> memref<10000x128xf32, #tpu.memory_space<hbm>>
      tpu.enqueue_indirect_dma source(%dma_start3A_484 : memref<10000x128xf32, #tpu.memory_space<hbm>>) target(%arg18 : memref<64x128xf32, #tpu.memory_space<vmem>>) offsets(%arg10 : memref<64xi32, #tpu.memory_space<vmem>>) semaphore(%arg23 : memref<!tpu.dma_semaphore, #tpu.memory_space<semaphore_mem>>)
      %dma_wait3A_485 = arith.constant 0 : i32
      %dma_wait3A_486 = arith.constant 0 : i32
      %dma_wait3A_487 = tpu.memref_slice %arg20[%dma_wait3A_485, %dma_wait3A_486] : memref<10112x128xf32, #tpu.memory_space<vmem_shared>> -> memref<10112x128xf32, #tpu.memory_space<vmem_shared>>
      tpu.wait_indirect_dma semaphore(%arg28 : memref<!tpu.dma_semaphore, #tpu.memory_space<semaphore_mem>>) src(%arg19 : memref<64x128xf32, #tpu.memory_space<vmem>>) dst(%dma_wait3A_487 : memref<10112x128xf32, #tpu.memory_space<vmem_shared>>)
      %add3A_488 = arith.constant 3 : i32
      %add3A_489 = arith.addi %add3A_406, %add3A_488 : i32
      %mul3A_490 = arith.constant 64 : i32
      %mul3A_491 = arith.muli %add3A_489, %mul3A_490 : i32
      %multiple_of3A_492 = tpu.assume_multiple %mul3A_491, 64 : i32
      %dma_start3A_493 = tpu.memref_slice %arg3[%multiple_of3A_492] : memref<640000xi32, #tpu.memory_space<hbm>> -> memref<64xi32, #tpu.memory_space<hbm>>
      %dma_start3A_494 = tpu.memref_slice %arg3[%multiple_of3A_492] : memref<640000xi32, #tpu.memory_space<hbm>> -> memref<64xi32, #tpu.memory_space<hbm>>
      tpu.enqueue_dma source(%dma_start3A_494 : memref<64xi32, #tpu.memory_space<hbm>>) target(%arg11 : memref<64xi32, #tpu.memory_space<vmem>>) target_semaphore(%arg32 : memref<!tpu.dma_semaphore, #tpu.memory_space<semaphore_mem>>)
      %add3A_495 = arith.constant 3 : i32
      %add3A_496 = arith.addi %add3A_406, %add3A_495 : i32
      %mul3A_497 = arith.constant 64 : i32
      %mul3A_498 = arith.muli %add3A_496, %mul3A_497 : i32
      %multiple_of3A_499 = tpu.assume_multiple %mul3A_498, 64 : i32
      %add3A_500 = arith.constant 320000 : i32
      %add3A_501 = arith.addi %add3A_500, %multiple_of3A_499 : i32
      %dma_start3A_502 = tpu.memref_slice %arg3[%add3A_501] : memref<640000xi32, #tpu.memory_space<hbm>> -> memref<64xi32, #tpu.memory_space<hbm>>
      %dma_start3A_503 = tpu.memref_slice %arg3[%add3A_501] : memref<640000xi32, #tpu.memory_space<hbm>> -> memref<64xi32, #tpu.memory_space<hbm>>
      tpu.enqueue_dma source(%dma_start3A_503 : memref<64xi32, #tpu.memory_space<hbm>>) target(%arg15 : memref<64xi32, #tpu.memory_space<vmem>>) target_semaphore(%arg36 : memref<!tpu.dma_semaphore, #tpu.memory_space<semaphore_mem>>)
      %dma_wait3A_504 = arith.constant 0 : i32
      %dma_wait3A_505 = tpu.memref_slice %arg3[%dma_wait3A_504] : memref<640000xi32, #tpu.memory_space<hbm>> -> memref<64xi32, #tpu.memory_space<hbm>>
      %dma_wait3A_506 = arith.constant 0 : i32
      %dma_wait3A_507 = tpu.memref_slice %arg3[%dma_wait3A_506] : memref<640000xi32, #tpu.memory_space<hbm>> -> memref<64xi32, #tpu.memory_space<hbm>>
      tpu.wait_dma2 semaphore(%arg32 : memref<!tpu.dma_semaphore, #tpu.memory_space<semaphore_mem>>) src(%dma_wait3A_507 : memref<64xi32, #tpu.memory_space<hbm>>) dst(%arg11 : memref<64xi32, #tpu.memory_space<vmem>>)
      %dma_start3A_508 = arith.constant 0 : i32
      %dma_start3A_509 = arith.constant 0 : i32
      %dma_start3A_510 = tpu.memref_slice %arg2[%dma_start3A_508, %dma_start3A_509] : memref<10000x128xf32, #tpu.memory_space<hbm>> -> memref<10000x128xf32, #tpu.memory_space<hbm>>
      tpu.enqueue_indirect_dma source(%dma_start3A_510 : memref<10000x128xf32, #tpu.memory_space<hbm>>) target(%arg19 : memref<64x128xf32, #tpu.memory_space<vmem>>) offsets(%arg11 : memref<64xi32, #tpu.memory_space<vmem>>) semaphore(%arg24 : memref<!tpu.dma_semaphore, #tpu.memory_space<semaphore_mem>>)
      %dma_wait3A_511 = arith.constant 0 : i32
      %dma_wait3A_512 = arith.constant 0 : i32
      %dma_wait3A_513 = tpu.memref_slice %arg2[%dma_wait3A_511, %dma_wait3A_512] : memref<10000x128xf32, #tpu.memory_space<hbm>> -> memref<10000x128xf32, #tpu.memory_space<hbm>>
      tpu.wait_indirect_dma semaphore(%arg21 : memref<!tpu.dma_semaphore, #tpu.memory_space<semaphore_mem>>) src(%dma_wait3A_513 : memref<10000x128xf32, #tpu.memory_space<hbm>>) dst(%arg16 : memref<64x128xf32, #tpu.memory_space<vmem>>)
      %dma_wait3A_514 = arith.constant 0 : i32
      %dma_wait3A_515 = tpu.memref_slice %arg3[%dma_wait3A_514] : memref<640000xi32, #tpu.memory_space<hbm>> -> memref<64xi32, #tpu.memory_space<hbm>>
      %dma_wait3A_516 = arith.constant 0 : i32
      %dma_wait3A_517 = tpu.memref_slice %arg3[%dma_wait3A_516] : memref<640000xi32, #tpu.memory_space<hbm>> -> memref<64xi32, #tpu.memory_space<hbm>>
      tpu.wait_dma2 semaphore(%arg33 : memref<!tpu.dma_semaphore, #tpu.memory_space<semaphore_mem>>) src(%dma_wait3A_517 : memref<64xi32, #tpu.memory_space<hbm>>) dst(%arg12 : memref<64xi32, #tpu.memory_space<vmem>>)
      %dma_start3A_518 = arith.constant 0 : i32
      %dma_start3A_519 = arith.constant 0 : i32
      %dma_start3A_520 = tpu.memref_slice %arg20[%dma_start3A_518, %dma_start3A_519] : memref<10112x128xf32, #tpu.memory_space<vmem_shared>> -> memref<10112x128xf32, #tpu.memory_space<vmem_shared>>
      tpu.enqueue_indirect_dma source(%arg16 : memref<64x128xf32, #tpu.memory_space<vmem>>) target(%dma_start3A_520 : memref<10112x128xf32, #tpu.memory_space<vmem_shared>>) offsets(%arg12 : memref<64xi32, #tpu.memory_space<vmem>>) semaphore(%arg25 : memref<!tpu.dma_semaphore, #tpu.memory_space<semaphore_mem>>) {add = true}
      %dma_wait3A_521 = arith.constant 0 : i32
      %dma_wait3A_522 = arith.constant 0 : i32
      %dma_wait3A_523 = tpu.memref_slice %arg2[%dma_wait3A_521, %dma_wait3A_522] : memref<10000x128xf32, #tpu.memory_space<hbm>> -> memref<10000x128xf32, #tpu.memory_space<hbm>>
      tpu.wait_indirect_dma semaphore(%arg22 : memref<!tpu.dma_semaphore, #tpu.memory_space<semaphore_mem>>) src(%dma_wait3A_523 : memref<10000x128xf32, #tpu.memory_space<hbm>>) dst(%arg17 : memref<64x128xf32, #tpu.memory_space<vmem>>)
      %dma_wait3A_524 = arith.constant 0 : i32
      %dma_wait3A_525 = tpu.memref_slice %arg3[%dma_wait3A_524] : memref<640000xi32, #tpu.memory_space<hbm>> -> memref<64xi32, #tpu.memory_space<hbm>>
      %dma_wait3A_526 = arith.constant 0 : i32
      %dma_wait3A_527 = tpu.memref_slice %arg3[%dma_wait3A_526] : memref<640000xi32, #tpu.memory_space<hbm>> -> memref<64xi32, #tpu.memory_space<hbm>>
      tpu.wait_dma2 semaphore(%arg34 : memref<!tpu.dma_semaphore, #tpu.memory_space<semaphore_mem>>) src(%dma_wait3A_527 : memref<64xi32, #tpu.memory_space<hbm>>) dst(%arg13 : memref<64xi32, #tpu.memory_space<vmem>>)
      %dma_start3A_528 = arith.constant 0 : i32
      %dma_start3A_529 = arith.constant 0 : i32
      %dma_start3A_530 = tpu.memref_slice %arg20[%dma_start3A_528, %dma_start3A_529] : memref<10112x128xf32, #tpu.memory_space<vmem_shared>> -> memref<10112x128xf32, #tpu.memory_space<vmem_shared>>
      tpu.enqueue_indirect_dma source(%arg17 : memref<64x128xf32, #tpu.memory_space<vmem>>) target(%dma_start3A_530 : memref<10112x128xf32, #tpu.memory_space<vmem_shared>>) offsets(%arg13 : memref<64xi32, #tpu.memory_space<vmem>>) semaphore(%arg26 : memref<!tpu.dma_semaphore, #tpu.memory_space<semaphore_mem>>) {add = true}
      %dma_wait3A_531 = arith.constant 0 : i32
      %dma_wait3A_532 = arith.constant 0 : i32
      %dma_wait3A_533 = tpu.memref_slice %arg2[%dma_wait3A_531, %dma_wait3A_532] : memref<10000x128xf32, #tpu.memory_space<hbm>> -> memref<10000x128xf32, #tpu.memory_space<hbm>>
      tpu.wait_indirect_dma semaphore(%arg23 : memref<!tpu.dma_semaphore, #tpu.memory_space<semaphore_mem>>) src(%dma_wait3A_533 : memref<10000x128xf32, #tpu.memory_space<hbm>>) dst(%arg18 : memref<64x128xf32, #tpu.memory_space<vmem>>)
      %dma_wait3A_534 = arith.constant 0 : i32
      %dma_wait3A_535 = tpu.memref_slice %arg3[%dma_wait3A_534] : memref<640000xi32, #tpu.memory_space<hbm>> -> memref<64xi32, #tpu.memory_space<hbm>>
      %dma_wait3A_536 = arith.constant 0 : i32
      %dma_wait3A_537 = tpu.memref_slice %arg3[%dma_wait3A_536] : memref<640000xi32, #tpu.memory_space<hbm>> -> memref<64xi32, #tpu.memory_space<hbm>>
      tpu.wait_dma2 semaphore(%arg35 : memref<!tpu.dma_semaphore, #tpu.memory_space<semaphore_mem>>) src(%dma_wait3A_537 : memref<64xi32, #tpu.memory_space<hbm>>) dst(%arg14 : memref<64xi32, #tpu.memory_space<vmem>>)
      %dma_start3A_538 = arith.constant 0 : i32
      %dma_start3A_539 = arith.constant 0 : i32
      %dma_start3A_540 = tpu.memref_slice %arg20[%dma_start3A_538, %dma_start3A_539] : memref<10112x128xf32, #tpu.memory_space<vmem_shared>> -> memref<10112x128xf32, #tpu.memory_space<vmem_shared>>
      tpu.enqueue_indirect_dma source(%arg18 : memref<64x128xf32, #tpu.memory_space<vmem>>) target(%dma_start3A_540 : memref<10112x128xf32, #tpu.memory_space<vmem_shared>>) offsets(%arg14 : memref<64xi32, #tpu.memory_space<vmem>>) semaphore(%arg27 : memref<!tpu.dma_semaphore, #tpu.memory_space<semaphore_mem>>) {add = true}
      %dma_wait3A_541 = arith.constant 0 : i32
      %dma_wait3A_542 = arith.constant 0 : i32
      %dma_wait3A_543 = tpu.memref_slice %arg2[%dma_wait3A_541, %dma_wait3A_542] : memref<10000x128xf32, #tpu.memory_space<hbm>> -> memref<10000x128xf32, #tpu.memory_space<hbm>>
      tpu.wait_indirect_dma semaphore(%arg24 : memref<!tpu.dma_semaphore, #tpu.memory_space<semaphore_mem>>) src(%dma_wait3A_543 : memref<10000x128xf32, #tpu.memory_space<hbm>>) dst(%arg19 : memref<64x128xf32, #tpu.memory_space<vmem>>)
      %dma_wait3A_544 = arith.constant 0 : i32
      %dma_wait3A_545 = tpu.memref_slice %arg3[%dma_wait3A_544] : memref<640000xi32, #tpu.memory_space<hbm>> -> memref<64xi32, #tpu.memory_space<hbm>>
      %dma_wait3A_546 = arith.constant 0 : i32
      %dma_wait3A_547 = tpu.memref_slice %arg3[%dma_wait3A_546] : memref<640000xi32, #tpu.memory_space<hbm>> -> memref<64xi32, #tpu.memory_space<hbm>>
      tpu.wait_dma2 semaphore(%arg36 : memref<!tpu.dma_semaphore, #tpu.memory_space<semaphore_mem>>) src(%dma_wait3A_547 : memref<64xi32, #tpu.memory_space<hbm>>) dst(%arg15 : memref<64xi32, #tpu.memory_space<vmem>>)
      %dma_start3A_548 = arith.constant 0 : i32
      %dma_start3A_549 = arith.constant 0 : i32
      %dma_start3A_550 = tpu.memref_slice %arg20[%dma_start3A_548, %dma_start3A_549] : memref<10112x128xf32, #tpu.memory_space<vmem_shared>> -> memref<10112x128xf32, #tpu.memory_space<vmem_shared>>
      tpu.enqueue_indirect_dma source(%arg19 : memref<64x128xf32, #tpu.memory_space<vmem>>) target(%dma_start3A_550 : memref<10112x128xf32, #tpu.memory_space<vmem_shared>>) offsets(%arg15 : memref<64xi32, #tpu.memory_space<vmem>>) semaphore(%arg28 : memref<!tpu.dma_semaphore, #tpu.memory_space<semaphore_mem>>) {add = true}
    }
    %scan3A_158 = arith.constant 38 : i32
    %dma_wait3A_159 = arith.constant 0 : i32
    %dma_wait3A_160 = arith.constant 0 : i32
    %dma_wait3A_161 = tpu.memref_slice %arg20[%dma_wait3A_159, %dma_wait3A_160] : memref<10112x128xf32, #tpu.memory_space<vmem_shared>> -> memref<10112x128xf32, #tpu.memory_space<vmem_shared>>
    tpu.wait_indirect_dma semaphore(%arg25 : memref<!tpu.dma_semaphore, #tpu.memory_space<semaphore_mem>>) src(%arg16 : memref<64x128xf32, #tpu.memory_space<vmem>>) dst(%dma_wait3A_161 : memref<10112x128xf32, #tpu.memory_space<vmem_shared>>)
    %dma_wait3A_162 = arith.constant 0 : i32
    %dma_wait3A_163 = arith.constant 0 : i32
    %dma_wait3A_164 = tpu.memref_slice %arg20[%dma_wait3A_162, %dma_wait3A_163] : memref<10112x128xf32, #tpu.memory_space<vmem_shared>> -> memref<10112x128xf32, #tpu.memory_space<vmem_shared>>
    tpu.wait_indirect_dma semaphore(%arg26 : memref<!tpu.dma_semaphore, #tpu.memory_space<semaphore_mem>>) src(%arg17 : memref<64x128xf32, #tpu.memory_space<vmem>>) dst(%dma_wait3A_164 : memref<10112x128xf32, #tpu.memory_space<vmem_shared>>)
    %dma_wait3A_165 = arith.constant 0 : i32
    %dma_wait3A_166 = arith.constant 0 : i32
    %dma_wait3A_167 = tpu.memref_slice %arg20[%dma_wait3A_165, %dma_wait3A_166] : memref<10112x128xf32, #tpu.memory_space<vmem_shared>> -> memref<10112x128xf32, #tpu.memory_space<vmem_shared>>
    tpu.wait_indirect_dma semaphore(%arg27 : memref<!tpu.dma_semaphore, #tpu.memory_space<semaphore_mem>>) src(%arg18 : memref<64x128xf32, #tpu.memory_space<vmem>>) dst(%dma_wait3A_167 : memref<10112x128xf32, #tpu.memory_space<vmem_shared>>)
    %dma_wait3A_168 = arith.constant 0 : i32
    %dma_wait3A_169 = arith.constant 0 : i32
    %dma_wait3A_170 = tpu.memref_slice %arg20[%dma_wait3A_168, %dma_wait3A_169] : memref<10112x128xf32, #tpu.memory_space<vmem_shared>> -> memref<10112x128xf32, #tpu.memory_space<vmem_shared>>
    tpu.wait_indirect_dma semaphore(%arg28 : memref<!tpu.dma_semaphore, #tpu.memory_space<semaphore_mem>>) src(%arg19 : memref<64x128xf32, #tpu.memory_space<vmem>>) dst(%dma_wait3A_170 : memref<10112x128xf32, #tpu.memory_space<vmem_shared>>)
    %lt3A = arith.constant 8 : i32
    %lt3A_171 = arith.cmpi slt, %add3A, %lt3A : i32
    %convert_element_type3A = arith.extui %lt3A_171 : i1 to i32
    %cond3A = arith.constant 0 : i32
    %cond3A_172 = arith.cmpi ne, %convert_element_type3A, %cond3A : i32
    scf.if %cond3A_172 {
      %add3A_403 = arith.constant 4992 : i32
      %add3A_404 = arith.addi %add3A_403, %add3A : i32
      %mul3A_405 = arith.constant 64 : i32
      %mul3A_406 = arith.muli %add3A_404, %mul3A_405 : i32
      %multiple_of3A_407 = tpu.assume_multiple %mul3A_406, 64 : i32
      %dma_start3A_408 = tpu.memref_slice %arg3[%multiple_of3A_407] : memref<640000xi32, #tpu.memory_space<hbm>> -> memref<64xi32, #tpu.memory_space<hbm>>
      %dma_start3A_409 = tpu.memref_slice %arg3[%multiple_of3A_407] : memref<640000xi32, #tpu.memory_space<hbm>> -> memref<64xi32, #tpu.memory_space<hbm>>
      tpu.enqueue_dma source(%dma_start3A_409 : memref<64xi32, #tpu.memory_space<hbm>>) target(%arg8 : memref<64xi32, #tpu.memory_space<vmem>>) target_semaphore(%arg29 : memref<!tpu.dma_semaphore, #tpu.memory_space<semaphore_mem>>)
      %mul3A_410 = arith.constant 64 : i32
      %mul3A_411 = arith.muli %add3A_404, %mul3A_410 : i32
      %multiple_of3A_412 = tpu.assume_multiple %mul3A_411, 64 : i32
      %add3A_413 = arith.constant 320000 : i32
      %add3A_414 = arith.addi %add3A_413, %multiple_of3A_412 : i32
      %dma_start3A_415 = tpu.memref_slice %arg3[%add3A_414] : memref<640000xi32, #tpu.memory_space<hbm>> -> memref<64xi32, #tpu.memory_space<hbm>>
      %dma_start3A_416 = tpu.memref_slice %arg3[%add3A_414] : memref<640000xi32, #tpu.memory_space<hbm>> -> memref<64xi32, #tpu.memory_space<hbm>>
      tpu.enqueue_dma source(%dma_start3A_416 : memref<64xi32, #tpu.memory_space<hbm>>) target(%arg12 : memref<64xi32, #tpu.memory_space<vmem>>) target_semaphore(%arg33 : memref<!tpu.dma_semaphore, #tpu.memory_space<semaphore_mem>>)
      %dma_wait3A_417 = arith.constant 0 : i32
      %dma_wait3A_418 = tpu.memref_slice %arg3[%dma_wait3A_417] : memref<640000xi32, #tpu.memory_space<hbm>> -> memref<64xi32, #tpu.memory_space<hbm>>
      %dma_wait3A_419 = arith.constant 0 : i32
      %dma_wait3A_420 = tpu.memref_slice %arg3[%dma_wait3A_419] : memref<640000xi32, #tpu.memory_space<hbm>> -> memref<64xi32, #tpu.memory_space<hbm>>
      tpu.wait_dma2 semaphore(%arg29 : memref<!tpu.dma_semaphore, #tpu.memory_space<semaphore_mem>>) src(%dma_wait3A_420 : memref<64xi32, #tpu.memory_space<hbm>>) dst(%arg8 : memref<64xi32, #tpu.memory_space<vmem>>)
      %dma_wait3A_421 = arith.constant 0 : i32
      %dma_wait3A_422 = tpu.memref_slice %arg3[%dma_wait3A_421] : memref<640000xi32, #tpu.memory_space<hbm>> -> memref<64xi32, #tpu.memory_space<hbm>>
      %dma_wait3A_423 = arith.constant 0 : i32
      %dma_wait3A_424 = tpu.memref_slice %arg3[%dma_wait3A_423] : memref<640000xi32, #tpu.memory_space<hbm>> -> memref<64xi32, #tpu.memory_space<hbm>>
      tpu.wait_dma2 semaphore(%arg33 : memref<!tpu.dma_semaphore, #tpu.memory_space<semaphore_mem>>) src(%dma_wait3A_424 : memref<64xi32, #tpu.memory_space<hbm>>) dst(%arg12 : memref<64xi32, #tpu.memory_space<vmem>>)
      %dma_start3A_425 = arith.constant 0 : i32
      %dma_start3A_426 = arith.constant 0 : i32
      %dma_start3A_427 = tpu.memref_slice %arg2[%dma_start3A_425, %dma_start3A_426] : memref<10000x128xf32, #tpu.memory_space<hbm>> -> memref<10000x128xf32, #tpu.memory_space<hbm>>
      tpu.enqueue_indirect_dma source(%dma_start3A_427 : memref<10000x128xf32, #tpu.memory_space<hbm>>) target(%arg16 : memref<64x128xf32, #tpu.memory_space<vmem>>) offsets(%arg8 : memref<64xi32, #tpu.memory_space<vmem>>) semaphore(%arg21 : memref<!tpu.dma_semaphore, #tpu.memory_space<semaphore_mem>>)
      %dma_wait3A_428 = arith.constant 0 : i32
      %dma_wait3A_429 = arith.constant 0 : i32
      %dma_wait3A_430 = tpu.memref_slice %arg2[%dma_wait3A_428, %dma_wait3A_429] : memref<10000x128xf32, #tpu.memory_space<hbm>> -> memref<10000x128xf32, #tpu.memory_space<hbm>>
      tpu.wait_indirect_dma semaphore(%arg21 : memref<!tpu.dma_semaphore, #tpu.memory_space<semaphore_mem>>) src(%dma_wait3A_430 : memref<10000x128xf32, #tpu.memory_space<hbm>>) dst(%arg16 : memref<64x128xf32, #tpu.memory_space<vmem>>)
      %dma_start3A_431 = arith.constant 0 : i32
      %dma_start3A_432 = arith.constant 0 : i32
      %dma_start3A_433 = tpu.memref_slice %arg20[%dma_start3A_431, %dma_start3A_432] : memref<10112x128xf32, #tpu.memory_space<vmem_shared>> -> memref<10112x128xf32, #tpu.memory_space<vmem_shared>>
      tpu.enqueue_indirect_dma source(%arg16 : memref<64x128xf32, #tpu.memory_space<vmem>>) target(%dma_start3A_433 : memref<10112x128xf32, #tpu.memory_space<vmem_shared>>) offsets(%arg12 : memref<64xi32, #tpu.memory_space<vmem>>) semaphore(%arg25 : memref<!tpu.dma_semaphore, #tpu.memory_space<semaphore_mem>>) {add = true}
      %dma_wait3A_434 = arith.constant 0 : i32
      %dma_wait3A_435 = arith.constant 0 : i32
      %dma_wait3A_436 = tpu.memref_slice %arg20[%dma_wait3A_434, %dma_wait3A_435] : memref<10112x128xf32, #tpu.memory_space<vmem_shared>> -> memref<10112x128xf32, #tpu.memory_space<vmem_shared>>
      tpu.wait_indirect_dma semaphore(%arg25 : memref<!tpu.dma_semaphore, #tpu.memory_space<semaphore_mem>>) src(%arg16 : memref<64x128xf32, #tpu.memory_space<vmem>>) dst(%dma_wait3A_436 : memref<10112x128xf32, #tpu.memory_space<vmem_shared>>)
    } else {
    }
    %barrier3A_173 = arith.constant 0 : index
    tpu.barrier barrier_id(%barrier3A_173)
    %add3A_174 = arith.constant 0 : i32
    %add3A_175 = arith.addi %mul3A_2, %add3A_174 : i32
    "tpu.region"() ({
      %run_scoped3A = tpu.sem_alloc : memref<!tpu.dma_semaphore, #tpu.memory_space<semaphore_mem>>
      %dma_start3A_403 = arith.constant 0 : i32
      %dma_start3A_404 = arith.constant 0 : i32
      %dma_start3A_405 = tpu.memref_slice %arg16[%dma_start3A_403, %dma_start3A_404] : memref<64x128xf32, #tpu.memory_space<vmem>> -> memref<64x128xf32, #tpu.memory_space<vmem>>
      %dma_start3A_406 = arith.constant 0 : i32
      %dma_start3A_407 = tpu.memref_slice %arg20[%add3A_175, %dma_start3A_406] : memref<10112x128xf32, #tpu.memory_space<vmem_shared>> -> memref<64x128xf32, #tpu.memory_space<vmem_shared>>
      %dma_start3A_408 = arith.constant 0 : i32
      %dma_start3A_409 = arith.constant 0 : i32
      %dma_start3A_410 = tpu.memref_slice %arg16[%dma_start3A_408, %dma_start3A_409] : memref<64x128xf32, #tpu.memory_space<vmem>> -> memref<64x128xf32, #tpu.memory_space<vmem>>
      %dma_start3A_411 = arith.constant 0 : i32
      %dma_start3A_412 = tpu.memref_slice %arg20[%add3A_175, %dma_start3A_411] : memref<10112x128xf32, #tpu.memory_space<vmem_shared>> -> memref<64x128xf32, #tpu.memory_space<vmem_shared>>
      tpu.enqueue_dma source(%dma_start3A_412 : memref<64x128xf32, #tpu.memory_space<vmem_shared>>) target(%dma_start3A_410 : memref<64x128xf32, #tpu.memory_space<vmem>>) target_semaphore(%run_scoped3A : memref<!tpu.dma_semaphore, #tpu.memory_space<semaphore_mem>>)
      %dma_wait3A_413 = arith.constant 0 : i32
      %dma_wait3A_414 = arith.constant 0 : i32
      %dma_wait3A_415 = tpu.memref_slice %arg16[%dma_wait3A_413, %dma_wait3A_414] : memref<64x128xf32, #tpu.memory_space<vmem>> -> memref<64x128xf32, #tpu.memory_space<vmem>>
      %dma_wait3A_416 = arith.constant 0 : i32
      %dma_wait3A_417 = tpu.memref_slice %arg20[%add3A_175, %dma_wait3A_416] : memref<10112x128xf32, #tpu.memory_space<vmem_shared>> -> memref<64x128xf32, #tpu.memory_space<vmem_shared>>
      %dma_wait3A_418 = arith.constant 0 : i32
      %dma_wait3A_419 = arith.constant 0 : i32
      %dma_wait3A_420 = tpu.memref_slice %arg16[%dma_wait3A_418, %dma_wait3A_419] : memref<64x128xf32, #tpu.memory_space<vmem>> -> memref<64x128xf32, #tpu.memory_space<vmem>>
      %dma_wait3A_421 = arith.constant 0 : i32
      %dma_wait3A_422 = tpu.memref_slice %arg20[%add3A_175, %dma_wait3A_421] : memref<10112x128xf32, #tpu.memory_space<vmem_shared>> -> memref<64x128xf32, #tpu.memory_space<vmem_shared>>
      tpu.wait_dma2 semaphore(%run_scoped3A : memref<!tpu.dma_semaphore, #tpu.memory_space<semaphore_mem>>) src(%dma_wait3A_422 : memref<64x128xf32, #tpu.memory_space<vmem_shared>>) dst(%dma_wait3A_420 : memref<64x128xf32, #tpu.memory_space<vmem>>)
      tpu.yield
    }) : () -> ()
    %mul3A_176 = arith.constant 10112 : i32
    %mul3A_177 = arith.muli %arg0, %mul3A_176 : i32
    %add3A_178 = arith.addi %mul3A_177, %add3A_175 : i32
    "tpu.region"() ({
      %run_scoped3A = tpu.sem_alloc : memref<!tpu.dma_semaphore, #tpu.memory_space<semaphore_mem>>
      %dma_start3A_403 = arith.constant 0 : i32
      %dma_start3A_404 = arith.constant 0 : i32
      %dma_start3A_405 = tpu.memref_slice %arg16[%dma_start3A_403, %dma_start3A_404] : memref<64x128xf32, #tpu.memory_space<vmem>> -> memref<64x128xf32, #tpu.memory_space<vmem>>
      %dma_start3A_406 = arith.constant 0 : i32
      %dma_start3A_407 = tpu.memref_slice %arg6[%add3A_178, %dma_start3A_406] : memref<20224x128xf32, #tpu.memory_space<hbm>> -> memref<64x128xf32, #tpu.memory_space<hbm>>
      %dma_start3A_408 = arith.constant 0 : i32
      %dma_start3A_409 = tpu.memref_slice %arg6[%add3A_178, %dma_start3A_408] : memref<20224x128xf32, #tpu.memory_space<hbm>> -> memref<64x128xf32, #tpu.memory_space<hbm>>
      %dma_start3A_410 = arith.constant 0 : i32
      %dma_start3A_411 = arith.constant 0 : i32
      %dma_start3A_412 = tpu.memref_slice %arg16[%dma_start3A_410, %dma_start3A_411] : memref<64x128xf32, #tpu.memory_space<vmem>> -> memref<64x128xf32, #tpu.memory_space<vmem>>
      tpu.enqueue_dma source(%dma_start3A_412 : memref<64x128xf32, #tpu.memory_space<vmem>>) target(%dma_start3A_409 : memref<64x128xf32, #tpu.memory_space<hbm>>) target_semaphore(%run_scoped3A : memref<!tpu.dma_semaphore, #tpu.memory_space<semaphore_mem>>)
      %dma_wait3A_413 = arith.constant 0 : i32
      %dma_wait3A_414 = arith.constant 0 : i32
      %dma_wait3A_415 = tpu.memref_slice %arg16[%dma_wait3A_413, %dma_wait3A_414] : memref<64x128xf32, #tpu.memory_space<vmem>> -> memref<64x128xf32, #tpu.memory_space<vmem>>
      %dma_wait3A_416 = arith.constant 0 : i32
      %dma_wait3A_417 = tpu.memref_slice %arg6[%add3A_178, %dma_wait3A_416] : memref<20224x128xf32, #tpu.memory_space<hbm>> -> memref<64x128xf32, #tpu.memory_space<hbm>>
      %dma_wait3A_418 = arith.constant 0 : i32
      %dma_wait3A_419 = tpu.memref_slice %arg6[%add3A_178, %dma_wait3A_418] : memref<20224x128xf32, #tpu.memory_space<hbm>> -> memref<64x128xf32, #tpu.memory_space<hbm>>
      %dma_wait3A_420 = arith.constant 0 : i32
      %dma_wait3A_421 = arith.constant 0 : i32
      %dma_wait3A_422 = tpu.memref_slice %arg16[%dma_wait3A_420, %dma_wait3A_421] : memref<64x128xf32, #tpu.memory_space<vmem>> -> memref<64x128xf32, #tpu.memory_space<vmem>>
      tpu.wait_dma2 semaphore(%run_scoped3A : memref<!tpu.dma_semaphore, #tpu.memory_space<semaphore_mem>>) src(%dma_wait3A_422 : memref<64x128xf32, #tpu.memory_space<vmem>>) dst(%dma_wait3A_419 : memref<64x128xf32, #tpu.memory_space<hbm>>)
      tpu.yield
    }) : () -> ()
    %add3A_179 = arith.constant 64 : i32
    %add3A_180 = arith.addi %add3A_175, %add3A_179 : i32
    "tpu.region"() ({
      %run_scoped3A = tpu.sem_alloc : memref<!tpu.dma_semaphore, #tpu.memory_space<semaphore_mem>>
      %dma_start3A_403 = arith.constant 0 : i32
      %dma_start3A_404 = arith.constant 0 : i32
      %dma_start3A_405 = tpu.memref_slice %arg17[%dma_start3A_403, %dma_start3A_404] : memref<64x128xf32, #tpu.memory_space<vmem>> -> memref<64x128xf32, #tpu.memory_space<vmem>>
      %dma_start3A_406 = arith.constant 0 : i32
      %dma_start3A_407 = tpu.memref_slice %arg20[%add3A_180, %dma_start3A_406] : memref<10112x128xf32, #tpu.memory_space<vmem_shared>> -> memref<64x128xf32, #tpu.memory_space<vmem_shared>>
      %dma_start3A_408 = arith.constant 0 : i32
      %dma_start3A_409 = arith.constant 0 : i32
      %dma_start3A_410 = tpu.memref_slice %arg17[%dma_start3A_408, %dma_start3A_409] : memref<64x128xf32, #tpu.memory_space<vmem>> -> memref<64x128xf32, #tpu.memory_space<vmem>>
      %dma_start3A_411 = arith.constant 0 : i32
      %dma_start3A_412 = tpu.memref_slice %arg20[%add3A_180, %dma_start3A_411] : memref<10112x128xf32, #tpu.memory_space<vmem_shared>> -> memref<64x128xf32, #tpu.memory_space<vmem_shared>>
      tpu.enqueue_dma source(%dma_start3A_412 : memref<64x128xf32, #tpu.memory_space<vmem_shared>>) target(%dma_start3A_410 : memref<64x128xf32, #tpu.memory_space<vmem>>) target_semaphore(%run_scoped3A : memref<!tpu.dma_semaphore, #tpu.memory_space<semaphore_mem>>)
      %dma_wait3A_413 = arith.constant 0 : i32
      %dma_wait3A_414 = arith.constant 0 : i32
      %dma_wait3A_415 = tpu.memref_slice %arg17[%dma_wait3A_413, %dma_wait3A_414] : memref<64x128xf32, #tpu.memory_space<vmem>> -> memref<64x128xf32, #tpu.memory_space<vmem>>
      %dma_wait3A_416 = arith.constant 0 : i32
      %dma_wait3A_417 = tpu.memref_slice %arg20[%add3A_180, %dma_wait3A_416] : memref<10112x128xf32, #tpu.memory_space<vmem_shared>> -> memref<64x128xf32, #tpu.memory_space<vmem_shared>>
      %dma_wait3A_418 = arith.constant 0 : i32
      %dma_wait3A_419 = arith.constant 0 : i32
      %dma_wait3A_420 = tpu.memref_slice %arg17[%dma_wait3A_418, %dma_wait3A_419] : memref<64x128xf32, #tpu.memory_space<vmem>> -> memref<64x128xf32, #tpu.memory_space<vmem>>
      %dma_wait3A_421 = arith.constant 0 : i32
      %dma_wait3A_422 = tpu.memref_slice %arg20[%add3A_180, %dma_wait3A_421] : memref<10112x128xf32, #tpu.memory_space<vmem_shared>> -> memref<64x128xf32, #tpu.memory_space<vmem_shared>>
      tpu.wait_dma2 semaphore(%run_scoped3A : memref<!tpu.dma_semaphore, #tpu.memory_space<semaphore_mem>>) src(%dma_wait3A_422 : memref<64x128xf32, #tpu.memory_space<vmem_shared>>) dst(%dma_wait3A_420 : memref<64x128xf32, #tpu.memory_space<vmem>>)
      tpu.yield
    }) : () -> ()
    %mul3A_181 = arith.constant 10112 : i32
    %mul3A_182 = arith.muli %arg0, %mul3A_181 : i32
    %add3A_183 = arith.addi %mul3A_182, %add3A_175 : i32
    %add3A_184 = arith.constant 64 : i32
    %add3A_185 = arith.addi %add3A_183, %add3A_184 : i32
    "tpu.region"() ({
      %run_scoped3A = tpu.sem_alloc : memref<!tpu.dma_semaphore, #tpu.memory_space<semaphore_mem>>
      %dma_start3A_403 = arith.constant 0 : i32
      %dma_start3A_404 = arith.constant 0 : i32
      %dma_start3A_405 = tpu.memref_slice %arg17[%dma_start3A_403, %dma_start3A_404] : memref<64x128xf32, #tpu.memory_space<vmem>> -> memref<64x128xf32, #tpu.memory_space<vmem>>
      %dma_start3A_406 = arith.constant 0 : i32
      %dma_start3A_407 = tpu.memref_slice %arg6[%add3A_185, %dma_start3A_406] : memref<20224x128xf32, #tpu.memory_space<hbm>> -> memref<64x128xf32, #tpu.memory_space<hbm>>
      %dma_start3A_408 = arith.constant 0 : i32
      %dma_start3A_409 = tpu.memref_slice %arg6[%add3A_185, %dma_start3A_408] : memref<20224x128xf32, #tpu.memory_space<hbm>> -> memref<64x128xf32, #tpu.memory_space<hbm>>
      %dma_start3A_410 = arith.constant 0 : i32
      %dma_start3A_411 = arith.constant 0 : i32
      %dma_start3A_412 = tpu.memref_slice %arg17[%dma_start3A_410, %dma_start3A_411] : memref<64x128xf32, #tpu.memory_space<vmem>> -> memref<64x128xf32, #tpu.memory_space<vmem>>
      tpu.enqueue_dma source(%dma_start3A_412 : memref<64x128xf32, #tpu.memory_space<vmem>>) target(%dma_start3A_409 : memref<64x128xf32, #tpu.memory_space<hbm>>) target_semaphore(%run_scoped3A : memref<!tpu.dma_semaphore, #tpu.memory_space<semaphore_mem>>)
      %dma_wait3A_413 = arith.constant 0 : i32
      %dma_wait3A_414 = arith.constant 0 : i32
      %dma_wait3A_415 = tpu.memref_slice %arg17[%dma_wait3A_413, %dma_wait3A_414] : memref<64x128xf32, #tpu.memory_space<vmem>> -> memref<64x128xf32, #tpu.memory_space<vmem>>
      %dma_wait3A_416 = arith.constant 0 : i32
      %dma_wait3A_417 = tpu.memref_slice %arg6[%add3A_185, %dma_wait3A_416] : memref<20224x128xf32, #tpu.memory_space<hbm>> -> memref<64x128xf32, #tpu.memory_space<hbm>>
      %dma_wait3A_418 = arith.constant 0 : i32
      %dma_wait3A_419 = tpu.memref_slice %arg6[%add3A_185, %dma_wait3A_418] : memref<20224x128xf32, #tpu.memory_space<hbm>> -> memref<64x128xf32, #tpu.memory_space<hbm>>
      %dma_wait3A_420 = arith.constant 0 : i32
      %dma_wait3A_421 = arith.constant 0 : i32
      %dma_wait3A_422 = tpu.memref_slice %arg17[%dma_wait3A_420, %dma_wait3A_421] : memref<64x128xf32, #tpu.memory_space<vmem>> -> memref<64x128xf32, #tpu.memory_space<vmem>>
      tpu.wait_dma2 semaphore(%run_scoped3A : memref<!tpu.dma_semaphore, #tpu.memory_space<semaphore_mem>>) src(%dma_wait3A_422 : memref<64x128xf32, #tpu.memory_space<vmem>>) dst(%dma_wait3A_419 : memref<64x128xf32, #tpu.memory_space<hbm>>)
      tpu.yield
    }) : () -> ()
    %add3A_186 = arith.constant 128 : i32
    %add3A_187 = arith.addi %mul3A_2, %add3A_186 : i32
    "tpu.region"() ({
      %run_scoped3A = tpu.sem_alloc : memref<!tpu.dma_semaphore, #tpu.memory_space<semaphore_mem>>
      %dma_start3A_403 = arith.constant 0 : i32
      %dma_start3A_404 = arith.constant 0 : i32
      %dma_start3A_405 = tpu.memref_slice %arg16[%dma_start3A_403, %dma_start3A_404] : memref<64x128xf32, #tpu.memory_space<vmem>> -> memref<64x128xf32, #tpu.memory_space<vmem>>
      %dma_start3A_406 = arith.constant 0 : i32
      %dma_start3A_407 = tpu.memref_slice %arg20[%add3A_187, %dma_start3A_406] : memref<10112x128xf32, #tpu.memory_space<vmem_shared>> -> memref<64x128xf32, #tpu.memory_space<vmem_shared>>
      %dma_start3A_408 = arith.constant 0 : i32
      %dma_start3A_409 = arith.constant 0 : i32
      %dma_start3A_410 = tpu.memref_slice %arg16[%dma_start3A_408, %dma_start3A_409] : memref<64x128xf32, #tpu.memory_space<vmem>> -> memref<64x128xf32, #tpu.memory_space<vmem>>
      %dma_start3A_411 = arith.constant 0 : i32
      %dma_start3A_412 = tpu.memref_slice %arg20[%add3A_187, %dma_start3A_411] : memref<10112x128xf32, #tpu.memory_space<vmem_shared>> -> memref<64x128xf32, #tpu.memory_space<vmem_shared>>
      tpu.enqueue_dma source(%dma_start3A_412 : memref<64x128xf32, #tpu.memory_space<vmem_shared>>) target(%dma_start3A_410 : memref<64x128xf32, #tpu.memory_space<vmem>>) target_semaphore(%run_scoped3A : memref<!tpu.dma_semaphore, #tpu.memory_space<semaphore_mem>>)
      %dma_wait3A_413 = arith.constant 0 : i32
      %dma_wait3A_414 = arith.constant 0 : i32
      %dma_wait3A_415 = tpu.memref_slice %arg16[%dma_wait3A_413, %dma_wait3A_414] : memref<64x128xf32, #tpu.memory_space<vmem>> -> memref<64x128xf32, #tpu.memory_space<vmem>>
      %dma_wait3A_416 = arith.constant 0 : i32
      %dma_wait3A_417 = tpu.memref_slice %arg20[%add3A_187, %dma_wait3A_416] : memref<10112x128xf32, #tpu.memory_space<vmem_shared>> -> memref<64x128xf32, #tpu.memory_space<vmem_shared>>
      %dma_wait3A_418 = arith.constant 0 : i32
      %dma_wait3A_419 = arith.constant 0 : i32
      %dma_wait3A_420 = tpu.memref_slice %arg16[%dma_wait3A_418, %dma_wait3A_419] : memref<64x128xf32, #tpu.memory_space<vmem>> -> memref<64x128xf32, #tpu.memory_space<vmem>>
      %dma_wait3A_421 = arith.constant 0 : i32
      %dma_wait3A_422 = tpu.memref_slice %arg20[%add3A_187, %dma_wait3A_421] : memref<10112x128xf32, #tpu.memory_space<vmem_shared>> -> memref<64x128xf32, #tpu.memory_space<vmem_shared>>
      tpu.wait_dma2 semaphore(%run_scoped3A : memref<!tpu.dma_semaphore, #tpu.memory_space<semaphore_mem>>) src(%dma_wait3A_422 : memref<64x128xf32, #tpu.memory_space<vmem_shared>>) dst(%dma_wait3A_420 : memref<64x128xf32, #tpu.memory_space<vmem>>)
      tpu.yield
    }) : () -> ()
    %mul3A_188 = arith.constant 10112 : i32
    %mul3A_189 = arith.muli %arg0, %mul3A_188 : i32
    %add3A_190 = arith.addi %mul3A_189, %add3A_187 : i32
    "tpu.region"() ({
      %run_scoped3A = tpu.sem_alloc : memref<!tpu.dma_semaphore, #tpu.memory_space<semaphore_mem>>
      %dma_start3A_403 = arith.constant 0 : i32
      %dma_start3A_404 = arith.constant 0 : i32
      %dma_start3A_405 = tpu.memref_slice %arg16[%dma_start3A_403, %dma_start3A_404] : memref<64x128xf32, #tpu.memory_space<vmem>> -> memref<64x128xf32, #tpu.memory_space<vmem>>
      %dma_start3A_406 = arith.constant 0 : i32
      %dma_start3A_407 = tpu.memref_slice %arg6[%add3A_190, %dma_start3A_406] : memref<20224x128xf32, #tpu.memory_space<hbm>> -> memref<64x128xf32, #tpu.memory_space<hbm>>
      %dma_start3A_408 = arith.constant 0 : i32
      %dma_start3A_409 = tpu.memref_slice %arg6[%add3A_190, %dma_start3A_408] : memref<20224x128xf32, #tpu.memory_space<hbm>> -> memref<64x128xf32, #tpu.memory_space<hbm>>
      %dma_start3A_410 = arith.constant 0 : i32
      %dma_start3A_411 = arith.constant 0 : i32
      %dma_start3A_412 = tpu.memref_slice %arg16[%dma_start3A_410, %dma_start3A_411] : memref<64x128xf32, #tpu.memory_space<vmem>> -> memref<64x128xf32, #tpu.memory_space<vmem>>
      tpu.enqueue_dma source(%dma_start3A_412 : memref<64x128xf32, #tpu.memory_space<vmem>>) target(%dma_start3A_409 : memref<64x128xf32, #tpu.memory_space<hbm>>) target_semaphore(%run_scoped3A : memref<!tpu.dma_semaphore, #tpu.memory_space<semaphore_mem>>)
      %dma_wait3A_413 = arith.constant 0 : i32
      %dma_wait3A_414 = arith.constant 0 : i32
      %dma_wait3A_415 = tpu.memref_slice %arg16[%dma_wait3A_413, %dma_wait3A_414] : memref<64x128xf32, #tpu.memory_space<vmem>> -> memref<64x128xf32, #tpu.memory_space<vmem>>
      %dma_wait3A_416 = arith.constant 0 : i32
      %dma_wait3A_417 = tpu.memref_slice %arg6[%add3A_190, %dma_wait3A_416] : memref<20224x128xf32, #tpu.memory_space<hbm>> -> memref<64x128xf32, #tpu.memory_space<hbm>>
      %dma_wait3A_418 = arith.constant 0 : i32
      %dma_wait3A_419 = tpu.memref_slice %arg6[%add3A_190, %dma_wait3A_418] : memref<20224x128xf32, #tpu.memory_space<hbm>> -> memref<64x128xf32, #tpu.memory_space<hbm>>
      %dma_wait3A_420 = arith.constant 0 : i32
      %dma_wait3A_421 = arith.constant 0 : i32
      %dma_wait3A_422 = tpu.memref_slice %arg16[%dma_wait3A_420, %dma_wait3A_421] : memref<64x128xf32, #tpu.memory_space<vmem>> -> memref<64x128xf32, #tpu.memory_space<vmem>>
      tpu.wait_dma2 semaphore(%run_scoped3A : memref<!tpu.dma_semaphore, #tpu.memory_space<semaphore_mem>>) src(%dma_wait3A_422 : memref<64x128xf32, #tpu.memory_space<vmem>>) dst(%dma_wait3A_419 : memref<64x128xf32, #tpu.memory_space<hbm>>)
      tpu.yield
    }) : () -> ()
    %add3A_191 = arith.constant 64 : i32
    %add3A_192 = arith.addi %add3A_187, %add3A_191 : i32
    "tpu.region"() ({
      %run_scoped3A = tpu.sem_alloc : memref<!tpu.dma_semaphore, #tpu.memory_space<semaphore_mem>>
      %dma_start3A_403 = arith.constant 0 : i32
      %dma_start3A_404 = arith.constant 0 : i32
      %dma_start3A_405 = tpu.memref_slice %arg17[%dma_start3A_403, %dma_start3A_404] : memref<64x128xf32, #tpu.memory_space<vmem>> -> memref<64x128xf32, #tpu.memory_space<vmem>>
      %dma_start3A_406 = arith.constant 0 : i32
      %dma_start3A_407 = tpu.memref_slice %arg20[%add3A_192, %dma_start3A_406] : memref<10112x128xf32, #tpu.memory_space<vmem_shared>> -> memref<64x128xf32, #tpu.memory_space<vmem_shared>>
      %dma_start3A_408 = arith.constant 0 : i32
      %dma_start3A_409 = arith.constant 0 : i32
      %dma_start3A_410 = tpu.memref_slice %arg17[%dma_start3A_408, %dma_start3A_409] : memref<64x128xf32, #tpu.memory_space<vmem>> -> memref<64x128xf32, #tpu.memory_space<vmem>>
      %dma_start3A_411 = arith.constant 0 : i32
      %dma_start3A_412 = tpu.memref_slice %arg20[%add3A_192, %dma_start3A_411] : memref<10112x128xf32, #tpu.memory_space<vmem_shared>> -> memref<64x128xf32, #tpu.memory_space<vmem_shared>>
      tpu.enqueue_dma source(%dma_start3A_412 : memref<64x128xf32, #tpu.memory_space<vmem_shared>>) target(%dma_start3A_410 : memref<64x128xf32, #tpu.memory_space<vmem>>) target_semaphore(%run_scoped3A : memref<!tpu.dma_semaphore, #tpu.memory_space<semaphore_mem>>)
      %dma_wait3A_413 = arith.constant 0 : i32
      %dma_wait3A_414 = arith.constant 0 : i32
      %dma_wait3A_415 = tpu.memref_slice %arg17[%dma_wait3A_413, %dma_wait3A_414] : memref<64x128xf32, #tpu.memory_space<vmem>> -> memref<64x128xf32, #tpu.memory_space<vmem>>
      %dma_wait3A_416 = arith.constant 0 : i32
      %dma_wait3A_417 = tpu.memref_slice %arg20[%add3A_192, %dma_wait3A_416] : memref<10112x128xf32, #tpu.memory_space<vmem_shared>> -> memref<64x128xf32, #tpu.memory_space<vmem_shared>>
      %dma_wait3A_418 = arith.constant 0 : i32
      %dma_wait3A_419 = arith.constant 0 : i32
      %dma_wait3A_420 = tpu.memref_slice %arg17[%dma_wait3A_418, %dma_wait3A_419] : memref<64x128xf32, #tpu.memory_space<vmem>> -> memref<64x128xf32, #tpu.memory_space<vmem>>
      %dma_wait3A_421 = arith.constant 0 : i32
      %dma_wait3A_422 = tpu.memref_slice %arg20[%add3A_192, %dma_wait3A_421] : memref<10112x128xf32, #tpu.memory_space<vmem_shared>> -> memref<64x128xf32, #tpu.memory_space<vmem_shared>>
      tpu.wait_dma2 semaphore(%run_scoped3A : memref<!tpu.dma_semaphore, #tpu.memory_space<semaphore_mem>>) src(%dma_wait3A_422 : memref<64x128xf32, #tpu.memory_space<vmem_shared>>) dst(%dma_wait3A_420 : memref<64x128xf32, #tpu.memory_space<vmem>>)
      tpu.yield
    }) : () -> ()
    %mul3A_193 = arith.constant 10112 : i32
    %mul3A_194 = arith.muli %arg0, %mul3A_193 : i32
    %add3A_195 = arith.addi %mul3A_194, %add3A_187 : i32
    %add3A_196 = arith.constant 64 : i32
    %add3A_197 = arith.addi %add3A_195, %add3A_196 : i32
    "tpu.region"() ({
      %run_scoped3A = tpu.sem_alloc : memref<!tpu.dma_semaphore, #tpu.memory_space<semaphore_mem>>
      %dma_start3A_403 = arith.constant 0 : i32
      %dma_start3A_404 = arith.constant 0 : i32
      %dma_start3A_405 = tpu.memref_slice %arg17[%dma_start3A_403, %dma_start3A_404] : memref<64x128xf32, #tpu.memory_space<vmem>> -> memref<64x128xf32, #tpu.memory_space<vmem>>
      %dma_start3A_406 = arith.constant 0 : i32
      %dma_start3A_407 = tpu.memref_slice %arg6[%add3A_197, %dma_start3A_406] : memref<20224x128xf32, #tpu.memory_space<hbm>> -> memref<64x128xf32, #tpu.memory_space<hbm>>
      %dma_start3A_408 = arith.constant 0 : i32
      %dma_start3A_409 = tpu.memref_slice %arg6[%add3A_197, %dma_start3A_408] : memref<20224x128xf32, #tpu.memory_space<hbm>> -> memref<64x128xf32, #tpu.memory_space<hbm>>
      %dma_start3A_410 = arith.constant 0 : i32
      %dma_start3A_411 = arith.constant 0 : i32
      %dma_start3A_412 = tpu.memref_slice %arg17[%dma_start3A_410, %dma_start3A_411] : memref<64x128xf32, #tpu.memory_space<vmem>> -> memref<64x128xf32, #tpu.memory_space<vmem>>
      tpu.enqueue_dma source(%dma_start3A_412 : memref<64x128xf32, #tpu.memory_space<vmem>>) target(%dma_start3A_409 : memref<64x128xf32, #tpu.memory_space<hbm>>) target_semaphore(%run_scoped3A : memref<!tpu.dma_semaphore, #tpu.memory_space<semaphore_mem>>)
      %dma_wait3A_413 = arith.constant 0 : i32
      %dma_wait3A_414 = arith.constant 0 : i32
      %dma_wait3A_415 = tpu.memref_slice %arg17[%dma_wait3A_413, %dma_wait3A_414] : memref<64x128xf32, #tpu.memory_space<vmem>> -> memref<64x128xf32, #tpu.memory_space<vmem>>
      %dma_wait3A_416 = arith.constant 0 : i32
      %dma_wait3A_417 = tpu.memref_slice %arg6[%add3A_197, %dma_wait3A_416] : memref<20224x128xf32, #tpu.memory_space<hbm>> -> memref<64x128xf32, #tpu.memory_space<hbm>>
      %dma_wait3A_418 = arith.constant 0 : i32
      %dma_wait3A_419 = tpu.memref_slice %arg6[%add3A_197, %dma_wait3A_418] : memref<20224x128xf32, #tpu.memory_space<hbm>> -> memref<64x128xf32, #tpu.memory_space<hbm>>
      %dma_wait3A_420 = arith.constant 0 : i32
      %dma_wait3A_421 = arith.constant 0 : i32
      %dma_wait3A_422 = tpu.memref_slice %arg17[%dma_wait3A_420, %dma_wait3A_421] : memref<64x128xf32, #tpu.memory_space<vmem>> -> memref<64x128xf32, #tpu.memory_space<vmem>>
      tpu.wait_dma2 semaphore(%run_scoped3A : memref<!tpu.dma_semaphore, #tpu.memory_space<semaphore_mem>>) src(%dma_wait3A_422 : memref<64x128xf32, #tpu.memory_space<vmem>>) dst(%dma_wait3A_419 : memref<64x128xf32, #tpu.memory_space<hbm>>)
      tpu.yield
    }) : () -> ()
    %add3A_198 = arith.constant 256 : i32
    %add3A_199 = arith.addi %mul3A_2, %add3A_198 : i32
    "tpu.region"() ({
      %run_scoped3A = tpu.sem_alloc : memref<!tpu.dma_semaphore, #tpu.memory_space<semaphore_mem>>
      %dma_start3A_403 = arith.constant 0 : i32
      %dma_start3A_404 = arith.constant 0 : i32
      %dma_start3A_405 = tpu.memref_slice %arg16[%dma_start3A_403, %dma_start3A_404] : memref<64x128xf32, #tpu.memory_space<vmem>> -> memref<64x128xf32, #tpu.memory_space<vmem>>
      %dma_start3A_406 = arith.constant 0 : i32
      %dma_start3A_407 = tpu.memref_slice %arg20[%add3A_199, %dma_start3A_406] : memref<10112x128xf32, #tpu.memory_space<vmem_shared>> -> memref<64x128xf32, #tpu.memory_space<vmem_shared>>
      %dma_start3A_408 = arith.constant 0 : i32
      %dma_start3A_409 = arith.constant 0 : i32
      %dma_start3A_410 = tpu.memref_slice %arg16[%dma_start3A_408, %dma_start3A_409] : memref<64x128xf32, #tpu.memory_space<vmem>> -> memref<64x128xf32, #tpu.memory_space<vmem>>
      %dma_start3A_411 = arith.constant 0 : i32
      %dma_start3A_412 = tpu.memref_slice %arg20[%add3A_199, %dma_start3A_411] : memref<10112x128xf32, #tpu.memory_space<vmem_shared>> -> memref<64x128xf32, #tpu.memory_space<vmem_shared>>
      tpu.enqueue_dma source(%dma_start3A_412 : memref<64x128xf32, #tpu.memory_space<vmem_shared>>) target(%dma_start3A_410 : memref<64x128xf32, #tpu.memory_space<vmem>>) target_semaphore(%run_scoped3A : memref<!tpu.dma_semaphore, #tpu.memory_space<semaphore_mem>>)
      %dma_wait3A_413 = arith.constant 0 : i32
      %dma_wait3A_414 = arith.constant 0 : i32
      %dma_wait3A_415 = tpu.memref_slice %arg16[%dma_wait3A_413, %dma_wait3A_414] : memref<64x128xf32, #tpu.memory_space<vmem>> -> memref<64x128xf32, #tpu.memory_space<vmem>>
      %dma_wait3A_416 = arith.constant 0 : i32
      %dma_wait3A_417 = tpu.memref_slice %arg20[%add3A_199, %dma_wait3A_416] : memref<10112x128xf32, #tpu.memory_space<vmem_shared>> -> memref<64x128xf32, #tpu.memory_space<vmem_shared>>
      %dma_wait3A_418 = arith.constant 0 : i32
      %dma_wait3A_419 = arith.constant 0 : i32
      %dma_wait3A_420 = tpu.memref_slice %arg16[%dma_wait3A_418, %dma_wait3A_419] : memref<64x128xf32, #tpu.memory_space<vmem>> -> memref<64x128xf32, #tpu.memory_space<vmem>>
      %dma_wait3A_421 = arith.constant 0 : i32
      %dma_wait3A_422 = tpu.memref_slice %arg20[%add3A_199, %dma_wait3A_421] : memref<10112x128xf32, #tpu.memory_space<vmem_shared>> -> memref<64x128xf32, #tpu.memory_space<vmem_shared>>
      tpu.wait_dma2 semaphore(%run_scoped3A : memref<!tpu.dma_semaphore, #tpu.memory_space<semaphore_mem>>) src(%dma_wait3A_422 : memref<64x128xf32, #tpu.memory_space<vmem_shared>>) dst(%dma_wait3A_420 : memref<64x128xf32, #tpu.memory_space<vmem>>)
      tpu.yield
    }) : () -> ()
    %mul3A_200 = arith.constant 10112 : i32
    %mul3A_201 = arith.muli %arg0, %mul3A_200 : i32
    %add3A_202 = arith.addi %mul3A_201, %add3A_199 : i32
    "tpu.region"() ({
      %run_scoped3A = tpu.sem_alloc : memref<!tpu.dma_semaphore, #tpu.memory_space<semaphore_mem>>
      %dma_start3A_403 = arith.constant 0 : i32
      %dma_start3A_404 = arith.constant 0 : i32
      %dma_start3A_405 = tpu.memref_slice %arg16[%dma_start3A_403, %dma_start3A_404] : memref<64x128xf32, #tpu.memory_space<vmem>> -> memref<64x128xf32, #tpu.memory_space<vmem>>
      %dma_start3A_406 = arith.constant 0 : i32
      %dma_start3A_407 = tpu.memref_slice %arg6[%add3A_202, %dma_start3A_406] : memref<20224x128xf32, #tpu.memory_space<hbm>> -> memref<64x128xf32, #tpu.memory_space<hbm>>
      %dma_start3A_408 = arith.constant 0 : i32
      %dma_start3A_409 = tpu.memref_slice %arg6[%add3A_202, %dma_start3A_408] : memref<20224x128xf32, #tpu.memory_space<hbm>> -> memref<64x128xf32, #tpu.memory_space<hbm>>
      %dma_start3A_410 = arith.constant 0 : i32
      %dma_start3A_411 = arith.constant 0 : i32
      %dma_start3A_412 = tpu.memref_slice %arg16[%dma_start3A_410, %dma_start3A_411] : memref<64x128xf32, #tpu.memory_space<vmem>> -> memref<64x128xf32, #tpu.memory_space<vmem>>
      tpu.enqueue_dma source(%dma_start3A_412 : memref<64x128xf32, #tpu.memory_space<vmem>>) target(%dma_start3A_409 : memref<64x128xf32, #tpu.memory_space<hbm>>) target_semaphore(%run_scoped3A : memref<!tpu.dma_semaphore, #tpu.memory_space<semaphore_mem>>)
      %dma_wait3A_413 = arith.constant 0 : i32
      %dma_wait3A_414 = arith.constant 0 : i32
      %dma_wait3A_415 = tpu.memref_slice %arg16[%dma_wait3A_413, %dma_wait3A_414] : memref<64x128xf32, #tpu.memory_space<vmem>> -> memref<64x128xf32, #tpu.memory_space<vmem>>
      %dma_wait3A_416 = arith.constant 0 : i32
      %dma_wait3A_417 = tpu.memref_slice %arg6[%add3A_202, %dma_wait3A_416] : memref<20224x128xf32, #tpu.memory_space<hbm>> -> memref<64x128xf32, #tpu.memory_space<hbm>>
      %dma_wait3A_418 = arith.constant 0 : i32
      %dma_wait3A_419 = tpu.memref_slice %arg6[%add3A_202, %dma_wait3A_418] : memref<20224x128xf32, #tpu.memory_space<hbm>> -> memref<64x128xf32, #tpu.memory_space<hbm>>
      %dma_wait3A_420 = arith.constant 0 : i32
      %dma_wait3A_421 = arith.constant 0 : i32
      %dma_wait3A_422 = tpu.memref_slice %arg16[%dma_wait3A_420, %dma_wait3A_421] : memref<64x128xf32, #tpu.memory_space<vmem>> -> memref<64x128xf32, #tpu.memory_space<vmem>>
      tpu.wait_dma2 semaphore(%run_scoped3A : memref<!tpu.dma_semaphore, #tpu.memory_space<semaphore_mem>>) src(%dma_wait3A_422 : memref<64x128xf32, #tpu.memory_space<vmem>>) dst(%dma_wait3A_419 : memref<64x128xf32, #tpu.memory_space<hbm>>)
      tpu.yield
    }) : () -> ()
    %add3A_203 = arith.constant 64 : i32
    %add3A_204 = arith.addi %add3A_199, %add3A_203 : i32
    "tpu.region"() ({
      %run_scoped3A = tpu.sem_alloc : memref<!tpu.dma_semaphore, #tpu.memory_space<semaphore_mem>>
      %dma_start3A_403 = arith.constant 0 : i32
      %dma_start3A_404 = arith.constant 0 : i32
      %dma_start3A_405 = tpu.memref_slice %arg17[%dma_start3A_403, %dma_start3A_404] : memref<64x128xf32, #tpu.memory_space<vmem>> -> memref<64x128xf32, #tpu.memory_space<vmem>>
      %dma_start3A_406 = arith.constant 0 : i32
      %dma_start3A_407 = tpu.memref_slice %arg20[%add3A_204, %dma_start3A_406] : memref<10112x128xf32, #tpu.memory_space<vmem_shared>> -> memref<64x128xf32, #tpu.memory_space<vmem_shared>>
      %dma_start3A_408 = arith.constant 0 : i32
      %dma_start3A_409 = arith.constant 0 : i32
      %dma_start3A_410 = tpu.memref_slice %arg17[%dma_start3A_408, %dma_start3A_409] : memref<64x128xf32, #tpu.memory_space<vmem>> -> memref<64x128xf32, #tpu.memory_space<vmem>>
      %dma_start3A_411 = arith.constant 0 : i32
      %dma_start3A_412 = tpu.memref_slice %arg20[%add3A_204, %dma_start3A_411] : memref<10112x128xf32, #tpu.memory_space<vmem_shared>> -> memref<64x128xf32, #tpu.memory_space<vmem_shared>>
      tpu.enqueue_dma source(%dma_start3A_412 : memref<64x128xf32, #tpu.memory_space<vmem_shared>>) target(%dma_start3A_410 : memref<64x128xf32, #tpu.memory_space<vmem>>) target_semaphore(%run_scoped3A : memref<!tpu.dma_semaphore, #tpu.memory_space<semaphore_mem>>)
      %dma_wait3A_413 = arith.constant 0 : i32
      %dma_wait3A_414 = arith.constant 0 : i32
      %dma_wait3A_415 = tpu.memref_slice %arg17[%dma_wait3A_413, %dma_wait3A_414] : memref<64x128xf32, #tpu.memory_space<vmem>> -> memref<64x128xf32, #tpu.memory_space<vmem>>
      %dma_wait3A_416 = arith.constant 0 : i32
      %dma_wait3A_417 = tpu.memref_slice %arg20[%add3A_204, %dma_wait3A_416] : memref<10112x128xf32, #tpu.memory_space<vmem_shared>> -> memref<64x128xf32, #tpu.memory_space<vmem_shared>>
      %dma_wait3A_418 = arith.constant 0 : i32
      %dma_wait3A_419 = arith.constant 0 : i32
      %dma_wait3A_420 = tpu.memref_slice %arg17[%dma_wait3A_418, %dma_wait3A_419] : memref<64x128xf32, #tpu.memory_space<vmem>> -> memref<64x128xf32, #tpu.memory_space<vmem>>
      %dma_wait3A_421 = arith.constant 0 : i32
      %dma_wait3A_422 = tpu.memref_slice %arg20[%add3A_204, %dma_wait3A_421] : memref<10112x128xf32, #tpu.memory_space<vmem_shared>> -> memref<64x128xf32, #tpu.memory_space<vmem_shared>>
      tpu.wait_dma2 semaphore(%run_scoped3A : memref<!tpu.dma_semaphore, #tpu.memory_space<semaphore_mem>>) src(%dma_wait3A_422 : memref<64x128xf32, #tpu.memory_space<vmem_shared>>) dst(%dma_wait3A_420 : memref<64x128xf32, #tpu.memory_space<vmem>>)
      tpu.yield
    }) : () -> ()
    %mul3A_205 = arith.constant 10112 : i32
    %mul3A_206 = arith.muli %arg0, %mul3A_205 : i32
    %add3A_207 = arith.addi %mul3A_206, %add3A_199 : i32
    %add3A_208 = arith.constant 64 : i32
    %add3A_209 = arith.addi %add3A_207, %add3A_208 : i32
    "tpu.region"() ({
      %run_scoped3A = tpu.sem_alloc : memref<!tpu.dma_semaphore, #tpu.memory_space<semaphore_mem>>
      %dma_start3A_403 = arith.constant 0 : i32
      %dma_start3A_404 = arith.constant 0 : i32
      %dma_start3A_405 = tpu.memref_slice %arg17[%dma_start3A_403, %dma_start3A_404] : memref<64x128xf32, #tpu.memory_space<vmem>> -> memref<64x128xf32, #tpu.memory_space<vmem>>
      %dma_start3A_406 = arith.constant 0 : i32
      %dma_start3A_407 = tpu.memref_slice %arg6[%add3A_209, %dma_start3A_406] : memref<20224x128xf32, #tpu.memory_space<hbm>> -> memref<64x128xf32, #tpu.memory_space<hbm>>
      %dma_start3A_408 = arith.constant 0 : i32
      %dma_start3A_409 = tpu.memref_slice %arg6[%add3A_209, %dma_start3A_408] : memref<20224x128xf32, #tpu.memory_space<hbm>> -> memref<64x128xf32, #tpu.memory_space<hbm>>
      %dma_start3A_410 = arith.constant 0 : i32
      %dma_start3A_411 = arith.constant 0 : i32
      %dma_start3A_412 = tpu.memref_slice %arg17[%dma_start3A_410, %dma_start3A_411] : memref<64x128xf32, #tpu.memory_space<vmem>> -> memref<64x128xf32, #tpu.memory_space<vmem>>
      tpu.enqueue_dma source(%dma_start3A_412 : memref<64x128xf32, #tpu.memory_space<vmem>>) target(%dma_start3A_409 : memref<64x128xf32, #tpu.memory_space<hbm>>) target_semaphore(%run_scoped3A : memref<!tpu.dma_semaphore, #tpu.memory_space<semaphore_mem>>)
      %dma_wait3A_413 = arith.constant 0 : i32
      %dma_wait3A_414 = arith.constant 0 : i32
      %dma_wait3A_415 = tpu.memref_slice %arg17[%dma_wait3A_413, %dma_wait3A_414] : memref<64x128xf32, #tpu.memory_space<vmem>> -> memref<64x128xf32, #tpu.memory_space<vmem>>
      %dma_wait3A_416 = arith.constant 0 : i32
      %dma_wait3A_417 = tpu.memref_slice %arg6[%add3A_209, %dma_wait3A_416] : memref<20224x128xf32, #tpu.memory_space<hbm>> -> memref<64x128xf32, #tpu.memory_space<hbm>>
      %dma_wait3A_418 = arith.constant 0 : i32
      %dma_wait3A_419 = tpu.memref_slice %arg6[%add3A_209, %dma_wait3A_418] : memref<20224x128xf32, #tpu.memory_space<hbm>> -> memref<64x128xf32, #tpu.memory_space<hbm>>
      %dma_wait3A_420 = arith.constant 0 : i32
      %dma_wait3A_421 = arith.constant 0 : i32
      %dma_wait3A_422 = tpu.memref_slice %arg17[%dma_wait3A_420, %dma_wait3A_421] : memref<64x128xf32, #tpu.memory_space<vmem>> -> memref<64x128xf32, #tpu.memory_space<vmem>>
      tpu.wait_dma2 semaphore(%run_scoped3A : memref<!tpu.dma_semaphore, #tpu.memory_space<semaphore_mem>>) src(%dma_wait3A_422 : memref<64x128xf32, #tpu.memory_space<vmem>>) dst(%dma_wait3A_419 : memref<64x128xf32, #tpu.memory_space<hbm>>)
      tpu.yield
    }) : () -> ()
    %add3A_210 = arith.constant 384 : i32
    %add3A_211 = arith.addi %mul3A_2, %add3A_210 : i32
    "tpu.region"() ({
      %run_scoped3A = tpu.sem_alloc : memref<!tpu.dma_semaphore, #tpu.memory_space<semaphore_mem>>
      %dma_start3A_403 = arith.constant 0 : i32
      %dma_start3A_404 = arith.constant 0 : i32
      %dma_start3A_405 = tpu.memref_slice %arg16[%dma_start3A_403, %dma_start3A_404] : memref<64x128xf32, #tpu.memory_space<vmem>> -> memref<64x128xf32, #tpu.memory_space<vmem>>
      %dma_start3A_406 = arith.constant 0 : i32
      %dma_start3A_407 = tpu.memref_slice %arg20[%add3A_211, %dma_start3A_406] : memref<10112x128xf32, #tpu.memory_space<vmem_shared>> -> memref<64x128xf32, #tpu.memory_space<vmem_shared>>
      %dma_start3A_408 = arith.constant 0 : i32
      %dma_start3A_409 = arith.constant 0 : i32
      %dma_start3A_410 = tpu.memref_slice %arg16[%dma_start3A_408, %dma_start3A_409] : memref<64x128xf32, #tpu.memory_space<vmem>> -> memref<64x128xf32, #tpu.memory_space<vmem>>
      %dma_start3A_411 = arith.constant 0 : i32
      %dma_start3A_412 = tpu.memref_slice %arg20[%add3A_211, %dma_start3A_411] : memref<10112x128xf32, #tpu.memory_space<vmem_shared>> -> memref<64x128xf32, #tpu.memory_space<vmem_shared>>
      tpu.enqueue_dma source(%dma_start3A_412 : memref<64x128xf32, #tpu.memory_space<vmem_shared>>) target(%dma_start3A_410 : memref<64x128xf32, #tpu.memory_space<vmem>>) target_semaphore(%run_scoped3A : memref<!tpu.dma_semaphore, #tpu.memory_space<semaphore_mem>>)
      %dma_wait3A_413 = arith.constant 0 : i32
      %dma_wait3A_414 = arith.constant 0 : i32
      %dma_wait3A_415 = tpu.memref_slice %arg16[%dma_wait3A_413, %dma_wait3A_414] : memref<64x128xf32, #tpu.memory_space<vmem>> -> memref<64x128xf32, #tpu.memory_space<vmem>>
      %dma_wait3A_416 = arith.constant 0 : i32
      %dma_wait3A_417 = tpu.memref_slice %arg20[%add3A_211, %dma_wait3A_416] : memref<10112x128xf32, #tpu.memory_space<vmem_shared>> -> memref<64x128xf32, #tpu.memory_space<vmem_shared>>
      %dma_wait3A_418 = arith.constant 0 : i32
      %dma_wait3A_419 = arith.constant 0 : i32
      %dma_wait3A_420 = tpu.memref_slice %arg16[%dma_wait3A_418, %dma_wait3A_419] : memref<64x128xf32, #tpu.memory_space<vmem>> -> memref<64x128xf32, #tpu.memory_space<vmem>>
      %dma_wait3A_421 = arith.constant 0 : i32
      %dma_wait3A_422 = tpu.memref_slice %arg20[%add3A_211, %dma_wait3A_421] : memref<10112x128xf32, #tpu.memory_space<vmem_shared>> -> memref<64x128xf32, #tpu.memory_space<vmem_shared>>
      tpu.wait_dma2 semaphore(%run_scoped3A : memref<!tpu.dma_semaphore, #tpu.memory_space<semaphore_mem>>) src(%dma_wait3A_422 : memref<64x128xf32, #tpu.memory_space<vmem_shared>>) dst(%dma_wait3A_420 : memref<64x128xf32, #tpu.memory_space<vmem>>)
      tpu.yield
    }) : () -> ()
    %mul3A_212 = arith.constant 10112 : i32
    %mul3A_213 = arith.muli %arg0, %mul3A_212 : i32
    %add3A_214 = arith.addi %mul3A_213, %add3A_211 : i32
    "tpu.region"() ({
      %run_scoped3A = tpu.sem_alloc : memref<!tpu.dma_semaphore, #tpu.memory_space<semaphore_mem>>
      %dma_start3A_403 = arith.constant 0 : i32
      %dma_start3A_404 = arith.constant 0 : i32
      %dma_start3A_405 = tpu.memref_slice %arg16[%dma_start3A_403, %dma_start3A_404] : memref<64x128xf32, #tpu.memory_space<vmem>> -> memref<64x128xf32, #tpu.memory_space<vmem>>
      %dma_start3A_406 = arith.constant 0 : i32
      %dma_start3A_407 = tpu.memref_slice %arg6[%add3A_214, %dma_start3A_406] : memref<20224x128xf32, #tpu.memory_space<hbm>> -> memref<64x128xf32, #tpu.memory_space<hbm>>
      %dma_start3A_408 = arith.constant 0 : i32
      %dma_start3A_409 = tpu.memref_slice %arg6[%add3A_214, %dma_start3A_408] : memref<20224x128xf32, #tpu.memory_space<hbm>> -> memref<64x128xf32, #tpu.memory_space<hbm>>
      %dma_start3A_410 = arith.constant 0 : i32
      %dma_start3A_411 = arith.constant 0 : i32
      %dma_start3A_412 = tpu.memref_slice %arg16[%dma_start3A_410, %dma_start3A_411] : memref<64x128xf32, #tpu.memory_space<vmem>> -> memref<64x128xf32, #tpu.memory_space<vmem>>
      tpu.enqueue_dma source(%dma_start3A_412 : memref<64x128xf32, #tpu.memory_space<vmem>>) target(%dma_start3A_409 : memref<64x128xf32, #tpu.memory_space<hbm>>) target_semaphore(%run_scoped3A : memref<!tpu.dma_semaphore, #tpu.memory_space<semaphore_mem>>)
      %dma_wait3A_413 = arith.constant 0 : i32
      %dma_wait3A_414 = arith.constant 0 : i32
      %dma_wait3A_415 = tpu.memref_slice %arg16[%dma_wait3A_413, %dma_wait3A_414] : memref<64x128xf32, #tpu.memory_space<vmem>> -> memref<64x128xf32, #tpu.memory_space<vmem>>
      %dma_wait3A_416 = arith.constant 0 : i32
      %dma_wait3A_417 = tpu.memref_slice %arg6[%add3A_214, %dma_wait3A_416] : memref<20224x128xf32, #tpu.memory_space<hbm>> -> memref<64x128xf32, #tpu.memory_space<hbm>>
      %dma_wait3A_418 = arith.constant 0 : i32
      %dma_wait3A_419 = tpu.memref_slice %arg6[%add3A_214, %dma_wait3A_418] : memref<20224x128xf32, #tpu.memory_space<hbm>> -> memref<64x128xf32, #tpu.memory_space<hbm>>
      %dma_wait3A_420 = arith.constant 0 : i32
      %dma_wait3A_421 = arith.constant 0 : i32
      %dma_wait3A_422 = tpu.memref_slice %arg16[%dma_wait3A_420, %dma_wait3A_421] : memref<64x128xf32, #tpu.memory_space<vmem>> -> memref<64x128xf32, #tpu.memory_space<vmem>>
      tpu.wait_dma2 semaphore(%run_scoped3A : memref<!tpu.dma_semaphore, #tpu.memory_space<semaphore_mem>>) src(%dma_wait3A_422 : memref<64x128xf32, #tpu.memory_space<vmem>>) dst(%dma_wait3A_419 : memref<64x128xf32, #tpu.memory_space<hbm>>)
      tpu.yield
    }) : () -> ()
    %add3A_215 = arith.constant 64 : i32
    %add3A_216 = arith.addi %add3A_211, %add3A_215 : i32
    "tpu.region"() ({
      %run_scoped3A = tpu.sem_alloc : memref<!tpu.dma_semaphore, #tpu.memory_space<semaphore_mem>>
      %dma_start3A_403 = arith.constant 0 : i32
      %dma_start3A_404 = arith.constant 0 : i32
      %dma_start3A_405 = tpu.memref_slice %arg17[%dma_start3A_403, %dma_start3A_404] : memref<64x128xf32, #tpu.memory_space<vmem>> -> memref<64x128xf32, #tpu.memory_space<vmem>>
      %dma_start3A_406 = arith.constant 0 : i32
      %dma_start3A_407 = tpu.memref_slice %arg20[%add3A_216, %dma_start3A_406] : memref<10112x128xf32, #tpu.memory_space<vmem_shared>> -> memref<64x128xf32, #tpu.memory_space<vmem_shared>>
      %dma_start3A_408 = arith.constant 0 : i32
      %dma_start3A_409 = arith.constant 0 : i32
      %dma_start3A_410 = tpu.memref_slice %arg17[%dma_start3A_408, %dma_start3A_409] : memref<64x128xf32, #tpu.memory_space<vmem>> -> memref<64x128xf32, #tpu.memory_space<vmem>>
      %dma_start3A_411 = arith.constant 0 : i32
      %dma_start3A_412 = tpu.memref_slice %arg20[%add3A_216, %dma_start3A_411] : memref<10112x128xf32, #tpu.memory_space<vmem_shared>> -> memref<64x128xf32, #tpu.memory_space<vmem_shared>>
      tpu.enqueue_dma source(%dma_start3A_412 : memref<64x128xf32, #tpu.memory_space<vmem_shared>>) target(%dma_start3A_410 : memref<64x128xf32, #tpu.memory_space<vmem>>) target_semaphore(%run_scoped3A : memref<!tpu.dma_semaphore, #tpu.memory_space<semaphore_mem>>)
      %dma_wait3A_413 = arith.constant 0 : i32
      %dma_wait3A_414 = arith.constant 0 : i32
      %dma_wait3A_415 = tpu.memref_slice %arg17[%dma_wait3A_413, %dma_wait3A_414] : memref<64x128xf32, #tpu.memory_space<vmem>> -> memref<64x128xf32, #tpu.memory_space<vmem>>
      %dma_wait3A_416 = arith.constant 0 : i32
      %dma_wait3A_417 = tpu.memref_slice %arg20[%add3A_216, %dma_wait3A_416] : memref<10112x128xf32, #tpu.memory_space<vmem_shared>> -> memref<64x128xf32, #tpu.memory_space<vmem_shared>>
      %dma_wait3A_418 = arith.constant 0 : i32
      %dma_wait3A_419 = arith.constant 0 : i32
      %dma_wait3A_420 = tpu.memref_slice %arg17[%dma_wait3A_418, %dma_wait3A_419] : memref<64x128xf32, #tpu.memory_space<vmem>> -> memref<64x128xf32, #tpu.memory_space<vmem>>
      %dma_wait3A_421 = arith.constant 0 : i32
      %dma_wait3A_422 = tpu.memref_slice %arg20[%add3A_216, %dma_wait3A_421] : memref<10112x128xf32, #tpu.memory_space<vmem_shared>> -> memref<64x128xf32, #tpu.memory_space<vmem_shared>>
      tpu.wait_dma2 semaphore(%run_scoped3A : memref<!tpu.dma_semaphore, #tpu.memory_space<semaphore_mem>>) src(%dma_wait3A_422 : memref<64x128xf32, #tpu.memory_space<vmem_shared>>) dst(%dma_wait3A_420 : memref<64x128xf32, #tpu.memory_space<vmem>>)
      tpu.yield
    }) : () -> ()
    %mul3A_217 = arith.constant 10112 : i32
    %mul3A_218 = arith.muli %arg0, %mul3A_217 : i32
    %add3A_219 = arith.addi %mul3A_218, %add3A_211 : i32
    %add3A_220 = arith.constant 64 : i32
    %add3A_221 = arith.addi %add3A_219, %add3A_220 : i32
    "tpu.region"() ({
      %run_scoped3A = tpu.sem_alloc : memref<!tpu.dma_semaphore, #tpu.memory_space<semaphore_mem>>
      %dma_start3A_403 = arith.constant 0 : i32
      %dma_start3A_404 = arith.constant 0 : i32
      %dma_start3A_405 = tpu.memref_slice %arg17[%dma_start3A_403, %dma_start3A_404] : memref<64x128xf32, #tpu.memory_space<vmem>> -> memref<64x128xf32, #tpu.memory_space<vmem>>
      %dma_start3A_406 = arith.constant 0 : i32
      %dma_start3A_407 = tpu.memref_slice %arg6[%add3A_221, %dma_start3A_406] : memref<20224x128xf32, #tpu.memory_space<hbm>> -> memref<64x128xf32, #tpu.memory_space<hbm>>
      %dma_start3A_408 = arith.constant 0 : i32
      %dma_start3A_409 = tpu.memref_slice %arg6[%add3A_221, %dma_start3A_408] : memref<20224x128xf32, #tpu.memory_space<hbm>> -> memref<64x128xf32, #tpu.memory_space<hbm>>
      %dma_start3A_410 = arith.constant 0 : i32
      %dma_start3A_411 = arith.constant 0 : i32
      %dma_start3A_412 = tpu.memref_slice %arg17[%dma_start3A_410, %dma_start3A_411] : memref<64x128xf32, #tpu.memory_space<vmem>> -> memref<64x128xf32, #tpu.memory_space<vmem>>
      tpu.enqueue_dma source(%dma_start3A_412 : memref<64x128xf32, #tpu.memory_space<vmem>>) target(%dma_start3A_409 : memref<64x128xf32, #tpu.memory_space<hbm>>) target_semaphore(%run_scoped3A : memref<!tpu.dma_semaphore, #tpu.memory_space<semaphore_mem>>)
      %dma_wait3A_413 = arith.constant 0 : i32
      %dma_wait3A_414 = arith.constant 0 : i32
      %dma_wait3A_415 = tpu.memref_slice %arg17[%dma_wait3A_413, %dma_wait3A_414] : memref<64x128xf32, #tpu.memory_space<vmem>> -> memref<64x128xf32, #tpu.memory_space<vmem>>
      %dma_wait3A_416 = arith.constant 0 : i32
      %dma_wait3A_417 = tpu.memref_slice %arg6[%add3A_221, %dma_wait3A_416] : memref<20224x128xf32, #tpu.memory_space<hbm>> -> memref<64x128xf32, #tpu.memory_space<hbm>>
      %dma_wait3A_418 = arith.constant 0 : i32
      %dma_wait3A_419 = tpu.memref_slice %arg6[%add3A_221, %dma_wait3A_418] : memref<20224x128xf32, #tpu.memory_space<hbm>> -> memref<64x128xf32, #tpu.memory_space<hbm>>
      %dma_wait3A_420 = arith.constant 0 : i32
      %dma_wait3A_421 = arith.constant 0 : i32
      %dma_wait3A_422 = tpu.memref_slice %arg17[%dma_wait3A_420, %dma_wait3A_421] : memref<64x128xf32, #tpu.memory_space<vmem>> -> memref<64x128xf32, #tpu.memory_space<vmem>>
      tpu.wait_dma2 semaphore(%run_scoped3A : memref<!tpu.dma_semaphore, #tpu.memory_space<semaphore_mem>>) src(%dma_wait3A_422 : memref<64x128xf32, #tpu.memory_space<vmem>>) dst(%dma_wait3A_419 : memref<64x128xf32, #tpu.memory_space<hbm>>)
      tpu.yield
    }) : () -> ()
    %add3A_222 = arith.constant 512 : i32
    %add3A_223 = arith.addi %mul3A_2, %add3A_222 : i32
    "tpu.region"() ({
      %run_scoped3A = tpu.sem_alloc : memref<!tpu.dma_semaphore, #tpu.memory_space<semaphore_mem>>
      %dma_start3A_403 = arith.constant 0 : i32
      %dma_start3A_404 = arith.constant 0 : i32
      %dma_start3A_405 = tpu.memref_slice %arg16[%dma_start3A_403, %dma_start3A_404] : memref<64x128xf32, #tpu.memory_space<vmem>> -> memref<64x128xf32, #tpu.memory_space<vmem>>
      %dma_start3A_406 = arith.constant 0 : i32
      %dma_start3A_407 = tpu.memref_slice %arg20[%add3A_223, %dma_start3A_406] : memref<10112x128xf32, #tpu.memory_space<vmem_shared>> -> memref<64x128xf32, #tpu.memory_space<vmem_shared>>
      %dma_start3A_408 = arith.constant 0 : i32
      %dma_start3A_409 = arith.constant 0 : i32
      %dma_start3A_410 = tpu.memref_slice %arg16[%dma_start3A_408, %dma_start3A_409] : memref<64x128xf32, #tpu.memory_space<vmem>> -> memref<64x128xf32, #tpu.memory_space<vmem>>
      %dma_start3A_411 = arith.constant 0 : i32
      %dma_start3A_412 = tpu.memref_slice %arg20[%add3A_223, %dma_start3A_411] : memref<10112x128xf32, #tpu.memory_space<vmem_shared>> -> memref<64x128xf32, #tpu.memory_space<vmem_shared>>
      tpu.enqueue_dma source(%dma_start3A_412 : memref<64x128xf32, #tpu.memory_space<vmem_shared>>) target(%dma_start3A_410 : memref<64x128xf32, #tpu.memory_space<vmem>>) target_semaphore(%run_scoped3A : memref<!tpu.dma_semaphore, #tpu.memory_space<semaphore_mem>>)
      %dma_wait3A_413 = arith.constant 0 : i32
      %dma_wait3A_414 = arith.constant 0 : i32
      %dma_wait3A_415 = tpu.memref_slice %arg16[%dma_wait3A_413, %dma_wait3A_414] : memref<64x128xf32, #tpu.memory_space<vmem>> -> memref<64x128xf32, #tpu.memory_space<vmem>>
      %dma_wait3A_416 = arith.constant 0 : i32
      %dma_wait3A_417 = tpu.memref_slice %arg20[%add3A_223, %dma_wait3A_416] : memref<10112x128xf32, #tpu.memory_space<vmem_shared>> -> memref<64x128xf32, #tpu.memory_space<vmem_shared>>
      %dma_wait3A_418 = arith.constant 0 : i32
      %dma_wait3A_419 = arith.constant 0 : i32
      %dma_wait3A_420 = tpu.memref_slice %arg16[%dma_wait3A_418, %dma_wait3A_419] : memref<64x128xf32, #tpu.memory_space<vmem>> -> memref<64x128xf32, #tpu.memory_space<vmem>>
      %dma_wait3A_421 = arith.constant 0 : i32
      %dma_wait3A_422 = tpu.memref_slice %arg20[%add3A_223, %dma_wait3A_421] : memref<10112x128xf32, #tpu.memory_space<vmem_shared>> -> memref<64x128xf32, #tpu.memory_space<vmem_shared>>
      tpu.wait_dma2 semaphore(%run_scoped3A : memref<!tpu.dma_semaphore, #tpu.memory_space<semaphore_mem>>) src(%dma_wait3A_422 : memref<64x128xf32, #tpu.memory_space<vmem_shared>>) dst(%dma_wait3A_420 : memref<64x128xf32, #tpu.memory_space<vmem>>)
      tpu.yield
    }) : () -> ()
    %mul3A_224 = arith.constant 10112 : i32
    %mul3A_225 = arith.muli %arg0, %mul3A_224 : i32
    %add3A_226 = arith.addi %mul3A_225, %add3A_223 : i32
    "tpu.region"() ({
      %run_scoped3A = tpu.sem_alloc : memref<!tpu.dma_semaphore, #tpu.memory_space<semaphore_mem>>
      %dma_start3A_403 = arith.constant 0 : i32
      %dma_start3A_404 = arith.constant 0 : i32
      %dma_start3A_405 = tpu.memref_slice %arg16[%dma_start3A_403, %dma_start3A_404] : memref<64x128xf32, #tpu.memory_space<vmem>> -> memref<64x128xf32, #tpu.memory_space<vmem>>
      %dma_start3A_406 = arith.constant 0 : i32
      %dma_start3A_407 = tpu.memref_slice %arg6[%add3A_226, %dma_start3A_406] : memref<20224x128xf32, #tpu.memory_space<hbm>> -> memref<64x128xf32, #tpu.memory_space<hbm>>
      %dma_start3A_408 = arith.constant 0 : i32
      %dma_start3A_409 = tpu.memref_slice %arg6[%add3A_226, %dma_start3A_408] : memref<20224x128xf32, #tpu.memory_space<hbm>> -> memref<64x128xf32, #tpu.memory_space<hbm>>
      %dma_start3A_410 = arith.constant 0 : i32
      %dma_start3A_411 = arith.constant 0 : i32
      %dma_start3A_412 = tpu.memref_slice %arg16[%dma_start3A_410, %dma_start3A_411] : memref<64x128xf32, #tpu.memory_space<vmem>> -> memref<64x128xf32, #tpu.memory_space<vmem>>
      tpu.enqueue_dma source(%dma_start3A_412 : memref<64x128xf32, #tpu.memory_space<vmem>>) target(%dma_start3A_409 : memref<64x128xf32, #tpu.memory_space<hbm>>) target_semaphore(%run_scoped3A : memref<!tpu.dma_semaphore, #tpu.memory_space<semaphore_mem>>)
      %dma_wait3A_413 = arith.constant 0 : i32
      %dma_wait3A_414 = arith.constant 0 : i32
      %dma_wait3A_415 = tpu.memref_slice %arg16[%dma_wait3A_413, %dma_wait3A_414] : memref<64x128xf32, #tpu.memory_space<vmem>> -> memref<64x128xf32, #tpu.memory_space<vmem>>
      %dma_wait3A_416 = arith.constant 0 : i32
      %dma_wait3A_417 = tpu.memref_slice %arg6[%add3A_226, %dma_wait3A_416] : memref<20224x128xf32, #tpu.memory_space<hbm>> -> memref<64x128xf32, #tpu.memory_space<hbm>>
      %dma_wait3A_418 = arith.constant 0 : i32
      %dma_wait3A_419 = tpu.memref_slice %arg6[%add3A_226, %dma_wait3A_418] : memref<20224x128xf32, #tpu.memory_space<hbm>> -> memref<64x128xf32, #tpu.memory_space<hbm>>
      %dma_wait3A_420 = arith.constant 0 : i32
      %dma_wait3A_421 = arith.constant 0 : i32
      %dma_wait3A_422 = tpu.memref_slice %arg16[%dma_wait3A_420, %dma_wait3A_421] : memref<64x128xf32, #tpu.memory_space<vmem>> -> memref<64x128xf32, #tpu.memory_space<vmem>>
      tpu.wait_dma2 semaphore(%run_scoped3A : memref<!tpu.dma_semaphore, #tpu.memory_space<semaphore_mem>>) src(%dma_wait3A_422 : memref<64x128xf32, #tpu.memory_space<vmem>>) dst(%dma_wait3A_419 : memref<64x128xf32, #tpu.memory_space<hbm>>)
      tpu.yield
    }) : () -> ()
    %add3A_227 = arith.constant 64 : i32
    %add3A_228 = arith.addi %add3A_223, %add3A_227 : i32
    "tpu.region"() ({
      %run_scoped3A = tpu.sem_alloc : memref<!tpu.dma_semaphore, #tpu.memory_space<semaphore_mem>>
      %dma_start3A_403 = arith.constant 0 : i32
      %dma_start3A_404 = arith.constant 0 : i32
      %dma_start3A_405 = tpu.memref_slice %arg17[%dma_start3A_403, %dma_start3A_404] : memref<64x128xf32, #tpu.memory_space<vmem>> -> memref<56x128xf32, #tpu.memory_space<vmem>>
      %dma_start3A_406 = arith.constant 0 : i32
      %dma_start3A_407 = tpu.memref_slice %arg20[%add3A_228, %dma_start3A_406] : memref<10112x128xf32, #tpu.memory_space<vmem_shared>> -> memref<56x128xf32, #tpu.memory_space<vmem_shared>>
      %dma_start3A_408 = arith.constant 0 : i32
      %dma_start3A_409 = arith.constant 0 : i32
      %dma_start3A_410 = tpu.memref_slice %arg17[%dma_start3A_408, %dma_start3A_409] : memref<64x128xf32, #tpu.memory_space<vmem>> -> memref<56x128xf32, #tpu.memory_space<vmem>>
      %dma_start3A_411 = arith.constant 0 : i32
      %dma_start3A_412 = tpu.memref_slice %arg20[%add3A_228, %dma_start3A_411] : memref<10112x128xf32, #tpu.memory_space<vmem_shared>> -> memref<56x128xf32, #tpu.memory_space<vmem_shared>>
      tpu.enqueue_dma source(%dma_start3A_412 : memref<56x128xf32, #tpu.memory_space<vmem_shared>>) target(%dma_start3A_410 : memref<56x128xf32, #tpu.memory_space<vmem>>) target_semaphore(%run_scoped3A : memref<!tpu.dma_semaphore, #tpu.memory_space<semaphore_mem>>)
      %dma_wait3A_413 = arith.constant 0 : i32
      %dma_wait3A_414 = arith.constant 0 : i32
      %dma_wait3A_415 = tpu.memref_slice %arg17[%dma_wait3A_413, %dma_wait3A_414] : memref<64x128xf32, #tpu.memory_space<vmem>> -> memref<56x128xf32, #tpu.memory_space<vmem>>
      %dma_wait3A_416 = arith.constant 0 : i32
      %dma_wait3A_417 = tpu.memref_slice %arg20[%add3A_228, %dma_wait3A_416] : memref<10112x128xf32, #tpu.memory_space<vmem_shared>> -> memref<56x128xf32, #tpu.memory_space<vmem_shared>>
      %dma_wait3A_418 = arith.constant 0 : i32
      %dma_wait3A_419 = arith.constant 0 : i32
      %dma_wait3A_420 = tpu.memref_slice %arg17[%dma_wait3A_418, %dma_wait3A_419] : memref<64x128xf32, #tpu.memory_space<vmem>> -> memref<56x128xf32, #tpu.memory_space<vmem>>
      %dma_wait3A_421 = arith.constant 0 : i32
      %dma_wait3A_422 = tpu.memref_slice %arg20[%add3A_228, %dma_wait3A_421] : memref<10112x128xf32, #tpu.memory_space<vmem_shared>> -> memref<56x128xf32, #tpu.memory_space<vmem_shared>>
      tpu.wait_dma2 semaphore(%run_scoped3A : memref<!tpu.dma_semaphore, #tpu.memory_space<semaphore_mem>>) src(%dma_wait3A_422 : memref<56x128xf32, #tpu.memory_space<vmem_shared>>) dst(%dma_wait3A_420 : memref<56x128xf32, #tpu.memory_space<vmem>>)
      tpu.yield
    }) : () -> ()
    %mul3A_229 = arith.constant 10112 : i32
    %mul3A_230 = arith.muli %arg0, %mul3A_229 : i32
    %add3A_231 = arith.addi %mul3A_230, %add3A_223 : i32
    %add3A_232 = arith.constant 64 : i32
    %add3A_233 = arith.addi %add3A_231, %add3A_232 : i32
    "tpu.region"() ({
      %run_scoped3A = tpu.sem_alloc : memref<!tpu.dma_semaphore, #tpu.memory_space<semaphore_mem>>
      %dma_start3A_403 = arith.constant 0 : i32
      %dma_start3A_404 = arith.constant 0 : i32
      %dma_start3A_405 = tpu.memref_slice %arg17[%dma_start3A_403, %dma_start3A_404] : memref<64x128xf32, #tpu.memory_space<vmem>> -> memref<56x128xf32, #tpu.memory_space<vmem>>
      %dma_start3A_406 = arith.constant 0 : i32
      %dma_start3A_407 = tpu.memref_slice %arg6[%add3A_233, %dma_start3A_406] : memref<20224x128xf32, #tpu.memory_space<hbm>> -> memref<56x128xf32, #tpu.memory_space<hbm>>
      %dma_start3A_408 = arith.constant 0 : i32
      %dma_start3A_409 = tpu.memref_slice %arg6[%add3A_233, %dma_start3A_408] : memref<20224x128xf32, #tpu.memory_space<hbm>> -> memref<56x128xf32, #tpu.memory_space<hbm>>
      %dma_start3A_410 = arith.constant 0 : i32
      %dma_start3A_411 = arith.constant 0 : i32
      %dma_start3A_412 = tpu.memref_slice %arg17[%dma_start3A_410, %dma_start3A_411] : memref<64x128xf32, #tpu.memory_space<vmem>> -> memref<56x128xf32, #tpu.memory_space<vmem>>
      tpu.enqueue_dma source(%dma_start3A_412 : memref<56x128xf32, #tpu.memory_space<vmem>>) target(%dma_start3A_409 : memref<56x128xf32, #tpu.memory_space<hbm>>) target_semaphore(%run_scoped3A : memref<!tpu.dma_semaphore, #tpu.memory_space<semaphore_mem>>)
      %dma_wait3A_413 = arith.constant 0 : i32
      %dma_wait3A_414 = arith.constant 0 : i32
      %dma_wait3A_415 = tpu.memref_slice %arg17[%dma_wait3A_413, %dma_wait3A_414] : memref<64x128xf32, #tpu.memory_space<vmem>> -> memref<56x128xf32, #tpu.memory_space<vmem>>
      %dma_wait3A_416 = arith.constant 0 : i32
      %dma_wait3A_417 = tpu.memref_slice %arg6[%add3A_233, %dma_wait3A_416] : memref<20224x128xf32, #tpu.memory_space<hbm>> -> memref<56x128xf32, #tpu.memory_space<hbm>>
      %dma_wait3A_418 = arith.constant 0 : i32
      %dma_wait3A_419 = tpu.memref_slice %arg6[%add3A_233, %dma_wait3A_418] : memref<20224x128xf32, #tpu.memory_space<hbm>> -> memref<56x128xf32, #tpu.memory_space<hbm>>
      %dma_wait3A_420 = arith.constant 0 : i32
      %dma_wait3A_421 = arith.constant 0 : i32
      %dma_wait3A_422 = tpu.memref_slice %arg17[%dma_wait3A_420, %dma_wait3A_421] : memref<64x128xf32, #tpu.memory_space<vmem>> -> memref<56x128xf32, #tpu.memory_space<vmem>>
      tpu.wait_dma2 semaphore(%run_scoped3A : memref<!tpu.dma_semaphore, #tpu.memory_space<semaphore_mem>>) src(%dma_wait3A_422 : memref<56x128xf32, #tpu.memory_space<vmem>>) dst(%dma_wait3A_419 : memref<56x128xf32, #tpu.memory_space<hbm>>)
      tpu.yield
    }) : () -> ()
    "tpu.region"() ({
      %run_scoped3A = tpu.sem_alloc : memref<!tpu.dma_semaphore, #tpu.memory_space<semaphore_mem>>
      %dma_start3A_403 = arith.constant 0 : i32
      %dma_start3A_404 = arith.constant 0 : i32
      %dma_start3A_405 = tpu.memref_slice %arg4[%dma_start3A_403, %dma_start3A_404] : memref<128x128xf32, #tpu.memory_space<hbm>> -> memref<64x128xf32, #tpu.memory_space<hbm>>
      %dma_start3A_406 = arith.constant 0 : i32
      %dma_start3A_407 = arith.constant 0 : i32
      %dma_start3A_408 = tpu.memref_slice %arg4[%dma_start3A_406, %dma_start3A_407] : memref<128x128xf32, #tpu.memory_space<hbm>> -> memref<64x128xf32, #tpu.memory_space<hbm>>
      tpu.enqueue_dma source(%dma_start3A_408 : memref<64x128xf32, #tpu.memory_space<hbm>>) target(%arg16 : memref<64x128xf32, #tpu.memory_space<vmem>>) target_semaphore(%run_scoped3A : memref<!tpu.dma_semaphore, #tpu.memory_space<semaphore_mem>>)
      %dma_wait3A_409 = arith.constant 0 : i32
      %dma_wait3A_410 = arith.constant 0 : i32
      %dma_wait3A_411 = tpu.memref_slice %arg4[%dma_wait3A_409, %dma_wait3A_410] : memref<128x128xf32, #tpu.memory_space<hbm>> -> memref<64x128xf32, #tpu.memory_space<hbm>>
      %dma_wait3A_412 = arith.constant 0 : i32
      %dma_wait3A_413 = arith.constant 0 : i32
      %dma_wait3A_414 = tpu.memref_slice %arg4[%dma_wait3A_412, %dma_wait3A_413] : memref<128x128xf32, #tpu.memory_space<hbm>> -> memref<64x128xf32, #tpu.memory_space<hbm>>
      tpu.wait_dma2 semaphore(%run_scoped3A : memref<!tpu.dma_semaphore, #tpu.memory_space<semaphore_mem>>) src(%dma_wait3A_414 : memref<64x128xf32, #tpu.memory_space<hbm>>) dst(%arg16 : memref<64x128xf32, #tpu.memory_space<vmem>>)
      tpu.yield
    }) : () -> ()
    "tpu.region"() ({
      %run_scoped3A = tpu.sem_alloc : memref<!tpu.dma_semaphore, #tpu.memory_space<semaphore_mem>>
      %dma_start3A_403 = arith.constant 64 : i32
      %dma_start3A_404 = arith.constant 0 : i32
      %dma_start3A_405 = tpu.memref_slice %arg4[%dma_start3A_403, %dma_start3A_404] : memref<128x128xf32, #tpu.memory_space<hbm>> -> memref<64x128xf32, #tpu.memory_space<hbm>>
      %dma_start3A_406 = arith.constant 64 : i32
      %dma_start3A_407 = arith.constant 0 : i32
      %dma_start3A_408 = tpu.memref_slice %arg4[%dma_start3A_406, %dma_start3A_407] : memref<128x128xf32, #tpu.memory_space<hbm>> -> memref<64x128xf32, #tpu.memory_space<hbm>>
      tpu.enqueue_dma source(%dma_start3A_408 : memref<64x128xf32, #tpu.memory_space<hbm>>) target(%arg17 : memref<64x128xf32, #tpu.memory_space<vmem>>) target_semaphore(%run_scoped3A : memref<!tpu.dma_semaphore, #tpu.memory_space<semaphore_mem>>)
      %dma_wait3A_409 = arith.constant 64 : i32
      %dma_wait3A_410 = arith.constant 0 : i32
      %dma_wait3A_411 = tpu.memref_slice %arg4[%dma_wait3A_409, %dma_wait3A_410] : memref<128x128xf32, #tpu.memory_space<hbm>> -> memref<64x128xf32, #tpu.memory_space<hbm>>
      %dma_wait3A_412 = arith.constant 64 : i32
      %dma_wait3A_413 = arith.constant 0 : i32
      %dma_wait3A_414 = tpu.memref_slice %arg4[%dma_wait3A_412, %dma_wait3A_413] : memref<128x128xf32, #tpu.memory_space<hbm>> -> memref<64x128xf32, #tpu.memory_space<hbm>>
      tpu.wait_dma2 semaphore(%run_scoped3A : memref<!tpu.dma_semaphore, #tpu.memory_space<semaphore_mem>>) src(%dma_wait3A_414 : memref<64x128xf32, #tpu.memory_space<hbm>>) dst(%arg17 : memref<64x128xf32, #tpu.memory_space<vmem>>)
      tpu.yield
    }) : () -> ()
    %add3A_234 = arith.constant 0 : i32
    %add3A_235 = arith.addi %mul3A_2, %add3A_234 : i32
    "tpu.region"() ({
      %run_scoped3A = tpu.sem_alloc : memref<!tpu.dma_semaphore, #tpu.memory_space<semaphore_mem>>
      %dma_start3A_403 = arith.constant 0 : i32
      %dma_start3A_404 = arith.constant 0 : i32
      %dma_start3A_405 = tpu.memref_slice %arg16[%dma_start3A_403, %dma_start3A_404] : memref<64x128xf32, #tpu.memory_space<vmem>> -> memref<64x128xf32, #tpu.memory_space<vmem>>
      %dma_start3A_406 = arith.constant 0 : i32
      %dma_start3A_407 = tpu.memref_slice %arg20[%add3A_235, %dma_start3A_406] : memref<10112x128xf32, #tpu.memory_space<vmem_shared>> -> memref<64x128xf32, #tpu.memory_space<vmem_shared>>
      %dma_start3A_408 = arith.constant 0 : i32
      %dma_start3A_409 = tpu.memref_slice %arg20[%add3A_235, %dma_start3A_408] : memref<10112x128xf32, #tpu.memory_space<vmem_shared>> -> memref<64x128xf32, #tpu.memory_space<vmem_shared>>
      %dma_start3A_410 = arith.constant 0 : i32
      %dma_start3A_411 = arith.constant 0 : i32
      %dma_start3A_412 = tpu.memref_slice %arg16[%dma_start3A_410, %dma_start3A_411] : memref<64x128xf32, #tpu.memory_space<vmem>> -> memref<64x128xf32, #tpu.memory_space<vmem>>
      tpu.enqueue_dma source(%dma_start3A_412 : memref<64x128xf32, #tpu.memory_space<vmem>>) target(%dma_start3A_409 : memref<64x128xf32, #tpu.memory_space<vmem_shared>>) target_semaphore(%run_scoped3A : memref<!tpu.dma_semaphore, #tpu.memory_space<semaphore_mem>>)
      %dma_wait3A_413 = arith.constant 0 : i32
      %dma_wait3A_414 = arith.constant 0 : i32
      %dma_wait3A_415 = tpu.memref_slice %arg16[%dma_wait3A_413, %dma_wait3A_414] : memref<64x128xf32, #tpu.memory_space<vmem>> -> memref<64x128xf32, #tpu.memory_space<vmem>>
      %dma_wait3A_416 = arith.constant 0 : i32
      %dma_wait3A_417 = tpu.memref_slice %arg20[%add3A_235, %dma_wait3A_416] : memref<10112x128xf32, #tpu.memory_space<vmem_shared>> -> memref<64x128xf32, #tpu.memory_space<vmem_shared>>
      %dma_wait3A_418 = arith.constant 0 : i32
      %dma_wait3A_419 = tpu.memref_slice %arg20[%add3A_235, %dma_wait3A_418] : memref<10112x128xf32, #tpu.memory_space<vmem_shared>> -> memref<64x128xf32, #tpu.memory_space<vmem_shared>>
      %dma_wait3A_420 = arith.constant 0 : i32
      %dma_wait3A_421 = arith.constant 0 : i32
      %dma_wait3A_422 = tpu.memref_slice %arg16[%dma_wait3A_420, %dma_wait3A_421] : memref<64x128xf32, #tpu.memory_space<vmem>> -> memref<64x128xf32, #tpu.memory_space<vmem>>
      tpu.wait_dma2 semaphore(%run_scoped3A : memref<!tpu.dma_semaphore, #tpu.memory_space<semaphore_mem>>) src(%dma_wait3A_422 : memref<64x128xf32, #tpu.memory_space<vmem>>) dst(%dma_wait3A_419 : memref<64x128xf32, #tpu.memory_space<vmem_shared>>)
      tpu.yield
    }) : () -> ()
    %add3A_236 = arith.constant 64 : i32
    %add3A_237 = arith.addi %add3A_235, %add3A_236 : i32
    "tpu.region"() ({
      %run_scoped3A = tpu.sem_alloc : memref<!tpu.dma_semaphore, #tpu.memory_space<semaphore_mem>>
      %dma_start3A_403 = arith.constant 0 : i32
      %dma_start3A_404 = arith.constant 0 : i32
      %dma_start3A_405 = tpu.memref_slice %arg17[%dma_start3A_403, %dma_start3A_404] : memref<64x128xf32, #tpu.memory_space<vmem>> -> memref<64x128xf32, #tpu.memory_space<vmem>>
      %dma_start3A_406 = arith.constant 0 : i32
      %dma_start3A_407 = tpu.memref_slice %arg20[%add3A_237, %dma_start3A_406] : memref<10112x128xf32, #tpu.memory_space<vmem_shared>> -> memref<64x128xf32, #tpu.memory_space<vmem_shared>>
      %dma_start3A_408 = arith.constant 0 : i32
      %dma_start3A_409 = tpu.memref_slice %arg20[%add3A_237, %dma_start3A_408] : memref<10112x128xf32, #tpu.memory_space<vmem_shared>> -> memref<64x128xf32, #tpu.memory_space<vmem_shared>>
      %dma_start3A_410 = arith.constant 0 : i32
      %dma_start3A_411 = arith.constant 0 : i32
      %dma_start3A_412 = tpu.memref_slice %arg17[%dma_start3A_410, %dma_start3A_411] : memref<64x128xf32, #tpu.memory_space<vmem>> -> memref<64x128xf32, #tpu.memory_space<vmem>>
      tpu.enqueue_dma source(%dma_start3A_412 : memref<64x128xf32, #tpu.memory_space<vmem>>) target(%dma_start3A_409 : memref<64x128xf32, #tpu.memory_space<vmem_shared>>) target_semaphore(%run_scoped3A : memref<!tpu.dma_semaphore, #tpu.memory_space<semaphore_mem>>)
      %dma_wait3A_413 = arith.constant 0 : i32
      %dma_wait3A_414 = arith.constant 0 : i32
      %dma_wait3A_415 = tpu.memref_slice %arg17[%dma_wait3A_413, %dma_wait3A_414] : memref<64x128xf32, #tpu.memory_space<vmem>> -> memref<64x128xf32, #tpu.memory_space<vmem>>
      %dma_wait3A_416 = arith.constant 0 : i32
      %dma_wait3A_417 = tpu.memref_slice %arg20[%add3A_237, %dma_wait3A_416] : memref<10112x128xf32, #tpu.memory_space<vmem_shared>> -> memref<64x128xf32, #tpu.memory_space<vmem_shared>>
      %dma_wait3A_418 = arith.constant 0 : i32
      %dma_wait3A_419 = tpu.memref_slice %arg20[%add3A_237, %dma_wait3A_418] : memref<10112x128xf32, #tpu.memory_space<vmem_shared>> -> memref<64x128xf32, #tpu.memory_space<vmem_shared>>
      %dma_wait3A_420 = arith.constant 0 : i32
      %dma_wait3A_421 = arith.constant 0 : i32
      %dma_wait3A_422 = tpu.memref_slice %arg17[%dma_wait3A_420, %dma_wait3A_421] : memref<64x128xf32, #tpu.memory_space<vmem>> -> memref<64x128xf32, #tpu.memory_space<vmem>>
      tpu.wait_dma2 semaphore(%run_scoped3A : memref<!tpu.dma_semaphore, #tpu.memory_space<semaphore_mem>>) src(%dma_wait3A_422 : memref<64x128xf32, #tpu.memory_space<vmem>>) dst(%dma_wait3A_419 : memref<64x128xf32, #tpu.memory_space<vmem_shared>>)
      tpu.yield
    }) : () -> ()
    %add3A_238 = arith.constant 128 : i32
    %add3A_239 = arith.addi %mul3A_2, %add3A_238 : i32
    "tpu.region"() ({
      %run_scoped3A = tpu.sem_alloc : memref<!tpu.dma_semaphore, #tpu.memory_space<semaphore_mem>>
      %dma_start3A_403 = arith.constant 0 : i32
      %dma_start3A_404 = arith.constant 0 : i32
      %dma_start3A_405 = tpu.memref_slice %arg16[%dma_start3A_403, %dma_start3A_404] : memref<64x128xf32, #tpu.memory_space<vmem>> -> memref<64x128xf32, #tpu.memory_space<vmem>>
      %dma_start3A_406 = arith.constant 0 : i32
      %dma_start3A_407 = tpu.memref_slice %arg20[%add3A_239, %dma_start3A_406] : memref<10112x128xf32, #tpu.memory_space<vmem_shared>> -> memref<64x128xf32, #tpu.memory_space<vmem_shared>>
      %dma_start3A_408 = arith.constant 0 : i32
      %dma_start3A_409 = tpu.memref_slice %arg20[%add3A_239, %dma_start3A_408] : memref<10112x128xf32, #tpu.memory_space<vmem_shared>> -> memref<64x128xf32, #tpu.memory_space<vmem_shared>>
      %dma_start3A_410 = arith.constant 0 : i32
      %dma_start3A_411 = arith.constant 0 : i32
      %dma_start3A_412 = tpu.memref_slice %arg16[%dma_start3A_410, %dma_start3A_411] : memref<64x128xf32, #tpu.memory_space<vmem>> -> memref<64x128xf32, #tpu.memory_space<vmem>>
      tpu.enqueue_dma source(%dma_start3A_412 : memref<64x128xf32, #tpu.memory_space<vmem>>) target(%dma_start3A_409 : memref<64x128xf32, #tpu.memory_space<vmem_shared>>) target_semaphore(%run_scoped3A : memref<!tpu.dma_semaphore, #tpu.memory_space<semaphore_mem>>)
      %dma_wait3A_413 = arith.constant 0 : i32
      %dma_wait3A_414 = arith.constant 0 : i32
      %dma_wait3A_415 = tpu.memref_slice %arg16[%dma_wait3A_413, %dma_wait3A_414] : memref<64x128xf32, #tpu.memory_space<vmem>> -> memref<64x128xf32, #tpu.memory_space<vmem>>
      %dma_wait3A_416 = arith.constant 0 : i32
      %dma_wait3A_417 = tpu.memref_slice %arg20[%add3A_239, %dma_wait3A_416] : memref<10112x128xf32, #tpu.memory_space<vmem_shared>> -> memref<64x128xf32, #tpu.memory_space<vmem_shared>>
      %dma_wait3A_418 = arith.constant 0 : i32
      %dma_wait3A_419 = tpu.memref_slice %arg20[%add3A_239, %dma_wait3A_418] : memref<10112x128xf32, #tpu.memory_space<vmem_shared>> -> memref<64x128xf32, #tpu.memory_space<vmem_shared>>
      %dma_wait3A_420 = arith.constant 0 : i32
      %dma_wait3A_421 = arith.constant 0 : i32
      %dma_wait3A_422 = tpu.memref_slice %arg16[%dma_wait3A_420, %dma_wait3A_421] : memref<64x128xf32, #tpu.memory_space<vmem>> -> memref<64x128xf32, #tpu.memory_space<vmem>>
      tpu.wait_dma2 semaphore(%run_scoped3A : memref<!tpu.dma_semaphore, #tpu.memory_space<semaphore_mem>>) src(%dma_wait3A_422 : memref<64x128xf32, #tpu.memory_space<vmem>>) dst(%dma_wait3A_419 : memref<64x128xf32, #tpu.memory_space<vmem_shared>>)
      tpu.yield
    }) : () -> ()
    %add3A_240 = arith.constant 64 : i32
    %add3A_241 = arith.addi %add3A_239, %add3A_240 : i32
    "tpu.region"() ({
      %run_scoped3A = tpu.sem_alloc : memref<!tpu.dma_semaphore, #tpu.memory_space<semaphore_mem>>
      %dma_start3A_403 = arith.constant 0 : i32
      %dma_start3A_404 = arith.constant 0 : i32
      %dma_start3A_405 = tpu.memref_slice %arg17[%dma_start3A_403, %dma_start3A_404] : memref<64x128xf32, #tpu.memory_space<vmem>> -> memref<64x128xf32, #tpu.memory_space<vmem>>
      %dma_start3A_406 = arith.constant 0 : i32
      %dma_start3A_407 = tpu.memref_slice %arg20[%add3A_241, %dma_start3A_406] : memref<10112x128xf32, #tpu.memory_space<vmem_shared>> -> memref<64x128xf32, #tpu.memory_space<vmem_shared>>
      %dma_start3A_408 = arith.constant 0 : i32
      %dma_start3A_409 = tpu.memref_slice %arg20[%add3A_241, %dma_start3A_408] : memref<10112x128xf32, #tpu.memory_space<vmem_shared>> -> memref<64x128xf32, #tpu.memory_space<vmem_shared>>
      %dma_start3A_410 = arith.constant 0 : i32
      %dma_start3A_411 = arith.constant 0 : i32
      %dma_start3A_412 = tpu.memref_slice %arg17[%dma_start3A_410, %dma_start3A_411] : memref<64x128xf32, #tpu.memory_space<vmem>> -> memref<64x128xf32, #tpu.memory_space<vmem>>
      tpu.enqueue_dma source(%dma_start3A_412 : memref<64x128xf32, #tpu.memory_space<vmem>>) target(%dma_start3A_409 : memref<64x128xf32, #tpu.memory_space<vmem_shared>>) target_semaphore(%run_scoped3A : memref<!tpu.dma_semaphore, #tpu.memory_space<semaphore_mem>>)
      %dma_wait3A_413 = arith.constant 0 : i32
      %dma_wait3A_414 = arith.constant 0 : i32
      %dma_wait3A_415 = tpu.memref_slice %arg17[%dma_wait3A_413, %dma_wait3A_414] : memref<64x128xf32, #tpu.memory_space<vmem>> -> memref<64x128xf32, #tpu.memory_space<vmem>>
      %dma_wait3A_416 = arith.constant 0 : i32
      %dma_wait3A_417 = tpu.memref_slice %arg20[%add3A_241, %dma_wait3A_416] : memref<10112x128xf32, #tpu.memory_space<vmem_shared>> -> memref<64x128xf32, #tpu.memory_space<vmem_shared>>
      %dma_wait3A_418 = arith.constant 0 : i32
      %dma_wait3A_419 = tpu.memref_slice %arg20[%add3A_241, %dma_wait3A_418] : memref<10112x128xf32, #tpu.memory_space<vmem_shared>> -> memref<64x128xf32, #tpu.memory_space<vmem_shared>>
      %dma_wait3A_420 = arith.constant 0 : i32
      %dma_wait3A_421 = arith.constant 0 : i32
      %dma_wait3A_422 = tpu.memref_slice %arg17[%dma_wait3A_420, %dma_wait3A_421] : memref<64x128xf32, #tpu.memory_space<vmem>> -> memref<64x128xf32, #tpu.memory_space<vmem>>
      tpu.wait_dma2 semaphore(%run_scoped3A : memref<!tpu.dma_semaphore, #tpu.memory_space<semaphore_mem>>) src(%dma_wait3A_422 : memref<64x128xf32, #tpu.memory_space<vmem>>) dst(%dma_wait3A_419 : memref<64x128xf32, #tpu.memory_space<vmem_shared>>)
      tpu.yield
    }) : () -> ()
    %add3A_242 = arith.constant 256 : i32
    %add3A_243 = arith.addi %mul3A_2, %add3A_242 : i32
    "tpu.region"() ({
      %run_scoped3A = tpu.sem_alloc : memref<!tpu.dma_semaphore, #tpu.memory_space<semaphore_mem>>
      %dma_start3A_403 = arith.constant 0 : i32
      %dma_start3A_404 = arith.constant 0 : i32
      %dma_start3A_405 = tpu.memref_slice %arg16[%dma_start3A_403, %dma_start3A_404] : memref<64x128xf32, #tpu.memory_space<vmem>> -> memref<64x128xf32, #tpu.memory_space<vmem>>
      %dma_start3A_406 = arith.constant 0 : i32
      %dma_start3A_407 = tpu.memref_slice %arg20[%add3A_243, %dma_start3A_406] : memref<10112x128xf32, #tpu.memory_space<vmem_shared>> -> memref<64x128xf32, #tpu.memory_space<vmem_shared>>
      %dma_start3A_408 = arith.constant 0 : i32
      %dma_start3A_409 = tpu.memref_slice %arg20[%add3A_243, %dma_start3A_408] : memref<10112x128xf32, #tpu.memory_space<vmem_shared>> -> memref<64x128xf32, #tpu.memory_space<vmem_shared>>
      %dma_start3A_410 = arith.constant 0 : i32
      %dma_start3A_411 = arith.constant 0 : i32
      %dma_start3A_412 = tpu.memref_slice %arg16[%dma_start3A_410, %dma_start3A_411] : memref<64x128xf32, #tpu.memory_space<vmem>> -> memref<64x128xf32, #tpu.memory_space<vmem>>
      tpu.enqueue_dma source(%dma_start3A_412 : memref<64x128xf32, #tpu.memory_space<vmem>>) target(%dma_start3A_409 : memref<64x128xf32, #tpu.memory_space<vmem_shared>>) target_semaphore(%run_scoped3A : memref<!tpu.dma_semaphore, #tpu.memory_space<semaphore_mem>>)
      %dma_wait3A_413 = arith.constant 0 : i32
      %dma_wait3A_414 = arith.constant 0 : i32
      %dma_wait3A_415 = tpu.memref_slice %arg16[%dma_wait3A_413, %dma_wait3A_414] : memref<64x128xf32, #tpu.memory_space<vmem>> -> memref<64x128xf32, #tpu.memory_space<vmem>>
      %dma_wait3A_416 = arith.constant 0 : i32
      %dma_wait3A_417 = tpu.memref_slice %arg20[%add3A_243, %dma_wait3A_416] : memref<10112x128xf32, #tpu.memory_space<vmem_shared>> -> memref<64x128xf32, #tpu.memory_space<vmem_shared>>
      %dma_wait3A_418 = arith.constant 0 : i32
      %dma_wait3A_419 = tpu.memref_slice %arg20[%add3A_243, %dma_wait3A_418] : memref<10112x128xf32, #tpu.memory_space<vmem_shared>> -> memref<64x128xf32, #tpu.memory_space<vmem_shared>>
      %dma_wait3A_420 = arith.constant 0 : i32
      %dma_wait3A_421 = arith.constant 0 : i32
      %dma_wait3A_422 = tpu.memref_slice %arg16[%dma_wait3A_420, %dma_wait3A_421] : memref<64x128xf32, #tpu.memory_space<vmem>> -> memref<64x128xf32, #tpu.memory_space<vmem>>
      tpu.wait_dma2 semaphore(%run_scoped3A : memref<!tpu.dma_semaphore, #tpu.memory_space<semaphore_mem>>) src(%dma_wait3A_422 : memref<64x128xf32, #tpu.memory_space<vmem>>) dst(%dma_wait3A_419 : memref<64x128xf32, #tpu.memory_space<vmem_shared>>)
      tpu.yield
    }) : () -> ()
    %add3A_244 = arith.constant 64 : i32
    %add3A_245 = arith.addi %add3A_243, %add3A_244 : i32
    "tpu.region"() ({
      %run_scoped3A = tpu.sem_alloc : memref<!tpu.dma_semaphore, #tpu.memory_space<semaphore_mem>>
      %dma_start3A_403 = arith.constant 0 : i32
      %dma_start3A_404 = arith.constant 0 : i32
      %dma_start3A_405 = tpu.memref_slice %arg17[%dma_start3A_403, %dma_start3A_404] : memref<64x128xf32, #tpu.memory_space<vmem>> -> memref<64x128xf32, #tpu.memory_space<vmem>>
      %dma_start3A_406 = arith.constant 0 : i32
      %dma_start3A_407 = tpu.memref_slice %arg20[%add3A_245, %dma_start3A_406] : memref<10112x128xf32, #tpu.memory_space<vmem_shared>> -> memref<64x128xf32, #tpu.memory_space<vmem_shared>>
      %dma_start3A_408 = arith.constant 0 : i32
      %dma_start3A_409 = tpu.memref_slice %arg20[%add3A_245, %dma_start3A_408] : memref<10112x128xf32, #tpu.memory_space<vmem_shared>> -> memref<64x128xf32, #tpu.memory_space<vmem_shared>>
      %dma_start3A_410 = arith.constant 0 : i32
      %dma_start3A_411 = arith.constant 0 : i32
      %dma_start3A_412 = tpu.memref_slice %arg17[%dma_start3A_410, %dma_start3A_411] : memref<64x128xf32, #tpu.memory_space<vmem>> -> memref<64x128xf32, #tpu.memory_space<vmem>>
      tpu.enqueue_dma source(%dma_start3A_412 : memref<64x128xf32, #tpu.memory_space<vmem>>) target(%dma_start3A_409 : memref<64x128xf32, #tpu.memory_space<vmem_shared>>) target_semaphore(%run_scoped3A : memref<!tpu.dma_semaphore, #tpu.memory_space<semaphore_mem>>)
      %dma_wait3A_413 = arith.constant 0 : i32
      %dma_wait3A_414 = arith.constant 0 : i32
      %dma_wait3A_415 = tpu.memref_slice %arg17[%dma_wait3A_413, %dma_wait3A_414] : memref<64x128xf32, #tpu.memory_space<vmem>> -> memref<64x128xf32, #tpu.memory_space<vmem>>
      %dma_wait3A_416 = arith.constant 0 : i32
      %dma_wait3A_417 = tpu.memref_slice %arg20[%add3A_245, %dma_wait3A_416] : memref<10112x128xf32, #tpu.memory_space<vmem_shared>> -> memref<64x128xf32, #tpu.memory_space<vmem_shared>>
      %dma_wait3A_418 = arith.constant 0 : i32
      %dma_wait3A_419 = tpu.memref_slice %arg20[%add3A_245, %dma_wait3A_418] : memref<10112x128xf32, #tpu.memory_space<vmem_shared>> -> memref<64x128xf32, #tpu.memory_space<vmem_shared>>
      %dma_wait3A_420 = arith.constant 0 : i32
      %dma_wait3A_421 = arith.constant 0 : i32
      %dma_wait3A_422 = tpu.memref_slice %arg17[%dma_wait3A_420, %dma_wait3A_421] : memref<64x128xf32, #tpu.memory_space<vmem>> -> memref<64x128xf32, #tpu.memory_space<vmem>>
      tpu.wait_dma2 semaphore(%run_scoped3A : memref<!tpu.dma_semaphore, #tpu.memory_space<semaphore_mem>>) src(%dma_wait3A_422 : memref<64x128xf32, #tpu.memory_space<vmem>>) dst(%dma_wait3A_419 : memref<64x128xf32, #tpu.memory_space<vmem_shared>>)
      tpu.yield
    }) : () -> ()
    %add3A_246 = arith.constant 384 : i32
    %add3A_247 = arith.addi %mul3A_2, %add3A_246 : i32
    "tpu.region"() ({
      %run_scoped3A = tpu.sem_alloc : memref<!tpu.dma_semaphore, #tpu.memory_space<semaphore_mem>>
      %dma_start3A_403 = arith.constant 0 : i32
      %dma_start3A_404 = arith.constant 0 : i32
      %dma_start3A_405 = tpu.memref_slice %arg16[%dma_start3A_403, %dma_start3A_404] : memref<64x128xf32, #tpu.memory_space<vmem>> -> memref<64x128xf32, #tpu.memory_space<vmem>>
      %dma_start3A_406 = arith.constant 0 : i32
      %dma_start3A_407 = tpu.memref_slice %arg20[%add3A_247, %dma_start3A_406] : memref<10112x128xf32, #tpu.memory_space<vmem_shared>> -> memref<64x128xf32, #tpu.memory_space<vmem_shared>>
      %dma_start3A_408 = arith.constant 0 : i32
      %dma_start3A_409 = tpu.memref_slice %arg20[%add3A_247, %dma_start3A_408] : memref<10112x128xf32, #tpu.memory_space<vmem_shared>> -> memref<64x128xf32, #tpu.memory_space<vmem_shared>>
      %dma_start3A_410 = arith.constant 0 : i32
      %dma_start3A_411 = arith.constant 0 : i32
      %dma_start3A_412 = tpu.memref_slice %arg16[%dma_start3A_410, %dma_start3A_411] : memref<64x128xf32, #tpu.memory_space<vmem>> -> memref<64x128xf32, #tpu.memory_space<vmem>>
      tpu.enqueue_dma source(%dma_start3A_412 : memref<64x128xf32, #tpu.memory_space<vmem>>) target(%dma_start3A_409 : memref<64x128xf32, #tpu.memory_space<vmem_shared>>) target_semaphore(%run_scoped3A : memref<!tpu.dma_semaphore, #tpu.memory_space<semaphore_mem>>)
      %dma_wait3A_413 = arith.constant 0 : i32
      %dma_wait3A_414 = arith.constant 0 : i32
      %dma_wait3A_415 = tpu.memref_slice %arg16[%dma_wait3A_413, %dma_wait3A_414] : memref<64x128xf32, #tpu.memory_space<vmem>> -> memref<64x128xf32, #tpu.memory_space<vmem>>
      %dma_wait3A_416 = arith.constant 0 : i32
      %dma_wait3A_417 = tpu.memref_slice %arg20[%add3A_247, %dma_wait3A_416] : memref<10112x128xf32, #tpu.memory_space<vmem_shared>> -> memref<64x128xf32, #tpu.memory_space<vmem_shared>>
      %dma_wait3A_418 = arith.constant 0 : i32
      %dma_wait3A_419 = tpu.memref_slice %arg20[%add3A_247, %dma_wait3A_418] : memref<10112x128xf32, #tpu.memory_space<vmem_shared>> -> memref<64x128xf32, #tpu.memory_space<vmem_shared>>
      %dma_wait3A_420 = arith.constant 0 : i32
      %dma_wait3A_421 = arith.constant 0 : i32
      %dma_wait3A_422 = tpu.memref_slice %arg16[%dma_wait3A_420, %dma_wait3A_421] : memref<64x128xf32, #tpu.memory_space<vmem>> -> memref<64x128xf32, #tpu.memory_space<vmem>>
      tpu.wait_dma2 semaphore(%run_scoped3A : memref<!tpu.dma_semaphore, #tpu.memory_space<semaphore_mem>>) src(%dma_wait3A_422 : memref<64x128xf32, #tpu.memory_space<vmem>>) dst(%dma_wait3A_419 : memref<64x128xf32, #tpu.memory_space<vmem_shared>>)
      tpu.yield
    }) : () -> ()
    %add3A_248 = arith.constant 64 : i32
    %add3A_249 = arith.addi %add3A_247, %add3A_248 : i32
    "tpu.region"() ({
      %run_scoped3A = tpu.sem_alloc : memref<!tpu.dma_semaphore, #tpu.memory_space<semaphore_mem>>
      %dma_start3A_403 = arith.constant 0 : i32
      %dma_start3A_404 = arith.constant 0 : i32
      %dma_start3A_405 = tpu.memref_slice %arg17[%dma_start3A_403, %dma_start3A_404] : memref<64x128xf32, #tpu.memory_space<vmem>> -> memref<64x128xf32, #tpu.memory_space<vmem>>
      %dma_start3A_406 = arith.constant 0 : i32
      %dma_start3A_407 = tpu.memref_slice %arg20[%add3A_249, %dma_start3A_406] : memref<10112x128xf32, #tpu.memory_space<vmem_shared>> -> memref<64x128xf32, #tpu.memory_space<vmem_shared>>
      %dma_start3A_408 = arith.constant 0 : i32
      %dma_start3A_409 = tpu.memref_slice %arg20[%add3A_249, %dma_start3A_408] : memref<10112x128xf32, #tpu.memory_space<vmem_shared>> -> memref<64x128xf32, #tpu.memory_space<vmem_shared>>
      %dma_start3A_410 = arith.constant 0 : i32
      %dma_start3A_411 = arith.constant 0 : i32
      %dma_start3A_412 = tpu.memref_slice %arg17[%dma_start3A_410, %dma_start3A_411] : memref<64x128xf32, #tpu.memory_space<vmem>> -> memref<64x128xf32, #tpu.memory_space<vmem>>
      tpu.enqueue_dma source(%dma_start3A_412 : memref<64x128xf32, #tpu.memory_space<vmem>>) target(%dma_start3A_409 : memref<64x128xf32, #tpu.memory_space<vmem_shared>>) target_semaphore(%run_scoped3A : memref<!tpu.dma_semaphore, #tpu.memory_space<semaphore_mem>>)
      %dma_wait3A_413 = arith.constant 0 : i32
      %dma_wait3A_414 = arith.constant 0 : i32
      %dma_wait3A_415 = tpu.memref_slice %arg17[%dma_wait3A_413, %dma_wait3A_414] : memref<64x128xf32, #tpu.memory_space<vmem>> -> memref<64x128xf32, #tpu.memory_space<vmem>>
      %dma_wait3A_416 = arith.constant 0 : i32
      %dma_wait3A_417 = tpu.memref_slice %arg20[%add3A_249, %dma_wait3A_416] : memref<10112x128xf32, #tpu.memory_space<vmem_shared>> -> memref<64x128xf32, #tpu.memory_space<vmem_shared>>
      %dma_wait3A_418 = arith.constant 0 : i32
      %dma_wait3A_419 = tpu.memref_slice %arg20[%add3A_249, %dma_wait3A_418] : memref<10112x128xf32, #tpu.memory_space<vmem_shared>> -> memref<64x128xf32, #tpu.memory_space<vmem_shared>>
      %dma_wait3A_420 = arith.constant 0 : i32
      %dma_wait3A_421 = arith.constant 0 : i32
      %dma_wait3A_422 = tpu.memref_slice %arg17[%dma_wait3A_420, %dma_wait3A_421] : memref<64x128xf32, #tpu.memory_space<vmem>> -> memref<64x128xf32, #tpu.memory_space<vmem>>
      tpu.wait_dma2 semaphore(%run_scoped3A : memref<!tpu.dma_semaphore, #tpu.memory_space<semaphore_mem>>) src(%dma_wait3A_422 : memref<64x128xf32, #tpu.memory_space<vmem>>) dst(%dma_wait3A_419 : memref<64x128xf32, #tpu.memory_space<vmem_shared>>)
      tpu.yield
    }) : () -> ()
    %add3A_250 = arith.constant 512 : i32
    %add3A_251 = arith.addi %mul3A_2, %add3A_250 : i32
    "tpu.region"() ({
      %run_scoped3A = tpu.sem_alloc : memref<!tpu.dma_semaphore, #tpu.memory_space<semaphore_mem>>
      %dma_start3A_403 = arith.constant 0 : i32
      %dma_start3A_404 = arith.constant 0 : i32
      %dma_start3A_405 = tpu.memref_slice %arg16[%dma_start3A_403, %dma_start3A_404] : memref<64x128xf32, #tpu.memory_space<vmem>> -> memref<64x128xf32, #tpu.memory_space<vmem>>
      %dma_start3A_406 = arith.constant 0 : i32
      %dma_start3A_407 = tpu.memref_slice %arg20[%add3A_251, %dma_start3A_406] : memref<10112x128xf32, #tpu.memory_space<vmem_shared>> -> memref<64x128xf32, #tpu.memory_space<vmem_shared>>
      %dma_start3A_408 = arith.constant 0 : i32
      %dma_start3A_409 = tpu.memref_slice %arg20[%add3A_251, %dma_start3A_408] : memref<10112x128xf32, #tpu.memory_space<vmem_shared>> -> memref<64x128xf32, #tpu.memory_space<vmem_shared>>
      %dma_start3A_410 = arith.constant 0 : i32
      %dma_start3A_411 = arith.constant 0 : i32
      %dma_start3A_412 = tpu.memref_slice %arg16[%dma_start3A_410, %dma_start3A_411] : memref<64x128xf32, #tpu.memory_space<vmem>> -> memref<64x128xf32, #tpu.memory_space<vmem>>
      tpu.enqueue_dma source(%dma_start3A_412 : memref<64x128xf32, #tpu.memory_space<vmem>>) target(%dma_start3A_409 : memref<64x128xf32, #tpu.memory_space<vmem_shared>>) target_semaphore(%run_scoped3A : memref<!tpu.dma_semaphore, #tpu.memory_space<semaphore_mem>>)
      %dma_wait3A_413 = arith.constant 0 : i32
      %dma_wait3A_414 = arith.constant 0 : i32
      %dma_wait3A_415 = tpu.memref_slice %arg16[%dma_wait3A_413, %dma_wait3A_414] : memref<64x128xf32, #tpu.memory_space<vmem>> -> memref<64x128xf32, #tpu.memory_space<vmem>>
      %dma_wait3A_416 = arith.constant 0 : i32
      %dma_wait3A_417 = tpu.memref_slice %arg20[%add3A_251, %dma_wait3A_416] : memref<10112x128xf32, #tpu.memory_space<vmem_shared>> -> memref<64x128xf32, #tpu.memory_space<vmem_shared>>
      %dma_wait3A_418 = arith.constant 0 : i32
      %dma_wait3A_419 = tpu.memref_slice %arg20[%add3A_251, %dma_wait3A_418] : memref<10112x128xf32, #tpu.memory_space<vmem_shared>> -> memref<64x128xf32, #tpu.memory_space<vmem_shared>>
      %dma_wait3A_420 = arith.constant 0 : i32
      %dma_wait3A_421 = arith.constant 0 : i32
      %dma_wait3A_422 = tpu.memref_slice %arg16[%dma_wait3A_420, %dma_wait3A_421] : memref<64x128xf32, #tpu.memory_space<vmem>> -> memref<64x128xf32, #tpu.memory_space<vmem>>
      tpu.wait_dma2 semaphore(%run_scoped3A : memref<!tpu.dma_semaphore, #tpu.memory_space<semaphore_mem>>) src(%dma_wait3A_422 : memref<64x128xf32, #tpu.memory_space<vmem>>) dst(%dma_wait3A_419 : memref<64x128xf32, #tpu.memory_space<vmem_shared>>)
      tpu.yield
    }) : () -> ()
    %add3A_252 = arith.constant 64 : i32
    %add3A_253 = arith.addi %add3A_251, %add3A_252 : i32
    "tpu.region"() ({
      %run_scoped3A = tpu.sem_alloc : memref<!tpu.dma_semaphore, #tpu.memory_space<semaphore_mem>>
      %dma_start3A_403 = arith.constant 0 : i32
      %dma_start3A_404 = arith.constant 0 : i32
      %dma_start3A_405 = tpu.memref_slice %arg17[%dma_start3A_403, %dma_start3A_404] : memref<64x128xf32, #tpu.memory_space<vmem>> -> memref<56x128xf32, #tpu.memory_space<vmem>>
      %dma_start3A_406 = arith.constant 0 : i32
      %dma_start3A_407 = tpu.memref_slice %arg20[%add3A_253, %dma_start3A_406] : memref<10112x128xf32, #tpu.memory_space<vmem_shared>> -> memref<56x128xf32, #tpu.memory_space<vmem_shared>>
      %dma_start3A_408 = arith.constant 0 : i32
      %dma_start3A_409 = tpu.memref_slice %arg20[%add3A_253, %dma_start3A_408] : memref<10112x128xf32, #tpu.memory_space<vmem_shared>> -> memref<56x128xf32, #tpu.memory_space<vmem_shared>>
      %dma_start3A_410 = arith.constant 0 : i32
      %dma_start3A_411 = arith.constant 0 : i32
      %dma_start3A_412 = tpu.memref_slice %arg17[%dma_start3A_410, %dma_start3A_411] : memref<64x128xf32, #tpu.memory_space<vmem>> -> memref<56x128xf32, #tpu.memory_space<vmem>>
      tpu.enqueue_dma source(%dma_start3A_412 : memref<56x128xf32, #tpu.memory_space<vmem>>) target(%dma_start3A_409 : memref<56x128xf32, #tpu.memory_space<vmem_shared>>) target_semaphore(%run_scoped3A : memref<!tpu.dma_semaphore, #tpu.memory_space<semaphore_mem>>)
      %dma_wait3A_413 = arith.constant 0 : i32
      %dma_wait3A_414 = arith.constant 0 : i32
      %dma_wait3A_415 = tpu.memref_slice %arg17[%dma_wait3A_413, %dma_wait3A_414] : memref<64x128xf32, #tpu.memory_space<vmem>> -> memref<56x128xf32, #tpu.memory_space<vmem>>
      %dma_wait3A_416 = arith.constant 0 : i32
      %dma_wait3A_417 = tpu.memref_slice %arg20[%add3A_253, %dma_wait3A_416] : memref<10112x128xf32, #tpu.memory_space<vmem_shared>> -> memref<56x128xf32, #tpu.memory_space<vmem_shared>>
      %dma_wait3A_418 = arith.constant 0 : i32
      %dma_wait3A_419 = tpu.memref_slice %arg20[%add3A_253, %dma_wait3A_418] : memref<10112x128xf32, #tpu.memory_space<vmem_shared>> -> memref<56x128xf32, #tpu.memory_space<vmem_shared>>
      %dma_wait3A_420 = arith.constant 0 : i32
      %dma_wait3A_421 = arith.constant 0 : i32
      %dma_wait3A_422 = tpu.memref_slice %arg17[%dma_wait3A_420, %dma_wait3A_421] : memref<64x128xf32, #tpu.memory_space<vmem>> -> memref<56x128xf32, #tpu.memory_space<vmem>>
      tpu.wait_dma2 semaphore(%run_scoped3A : memref<!tpu.dma_semaphore, #tpu.memory_space<semaphore_mem>>) src(%dma_wait3A_422 : memref<56x128xf32, #tpu.memory_space<vmem>>) dst(%dma_wait3A_419 : memref<56x128xf32, #tpu.memory_space<vmem_shared>>)
      tpu.yield
    }) : () -> ()
    "tpu.region"() ({
      %run_scoped3A = tpu.sem_alloc : memref<!tpu.dma_semaphore, #tpu.memory_space<semaphore_mem>>
      %dma_start3A_403 = arith.constant 0 : i32
      %dma_start3A_404 = arith.constant 0 : i32
      %dma_start3A_405 = tpu.memref_slice %arg5[%dma_start3A_403, %dma_start3A_404] : memref<128x128xf32, #tpu.memory_space<hbm>> -> memref<64x128xf32, #tpu.memory_space<hbm>>
      %dma_start3A_406 = arith.constant 0 : i32
      %dma_start3A_407 = arith.constant 0 : i32
      %dma_start3A_408 = tpu.memref_slice %arg5[%dma_start3A_406, %dma_start3A_407] : memref<128x128xf32, #tpu.memory_space<hbm>> -> memref<64x128xf32, #tpu.memory_space<hbm>>
      tpu.enqueue_dma source(%dma_start3A_408 : memref<64x128xf32, #tpu.memory_space<hbm>>) target(%arg16 : memref<64x128xf32, #tpu.memory_space<vmem>>) target_semaphore(%run_scoped3A : memref<!tpu.dma_semaphore, #tpu.memory_space<semaphore_mem>>)
      %dma_wait3A_409 = arith.constant 0 : i32
      %dma_wait3A_410 = arith.constant 0 : i32
      %dma_wait3A_411 = tpu.memref_slice %arg5[%dma_wait3A_409, %dma_wait3A_410] : memref<128x128xf32, #tpu.memory_space<hbm>> -> memref<64x128xf32, #tpu.memory_space<hbm>>
      %dma_wait3A_412 = arith.constant 0 : i32
      %dma_wait3A_413 = arith.constant 0 : i32
      %dma_wait3A_414 = tpu.memref_slice %arg5[%dma_wait3A_412, %dma_wait3A_413] : memref<128x128xf32, #tpu.memory_space<hbm>> -> memref<64x128xf32, #tpu.memory_space<hbm>>
      tpu.wait_dma2 semaphore(%run_scoped3A : memref<!tpu.dma_semaphore, #tpu.memory_space<semaphore_mem>>) src(%dma_wait3A_414 : memref<64x128xf32, #tpu.memory_space<hbm>>) dst(%arg16 : memref<64x128xf32, #tpu.memory_space<vmem>>)
      tpu.yield
    }) : () -> ()
    %barrier3A_254 = arith.constant 0 : index
    tpu.barrier barrier_id(%barrier3A_254)
    %add3A_255 = arith.constant 0 : i32
    %add3A_256 = arith.addi %mul3A_24, %add3A_255 : i32
    %mul3A_257 = arith.constant 64 : i32
    %mul3A_258 = arith.muli %add3A_256, %mul3A_257 : i32
    %multiple_of3A_259 = tpu.assume_multiple %mul3A_258, 64 : i32
    %add3A_260 = arith.constant 320000 : i32
    %add3A_261 = arith.addi %add3A_260, %multiple_of3A_259 : i32
    %dma_start3A_262 = tpu.memref_slice %arg3[%add3A_261] : memref<640000xi32, #tpu.memory_space<hbm>> -> memref<64xi32, #tpu.memory_space<hbm>>
    %dma_start3A_263 = tpu.memref_slice %arg3[%add3A_261] : memref<640000xi32, #tpu.memory_space<hbm>> -> memref<64xi32, #tpu.memory_space<hbm>>
    tpu.enqueue_dma source(%dma_start3A_263 : memref<64xi32, #tpu.memory_space<hbm>>) target(%arg12 : memref<64xi32, #tpu.memory_space<vmem>>) target_semaphore(%arg33 : memref<!tpu.dma_semaphore, #tpu.memory_space<semaphore_mem>>)
    %add3A_264 = arith.constant 1 : i32
    %add3A_265 = arith.addi %mul3A_24, %add3A_264 : i32
    %mul3A_266 = arith.constant 64 : i32
    %mul3A_267 = arith.muli %add3A_265, %mul3A_266 : i32
    %multiple_of3A_268 = tpu.assume_multiple %mul3A_267, 64 : i32
    %add3A_269 = arith.constant 320000 : i32
    %add3A_270 = arith.addi %add3A_269, %multiple_of3A_268 : i32
    %dma_start3A_271 = tpu.memref_slice %arg3[%add3A_270] : memref<640000xi32, #tpu.memory_space<hbm>> -> memref<64xi32, #tpu.memory_space<hbm>>
    %dma_start3A_272 = tpu.memref_slice %arg3[%add3A_270] : memref<640000xi32, #tpu.memory_space<hbm>> -> memref<64xi32, #tpu.memory_space<hbm>>
    tpu.enqueue_dma source(%dma_start3A_272 : memref<64xi32, #tpu.memory_space<hbm>>) target(%arg13 : memref<64xi32, #tpu.memory_space<vmem>>) target_semaphore(%arg34 : memref<!tpu.dma_semaphore, #tpu.memory_space<semaphore_mem>>)
    %add3A_273 = arith.constant 2 : i32
    %add3A_274 = arith.addi %mul3A_24, %add3A_273 : i32
    %mul3A_275 = arith.constant 64 : i32
    %mul3A_276 = arith.muli %add3A_274, %mul3A_275 : i32
    %multiple_of3A_277 = tpu.assume_multiple %mul3A_276, 64 : i32
    %add3A_278 = arith.constant 320000 : i32
    %add3A_279 = arith.addi %add3A_278, %multiple_of3A_277 : i32
    %dma_start3A_280 = tpu.memref_slice %arg3[%add3A_279] : memref<640000xi32, #tpu.memory_space<hbm>> -> memref<64xi32, #tpu.memory_space<hbm>>
    %dma_start3A_281 = tpu.memref_slice %arg3[%add3A_279] : memref<640000xi32, #tpu.memory_space<hbm>> -> memref<64xi32, #tpu.memory_space<hbm>>
    tpu.enqueue_dma source(%dma_start3A_281 : memref<64xi32, #tpu.memory_space<hbm>>) target(%arg14 : memref<64xi32, #tpu.memory_space<vmem>>) target_semaphore(%arg35 : memref<!tpu.dma_semaphore, #tpu.memory_space<semaphore_mem>>)
    %add3A_282 = arith.constant 3 : i32
    %add3A_283 = arith.addi %mul3A_24, %add3A_282 : i32
    %mul3A_284 = arith.constant 64 : i32
    %mul3A_285 = arith.muli %add3A_283, %mul3A_284 : i32
    %multiple_of3A_286 = tpu.assume_multiple %mul3A_285, 64 : i32
    %add3A_287 = arith.constant 320000 : i32
    %add3A_288 = arith.addi %add3A_287, %multiple_of3A_286 : i32
    %dma_start3A_289 = tpu.memref_slice %arg3[%add3A_288] : memref<640000xi32, #tpu.memory_space<hbm>> -> memref<64xi32, #tpu.memory_space<hbm>>
    %dma_start3A_290 = tpu.memref_slice %arg3[%add3A_288] : memref<640000xi32, #tpu.memory_space<hbm>> -> memref<64xi32, #tpu.memory_space<hbm>>
    tpu.enqueue_dma source(%dma_start3A_290 : memref<64xi32, #tpu.memory_space<hbm>>) target(%arg15 : memref<64xi32, #tpu.memory_space<vmem>>) target_semaphore(%arg36 : memref<!tpu.dma_semaphore, #tpu.memory_space<semaphore_mem>>)
    %dma_wait3A_291 = arith.constant 0 : i32
    %dma_wait3A_292 = tpu.memref_slice %arg3[%dma_wait3A_291] : memref<640000xi32, #tpu.memory_space<hbm>> -> memref<64xi32, #tpu.memory_space<hbm>>
    %dma_wait3A_293 = arith.constant 0 : i32
    %dma_wait3A_294 = tpu.memref_slice %arg3[%dma_wait3A_293] : memref<640000xi32, #tpu.memory_space<hbm>> -> memref<64xi32, #tpu.memory_space<hbm>>
    tpu.wait_dma2 semaphore(%arg33 : memref<!tpu.dma_semaphore, #tpu.memory_space<semaphore_mem>>) src(%dma_wait3A_294 : memref<64xi32, #tpu.memory_space<hbm>>) dst(%arg12 : memref<64xi32, #tpu.memory_space<vmem>>)
    %dma_start3A_295 = arith.constant 0 : i32
    %dma_start3A_296 = arith.constant 0 : i32
    %dma_start3A_297 = tpu.memref_slice %arg20[%dma_start3A_295, %dma_start3A_296] : memref<10112x128xf32, #tpu.memory_space<vmem_shared>> -> memref<10112x128xf32, #tpu.memory_space<vmem_shared>>
    tpu.enqueue_indirect_dma source(%arg16 : memref<64x128xf32, #tpu.memory_space<vmem>>) target(%dma_start3A_297 : memref<10112x128xf32, #tpu.memory_space<vmem_shared>>) offsets(%arg12 : memref<64xi32, #tpu.memory_space<vmem>>) semaphore(%arg25 : memref<!tpu.dma_semaphore, #tpu.memory_space<semaphore_mem>>) {add = true}
    %dma_wait3A_298 = arith.constant 0 : i32
    %dma_wait3A_299 = tpu.memref_slice %arg3[%dma_wait3A_298] : memref<640000xi32, #tpu.memory_space<hbm>> -> memref<64xi32, #tpu.memory_space<hbm>>
    %dma_wait3A_300 = arith.constant 0 : i32
    %dma_wait3A_301 = tpu.memref_slice %arg3[%dma_wait3A_300] : memref<640000xi32, #tpu.memory_space<hbm>> -> memref<64xi32, #tpu.memory_space<hbm>>
    tpu.wait_dma2 semaphore(%arg34 : memref<!tpu.dma_semaphore, #tpu.memory_space<semaphore_mem>>) src(%dma_wait3A_301 : memref<64xi32, #tpu.memory_space<hbm>>) dst(%arg13 : memref<64xi32, #tpu.memory_space<vmem>>)
    %dma_start3A_302 = arith.constant 0 : i32
    %dma_start3A_303 = arith.constant 0 : i32
    %dma_start3A_304 = tpu.memref_slice %arg20[%dma_start3A_302, %dma_start3A_303] : memref<10112x128xf32, #tpu.memory_space<vmem_shared>> -> memref<10112x128xf32, #tpu.memory_space<vmem_shared>>
    tpu.enqueue_indirect_dma source(%arg16 : memref<64x128xf32, #tpu.memory_space<vmem>>) target(%dma_start3A_304 : memref<10112x128xf32, #tpu.memory_space<vmem_shared>>) offsets(%arg13 : memref<64xi32, #tpu.memory_space<vmem>>) semaphore(%arg26 : memref<!tpu.dma_semaphore, #tpu.memory_space<semaphore_mem>>) {add = true}
    %dma_wait3A_305 = arith.constant 0 : i32
    %dma_wait3A_306 = tpu.memref_slice %arg3[%dma_wait3A_305] : memref<640000xi32, #tpu.memory_space<hbm>> -> memref<64xi32, #tpu.memory_space<hbm>>
    %dma_wait3A_307 = arith.constant 0 : i32
    %dma_wait3A_308 = tpu.memref_slice %arg3[%dma_wait3A_307] : memref<640000xi32, #tpu.memory_space<hbm>> -> memref<64xi32, #tpu.memory_space<hbm>>
    tpu.wait_dma2 semaphore(%arg35 : memref<!tpu.dma_semaphore, #tpu.memory_space<semaphore_mem>>) src(%dma_wait3A_308 : memref<64xi32, #tpu.memory_space<hbm>>) dst(%arg14 : memref<64xi32, #tpu.memory_space<vmem>>)
    %dma_start3A_309 = arith.constant 0 : i32
    %dma_start3A_310 = arith.constant 0 : i32
    %dma_start3A_311 = tpu.memref_slice %arg20[%dma_start3A_309, %dma_start3A_310] : memref<10112x128xf32, #tpu.memory_space<vmem_shared>> -> memref<10112x128xf32, #tpu.memory_space<vmem_shared>>
    tpu.enqueue_indirect_dma source(%arg16 : memref<64x128xf32, #tpu.memory_space<vmem>>) target(%dma_start3A_311 : memref<10112x128xf32, #tpu.memory_space<vmem_shared>>) offsets(%arg14 : memref<64xi32, #tpu.memory_space<vmem>>) semaphore(%arg27 : memref<!tpu.dma_semaphore, #tpu.memory_space<semaphore_mem>>) {add = true}
    %dma_wait3A_312 = arith.constant 0 : i32
    %dma_wait3A_313 = tpu.memref_slice %arg3[%dma_wait3A_312] : memref<640000xi32, #tpu.memory_space<hbm>> -> memref<64xi32, #tpu.memory_space<hbm>>
    %dma_wait3A_314 = arith.constant 0 : i32
    %dma_wait3A_315 = tpu.memref_slice %arg3[%dma_wait3A_314] : memref<640000xi32, #tpu.memory_space<hbm>> -> memref<64xi32, #tpu.memory_space<hbm>>
    tpu.wait_dma2 semaphore(%arg36 : memref<!tpu.dma_semaphore, #tpu.memory_space<semaphore_mem>>) src(%dma_wait3A_315 : memref<64xi32, #tpu.memory_space<hbm>>) dst(%arg15 : memref<64xi32, #tpu.memory_space<vmem>>)
    %dma_start3A_316 = arith.constant 0 : i32
    %dma_start3A_317 = arith.constant 0 : i32
    %dma_start3A_318 = tpu.memref_slice %arg20[%dma_start3A_316, %dma_start3A_317] : memref<10112x128xf32, #tpu.memory_space<vmem_shared>> -> memref<10112x128xf32, #tpu.memory_space<vmem_shared>>
    tpu.enqueue_indirect_dma source(%arg16 : memref<64x128xf32, #tpu.memory_space<vmem>>) target(%dma_start3A_318 : memref<10112x128xf32, #tpu.memory_space<vmem_shared>>) offsets(%arg15 : memref<64xi32, #tpu.memory_space<vmem>>) semaphore(%arg28 : memref<!tpu.dma_semaphore, #tpu.memory_space<semaphore_mem>>) {add = true}
    %scan3A_319 = arith.constant 0 : i32
    %scan3A_320 = arith.constant 1 : i32
    %scan3A_321 = arith.constant 38 : i32
    %scan3A_322 = arith.addi %scan3A_320, %scan3A_321 : i32
    %scan3A_323 = arith.constant 1 : i32
    scf.for %scan3A_403 = %scan3A_320 to %scan3A_322 step %scan3A_323  : i32 {
      %mul3A_404 = arith.constant 4 : i32
      %mul3A_405 = arith.muli %scan3A_403, %mul3A_404 : i32
      %add3A_406 = arith.addi %mul3A_24, %mul3A_405 : i32
      %dma_wait3A_407 = arith.constant 0 : i32
      %dma_wait3A_408 = arith.constant 0 : i32
      %dma_wait3A_409 = tpu.memref_slice %arg20[%dma_wait3A_407, %dma_wait3A_408] : memref<10112x128xf32, #tpu.memory_space<vmem_shared>> -> memref<10112x128xf32, #tpu.memory_space<vmem_shared>>
      tpu.wait_indirect_dma semaphore(%arg25 : memref<!tpu.dma_semaphore, #tpu.memory_space<semaphore_mem>>) src(%arg16 : memref<64x128xf32, #tpu.memory_space<vmem>>) dst(%dma_wait3A_409 : memref<10112x128xf32, #tpu.memory_space<vmem_shared>>)
      %add3A_410 = arith.constant 0 : i32
      %add3A_411 = arith.addi %add3A_406, %add3A_410 : i32
      %mul3A_412 = arith.constant 64 : i32
      %mul3A_413 = arith.muli %add3A_411, %mul3A_412 : i32
      %multiple_of3A_414 = tpu.assume_multiple %mul3A_413, 64 : i32
      %add3A_415 = arith.constant 320000 : i32
      %add3A_416 = arith.addi %add3A_415, %multiple_of3A_414 : i32
      %dma_start3A_417 = tpu.memref_slice %arg3[%add3A_416] : memref<640000xi32, #tpu.memory_space<hbm>> -> memref<64xi32, #tpu.memory_space<hbm>>
      %dma_start3A_418 = tpu.memref_slice %arg3[%add3A_416] : memref<640000xi32, #tpu.memory_space<hbm>> -> memref<64xi32, #tpu.memory_space<hbm>>
      tpu.enqueue_dma source(%dma_start3A_418 : memref<64xi32, #tpu.memory_space<hbm>>) target(%arg12 : memref<64xi32, #tpu.memory_space<vmem>>) target_semaphore(%arg33 : memref<!tpu.dma_semaphore, #tpu.memory_space<semaphore_mem>>)
      %dma_wait3A_419 = arith.constant 0 : i32
      %dma_wait3A_420 = arith.constant 0 : i32
      %dma_wait3A_421 = tpu.memref_slice %arg20[%dma_wait3A_419, %dma_wait3A_420] : memref<10112x128xf32, #tpu.memory_space<vmem_shared>> -> memref<10112x128xf32, #tpu.memory_space<vmem_shared>>
      tpu.wait_indirect_dma semaphore(%arg26 : memref<!tpu.dma_semaphore, #tpu.memory_space<semaphore_mem>>) src(%arg16 : memref<64x128xf32, #tpu.memory_space<vmem>>) dst(%dma_wait3A_421 : memref<10112x128xf32, #tpu.memory_space<vmem_shared>>)
      %add3A_422 = arith.constant 1 : i32
      %add3A_423 = arith.addi %add3A_406, %add3A_422 : i32
      %mul3A_424 = arith.constant 64 : i32
      %mul3A_425 = arith.muli %add3A_423, %mul3A_424 : i32
      %multiple_of3A_426 = tpu.assume_multiple %mul3A_425, 64 : i32
      %add3A_427 = arith.constant 320000 : i32
      %add3A_428 = arith.addi %add3A_427, %multiple_of3A_426 : i32
      %dma_start3A_429 = tpu.memref_slice %arg3[%add3A_428] : memref<640000xi32, #tpu.memory_space<hbm>> -> memref<64xi32, #tpu.memory_space<hbm>>
      %dma_start3A_430 = tpu.memref_slice %arg3[%add3A_428] : memref<640000xi32, #tpu.memory_space<hbm>> -> memref<64xi32, #tpu.memory_space<hbm>>
      tpu.enqueue_dma source(%dma_start3A_430 : memref<64xi32, #tpu.memory_space<hbm>>) target(%arg13 : memref<64xi32, #tpu.memory_space<vmem>>) target_semaphore(%arg34 : memref<!tpu.dma_semaphore, #tpu.memory_space<semaphore_mem>>)
      %dma_wait3A_431 = arith.constant 0 : i32
      %dma_wait3A_432 = arith.constant 0 : i32
      %dma_wait3A_433 = tpu.memref_slice %arg20[%dma_wait3A_431, %dma_wait3A_432] : memref<10112x128xf32, #tpu.memory_space<vmem_shared>> -> memref<10112x128xf32, #tpu.memory_space<vmem_shared>>
      tpu.wait_indirect_dma semaphore(%arg27 : memref<!tpu.dma_semaphore, #tpu.memory_space<semaphore_mem>>) src(%arg16 : memref<64x128xf32, #tpu.memory_space<vmem>>) dst(%dma_wait3A_433 : memref<10112x128xf32, #tpu.memory_space<vmem_shared>>)
      %add3A_434 = arith.constant 2 : i32
      %add3A_435 = arith.addi %add3A_406, %add3A_434 : i32
      %mul3A_436 = arith.constant 64 : i32
      %mul3A_437 = arith.muli %add3A_435, %mul3A_436 : i32
      %multiple_of3A_438 = tpu.assume_multiple %mul3A_437, 64 : i32
      %add3A_439 = arith.constant 320000 : i32
      %add3A_440 = arith.addi %add3A_439, %multiple_of3A_438 : i32
      %dma_start3A_441 = tpu.memref_slice %arg3[%add3A_440] : memref<640000xi32, #tpu.memory_space<hbm>> -> memref<64xi32, #tpu.memory_space<hbm>>
      %dma_start3A_442 = tpu.memref_slice %arg3[%add3A_440] : memref<640000xi32, #tpu.memory_space<hbm>> -> memref<64xi32, #tpu.memory_space<hbm>>
      tpu.enqueue_dma source(%dma_start3A_442 : memref<64xi32, #tpu.memory_space<hbm>>) target(%arg14 : memref<64xi32, #tpu.memory_space<vmem>>) target_semaphore(%arg35 : memref<!tpu.dma_semaphore, #tpu.memory_space<semaphore_mem>>)
      %dma_wait3A_443 = arith.constant 0 : i32
      %dma_wait3A_444 = arith.constant 0 : i32
      %dma_wait3A_445 = tpu.memref_slice %arg20[%dma_wait3A_443, %dma_wait3A_444] : memref<10112x128xf32, #tpu.memory_space<vmem_shared>> -> memref<10112x128xf32, #tpu.memory_space<vmem_shared>>
      tpu.wait_indirect_dma semaphore(%arg28 : memref<!tpu.dma_semaphore, #tpu.memory_space<semaphore_mem>>) src(%arg16 : memref<64x128xf32, #tpu.memory_space<vmem>>) dst(%dma_wait3A_445 : memref<10112x128xf32, #tpu.memory_space<vmem_shared>>)
      %add3A_446 = arith.constant 3 : i32
      %add3A_447 = arith.addi %add3A_406, %add3A_446 : i32
      %mul3A_448 = arith.constant 64 : i32
      %mul3A_449 = arith.muli %add3A_447, %mul3A_448 : i32
      %multiple_of3A_450 = tpu.assume_multiple %mul3A_449, 64 : i32
      %add3A_451 = arith.constant 320000 : i32
      %add3A_452 = arith.addi %add3A_451, %multiple_of3A_450 : i32
      %dma_start3A_453 = tpu.memref_slice %arg3[%add3A_452] : memref<640000xi32, #tpu.memory_space<hbm>> -> memref<64xi32, #tpu.memory_space<hbm>>
      %dma_start3A_454 = tpu.memref_slice %arg3[%add3A_452] : memref<640000xi32, #tpu.memory_space<hbm>> -> memref<64xi32, #tpu.memory_space<hbm>>
      tpu.enqueue_dma source(%dma_start3A_454 : memref<64xi32, #tpu.memory_space<hbm>>) target(%arg15 : memref<64xi32, #tpu.memory_space<vmem>>) target_semaphore(%arg36 : memref<!tpu.dma_semaphore, #tpu.memory_space<semaphore_mem>>)
      %dma_wait3A_455 = arith.constant 0 : i32
      %dma_wait3A_456 = tpu.memref_slice %arg3[%dma_wait3A_455] : memref<640000xi32, #tpu.memory_space<hbm>> -> memref<64xi32, #tpu.memory_space<hbm>>
      %dma_wait3A_457 = arith.constant 0 : i32
      %dma_wait3A_458 = tpu.memref_slice %arg3[%dma_wait3A_457] : memref<640000xi32, #tpu.memory_space<hbm>> -> memref<64xi32, #tpu.memory_space<hbm>>
      tpu.wait_dma2 semaphore(%arg33 : memref<!tpu.dma_semaphore, #tpu.memory_space<semaphore_mem>>) src(%dma_wait3A_458 : memref<64xi32, #tpu.memory_space<hbm>>) dst(%arg12 : memref<64xi32, #tpu.memory_space<vmem>>)
      %dma_start3A_459 = arith.constant 0 : i32
      %dma_start3A_460 = arith.constant 0 : i32
      %dma_start3A_461 = tpu.memref_slice %arg20[%dma_start3A_459, %dma_start3A_460] : memref<10112x128xf32, #tpu.memory_space<vmem_shared>> -> memref<10112x128xf32, #tpu.memory_space<vmem_shared>>
      tpu.enqueue_indirect_dma source(%arg16 : memref<64x128xf32, #tpu.memory_space<vmem>>) target(%dma_start3A_461 : memref<10112x128xf32, #tpu.memory_space<vmem_shared>>) offsets(%arg12 : memref<64xi32, #tpu.memory_space<vmem>>) semaphore(%arg25 : memref<!tpu.dma_semaphore, #tpu.memory_space<semaphore_mem>>) {add = true}
      %dma_wait3A_462 = arith.constant 0 : i32
      %dma_wait3A_463 = tpu.memref_slice %arg3[%dma_wait3A_462] : memref<640000xi32, #tpu.memory_space<hbm>> -> memref<64xi32, #tpu.memory_space<hbm>>
      %dma_wait3A_464 = arith.constant 0 : i32
      %dma_wait3A_465 = tpu.memref_slice %arg3[%dma_wait3A_464] : memref<640000xi32, #tpu.memory_space<hbm>> -> memref<64xi32, #tpu.memory_space<hbm>>
      tpu.wait_dma2 semaphore(%arg34 : memref<!tpu.dma_semaphore, #tpu.memory_space<semaphore_mem>>) src(%dma_wait3A_465 : memref<64xi32, #tpu.memory_space<hbm>>) dst(%arg13 : memref<64xi32, #tpu.memory_space<vmem>>)
      %dma_start3A_466 = arith.constant 0 : i32
      %dma_start3A_467 = arith.constant 0 : i32
      %dma_start3A_468 = tpu.memref_slice %arg20[%dma_start3A_466, %dma_start3A_467] : memref<10112x128xf32, #tpu.memory_space<vmem_shared>> -> memref<10112x128xf32, #tpu.memory_space<vmem_shared>>
      tpu.enqueue_indirect_dma source(%arg16 : memref<64x128xf32, #tpu.memory_space<vmem>>) target(%dma_start3A_468 : memref<10112x128xf32, #tpu.memory_space<vmem_shared>>) offsets(%arg13 : memref<64xi32, #tpu.memory_space<vmem>>) semaphore(%arg26 : memref<!tpu.dma_semaphore, #tpu.memory_space<semaphore_mem>>) {add = true}
      %dma_wait3A_469 = arith.constant 0 : i32
      %dma_wait3A_470 = tpu.memref_slice %arg3[%dma_wait3A_469] : memref<640000xi32, #tpu.memory_space<hbm>> -> memref<64xi32, #tpu.memory_space<hbm>>
      %dma_wait3A_471 = arith.constant 0 : i32
      %dma_wait3A_472 = tpu.memref_slice %arg3[%dma_wait3A_471] : memref<640000xi32, #tpu.memory_space<hbm>> -> memref<64xi32, #tpu.memory_space<hbm>>
      tpu.wait_dma2 semaphore(%arg35 : memref<!tpu.dma_semaphore, #tpu.memory_space<semaphore_mem>>) src(%dma_wait3A_472 : memref<64xi32, #tpu.memory_space<hbm>>) dst(%arg14 : memref<64xi32, #tpu.memory_space<vmem>>)
      %dma_start3A_473 = arith.constant 0 : i32
      %dma_start3A_474 = arith.constant 0 : i32
      %dma_start3A_475 = tpu.memref_slice %arg20[%dma_start3A_473, %dma_start3A_474] : memref<10112x128xf32, #tpu.memory_space<vmem_shared>> -> memref<10112x128xf32, #tpu.memory_space<vmem_shared>>
      tpu.enqueue_indirect_dma source(%arg16 : memref<64x128xf32, #tpu.memory_space<vmem>>) target(%dma_start3A_475 : memref<10112x128xf32, #tpu.memory_space<vmem_shared>>) offsets(%arg14 : memref<64xi32, #tpu.memory_space<vmem>>) semaphore(%arg27 : memref<!tpu.dma_semaphore, #tpu.memory_space<semaphore_mem>>) {add = true}
      %dma_wait3A_476 = arith.constant 0 : i32
      %dma_wait3A_477 = tpu.memref_slice %arg3[%dma_wait3A_476] : memref<640000xi32, #tpu.memory_space<hbm>> -> memref<64xi32, #tpu.memory_space<hbm>>
      %dma_wait3A_478 = arith.constant 0 : i32
      %dma_wait3A_479 = tpu.memref_slice %arg3[%dma_wait3A_478] : memref<640000xi32, #tpu.memory_space<hbm>> -> memref<64xi32, #tpu.memory_space<hbm>>
      tpu.wait_dma2 semaphore(%arg36 : memref<!tpu.dma_semaphore, #tpu.memory_space<semaphore_mem>>) src(%dma_wait3A_479 : memref<64xi32, #tpu.memory_space<hbm>>) dst(%arg15 : memref<64xi32, #tpu.memory_space<vmem>>)
      %dma_start3A_480 = arith.constant 0 : i32
      %dma_start3A_481 = arith.constant 0 : i32
      %dma_start3A_482 = tpu.memref_slice %arg20[%dma_start3A_480, %dma_start3A_481] : memref<10112x128xf32, #tpu.memory_space<vmem_shared>> -> memref<10112x128xf32, #tpu.memory_space<vmem_shared>>
      tpu.enqueue_indirect_dma source(%arg16 : memref<64x128xf32, #tpu.memory_space<vmem>>) target(%dma_start3A_482 : memref<10112x128xf32, #tpu.memory_space<vmem_shared>>) offsets(%arg15 : memref<64xi32, #tpu.memory_space<vmem>>) semaphore(%arg28 : memref<!tpu.dma_semaphore, #tpu.memory_space<semaphore_mem>>) {add = true}
    }
    %scan3A_324 = arith.constant 38 : i32
    %dma_wait3A_325 = arith.constant 0 : i32
    %dma_wait3A_326 = arith.constant 0 : i32
    %dma_wait3A_327 = tpu.memref_slice %arg20[%dma_wait3A_325, %dma_wait3A_326] : memref<10112x128xf32, #tpu.memory_space<vmem_shared>> -> memref<10112x128xf32, #tpu.memory_space<vmem_shared>>
    tpu.wait_indirect_dma semaphore(%arg25 : memref<!tpu.dma_semaphore, #tpu.memory_space<semaphore_mem>>) src(%arg16 : memref<64x128xf32, #tpu.memory_space<vmem>>) dst(%dma_wait3A_327 : memref<10112x128xf32, #tpu.memory_space<vmem_shared>>)
    %dma_wait3A_328 = arith.constant 0 : i32
    %dma_wait3A_329 = arith.constant 0 : i32
    %dma_wait3A_330 = tpu.memref_slice %arg20[%dma_wait3A_328, %dma_wait3A_329] : memref<10112x128xf32, #tpu.memory_space<vmem_shared>> -> memref<10112x128xf32, #tpu.memory_space<vmem_shared>>
    tpu.wait_indirect_dma semaphore(%arg26 : memref<!tpu.dma_semaphore, #tpu.memory_space<semaphore_mem>>) src(%arg16 : memref<64x128xf32, #tpu.memory_space<vmem>>) dst(%dma_wait3A_330 : memref<10112x128xf32, #tpu.memory_space<vmem_shared>>)
    %dma_wait3A_331 = arith.constant 0 : i32
    %dma_wait3A_332 = arith.constant 0 : i32
    %dma_wait3A_333 = tpu.memref_slice %arg20[%dma_wait3A_331, %dma_wait3A_332] : memref<10112x128xf32, #tpu.memory_space<vmem_shared>> -> memref<10112x128xf32, #tpu.memory_space<vmem_shared>>
    tpu.wait_indirect_dma semaphore(%arg27 : memref<!tpu.dma_semaphore, #tpu.memory_space<semaphore_mem>>) src(%arg16 : memref<64x128xf32, #tpu.memory_space<vmem>>) dst(%dma_wait3A_333 : memref<10112x128xf32, #tpu.memory_space<vmem_shared>>)
    %dma_wait3A_334 = arith.constant 0 : i32
    %dma_wait3A_335 = arith.constant 0 : i32
    %dma_wait3A_336 = tpu.memref_slice %arg20[%dma_wait3A_334, %dma_wait3A_335] : memref<10112x128xf32, #tpu.memory_space<vmem_shared>> -> memref<10112x128xf32, #tpu.memory_space<vmem_shared>>
    tpu.wait_indirect_dma semaphore(%arg28 : memref<!tpu.dma_semaphore, #tpu.memory_space<semaphore_mem>>) src(%arg16 : memref<64x128xf32, #tpu.memory_space<vmem>>) dst(%dma_wait3A_336 : memref<10112x128xf32, #tpu.memory_space<vmem_shared>>)
    %lt3A_337 = arith.constant 8 : i32
    %lt3A_338 = arith.cmpi slt, %add3A, %lt3A_337 : i32
    %convert_element_type3A_339 = arith.extui %lt3A_338 : i1 to i32
    %cond3A_340 = arith.constant 0 : i32
    %cond3A_341 = arith.cmpi ne, %convert_element_type3A_339, %cond3A_340 : i32
    scf.if %cond3A_341 {
      %add3A_403 = arith.constant 4992 : i32
      %add3A_404 = arith.addi %add3A_403, %add3A : i32
      %mul3A_405 = arith.constant 64 : i32
      %mul3A_406 = arith.muli %add3A_404, %mul3A_405 : i32
      %multiple_of3A_407 = tpu.assume_multiple %mul3A_406, 64 : i32
      %add3A_408 = arith.constant 320000 : i32
      %add3A_409 = arith.addi %add3A_408, %multiple_of3A_407 : i32
      %dma_start3A_410 = tpu.memref_slice %arg3[%add3A_409] : memref<640000xi32, #tpu.memory_space<hbm>> -> memref<64xi32, #tpu.memory_space<hbm>>
      %dma_start3A_411 = tpu.memref_slice %arg3[%add3A_409] : memref<640000xi32, #tpu.memory_space<hbm>> -> memref<64xi32, #tpu.memory_space<hbm>>
      tpu.enqueue_dma source(%dma_start3A_411 : memref<64xi32, #tpu.memory_space<hbm>>) target(%arg12 : memref<64xi32, #tpu.memory_space<vmem>>) target_semaphore(%arg33 : memref<!tpu.dma_semaphore, #tpu.memory_space<semaphore_mem>>)
      %dma_wait3A_412 = arith.constant 0 : i32
      %dma_wait3A_413 = tpu.memref_slice %arg3[%dma_wait3A_412] : memref<640000xi32, #tpu.memory_space<hbm>> -> memref<64xi32, #tpu.memory_space<hbm>>
      %dma_wait3A_414 = arith.constant 0 : i32
      %dma_wait3A_415 = tpu.memref_slice %arg3[%dma_wait3A_414] : memref<640000xi32, #tpu.memory_space<hbm>> -> memref<64xi32, #tpu.memory_space<hbm>>
      tpu.wait_dma2 semaphore(%arg33 : memref<!tpu.dma_semaphore, #tpu.memory_space<semaphore_mem>>) src(%dma_wait3A_415 : memref<64xi32, #tpu.memory_space<hbm>>) dst(%arg12 : memref<64xi32, #tpu.memory_space<vmem>>)
      %dma_start3A_416 = arith.constant 0 : i32
      %dma_start3A_417 = arith.constant 0 : i32
      %dma_start3A_418 = tpu.memref_slice %arg20[%dma_start3A_416, %dma_start3A_417] : memref<10112x128xf32, #tpu.memory_space<vmem_shared>> -> memref<10112x128xf32, #tpu.memory_space<vmem_shared>>
      tpu.enqueue_indirect_dma source(%arg16 : memref<64x128xf32, #tpu.memory_space<vmem>>) target(%dma_start3A_418 : memref<10112x128xf32, #tpu.memory_space<vmem_shared>>) offsets(%arg12 : memref<64xi32, #tpu.memory_space<vmem>>) semaphore(%arg25 : memref<!tpu.dma_semaphore, #tpu.memory_space<semaphore_mem>>) {add = true}
      %dma_wait3A_419 = arith.constant 0 : i32
      %dma_wait3A_420 = arith.constant 0 : i32
      %dma_wait3A_421 = tpu.memref_slice %arg20[%dma_wait3A_419, %dma_wait3A_420] : memref<10112x128xf32, #tpu.memory_space<vmem_shared>> -> memref<10112x128xf32, #tpu.memory_space<vmem_shared>>
      tpu.wait_indirect_dma semaphore(%arg25 : memref<!tpu.dma_semaphore, #tpu.memory_space<semaphore_mem>>) src(%arg16 : memref<64x128xf32, #tpu.memory_space<vmem>>) dst(%dma_wait3A_421 : memref<10112x128xf32, #tpu.memory_space<vmem_shared>>)
    } else {
    }
    %barrier3A_342 = arith.constant 0 : index
    tpu.barrier barrier_id(%barrier3A_342)
    %add3A_343 = arith.constant 0 : i32
    %add3A_344 = arith.addi %mul3A_2, %add3A_343 : i32
    "tpu.region"() ({
      %run_scoped3A = tpu.sem_alloc : memref<!tpu.dma_semaphore, #tpu.memory_space<semaphore_mem>>
      %dma_start3A_403 = arith.constant 0 : i32
      %dma_start3A_404 = arith.constant 0 : i32
      %dma_start3A_405 = tpu.memref_slice %arg17[%dma_start3A_403, %dma_start3A_404] : memref<64x128xf32, #tpu.memory_space<vmem>> -> memref<64x128xf32, #tpu.memory_space<vmem>>
      %dma_start3A_406 = arith.constant 0 : i32
      %dma_start3A_407 = tpu.memref_slice %arg20[%add3A_344, %dma_start3A_406] : memref<10112x128xf32, #tpu.memory_space<vmem_shared>> -> memref<64x128xf32, #tpu.memory_space<vmem_shared>>
      %dma_start3A_408 = arith.constant 0 : i32
      %dma_start3A_409 = arith.constant 0 : i32
      %dma_start3A_410 = tpu.memref_slice %arg17[%dma_start3A_408, %dma_start3A_409] : memref<64x128xf32, #tpu.memory_space<vmem>> -> memref<64x128xf32, #tpu.memory_space<vmem>>
      %dma_start3A_411 = arith.constant 0 : i32
      %dma_start3A_412 = tpu.memref_slice %arg20[%add3A_344, %dma_start3A_411] : memref<10112x128xf32, #tpu.memory_space<vmem_shared>> -> memref<64x128xf32, #tpu.memory_space<vmem_shared>>
      tpu.enqueue_dma source(%dma_start3A_412 : memref<64x128xf32, #tpu.memory_space<vmem_shared>>) target(%dma_start3A_410 : memref<64x128xf32, #tpu.memory_space<vmem>>) target_semaphore(%run_scoped3A : memref<!tpu.dma_semaphore, #tpu.memory_space<semaphore_mem>>)
      %dma_wait3A_413 = arith.constant 0 : i32
      %dma_wait3A_414 = arith.constant 0 : i32
      %dma_wait3A_415 = tpu.memref_slice %arg17[%dma_wait3A_413, %dma_wait3A_414] : memref<64x128xf32, #tpu.memory_space<vmem>> -> memref<64x128xf32, #tpu.memory_space<vmem>>
      %dma_wait3A_416 = arith.constant 0 : i32
      %dma_wait3A_417 = tpu.memref_slice %arg20[%add3A_344, %dma_wait3A_416] : memref<10112x128xf32, #tpu.memory_space<vmem_shared>> -> memref<64x128xf32, #tpu.memory_space<vmem_shared>>
      %dma_wait3A_418 = arith.constant 0 : i32
      %dma_wait3A_419 = arith.constant 0 : i32
      %dma_wait3A_420 = tpu.memref_slice %arg17[%dma_wait3A_418, %dma_wait3A_419] : memref<64x128xf32, #tpu.memory_space<vmem>> -> memref<64x128xf32, #tpu.memory_space<vmem>>
      %dma_wait3A_421 = arith.constant 0 : i32
      %dma_wait3A_422 = tpu.memref_slice %arg20[%add3A_344, %dma_wait3A_421] : memref<10112x128xf32, #tpu.memory_space<vmem_shared>> -> memref<64x128xf32, #tpu.memory_space<vmem_shared>>
      tpu.wait_dma2 semaphore(%run_scoped3A : memref<!tpu.dma_semaphore, #tpu.memory_space<semaphore_mem>>) src(%dma_wait3A_422 : memref<64x128xf32, #tpu.memory_space<vmem_shared>>) dst(%dma_wait3A_420 : memref<64x128xf32, #tpu.memory_space<vmem>>)
      tpu.yield
    }) : () -> ()
    %mul3A_345 = arith.constant 10112 : i32
    %mul3A_346 = arith.muli %arg0, %mul3A_345 : i32
    %add3A_347 = arith.addi %mul3A_346, %add3A_344 : i32
    "tpu.region"() ({
      %run_scoped3A = tpu.sem_alloc : memref<!tpu.dma_semaphore, #tpu.memory_space<semaphore_mem>>
      %dma_start3A_403 = arith.constant 0 : i32
      %dma_start3A_404 = arith.constant 0 : i32
      %dma_start3A_405 = tpu.memref_slice %arg17[%dma_start3A_403, %dma_start3A_404] : memref<64x128xf32, #tpu.memory_space<vmem>> -> memref<64x128xf32, #tpu.memory_space<vmem>>
      %dma_start3A_406 = arith.constant 0 : i32
      %dma_start3A_407 = tpu.memref_slice %arg7[%add3A_347, %dma_start3A_406] : memref<20224x128xf32, #tpu.memory_space<hbm>> -> memref<64x128xf32, #tpu.memory_space<hbm>>
      %dma_start3A_408 = arith.constant 0 : i32
      %dma_start3A_409 = tpu.memref_slice %arg7[%add3A_347, %dma_start3A_408] : memref<20224x128xf32, #tpu.memory_space<hbm>> -> memref<64x128xf32, #tpu.memory_space<hbm>>
      %dma_start3A_410 = arith.constant 0 : i32
      %dma_start3A_411 = arith.constant 0 : i32
      %dma_start3A_412 = tpu.memref_slice %arg17[%dma_start3A_410, %dma_start3A_411] : memref<64x128xf32, #tpu.memory_space<vmem>> -> memref<64x128xf32, #tpu.memory_space<vmem>>
      tpu.enqueue_dma source(%dma_start3A_412 : memref<64x128xf32, #tpu.memory_space<vmem>>) target(%dma_start3A_409 : memref<64x128xf32, #tpu.memory_space<hbm>>) target_semaphore(%run_scoped3A : memref<!tpu.dma_semaphore, #tpu.memory_space<semaphore_mem>>)
      %dma_wait3A_413 = arith.constant 0 : i32
      %dma_wait3A_414 = arith.constant 0 : i32
      %dma_wait3A_415 = tpu.memref_slice %arg17[%dma_wait3A_413, %dma_wait3A_414] : memref<64x128xf32, #tpu.memory_space<vmem>> -> memref<64x128xf32, #tpu.memory_space<vmem>>
      %dma_wait3A_416 = arith.constant 0 : i32
      %dma_wait3A_417 = tpu.memref_slice %arg7[%add3A_347, %dma_wait3A_416] : memref<20224x128xf32, #tpu.memory_space<hbm>> -> memref<64x128xf32, #tpu.memory_space<hbm>>
      %dma_wait3A_418 = arith.constant 0 : i32
      %dma_wait3A_419 = tpu.memref_slice %arg7[%add3A_347, %dma_wait3A_418] : memref<20224x128xf32, #tpu.memory_space<hbm>> -> memref<64x128xf32, #tpu.memory_space<hbm>>
      %dma_wait3A_420 = arith.constant 0 : i32
      %dma_wait3A_421 = arith.constant 0 : i32
      %dma_wait3A_422 = tpu.memref_slice %arg17[%dma_wait3A_420, %dma_wait3A_421] : memref<64x128xf32, #tpu.memory_space<vmem>> -> memref<64x128xf32, #tpu.memory_space<vmem>>
      tpu.wait_dma2 semaphore(%run_scoped3A : memref<!tpu.dma_semaphore, #tpu.memory_space<semaphore_mem>>) src(%dma_wait3A_422 : memref<64x128xf32, #tpu.memory_space<vmem>>) dst(%dma_wait3A_419 : memref<64x128xf32, #tpu.memory_space<hbm>>)
      tpu.yield
    }) : () -> ()
    %add3A_348 = arith.constant 64 : i32
    %add3A_349 = arith.addi %add3A_344, %add3A_348 : i32
    "tpu.region"() ({
      %run_scoped3A = tpu.sem_alloc : memref<!tpu.dma_semaphore, #tpu.memory_space<semaphore_mem>>
      %dma_start3A_403 = arith.constant 0 : i32
      %dma_start3A_404 = arith.constant 0 : i32
      %dma_start3A_405 = tpu.memref_slice %arg18[%dma_start3A_403, %dma_start3A_404] : memref<64x128xf32, #tpu.memory_space<vmem>> -> memref<64x128xf32, #tpu.memory_space<vmem>>
      %dma_start3A_406 = arith.constant 0 : i32
      %dma_start3A_407 = tpu.memref_slice %arg20[%add3A_349, %dma_start3A_406] : memref<10112x128xf32, #tpu.memory_space<vmem_shared>> -> memref<64x128xf32, #tpu.memory_space<vmem_shared>>
      %dma_start3A_408 = arith.constant 0 : i32
      %dma_start3A_409 = arith.constant 0 : i32
      %dma_start3A_410 = tpu.memref_slice %arg18[%dma_start3A_408, %dma_start3A_409] : memref<64x128xf32, #tpu.memory_space<vmem>> -> memref<64x128xf32, #tpu.memory_space<vmem>>
      %dma_start3A_411 = arith.constant 0 : i32
      %dma_start3A_412 = tpu.memref_slice %arg20[%add3A_349, %dma_start3A_411] : memref<10112x128xf32, #tpu.memory_space<vmem_shared>> -> memref<64x128xf32, #tpu.memory_space<vmem_shared>>
      tpu.enqueue_dma source(%dma_start3A_412 : memref<64x128xf32, #tpu.memory_space<vmem_shared>>) target(%dma_start3A_410 : memref<64x128xf32, #tpu.memory_space<vmem>>) target_semaphore(%run_scoped3A : memref<!tpu.dma_semaphore, #tpu.memory_space<semaphore_mem>>)
      %dma_wait3A_413 = arith.constant 0 : i32
      %dma_wait3A_414 = arith.constant 0 : i32
      %dma_wait3A_415 = tpu.memref_slice %arg18[%dma_wait3A_413, %dma_wait3A_414] : memref<64x128xf32, #tpu.memory_space<vmem>> -> memref<64x128xf32, #tpu.memory_space<vmem>>
      %dma_wait3A_416 = arith.constant 0 : i32
      %dma_wait3A_417 = tpu.memref_slice %arg20[%add3A_349, %dma_wait3A_416] : memref<10112x128xf32, #tpu.memory_space<vmem_shared>> -> memref<64x128xf32, #tpu.memory_space<vmem_shared>>
      %dma_wait3A_418 = arith.constant 0 : i32
      %dma_wait3A_419 = arith.constant 0 : i32
      %dma_wait3A_420 = tpu.memref_slice %arg18[%dma_wait3A_418, %dma_wait3A_419] : memref<64x128xf32, #tpu.memory_space<vmem>> -> memref<64x128xf32, #tpu.memory_space<vmem>>
      %dma_wait3A_421 = arith.constant 0 : i32
      %dma_wait3A_422 = tpu.memref_slice %arg20[%add3A_349, %dma_wait3A_421] : memref<10112x128xf32, #tpu.memory_space<vmem_shared>> -> memref<64x128xf32, #tpu.memory_space<vmem_shared>>
      tpu.wait_dma2 semaphore(%run_scoped3A : memref<!tpu.dma_semaphore, #tpu.memory_space<semaphore_mem>>) src(%dma_wait3A_422 : memref<64x128xf32, #tpu.memory_space<vmem_shared>>) dst(%dma_wait3A_420 : memref<64x128xf32, #tpu.memory_space<vmem>>)
      tpu.yield
    }) : () -> ()
    %mul3A_350 = arith.constant 10112 : i32
    %mul3A_351 = arith.muli %arg0, %mul3A_350 : i32
    %add3A_352 = arith.addi %mul3A_351, %add3A_344 : i32
    %add3A_353 = arith.constant 64 : i32
    %add3A_354 = arith.addi %add3A_352, %add3A_353 : i32
    "tpu.region"() ({
      %run_scoped3A = tpu.sem_alloc : memref<!tpu.dma_semaphore, #tpu.memory_space<semaphore_mem>>
      %dma_start3A_403 = arith.constant 0 : i32
      %dma_start3A_404 = arith.constant 0 : i32
      %dma_start3A_405 = tpu.memref_slice %arg18[%dma_start3A_403, %dma_start3A_404] : memref<64x128xf32, #tpu.memory_space<vmem>> -> memref<64x128xf32, #tpu.memory_space<vmem>>
      %dma_start3A_406 = arith.constant 0 : i32
      %dma_start3A_407 = tpu.memref_slice %arg7[%add3A_354, %dma_start3A_406] : memref<20224x128xf32, #tpu.memory_space<hbm>> -> memref<64x128xf32, #tpu.memory_space<hbm>>
      %dma_start3A_408 = arith.constant 0 : i32
      %dma_start3A_409 = tpu.memref_slice %arg7[%add3A_354, %dma_start3A_408] : memref<20224x128xf32, #tpu.memory_space<hbm>> -> memref<64x128xf32, #tpu.memory_space<hbm>>
      %dma_start3A_410 = arith.constant 0 : i32
      %dma_start3A_411 = arith.constant 0 : i32
      %dma_start3A_412 = tpu.memref_slice %arg18[%dma_start3A_410, %dma_start3A_411] : memref<64x128xf32, #tpu.memory_space<vmem>> -> memref<64x128xf32, #tpu.memory_space<vmem>>
      tpu.enqueue_dma source(%dma_start3A_412 : memref<64x128xf32, #tpu.memory_space<vmem>>) target(%dma_start3A_409 : memref<64x128xf32, #tpu.memory_space<hbm>>) target_semaphore(%run_scoped3A : memref<!tpu.dma_semaphore, #tpu.memory_space<semaphore_mem>>)
      %dma_wait3A_413 = arith.constant 0 : i32
      %dma_wait3A_414 = arith.constant 0 : i32
      %dma_wait3A_415 = tpu.memref_slice %arg18[%dma_wait3A_413, %dma_wait3A_414] : memref<64x128xf32, #tpu.memory_space<vmem>> -> memref<64x128xf32, #tpu.memory_space<vmem>>
      %dma_wait3A_416 = arith.constant 0 : i32
      %dma_wait3A_417 = tpu.memref_slice %arg7[%add3A_354, %dma_wait3A_416] : memref<20224x128xf32, #tpu.memory_space<hbm>> -> memref<64x128xf32, #tpu.memory_space<hbm>>
      %dma_wait3A_418 = arith.constant 0 : i32
      %dma_wait3A_419 = tpu.memref_slice %arg7[%add3A_354, %dma_wait3A_418] : memref<20224x128xf32, #tpu.memory_space<hbm>> -> memref<64x128xf32, #tpu.memory_space<hbm>>
      %dma_wait3A_420 = arith.constant 0 : i32
      %dma_wait3A_421 = arith.constant 0 : i32
      %dma_wait3A_422 = tpu.memref_slice %arg18[%dma_wait3A_420, %dma_wait3A_421] : memref<64x128xf32, #tpu.memory_space<vmem>> -> memref<64x128xf32, #tpu.memory_space<vmem>>
      tpu.wait_dma2 semaphore(%run_scoped3A : memref<!tpu.dma_semaphore, #tpu.memory_space<semaphore_mem>>) src(%dma_wait3A_422 : memref<64x128xf32, #tpu.memory_space<vmem>>) dst(%dma_wait3A_419 : memref<64x128xf32, #tpu.memory_space<hbm>>)
      tpu.yield
    }) : () -> ()
    %add3A_355 = arith.constant 128 : i32
    %add3A_356 = arith.addi %mul3A_2, %add3A_355 : i32
    "tpu.region"() ({
      %run_scoped3A = tpu.sem_alloc : memref<!tpu.dma_semaphore, #tpu.memory_space<semaphore_mem>>
      %dma_start3A_403 = arith.constant 0 : i32
      %dma_start3A_404 = arith.constant 0 : i32
      %dma_start3A_405 = tpu.memref_slice %arg17[%dma_start3A_403, %dma_start3A_404] : memref<64x128xf32, #tpu.memory_space<vmem>> -> memref<64x128xf32, #tpu.memory_space<vmem>>
      %dma_start3A_406 = arith.constant 0 : i32
      %dma_start3A_407 = tpu.memref_slice %arg20[%add3A_356, %dma_start3A_406] : memref<10112x128xf32, #tpu.memory_space<vmem_shared>> -> memref<64x128xf32, #tpu.memory_space<vmem_shared>>
      %dma_start3A_408 = arith.constant 0 : i32
      %dma_start3A_409 = arith.constant 0 : i32
      %dma_start3A_410 = tpu.memref_slice %arg17[%dma_start3A_408, %dma_start3A_409] : memref<64x128xf32, #tpu.memory_space<vmem>> -> memref<64x128xf32, #tpu.memory_space<vmem>>
      %dma_start3A_411 = arith.constant 0 : i32
      %dma_start3A_412 = tpu.memref_slice %arg20[%add3A_356, %dma_start3A_411] : memref<10112x128xf32, #tpu.memory_space<vmem_shared>> -> memref<64x128xf32, #tpu.memory_space<vmem_shared>>
      tpu.enqueue_dma source(%dma_start3A_412 : memref<64x128xf32, #tpu.memory_space<vmem_shared>>) target(%dma_start3A_410 : memref<64x128xf32, #tpu.memory_space<vmem>>) target_semaphore(%run_scoped3A : memref<!tpu.dma_semaphore, #tpu.memory_space<semaphore_mem>>)
      %dma_wait3A_413 = arith.constant 0 : i32
      %dma_wait3A_414 = arith.constant 0 : i32
      %dma_wait3A_415 = tpu.memref_slice %arg17[%dma_wait3A_413, %dma_wait3A_414] : memref<64x128xf32, #tpu.memory_space<vmem>> -> memref<64x128xf32, #tpu.memory_space<vmem>>
      %dma_wait3A_416 = arith.constant 0 : i32
      %dma_wait3A_417 = tpu.memref_slice %arg20[%add3A_356, %dma_wait3A_416] : memref<10112x128xf32, #tpu.memory_space<vmem_shared>> -> memref<64x128xf32, #tpu.memory_space<vmem_shared>>
      %dma_wait3A_418 = arith.constant 0 : i32
      %dma_wait3A_419 = arith.constant 0 : i32
      %dma_wait3A_420 = tpu.memref_slice %arg17[%dma_wait3A_418, %dma_wait3A_419] : memref<64x128xf32, #tpu.memory_space<vmem>> -> memref<64x128xf32, #tpu.memory_space<vmem>>
      %dma_wait3A_421 = arith.constant 0 : i32
      %dma_wait3A_422 = tpu.memref_slice %arg20[%add3A_356, %dma_wait3A_421] : memref<10112x128xf32, #tpu.memory_space<vmem_shared>> -> memref<64x128xf32, #tpu.memory_space<vmem_shared>>
      tpu.wait_dma2 semaphore(%run_scoped3A : memref<!tpu.dma_semaphore, #tpu.memory_space<semaphore_mem>>) src(%dma_wait3A_422 : memref<64x128xf32, #tpu.memory_space<vmem_shared>>) dst(%dma_wait3A_420 : memref<64x128xf32, #tpu.memory_space<vmem>>)
      tpu.yield
    }) : () -> ()
    %mul3A_357 = arith.constant 10112 : i32
    %mul3A_358 = arith.muli %arg0, %mul3A_357 : i32
    %add3A_359 = arith.addi %mul3A_358, %add3A_356 : i32
    "tpu.region"() ({
      %run_scoped3A = tpu.sem_alloc : memref<!tpu.dma_semaphore, #tpu.memory_space<semaphore_mem>>
      %dma_start3A_403 = arith.constant 0 : i32
      %dma_start3A_404 = arith.constant 0 : i32
      %dma_start3A_405 = tpu.memref_slice %arg17[%dma_start3A_403, %dma_start3A_404] : memref<64x128xf32, #tpu.memory_space<vmem>> -> memref<64x128xf32, #tpu.memory_space<vmem>>
      %dma_start3A_406 = arith.constant 0 : i32
      %dma_start3A_407 = tpu.memref_slice %arg7[%add3A_359, %dma_start3A_406] : memref<20224x128xf32, #tpu.memory_space<hbm>> -> memref<64x128xf32, #tpu.memory_space<hbm>>
      %dma_start3A_408 = arith.constant 0 : i32
      %dma_start3A_409 = tpu.memref_slice %arg7[%add3A_359, %dma_start3A_408] : memref<20224x128xf32, #tpu.memory_space<hbm>> -> memref<64x128xf32, #tpu.memory_space<hbm>>
      %dma_start3A_410 = arith.constant 0 : i32
      %dma_start3A_411 = arith.constant 0 : i32
      %dma_start3A_412 = tpu.memref_slice %arg17[%dma_start3A_410, %dma_start3A_411] : memref<64x128xf32, #tpu.memory_space<vmem>> -> memref<64x128xf32, #tpu.memory_space<vmem>>
      tpu.enqueue_dma source(%dma_start3A_412 : memref<64x128xf32, #tpu.memory_space<vmem>>) target(%dma_start3A_409 : memref<64x128xf32, #tpu.memory_space<hbm>>) target_semaphore(%run_scoped3A : memref<!tpu.dma_semaphore, #tpu.memory_space<semaphore_mem>>)
      %dma_wait3A_413 = arith.constant 0 : i32
      %dma_wait3A_414 = arith.constant 0 : i32
      %dma_wait3A_415 = tpu.memref_slice %arg17[%dma_wait3A_413, %dma_wait3A_414] : memref<64x128xf32, #tpu.memory_space<vmem>> -> memref<64x128xf32, #tpu.memory_space<vmem>>
      %dma_wait3A_416 = arith.constant 0 : i32
      %dma_wait3A_417 = tpu.memref_slice %arg7[%add3A_359, %dma_wait3A_416] : memref<20224x128xf32, #tpu.memory_space<hbm>> -> memref<64x128xf32, #tpu.memory_space<hbm>>
      %dma_wait3A_418 = arith.constant 0 : i32
      %dma_wait3A_419 = tpu.memref_slice %arg7[%add3A_359, %dma_wait3A_418] : memref<20224x128xf32, #tpu.memory_space<hbm>> -> memref<64x128xf32, #tpu.memory_space<hbm>>
      %dma_wait3A_420 = arith.constant 0 : i32
      %dma_wait3A_421 = arith.constant 0 : i32
      %dma_wait3A_422 = tpu.memref_slice %arg17[%dma_wait3A_420, %dma_wait3A_421] : memref<64x128xf32, #tpu.memory_space<vmem>> -> memref<64x128xf32, #tpu.memory_space<vmem>>
      tpu.wait_dma2 semaphore(%run_scoped3A : memref<!tpu.dma_semaphore, #tpu.memory_space<semaphore_mem>>) src(%dma_wait3A_422 : memref<64x128xf32, #tpu.memory_space<vmem>>) dst(%dma_wait3A_419 : memref<64x128xf32, #tpu.memory_space<hbm>>)
      tpu.yield
    }) : () -> ()
    %add3A_360 = arith.constant 64 : i32
    %add3A_361 = arith.addi %add3A_356, %add3A_360 : i32
    "tpu.region"() ({
      %run_scoped3A = tpu.sem_alloc : memref<!tpu.dma_semaphore, #tpu.memory_space<semaphore_mem>>
      %dma_start3A_403 = arith.constant 0 : i32
      %dma_start3A_404 = arith.constant 0 : i32
      %dma_start3A_405 = tpu.memref_slice %arg18[%dma_start3A_403, %dma_start3A_404] : memref<64x128xf32, #tpu.memory_space<vmem>> -> memref<64x128xf32, #tpu.memory_space<vmem>>
      %dma_start3A_406 = arith.constant 0 : i32
      %dma_start3A_407 = tpu.memref_slice %arg20[%add3A_361, %dma_start3A_406] : memref<10112x128xf32, #tpu.memory_space<vmem_shared>> -> memref<64x128xf32, #tpu.memory_space<vmem_shared>>
      %dma_start3A_408 = arith.constant 0 : i32
      %dma_start3A_409 = arith.constant 0 : i32
      %dma_start3A_410 = tpu.memref_slice %arg18[%dma_start3A_408, %dma_start3A_409] : memref<64x128xf32, #tpu.memory_space<vmem>> -> memref<64x128xf32, #tpu.memory_space<vmem>>
      %dma_start3A_411 = arith.constant 0 : i32
      %dma_start3A_412 = tpu.memref_slice %arg20[%add3A_361, %dma_start3A_411] : memref<10112x128xf32, #tpu.memory_space<vmem_shared>> -> memref<64x128xf32, #tpu.memory_space<vmem_shared>>
      tpu.enqueue_dma source(%dma_start3A_412 : memref<64x128xf32, #tpu.memory_space<vmem_shared>>) target(%dma_start3A_410 : memref<64x128xf32, #tpu.memory_space<vmem>>) target_semaphore(%run_scoped3A : memref<!tpu.dma_semaphore, #tpu.memory_space<semaphore_mem>>)
      %dma_wait3A_413 = arith.constant 0 : i32
      %dma_wait3A_414 = arith.constant 0 : i32
      %dma_wait3A_415 = tpu.memref_slice %arg18[%dma_wait3A_413, %dma_wait3A_414] : memref<64x128xf32, #tpu.memory_space<vmem>> -> memref<64x128xf32, #tpu.memory_space<vmem>>
      %dma_wait3A_416 = arith.constant 0 : i32
      %dma_wait3A_417 = tpu.memref_slice %arg20[%add3A_361, %dma_wait3A_416] : memref<10112x128xf32, #tpu.memory_space<vmem_shared>> -> memref<64x128xf32, #tpu.memory_space<vmem_shared>>
      %dma_wait3A_418 = arith.constant 0 : i32
      %dma_wait3A_419 = arith.constant 0 : i32
      %dma_wait3A_420 = tpu.memref_slice %arg18[%dma_wait3A_418, %dma_wait3A_419] : memref<64x128xf32, #tpu.memory_space<vmem>> -> memref<64x128xf32, #tpu.memory_space<vmem>>
      %dma_wait3A_421 = arith.constant 0 : i32
      %dma_wait3A_422 = tpu.memref_slice %arg20[%add3A_361, %dma_wait3A_421] : memref<10112x128xf32, #tpu.memory_space<vmem_shared>> -> memref<64x128xf32, #tpu.memory_space<vmem_shared>>
      tpu.wait_dma2 semaphore(%run_scoped3A : memref<!tpu.dma_semaphore, #tpu.memory_space<semaphore_mem>>) src(%dma_wait3A_422 : memref<64x128xf32, #tpu.memory_space<vmem_shared>>) dst(%dma_wait3A_420 : memref<64x128xf32, #tpu.memory_space<vmem>>)
      tpu.yield
    }) : () -> ()
    %mul3A_362 = arith.constant 10112 : i32
    %mul3A_363 = arith.muli %arg0, %mul3A_362 : i32
    %add3A_364 = arith.addi %mul3A_363, %add3A_356 : i32
    %add3A_365 = arith.constant 64 : i32
    %add3A_366 = arith.addi %add3A_364, %add3A_365 : i32
    "tpu.region"() ({
      %run_scoped3A = tpu.sem_alloc : memref<!tpu.dma_semaphore, #tpu.memory_space<semaphore_mem>>
      %dma_start3A_403 = arith.constant 0 : i32
      %dma_start3A_404 = arith.constant 0 : i32
      %dma_start3A_405 = tpu.memref_slice %arg18[%dma_start3A_403, %dma_start3A_404] : memref<64x128xf32, #tpu.memory_space<vmem>> -> memref<64x128xf32, #tpu.memory_space<vmem>>
      %dma_start3A_406 = arith.constant 0 : i32
      %dma_start3A_407 = tpu.memref_slice %arg7[%add3A_366, %dma_start3A_406] : memref<20224x128xf32, #tpu.memory_space<hbm>> -> memref<64x128xf32, #tpu.memory_space<hbm>>
      %dma_start3A_408 = arith.constant 0 : i32
      %dma_start3A_409 = tpu.memref_slice %arg7[%add3A_366, %dma_start3A_408] : memref<20224x128xf32, #tpu.memory_space<hbm>> -> memref<64x128xf32, #tpu.memory_space<hbm>>
      %dma_start3A_410 = arith.constant 0 : i32
      %dma_start3A_411 = arith.constant 0 : i32
      %dma_start3A_412 = tpu.memref_slice %arg18[%dma_start3A_410, %dma_start3A_411] : memref<64x128xf32, #tpu.memory_space<vmem>> -> memref<64x128xf32, #tpu.memory_space<vmem>>
      tpu.enqueue_dma source(%dma_start3A_412 : memref<64x128xf32, #tpu.memory_space<vmem>>) target(%dma_start3A_409 : memref<64x128xf32, #tpu.memory_space<hbm>>) target_semaphore(%run_scoped3A : memref<!tpu.dma_semaphore, #tpu.memory_space<semaphore_mem>>)
      %dma_wait3A_413 = arith.constant 0 : i32
      %dma_wait3A_414 = arith.constant 0 : i32
      %dma_wait3A_415 = tpu.memref_slice %arg18[%dma_wait3A_413, %dma_wait3A_414] : memref<64x128xf32, #tpu.memory_space<vmem>> -> memref<64x128xf32, #tpu.memory_space<vmem>>
      %dma_wait3A_416 = arith.constant 0 : i32
      %dma_wait3A_417 = tpu.memref_slice %arg7[%add3A_366, %dma_wait3A_416] : memref<20224x128xf32, #tpu.memory_space<hbm>> -> memref<64x128xf32, #tpu.memory_space<hbm>>
      %dma_wait3A_418 = arith.constant 0 : i32
      %dma_wait3A_419 = tpu.memref_slice %arg7[%add3A_366, %dma_wait3A_418] : memref<20224x128xf32, #tpu.memory_space<hbm>> -> memref<64x128xf32, #tpu.memory_space<hbm>>
      %dma_wait3A_420 = arith.constant 0 : i32
      %dma_wait3A_421 = arith.constant 0 : i32
      %dma_wait3A_422 = tpu.memref_slice %arg18[%dma_wait3A_420, %dma_wait3A_421] : memref<64x128xf32, #tpu.memory_space<vmem>> -> memref<64x128xf32, #tpu.memory_space<vmem>>
      tpu.wait_dma2 semaphore(%run_scoped3A : memref<!tpu.dma_semaphore, #tpu.memory_space<semaphore_mem>>) src(%dma_wait3A_422 : memref<64x128xf32, #tpu.memory_space<vmem>>) dst(%dma_wait3A_419 : memref<64x128xf32, #tpu.memory_space<hbm>>)
      tpu.yield
    }) : () -> ()
    %add3A_367 = arith.constant 256 : i32
    %add3A_368 = arith.addi %mul3A_2, %add3A_367 : i32
    "tpu.region"() ({
      %run_scoped3A = tpu.sem_alloc : memref<!tpu.dma_semaphore, #tpu.memory_space<semaphore_mem>>
      %dma_start3A_403 = arith.constant 0 : i32
      %dma_start3A_404 = arith.constant 0 : i32
      %dma_start3A_405 = tpu.memref_slice %arg17[%dma_start3A_403, %dma_start3A_404] : memref<64x128xf32, #tpu.memory_space<vmem>> -> memref<64x128xf32, #tpu.memory_space<vmem>>
      %dma_start3A_406 = arith.constant 0 : i32
      %dma_start3A_407 = tpu.memref_slice %arg20[%add3A_368, %dma_start3A_406] : memref<10112x128xf32, #tpu.memory_space<vmem_shared>> -> memref<64x128xf32, #tpu.memory_space<vmem_shared>>
      %dma_start3A_408 = arith.constant 0 : i32
      %dma_start3A_409 = arith.constant 0 : i32
      %dma_start3A_410 = tpu.memref_slice %arg17[%dma_start3A_408, %dma_start3A_409] : memref<64x128xf32, #tpu.memory_space<vmem>> -> memref<64x128xf32, #tpu.memory_space<vmem>>
      %dma_start3A_411 = arith.constant 0 : i32
      %dma_start3A_412 = tpu.memref_slice %arg20[%add3A_368, %dma_start3A_411] : memref<10112x128xf32, #tpu.memory_space<vmem_shared>> -> memref<64x128xf32, #tpu.memory_space<vmem_shared>>
      tpu.enqueue_dma source(%dma_start3A_412 : memref<64x128xf32, #tpu.memory_space<vmem_shared>>) target(%dma_start3A_410 : memref<64x128xf32, #tpu.memory_space<vmem>>) target_semaphore(%run_scoped3A : memref<!tpu.dma_semaphore, #tpu.memory_space<semaphore_mem>>)
      %dma_wait3A_413 = arith.constant 0 : i32
      %dma_wait3A_414 = arith.constant 0 : i32
      %dma_wait3A_415 = tpu.memref_slice %arg17[%dma_wait3A_413, %dma_wait3A_414] : memref<64x128xf32, #tpu.memory_space<vmem>> -> memref<64x128xf32, #tpu.memory_space<vmem>>
      %dma_wait3A_416 = arith.constant 0 : i32
      %dma_wait3A_417 = tpu.memref_slice %arg20[%add3A_368, %dma_wait3A_416] : memref<10112x128xf32, #tpu.memory_space<vmem_shared>> -> memref<64x128xf32, #tpu.memory_space<vmem_shared>>
      %dma_wait3A_418 = arith.constant 0 : i32
      %dma_wait3A_419 = arith.constant 0 : i32
      %dma_wait3A_420 = tpu.memref_slice %arg17[%dma_wait3A_418, %dma_wait3A_419] : memref<64x128xf32, #tpu.memory_space<vmem>> -> memref<64x128xf32, #tpu.memory_space<vmem>>
      %dma_wait3A_421 = arith.constant 0 : i32
      %dma_wait3A_422 = tpu.memref_slice %arg20[%add3A_368, %dma_wait3A_421] : memref<10112x128xf32, #tpu.memory_space<vmem_shared>> -> memref<64x128xf32, #tpu.memory_space<vmem_shared>>
      tpu.wait_dma2 semaphore(%run_scoped3A : memref<!tpu.dma_semaphore, #tpu.memory_space<semaphore_mem>>) src(%dma_wait3A_422 : memref<64x128xf32, #tpu.memory_space<vmem_shared>>) dst(%dma_wait3A_420 : memref<64x128xf32, #tpu.memory_space<vmem>>)
      tpu.yield
    }) : () -> ()
    %mul3A_369 = arith.constant 10112 : i32
    %mul3A_370 = arith.muli %arg0, %mul3A_369 : i32
    %add3A_371 = arith.addi %mul3A_370, %add3A_368 : i32
    "tpu.region"() ({
      %run_scoped3A = tpu.sem_alloc : memref<!tpu.dma_semaphore, #tpu.memory_space<semaphore_mem>>
      %dma_start3A_403 = arith.constant 0 : i32
      %dma_start3A_404 = arith.constant 0 : i32
      %dma_start3A_405 = tpu.memref_slice %arg17[%dma_start3A_403, %dma_start3A_404] : memref<64x128xf32, #tpu.memory_space<vmem>> -> memref<64x128xf32, #tpu.memory_space<vmem>>
      %dma_start3A_406 = arith.constant 0 : i32
      %dma_start3A_407 = tpu.memref_slice %arg7[%add3A_371, %dma_start3A_406] : memref<20224x128xf32, #tpu.memory_space<hbm>> -> memref<64x128xf32, #tpu.memory_space<hbm>>
      %dma_start3A_408 = arith.constant 0 : i32
      %dma_start3A_409 = tpu.memref_slice %arg7[%add3A_371, %dma_start3A_408] : memref<20224x128xf32, #tpu.memory_space<hbm>> -> memref<64x128xf32, #tpu.memory_space<hbm>>
      %dma_start3A_410 = arith.constant 0 : i32
      %dma_start3A_411 = arith.constant 0 : i32
      %dma_start3A_412 = tpu.memref_slice %arg17[%dma_start3A_410, %dma_start3A_411] : memref<64x128xf32, #tpu.memory_space<vmem>> -> memref<64x128xf32, #tpu.memory_space<vmem>>
      tpu.enqueue_dma source(%dma_start3A_412 : memref<64x128xf32, #tpu.memory_space<vmem>>) target(%dma_start3A_409 : memref<64x128xf32, #tpu.memory_space<hbm>>) target_semaphore(%run_scoped3A : memref<!tpu.dma_semaphore, #tpu.memory_space<semaphore_mem>>)
      %dma_wait3A_413 = arith.constant 0 : i32
      %dma_wait3A_414 = arith.constant 0 : i32
      %dma_wait3A_415 = tpu.memref_slice %arg17[%dma_wait3A_413, %dma_wait3A_414] : memref<64x128xf32, #tpu.memory_space<vmem>> -> memref<64x128xf32, #tpu.memory_space<vmem>>
      %dma_wait3A_416 = arith.constant 0 : i32
      %dma_wait3A_417 = tpu.memref_slice %arg7[%add3A_371, %dma_wait3A_416] : memref<20224x128xf32, #tpu.memory_space<hbm>> -> memref<64x128xf32, #tpu.memory_space<hbm>>
      %dma_wait3A_418 = arith.constant 0 : i32
      %dma_wait3A_419 = tpu.memref_slice %arg7[%add3A_371, %dma_wait3A_418] : memref<20224x128xf32, #tpu.memory_space<hbm>> -> memref<64x128xf32, #tpu.memory_space<hbm>>
      %dma_wait3A_420 = arith.constant 0 : i32
      %dma_wait3A_421 = arith.constant 0 : i32
      %dma_wait3A_422 = tpu.memref_slice %arg17[%dma_wait3A_420, %dma_wait3A_421] : memref<64x128xf32, #tpu.memory_space<vmem>> -> memref<64x128xf32, #tpu.memory_space<vmem>>
      tpu.wait_dma2 semaphore(%run_scoped3A : memref<!tpu.dma_semaphore, #tpu.memory_space<semaphore_mem>>) src(%dma_wait3A_422 : memref<64x128xf32, #tpu.memory_space<vmem>>) dst(%dma_wait3A_419 : memref<64x128xf32, #tpu.memory_space<hbm>>)
      tpu.yield
    }) : () -> ()
    %add3A_372 = arith.constant 64 : i32
    %add3A_373 = arith.addi %add3A_368, %add3A_372 : i32
    "tpu.region"() ({
      %run_scoped3A = tpu.sem_alloc : memref<!tpu.dma_semaphore, #tpu.memory_space<semaphore_mem>>
      %dma_start3A_403 = arith.constant 0 : i32
      %dma_start3A_404 = arith.constant 0 : i32
      %dma_start3A_405 = tpu.memref_slice %arg18[%dma_start3A_403, %dma_start3A_404] : memref<64x128xf32, #tpu.memory_space<vmem>> -> memref<64x128xf32, #tpu.memory_space<vmem>>
      %dma_start3A_406 = arith.constant 0 : i32
      %dma_start3A_407 = tpu.memref_slice %arg20[%add3A_373, %dma_start3A_406] : memref<10112x128xf32, #tpu.memory_space<vmem_shared>> -> memref<64x128xf32, #tpu.memory_space<vmem_shared>>
      %dma_start3A_408 = arith.constant 0 : i32
      %dma_start3A_409 = arith.constant 0 : i32
      %dma_start3A_410 = tpu.memref_slice %arg18[%dma_start3A_408, %dma_start3A_409] : memref<64x128xf32, #tpu.memory_space<vmem>> -> memref<64x128xf32, #tpu.memory_space<vmem>>
      %dma_start3A_411 = arith.constant 0 : i32
      %dma_start3A_412 = tpu.memref_slice %arg20[%add3A_373, %dma_start3A_411] : memref<10112x128xf32, #tpu.memory_space<vmem_shared>> -> memref<64x128xf32, #tpu.memory_space<vmem_shared>>
      tpu.enqueue_dma source(%dma_start3A_412 : memref<64x128xf32, #tpu.memory_space<vmem_shared>>) target(%dma_start3A_410 : memref<64x128xf32, #tpu.memory_space<vmem>>) target_semaphore(%run_scoped3A : memref<!tpu.dma_semaphore, #tpu.memory_space<semaphore_mem>>)
      %dma_wait3A_413 = arith.constant 0 : i32
      %dma_wait3A_414 = arith.constant 0 : i32
      %dma_wait3A_415 = tpu.memref_slice %arg18[%dma_wait3A_413, %dma_wait3A_414] : memref<64x128xf32, #tpu.memory_space<vmem>> -> memref<64x128xf32, #tpu.memory_space<vmem>>
      %dma_wait3A_416 = arith.constant 0 : i32
      %dma_wait3A_417 = tpu.memref_slice %arg20[%add3A_373, %dma_wait3A_416] : memref<10112x128xf32, #tpu.memory_space<vmem_shared>> -> memref<64x128xf32, #tpu.memory_space<vmem_shared>>
      %dma_wait3A_418 = arith.constant 0 : i32
      %dma_wait3A_419 = arith.constant 0 : i32
      %dma_wait3A_420 = tpu.memref_slice %arg18[%dma_wait3A_418, %dma_wait3A_419] : memref<64x128xf32, #tpu.memory_space<vmem>> -> memref<64x128xf32, #tpu.memory_space<vmem>>
      %dma_wait3A_421 = arith.constant 0 : i32
      %dma_wait3A_422 = tpu.memref_slice %arg20[%add3A_373, %dma_wait3A_421] : memref<10112x128xf32, #tpu.memory_space<vmem_shared>> -> memref<64x128xf32, #tpu.memory_space<vmem_shared>>
      tpu.wait_dma2 semaphore(%run_scoped3A : memref<!tpu.dma_semaphore, #tpu.memory_space<semaphore_mem>>) src(%dma_wait3A_422 : memref<64x128xf32, #tpu.memory_space<vmem_shared>>) dst(%dma_wait3A_420 : memref<64x128xf32, #tpu.memory_space<vmem>>)
      tpu.yield
    }) : () -> ()
    %mul3A_374 = arith.constant 10112 : i32
    %mul3A_375 = arith.muli %arg0, %mul3A_374 : i32
    %add3A_376 = arith.addi %mul3A_375, %add3A_368 : i32
    %add3A_377 = arith.constant 64 : i32
    %add3A_378 = arith.addi %add3A_376, %add3A_377 : i32
    "tpu.region"() ({
      %run_scoped3A = tpu.sem_alloc : memref<!tpu.dma_semaphore, #tpu.memory_space<semaphore_mem>>
      %dma_start3A_403 = arith.constant 0 : i32
      %dma_start3A_404 = arith.constant 0 : i32
      %dma_start3A_405 = tpu.memref_slice %arg18[%dma_start3A_403, %dma_start3A_404] : memref<64x128xf32, #tpu.memory_space<vmem>> -> memref<64x128xf32, #tpu.memory_space<vmem>>
      %dma_start3A_406 = arith.constant 0 : i32
      %dma_start3A_407 = tpu.memref_slice %arg7[%add3A_378, %dma_start3A_406] : memref<20224x128xf32, #tpu.memory_space<hbm>> -> memref<64x128xf32, #tpu.memory_space<hbm>>
      %dma_start3A_408 = arith.constant 0 : i32
      %dma_start3A_409 = tpu.memref_slice %arg7[%add3A_378, %dma_start3A_408] : memref<20224x128xf32, #tpu.memory_space<hbm>> -> memref<64x128xf32, #tpu.memory_space<hbm>>
      %dma_start3A_410 = arith.constant 0 : i32
      %dma_start3A_411 = arith.constant 0 : i32
      %dma_start3A_412 = tpu.memref_slice %arg18[%dma_start3A_410, %dma_start3A_411] : memref<64x128xf32, #tpu.memory_space<vmem>> -> memref<64x128xf32, #tpu.memory_space<vmem>>
      tpu.enqueue_dma source(%dma_start3A_412 : memref<64x128xf32, #tpu.memory_space<vmem>>) target(%dma_start3A_409 : memref<64x128xf32, #tpu.memory_space<hbm>>) target_semaphore(%run_scoped3A : memref<!tpu.dma_semaphore, #tpu.memory_space<semaphore_mem>>)
      %dma_wait3A_413 = arith.constant 0 : i32
      %dma_wait3A_414 = arith.constant 0 : i32
      %dma_wait3A_415 = tpu.memref_slice %arg18[%dma_wait3A_413, %dma_wait3A_414] : memref<64x128xf32, #tpu.memory_space<vmem>> -> memref<64x128xf32, #tpu.memory_space<vmem>>
      %dma_wait3A_416 = arith.constant 0 : i32
      %dma_wait3A_417 = tpu.memref_slice %arg7[%add3A_378, %dma_wait3A_416] : memref<20224x128xf32, #tpu.memory_space<hbm>> -> memref<64x128xf32, #tpu.memory_space<hbm>>
      %dma_wait3A_418 = arith.constant 0 : i32
      %dma_wait3A_419 = tpu.memref_slice %arg7[%add3A_378, %dma_wait3A_418] : memref<20224x128xf32, #tpu.memory_space<hbm>> -> memref<64x128xf32, #tpu.memory_space<hbm>>
      %dma_wait3A_420 = arith.constant 0 : i32
      %dma_wait3A_421 = arith.constant 0 : i32
      %dma_wait3A_422 = tpu.memref_slice %arg18[%dma_wait3A_420, %dma_wait3A_421] : memref<64x128xf32, #tpu.memory_space<vmem>> -> memref<64x128xf32, #tpu.memory_space<vmem>>
      tpu.wait_dma2 semaphore(%run_scoped3A : memref<!tpu.dma_semaphore, #tpu.memory_space<semaphore_mem>>) src(%dma_wait3A_422 : memref<64x128xf32, #tpu.memory_space<vmem>>) dst(%dma_wait3A_419 : memref<64x128xf32, #tpu.memory_space<hbm>>)
      tpu.yield
    }) : () -> ()
    %add3A_379 = arith.constant 384 : i32
    %add3A_380 = arith.addi %mul3A_2, %add3A_379 : i32
    "tpu.region"() ({
      %run_scoped3A = tpu.sem_alloc : memref<!tpu.dma_semaphore, #tpu.memory_space<semaphore_mem>>
      %dma_start3A_403 = arith.constant 0 : i32
      %dma_start3A_404 = arith.constant 0 : i32
      %dma_start3A_405 = tpu.memref_slice %arg17[%dma_start3A_403, %dma_start3A_404] : memref<64x128xf32, #tpu.memory_space<vmem>> -> memref<64x128xf32, #tpu.memory_space<vmem>>
      %dma_start3A_406 = arith.constant 0 : i32
      %dma_start3A_407 = tpu.memref_slice %arg20[%add3A_380, %dma_start3A_406] : memref<10112x128xf32, #tpu.memory_space<vmem_shared>> -> memref<64x128xf32, #tpu.memory_space<vmem_shared>>
      %dma_start3A_408 = arith.constant 0 : i32
      %dma_start3A_409 = arith.constant 0 : i32
      %dma_start3A_410 = tpu.memref_slice %arg17[%dma_start3A_408, %dma_start3A_409] : memref<64x128xf32, #tpu.memory_space<vmem>> -> memref<64x128xf32, #tpu.memory_space<vmem>>
      %dma_start3A_411 = arith.constant 0 : i32
      %dma_start3A_412 = tpu.memref_slice %arg20[%add3A_380, %dma_start3A_411] : memref<10112x128xf32, #tpu.memory_space<vmem_shared>> -> memref<64x128xf32, #tpu.memory_space<vmem_shared>>
      tpu.enqueue_dma source(%dma_start3A_412 : memref<64x128xf32, #tpu.memory_space<vmem_shared>>) target(%dma_start3A_410 : memref<64x128xf32, #tpu.memory_space<vmem>>) target_semaphore(%run_scoped3A : memref<!tpu.dma_semaphore, #tpu.memory_space<semaphore_mem>>)
      %dma_wait3A_413 = arith.constant 0 : i32
      %dma_wait3A_414 = arith.constant 0 : i32
      %dma_wait3A_415 = tpu.memref_slice %arg17[%dma_wait3A_413, %dma_wait3A_414] : memref<64x128xf32, #tpu.memory_space<vmem>> -> memref<64x128xf32, #tpu.memory_space<vmem>>
      %dma_wait3A_416 = arith.constant 0 : i32
      %dma_wait3A_417 = tpu.memref_slice %arg20[%add3A_380, %dma_wait3A_416] : memref<10112x128xf32, #tpu.memory_space<vmem_shared>> -> memref<64x128xf32, #tpu.memory_space<vmem_shared>>
      %dma_wait3A_418 = arith.constant 0 : i32
      %dma_wait3A_419 = arith.constant 0 : i32
      %dma_wait3A_420 = tpu.memref_slice %arg17[%dma_wait3A_418, %dma_wait3A_419] : memref<64x128xf32, #tpu.memory_space<vmem>> -> memref<64x128xf32, #tpu.memory_space<vmem>>
      %dma_wait3A_421 = arith.constant 0 : i32
      %dma_wait3A_422 = tpu.memref_slice %arg20[%add3A_380, %dma_wait3A_421] : memref<10112x128xf32, #tpu.memory_space<vmem_shared>> -> memref<64x128xf32, #tpu.memory_space<vmem_shared>>
      tpu.wait_dma2 semaphore(%run_scoped3A : memref<!tpu.dma_semaphore, #tpu.memory_space<semaphore_mem>>) src(%dma_wait3A_422 : memref<64x128xf32, #tpu.memory_space<vmem_shared>>) dst(%dma_wait3A_420 : memref<64x128xf32, #tpu.memory_space<vmem>>)
      tpu.yield
    }) : () -> ()
    %mul3A_381 = arith.constant 10112 : i32
    %mul3A_382 = arith.muli %arg0, %mul3A_381 : i32
    %add3A_383 = arith.addi %mul3A_382, %add3A_380 : i32
    "tpu.region"() ({
      %run_scoped3A = tpu.sem_alloc : memref<!tpu.dma_semaphore, #tpu.memory_space<semaphore_mem>>
      %dma_start3A_403 = arith.constant 0 : i32
      %dma_start3A_404 = arith.constant 0 : i32
      %dma_start3A_405 = tpu.memref_slice %arg17[%dma_start3A_403, %dma_start3A_404] : memref<64x128xf32, #tpu.memory_space<vmem>> -> memref<64x128xf32, #tpu.memory_space<vmem>>
      %dma_start3A_406 = arith.constant 0 : i32
      %dma_start3A_407 = tpu.memref_slice %arg7[%add3A_383, %dma_start3A_406] : memref<20224x128xf32, #tpu.memory_space<hbm>> -> memref<64x128xf32, #tpu.memory_space<hbm>>
      %dma_start3A_408 = arith.constant 0 : i32
      %dma_start3A_409 = tpu.memref_slice %arg7[%add3A_383, %dma_start3A_408] : memref<20224x128xf32, #tpu.memory_space<hbm>> -> memref<64x128xf32, #tpu.memory_space<hbm>>
      %dma_start3A_410 = arith.constant 0 : i32
      %dma_start3A_411 = arith.constant 0 : i32
      %dma_start3A_412 = tpu.memref_slice %arg17[%dma_start3A_410, %dma_start3A_411] : memref<64x128xf32, #tpu.memory_space<vmem>> -> memref<64x128xf32, #tpu.memory_space<vmem>>
      tpu.enqueue_dma source(%dma_start3A_412 : memref<64x128xf32, #tpu.memory_space<vmem>>) target(%dma_start3A_409 : memref<64x128xf32, #tpu.memory_space<hbm>>) target_semaphore(%run_scoped3A : memref<!tpu.dma_semaphore, #tpu.memory_space<semaphore_mem>>)
      %dma_wait3A_413 = arith.constant 0 : i32
      %dma_wait3A_414 = arith.constant 0 : i32
      %dma_wait3A_415 = tpu.memref_slice %arg17[%dma_wait3A_413, %dma_wait3A_414] : memref<64x128xf32, #tpu.memory_space<vmem>> -> memref<64x128xf32, #tpu.memory_space<vmem>>
      %dma_wait3A_416 = arith.constant 0 : i32
      %dma_wait3A_417 = tpu.memref_slice %arg7[%add3A_383, %dma_wait3A_416] : memref<20224x128xf32, #tpu.memory_space<hbm>> -> memref<64x128xf32, #tpu.memory_space<hbm>>
      %dma_wait3A_418 = arith.constant 0 : i32
      %dma_wait3A_419 = tpu.memref_slice %arg7[%add3A_383, %dma_wait3A_418] : memref<20224x128xf32, #tpu.memory_space<hbm>> -> memref<64x128xf32, #tpu.memory_space<hbm>>
      %dma_wait3A_420 = arith.constant 0 : i32
      %dma_wait3A_421 = arith.constant 0 : i32
      %dma_wait3A_422 = tpu.memref_slice %arg17[%dma_wait3A_420, %dma_wait3A_421] : memref<64x128xf32, #tpu.memory_space<vmem>> -> memref<64x128xf32, #tpu.memory_space<vmem>>
      tpu.wait_dma2 semaphore(%run_scoped3A : memref<!tpu.dma_semaphore, #tpu.memory_space<semaphore_mem>>) src(%dma_wait3A_422 : memref<64x128xf32, #tpu.memory_space<vmem>>) dst(%dma_wait3A_419 : memref<64x128xf32, #tpu.memory_space<hbm>>)
      tpu.yield
    }) : () -> ()
    %add3A_384 = arith.constant 64 : i32
    %add3A_385 = arith.addi %add3A_380, %add3A_384 : i32
    "tpu.region"() ({
      %run_scoped3A = tpu.sem_alloc : memref<!tpu.dma_semaphore, #tpu.memory_space<semaphore_mem>>
      %dma_start3A_403 = arith.constant 0 : i32
      %dma_start3A_404 = arith.constant 0 : i32
      %dma_start3A_405 = tpu.memref_slice %arg18[%dma_start3A_403, %dma_start3A_404] : memref<64x128xf32, #tpu.memory_space<vmem>> -> memref<64x128xf32, #tpu.memory_space<vmem>>
      %dma_start3A_406 = arith.constant 0 : i32
      %dma_start3A_407 = tpu.memref_slice %arg20[%add3A_385, %dma_start3A_406] : memref<10112x128xf32, #tpu.memory_space<vmem_shared>> -> memref<64x128xf32, #tpu.memory_space<vmem_shared>>
      %dma_start3A_408 = arith.constant 0 : i32
      %dma_start3A_409 = arith.constant 0 : i32
      %dma_start3A_410 = tpu.memref_slice %arg18[%dma_start3A_408, %dma_start3A_409] : memref<64x128xf32, #tpu.memory_space<vmem>> -> memref<64x128xf32, #tpu.memory_space<vmem>>
      %dma_start3A_411 = arith.constant 0 : i32
      %dma_start3A_412 = tpu.memref_slice %arg20[%add3A_385, %dma_start3A_411] : memref<10112x128xf32, #tpu.memory_space<vmem_shared>> -> memref<64x128xf32, #tpu.memory_space<vmem_shared>>
      tpu.enqueue_dma source(%dma_start3A_412 : memref<64x128xf32, #tpu.memory_space<vmem_shared>>) target(%dma_start3A_410 : memref<64x128xf32, #tpu.memory_space<vmem>>) target_semaphore(%run_scoped3A : memref<!tpu.dma_semaphore, #tpu.memory_space<semaphore_mem>>)
      %dma_wait3A_413 = arith.constant 0 : i32
      %dma_wait3A_414 = arith.constant 0 : i32
      %dma_wait3A_415 = tpu.memref_slice %arg18[%dma_wait3A_413, %dma_wait3A_414] : memref<64x128xf32, #tpu.memory_space<vmem>> -> memref<64x128xf32, #tpu.memory_space<vmem>>
      %dma_wait3A_416 = arith.constant 0 : i32
      %dma_wait3A_417 = tpu.memref_slice %arg20[%add3A_385, %dma_wait3A_416] : memref<10112x128xf32, #tpu.memory_space<vmem_shared>> -> memref<64x128xf32, #tpu.memory_space<vmem_shared>>
      %dma_wait3A_418 = arith.constant 0 : i32
      %dma_wait3A_419 = arith.constant 0 : i32
      %dma_wait3A_420 = tpu.memref_slice %arg18[%dma_wait3A_418, %dma_wait3A_419] : memref<64x128xf32, #tpu.memory_space<vmem>> -> memref<64x128xf32, #tpu.memory_space<vmem>>
      %dma_wait3A_421 = arith.constant 0 : i32
      %dma_wait3A_422 = tpu.memref_slice %arg20[%add3A_385, %dma_wait3A_421] : memref<10112x128xf32, #tpu.memory_space<vmem_shared>> -> memref<64x128xf32, #tpu.memory_space<vmem_shared>>
      tpu.wait_dma2 semaphore(%run_scoped3A : memref<!tpu.dma_semaphore, #tpu.memory_space<semaphore_mem>>) src(%dma_wait3A_422 : memref<64x128xf32, #tpu.memory_space<vmem_shared>>) dst(%dma_wait3A_420 : memref<64x128xf32, #tpu.memory_space<vmem>>)
      tpu.yield
    }) : () -> ()
    %mul3A_386 = arith.constant 10112 : i32
    %mul3A_387 = arith.muli %arg0, %mul3A_386 : i32
    %add3A_388 = arith.addi %mul3A_387, %add3A_380 : i32
    %add3A_389 = arith.constant 64 : i32
    %add3A_390 = arith.addi %add3A_388, %add3A_389 : i32
    "tpu.region"() ({
      %run_scoped3A = tpu.sem_alloc : memref<!tpu.dma_semaphore, #tpu.memory_space<semaphore_mem>>
      %dma_start3A_403 = arith.constant 0 : i32
      %dma_start3A_404 = arith.constant 0 : i32
      %dma_start3A_405 = tpu.memref_slice %arg18[%dma_start3A_403, %dma_start3A_404] : memref<64x128xf32, #tpu.memory_space<vmem>> -> memref<64x128xf32, #tpu.memory_space<vmem>>
      %dma_start3A_406 = arith.constant 0 : i32
      %dma_start3A_407 = tpu.memref_slice %arg7[%add3A_390, %dma_start3A_406] : memref<20224x128xf32, #tpu.memory_space<hbm>> -> memref<64x128xf32, #tpu.memory_space<hbm>>
      %dma_start3A_408 = arith.constant 0 : i32
      %dma_start3A_409 = tpu.memref_slice %arg7[%add3A_390, %dma_start3A_408] : memref<20224x128xf32, #tpu.memory_space<hbm>> -> memref<64x128xf32, #tpu.memory_space<hbm>>
      %dma_start3A_410 = arith.constant 0 : i32
      %dma_start3A_411 = arith.constant 0 : i32
      %dma_start3A_412 = tpu.memref_slice %arg18[%dma_start3A_410, %dma_start3A_411] : memref<64x128xf32, #tpu.memory_space<vmem>> -> memref<64x128xf32, #tpu.memory_space<vmem>>
      tpu.enqueue_dma source(%dma_start3A_412 : memref<64x128xf32, #tpu.memory_space<vmem>>) target(%dma_start3A_409 : memref<64x128xf32, #tpu.memory_space<hbm>>) target_semaphore(%run_scoped3A : memref<!tpu.dma_semaphore, #tpu.memory_space<semaphore_mem>>)
      %dma_wait3A_413 = arith.constant 0 : i32
      %dma_wait3A_414 = arith.constant 0 : i32
      %dma_wait3A_415 = tpu.memref_slice %arg18[%dma_wait3A_413, %dma_wait3A_414] : memref<64x128xf32, #tpu.memory_space<vmem>> -> memref<64x128xf32, #tpu.memory_space<vmem>>
      %dma_wait3A_416 = arith.constant 0 : i32
      %dma_wait3A_417 = tpu.memref_slice %arg7[%add3A_390, %dma_wait3A_416] : memref<20224x128xf32, #tpu.memory_space<hbm>> -> memref<64x128xf32, #tpu.memory_space<hbm>>
      %dma_wait3A_418 = arith.constant 0 : i32
      %dma_wait3A_419 = tpu.memref_slice %arg7[%add3A_390, %dma_wait3A_418] : memref<20224x128xf32, #tpu.memory_space<hbm>> -> memref<64x128xf32, #tpu.memory_space<hbm>>
      %dma_wait3A_420 = arith.constant 0 : i32
      %dma_wait3A_421 = arith.constant 0 : i32
      %dma_wait3A_422 = tpu.memref_slice %arg18[%dma_wait3A_420, %dma_wait3A_421] : memref<64x128xf32, #tpu.memory_space<vmem>> -> memref<64x128xf32, #tpu.memory_space<vmem>>
      tpu.wait_dma2 semaphore(%run_scoped3A : memref<!tpu.dma_semaphore, #tpu.memory_space<semaphore_mem>>) src(%dma_wait3A_422 : memref<64x128xf32, #tpu.memory_space<vmem>>) dst(%dma_wait3A_419 : memref<64x128xf32, #tpu.memory_space<hbm>>)
      tpu.yield
    }) : () -> ()
    %add3A_391 = arith.constant 512 : i32
    %add3A_392 = arith.addi %mul3A_2, %add3A_391 : i32
    "tpu.region"() ({
      %run_scoped3A = tpu.sem_alloc : memref<!tpu.dma_semaphore, #tpu.memory_space<semaphore_mem>>
      %dma_start3A_403 = arith.constant 0 : i32
      %dma_start3A_404 = arith.constant 0 : i32
      %dma_start3A_405 = tpu.memref_slice %arg17[%dma_start3A_403, %dma_start3A_404] : memref<64x128xf32, #tpu.memory_space<vmem>> -> memref<64x128xf32, #tpu.memory_space<vmem>>
      %dma_start3A_406 = arith.constant 0 : i32
      %dma_start3A_407 = tpu.memref_slice %arg20[%add3A_392, %dma_start3A_406] : memref<10112x128xf32, #tpu.memory_space<vmem_shared>> -> memref<64x128xf32, #tpu.memory_space<vmem_shared>>
      %dma_start3A_408 = arith.constant 0 : i32
      %dma_start3A_409 = arith.constant 0 : i32
      %dma_start3A_410 = tpu.memref_slice %arg17[%dma_start3A_408, %dma_start3A_409] : memref<64x128xf32, #tpu.memory_space<vmem>> -> memref<64x128xf32, #tpu.memory_space<vmem>>
      %dma_start3A_411 = arith.constant 0 : i32
      %dma_start3A_412 = tpu.memref_slice %arg20[%add3A_392, %dma_start3A_411] : memref<10112x128xf32, #tpu.memory_space<vmem_shared>> -> memref<64x128xf32, #tpu.memory_space<vmem_shared>>
      tpu.enqueue_dma source(%dma_start3A_412 : memref<64x128xf32, #tpu.memory_space<vmem_shared>>) target(%dma_start3A_410 : memref<64x128xf32, #tpu.memory_space<vmem>>) target_semaphore(%run_scoped3A : memref<!tpu.dma_semaphore, #tpu.memory_space<semaphore_mem>>)
      %dma_wait3A_413 = arith.constant 0 : i32
      %dma_wait3A_414 = arith.constant 0 : i32
      %dma_wait3A_415 = tpu.memref_slice %arg17[%dma_wait3A_413, %dma_wait3A_414] : memref<64x128xf32, #tpu.memory_space<vmem>> -> memref<64x128xf32, #tpu.memory_space<vmem>>
      %dma_wait3A_416 = arith.constant 0 : i32
      %dma_wait3A_417 = tpu.memref_slice %arg20[%add3A_392, %dma_wait3A_416] : memref<10112x128xf32, #tpu.memory_space<vmem_shared>> -> memref<64x128xf32, #tpu.memory_space<vmem_shared>>
      %dma_wait3A_418 = arith.constant 0 : i32
      %dma_wait3A_419 = arith.constant 0 : i32
      %dma_wait3A_420 = tpu.memref_slice %arg17[%dma_wait3A_418, %dma_wait3A_419] : memref<64x128xf32, #tpu.memory_space<vmem>> -> memref<64x128xf32, #tpu.memory_space<vmem>>
      %dma_wait3A_421 = arith.constant 0 : i32
      %dma_wait3A_422 = tpu.memref_slice %arg20[%add3A_392, %dma_wait3A_421] : memref<10112x128xf32, #tpu.memory_space<vmem_shared>> -> memref<64x128xf32, #tpu.memory_space<vmem_shared>>
      tpu.wait_dma2 semaphore(%run_scoped3A : memref<!tpu.dma_semaphore, #tpu.memory_space<semaphore_mem>>) src(%dma_wait3A_422 : memref<64x128xf32, #tpu.memory_space<vmem_shared>>) dst(%dma_wait3A_420 : memref<64x128xf32, #tpu.memory_space<vmem>>)
      tpu.yield
    }) : () -> ()
    %mul3A_393 = arith.constant 10112 : i32
    %mul3A_394 = arith.muli %arg0, %mul3A_393 : i32
    %add3A_395 = arith.addi %mul3A_394, %add3A_392 : i32
    "tpu.region"() ({
      %run_scoped3A = tpu.sem_alloc : memref<!tpu.dma_semaphore, #tpu.memory_space<semaphore_mem>>
      %dma_start3A_403 = arith.constant 0 : i32
      %dma_start3A_404 = arith.constant 0 : i32
      %dma_start3A_405 = tpu.memref_slice %arg17[%dma_start3A_403, %dma_start3A_404] : memref<64x128xf32, #tpu.memory_space<vmem>> -> memref<64x128xf32, #tpu.memory_space<vmem>>
      %dma_start3A_406 = arith.constant 0 : i32
      %dma_start3A_407 = tpu.memref_slice %arg7[%add3A_395, %dma_start3A_406] : memref<20224x128xf32, #tpu.memory_space<hbm>> -> memref<64x128xf32, #tpu.memory_space<hbm>>
      %dma_start3A_408 = arith.constant 0 : i32
      %dma_start3A_409 = tpu.memref_slice %arg7[%add3A_395, %dma_start3A_408] : memref<20224x128xf32, #tpu.memory_space<hbm>> -> memref<64x128xf32, #tpu.memory_space<hbm>>
      %dma_start3A_410 = arith.constant 0 : i32
      %dma_start3A_411 = arith.constant 0 : i32
      %dma_start3A_412 = tpu.memref_slice %arg17[%dma_start3A_410, %dma_start3A_411] : memref<64x128xf32, #tpu.memory_space<vmem>> -> memref<64x128xf32, #tpu.memory_space<vmem>>
      tpu.enqueue_dma source(%dma_start3A_412 : memref<64x128xf32, #tpu.memory_space<vmem>>) target(%dma_start3A_409 : memref<64x128xf32, #tpu.memory_space<hbm>>) target_semaphore(%run_scoped3A : memref<!tpu.dma_semaphore, #tpu.memory_space<semaphore_mem>>)
      %dma_wait3A_413 = arith.constant 0 : i32
      %dma_wait3A_414 = arith.constant 0 : i32
      %dma_wait3A_415 = tpu.memref_slice %arg17[%dma_wait3A_413, %dma_wait3A_414] : memref<64x128xf32, #tpu.memory_space<vmem>> -> memref<64x128xf32, #tpu.memory_space<vmem>>
      %dma_wait3A_416 = arith.constant 0 : i32
      %dma_wait3A_417 = tpu.memref_slice %arg7[%add3A_395, %dma_wait3A_416] : memref<20224x128xf32, #tpu.memory_space<hbm>> -> memref<64x128xf32, #tpu.memory_space<hbm>>
      %dma_wait3A_418 = arith.constant 0 : i32
      %dma_wait3A_419 = tpu.memref_slice %arg7[%add3A_395, %dma_wait3A_418] : memref<20224x128xf32, #tpu.memory_space<hbm>> -> memref<64x128xf32, #tpu.memory_space<hbm>>
      %dma_wait3A_420 = arith.constant 0 : i32
      %dma_wait3A_421 = arith.constant 0 : i32
      %dma_wait3A_422 = tpu.memref_slice %arg17[%dma_wait3A_420, %dma_wait3A_421] : memref<64x128xf32, #tpu.memory_space<vmem>> -> memref<64x128xf32, #tpu.memory_space<vmem>>
      tpu.wait_dma2 semaphore(%run_scoped3A : memref<!tpu.dma_semaphore, #tpu.memory_space<semaphore_mem>>) src(%dma_wait3A_422 : memref<64x128xf32, #tpu.memory_space<vmem>>) dst(%dma_wait3A_419 : memref<64x128xf32, #tpu.memory_space<hbm>>)
      tpu.yield
    }) : () -> ()
    %add3A_396 = arith.constant 64 : i32
    %add3A_397 = arith.addi %add3A_392, %add3A_396 : i32
    "tpu.region"() ({
      %run_scoped3A = tpu.sem_alloc : memref<!tpu.dma_semaphore, #tpu.memory_space<semaphore_mem>>
      %dma_start3A_403 = arith.constant 0 : i32
      %dma_start3A_404 = arith.constant 0 : i32
      %dma_start3A_405 = tpu.memref_slice %arg18[%dma_start3A_403, %dma_start3A_404] : memref<64x128xf32, #tpu.memory_space<vmem>> -> memref<56x128xf32, #tpu.memory_space<vmem>>
      %dma_start3A_406 = arith.constant 0 : i32
      %dma_start3A_407 = tpu.memref_slice %arg20[%add3A_397, %dma_start3A_406] : memref<10112x128xf32, #tpu.memory_space<vmem_shared>> -> memref<56x128xf32, #tpu.memory_space<vmem_shared>>
      %dma_start3A_408 = arith.constant 0 : i32
      %dma_start3A_409 = arith.constant 0 : i32
      %dma_start3A_410 = tpu.memref_slice %arg18[%dma_start3A_408, %dma_start3A_409] : memref<64x128xf32, #tpu.memory_space<vmem>> -> memref<56x128xf32, #tpu.memory_space<vmem>>
      %dma_start3A_411 = arith.constant 0 : i32
      %dma_start3A_412 = tpu.memref_slice %arg20[%add3A_397, %dma_start3A_411] : memref<10112x128xf32, #tpu.memory_space<vmem_shared>> -> memref<56x128xf32, #tpu.memory_space<vmem_shared>>
      tpu.enqueue_dma source(%dma_start3A_412 : memref<56x128xf32, #tpu.memory_space<vmem_shared>>) target(%dma_start3A_410 : memref<56x128xf32, #tpu.memory_space<vmem>>) target_semaphore(%run_scoped3A : memref<!tpu.dma_semaphore, #tpu.memory_space<semaphore_mem>>)
      %dma_wait3A_413 = arith.constant 0 : i32
      %dma_wait3A_414 = arith.constant 0 : i32
      %dma_wait3A_415 = tpu.memref_slice %arg18[%dma_wait3A_413, %dma_wait3A_414] : memref<64x128xf32, #tpu.memory_space<vmem>> -> memref<56x128xf32, #tpu.memory_space<vmem>>
      %dma_wait3A_416 = arith.constant 0 : i32
      %dma_wait3A_417 = tpu.memref_slice %arg20[%add3A_397, %dma_wait3A_416] : memref<10112x128xf32, #tpu.memory_space<vmem_shared>> -> memref<56x128xf32, #tpu.memory_space<vmem_shared>>
      %dma_wait3A_418 = arith.constant 0 : i32
      %dma_wait3A_419 = arith.constant 0 : i32
      %dma_wait3A_420 = tpu.memref_slice %arg18[%dma_wait3A_418, %dma_wait3A_419] : memref<64x128xf32, #tpu.memory_space<vmem>> -> memref<56x128xf32, #tpu.memory_space<vmem>>
      %dma_wait3A_421 = arith.constant 0 : i32
      %dma_wait3A_422 = tpu.memref_slice %arg20[%add3A_397, %dma_wait3A_421] : memref<10112x128xf32, #tpu.memory_space<vmem_shared>> -> memref<56x128xf32, #tpu.memory_space<vmem_shared>>
      tpu.wait_dma2 semaphore(%run_scoped3A : memref<!tpu.dma_semaphore, #tpu.memory_space<semaphore_mem>>) src(%dma_wait3A_422 : memref<56x128xf32, #tpu.memory_space<vmem_shared>>) dst(%dma_wait3A_420 : memref<56x128xf32, #tpu.memory_space<vmem>>)
      tpu.yield
    }) : () -> ()
    %mul3A_398 = arith.constant 10112 : i32
    %mul3A_399 = arith.muli %arg0, %mul3A_398 : i32
    %add3A_400 = arith.addi %mul3A_399, %add3A_392 : i32
    %add3A_401 = arith.constant 64 : i32
    %add3A_402 = arith.addi %add3A_400, %add3A_401 : i32
    "tpu.region"() ({
      %run_scoped3A = tpu.sem_alloc : memref<!tpu.dma_semaphore, #tpu.memory_space<semaphore_mem>>
      %dma_start3A_403 = arith.constant 0 : i32
      %dma_start3A_404 = arith.constant 0 : i32
      %dma_start3A_405 = tpu.memref_slice %arg18[%dma_start3A_403, %dma_start3A_404] : memref<64x128xf32, #tpu.memory_space<vmem>> -> memref<56x128xf32, #tpu.memory_space<vmem>>
      %dma_start3A_406 = arith.constant 0 : i32
      %dma_start3A_407 = tpu.memref_slice %arg7[%add3A_402, %dma_start3A_406] : memref<20224x128xf32, #tpu.memory_space<hbm>> -> memref<56x128xf32, #tpu.memory_space<hbm>>
      %dma_start3A_408 = arith.constant 0 : i32
      %dma_start3A_409 = tpu.memref_slice %arg7[%add3A_402, %dma_start3A_408] : memref<20224x128xf32, #tpu.memory_space<hbm>> -> memref<56x128xf32, #tpu.memory_space<hbm>>
      %dma_start3A_410 = arith.constant 0 : i32
      %dma_start3A_411 = arith.constant 0 : i32
      %dma_start3A_412 = tpu.memref_slice %arg18[%dma_start3A_410, %dma_start3A_411] : memref<64x128xf32, #tpu.memory_space<vmem>> -> memref<56x128xf32, #tpu.memory_space<vmem>>
      tpu.enqueue_dma source(%dma_start3A_412 : memref<56x128xf32, #tpu.memory_space<vmem>>) target(%dma_start3A_409 : memref<56x128xf32, #tpu.memory_space<hbm>>) target_semaphore(%run_scoped3A : memref<!tpu.dma_semaphore, #tpu.memory_space<semaphore_mem>>)
      %dma_wait3A_413 = arith.constant 0 : i32
      %dma_wait3A_414 = arith.constant 0 : i32
      %dma_wait3A_415 = tpu.memref_slice %arg18[%dma_wait3A_413, %dma_wait3A_414] : memref<64x128xf32, #tpu.memory_space<vmem>> -> memref<56x128xf32, #tpu.memory_space<vmem>>
      %dma_wait3A_416 = arith.constant 0 : i32
      %dma_wait3A_417 = tpu.memref_slice %arg7[%add3A_402, %dma_wait3A_416] : memref<20224x128xf32, #tpu.memory_space<hbm>> -> memref<56x128xf32, #tpu.memory_space<hbm>>
      %dma_wait3A_418 = arith.constant 0 : i32
      %dma_wait3A_419 = tpu.memref_slice %arg7[%add3A_402, %dma_wait3A_418] : memref<20224x128xf32, #tpu.memory_space<hbm>> -> memref<56x128xf32, #tpu.memory_space<hbm>>
      %dma_wait3A_420 = arith.constant 0 : i32
      %dma_wait3A_421 = arith.constant 0 : i32
      %dma_wait3A_422 = tpu.memref_slice %arg18[%dma_wait3A_420, %dma_wait3A_421] : memref<64x128xf32, #tpu.memory_space<vmem>> -> memref<56x128xf32, #tpu.memory_space<vmem>>
      tpu.wait_dma2 semaphore(%run_scoped3A : memref<!tpu.dma_semaphore, #tpu.memory_space<semaphore_mem>>) src(%dma_wait3A_422 : memref<56x128xf32, #tpu.memory_space<vmem>>) dst(%dma_wait3A_419 : memref<56x128xf32, #tpu.memory_space<hbm>>)
      tpu.yield
    }) : () -> ()
    return
  }
}

module attributes {stable_mosaic.version = 14 : i64} {
  func.func @_tc_body(%arg0: i32, %arg1: memref<2000x128xf32, #tpu.memory_space<vmem>>, %arg2: memref<2x2000x128xf32, #tpu.memory_space<vmem>>, %arg3: memref<2x2000x128xf32, #tpu.memory_space<vmem>>, %arg4: memref<128x128xf32, #tpu.memory_space<vmem>>, %arg5: memref<128x128xf32, #tpu.memory_space<vmem>>, %arg6: memref<1x128xf32, #tpu.memory_space<vmem>>, %arg7: memref<2000x128xf32, #tpu.memory_space<vmem>>) attributes {dimension_semantics = [#tpu.dimension_semantics<arbitrary>], iteration_bounds = array<i64: 5>, scalar_prefetch = 0 : i64, scratch_operands = 0 : i64, tpu.core_type = #tpu.core_type<tc>, window_params = [{transform_indices = @transform_0, window_bounds = array<i64: 2000, 128>}, {transform_indices = @transform_1, window_bounds = array<i64: 2, 2000, 128>}, {transform_indices = @transform_2, window_bounds = array<i64: 2, 2000, 128>}, {pipeline_mode = #tpu.pipeline_mode<synchronous>, transform_indices = @transform_3, window_bounds = array<i64: 128, 128>}, {pipeline_mode = #tpu.pipeline_mode<synchronous>, transform_indices = @transform_4, window_bounds = array<i64: 128, 128>}, {pipeline_mode = #tpu.pipeline_mode<synchronous>, transform_indices = @transform_5, window_bounds = array<i64: 1, 128>}, {transform_indices = @transform_6, window_bounds = array<i64: 2000, 128>}]} {
    %get3A = arith.constant 0 : index
    %get3A_0 = arith.constant 0 : index
    %get3A_1 = arith.constant 0 : index
    %get3A_2 = vector.load %arg3[%get3A, %get3A_0, %get3A_1] : memref<2x2000x128xf32, #tpu.memory_space<vmem>>, vector<1x2000x1xf32>
    %get3A_3 = vector.shape_cast %get3A_2 : vector<1x2000x1xf32> to vector<2000x1xf32>
    %get3A_4 = arith.constant 1 : index
    %get3A_5 = arith.constant 0 : index
    %get3A_6 = arith.constant 0 : index
    %get3A_7 = vector.load %arg3[%get3A_4, %get3A_5, %get3A_6] : memref<2x2000x128xf32, #tpu.memory_space<vmem>>, vector<1x2000x1xf32>
    %get3A_8 = vector.shape_cast %get3A_7 : vector<1x2000x1xf32> to vector<2000x1xf32>
    %add3A = arith.addf %get3A_3, %get3A_8 : vector<2000x1xf32>
    %get3A_9 = arith.constant 0 : index
    %get3A_10 = arith.constant 0 : index
    %get3A_11 = arith.constant 0 : index
    %get3A_12 = vector.load %arg2[%get3A_9, %get3A_10, %get3A_11] : memref<2x2000x128xf32, #tpu.memory_space<vmem>>, vector<1x2000x128xf32>
    %get3A_13 = vector.shape_cast %get3A_12 : vector<1x2000x128xf32> to vector<2000x128xf32>
    %get3A_14 = arith.constant 1 : index
    %get3A_15 = arith.constant 0 : index
    %get3A_16 = arith.constant 0 : index
    %get3A_17 = vector.load %arg2[%get3A_14, %get3A_15, %get3A_16] : memref<2x2000x128xf32, #tpu.memory_space<vmem>>, vector<1x2000x128xf32>
    %get3A_18 = vector.shape_cast %get3A_17 : vector<1x2000x128xf32> to vector<2000x128xf32>
    %add3A_19 = arith.addf %get3A_13, %get3A_18 : vector<2000x128xf32>
    %max3A = arith.constant 1.000000e+00 : f32
    %max3A_20 = vector.broadcast %max3A : f32 to vector<2000x1xf32>
    %max3A_21 = arith.maximumf %add3A, %max3A_20 : vector<2000x1xf32>
    %div3A = vector.broadcast %max3A_21 : vector<2000x1xf32> to vector<2000x128xf32>
    %div3A_22 = arith.divf %add3A_19, %div3A : vector<2000x128xf32>
    %get3A_23 = arith.constant 0 : index
    %get3A_24 = arith.constant 0 : index
    %get3A_25 = vector.load %arg1[%get3A_23, %get3A_24] : memref<2000x128xf32, #tpu.memory_space<vmem>>, vector<2000x128xf32>
    %get3A_26 = arith.constant 0 : index
    %get3A_27 = arith.constant 0 : index
    %get3A_28 = vector.load %arg4[%get3A_26, %get3A_27] : memref<128x128xf32, #tpu.memory_space<vmem>>, vector<128x128xf32>
    %dot_general3A = arith.constant dense<0.000000e+00> : vector<2000x128xf32>
    %dot_general3A_29 = tpu.matmul %get3A_25, %get3A_28, %dot_general3A {dimension_numbers = #tpu.dot_dimension_numbers<[1], [0], [0], [1], [0, 0, 1, 1], [], []>, transpose_lhs_hint = false} : vector<2000x128xf32>, vector<128x128xf32>, vector<2000x128xf32> -> vector<2000x128xf32>
    %get3A_30 = arith.constant 0 : index
    %get3A_31 = arith.constant 0 : index
    %get3A_32 = vector.load %arg5[%get3A_30, %get3A_31] : memref<128x128xf32, #tpu.memory_space<vmem>>, vector<128x128xf32>
    %dot_general3A_33 = arith.constant dense<0.000000e+00> : vector<2000x128xf32>
    %dot_general3A_34 = tpu.matmul %div3A_22, %get3A_32, %dot_general3A_33 {dimension_numbers = #tpu.dot_dimension_numbers<[1], [0], [0], [1], [0, 0, 1, 1], [], []>, transpose_lhs_hint = false} : vector<2000x128xf32>, vector<128x128xf32>, vector<2000x128xf32> -> vector<2000x128xf32>
    %add3A_35 = arith.addf %dot_general3A_29, %dot_general3A_34 : vector<2000x128xf32>
    %get3A_36 = arith.constant 0 : index
    %get3A_37 = arith.constant 0 : index
    %get3A_38 = vector.load %arg6[%get3A_36, %get3A_37] : memref<1x128xf32, #tpu.memory_space<vmem>>, vector<1x128xf32>
    %add3A_39 = vector.broadcast %get3A_38 : vector<1x128xf32> to vector<2000x128xf32>
    %add3A_40 = arith.addf %add3A_35, %add3A_39 : vector<2000x128xf32>
    %gt3A = arith.constant 0.000000e+00 : f32
    %gt3A_41 = vector.broadcast %gt3A : f32 to vector<2000x1xf32>
    %gt3A_42 = arith.cmpf ogt, %add3A, %gt3A_41 : vector<2000x1xf32>
    %jit3A = arith.constant 0.000000e+00 : f32
    %broadcast_in_dim3A = vector.shape_cast %gt3A_42 : vector<2000x1xi1> to vector<2000x1xi1>
    %broadcast_in_dim3A_43 = vector.broadcast %broadcast_in_dim3A : vector<2000x1xi1> to vector<2000x128xi1>
    %broadcast_in_dim3A_44 = vector.broadcast %jit3A : f32 to vector<2000x128xf32>
    %select_n3A = arith.select %broadcast_in_dim3A_43, %add3A_40, %broadcast_in_dim3A_44 : vector<2000x128xi1>, vector<2000x128xf32>
    %swap3A = arith.constant 0 : index
    %swap3A_45 = arith.constant 0 : index
    %swap3A_46 = vector.load %arg7[%swap3A, %swap3A_45] : memref<2000x128xf32, #tpu.memory_space<vmem>>, vector<2000x128xf32>
    tpu.vector_store %arg7[%swap3A, %swap3A_45], %select_n3A {strides = array<i32>} : memref<2000x128xf32, #tpu.memory_space<vmem>>, vector<2000x128xf32>,
    return
  }
  func.func @transform_0(%arg0: i32) -> (i32, i32) {
    %c0_i32 = arith.constant 0 : i32
    %c0_i32_0 = arith.constant 0 : i32
    return %arg0, %c0_i32 : i32, i32
  }
  func.func @transform_1(%arg0: i32) -> (i32, i32, i32) {
    %c0_i32 = arith.constant 0 : i32
    %c0_i32_0 = arith.constant 0 : i32
    %c0_i32_1 = arith.constant 0 : i32
    return %c0_i32, %arg0, %c0_i32_0 : i32, i32, i32
  }
  func.func @transform_2(%arg0: i32) -> (i32, i32, i32) {
    %c0_i32 = arith.constant 0 : i32
    %c0_i32_0 = arith.constant 0 : i32
    %c0_i32_1 = arith.constant 0 : i32
    return %c0_i32, %arg0, %c0_i32_0 : i32, i32, i32
  }
  func.func @transform_3(%arg0: i32) -> (i32, i32) {
    %c0_i32 = arith.constant 0 : i32
    %c0_i32_0 = arith.constant 0 : i32
    %c0_i32_1 = arith.constant 0 : i32
    return %c0_i32, %c0_i32_0 : i32, i32
  }
  func.func @transform_4(%arg0: i32) -> (i32, i32) {
    %c0_i32 = arith.constant 0 : i32
    %c0_i32_0 = arith.constant 0 : i32
    %c0_i32_1 = arith.constant 0 : i32
    return %c0_i32, %c0_i32_0 : i32, i32
  }
  func.func @transform_5(%arg0: i32) -> (i32, i32) {
    %c0_i32 = arith.constant 0 : i32
    %c0_i32_0 = arith.constant 0 : i32
    %c0_i32_1 = arith.constant 0 : i32
    return %c0_i32, %c0_i32_0 : i32, i32
  }
  func.func @transform_6(%arg0: i32) -> (i32, i32) {
    %c0_i32 = arith.constant 0 : i32
    %c0_i32_0 = arith.constant 0 : i32
    return %arg0, %c0_i32 : i32, i32
  }
}

</mosaic_0001>

<sc_bundles>
// kernel: kernel.4.cloned.1.call-start
scs
__scs_entry_jumppad:
0x0: {  	(pc) =	sbr.rel $0x88, $3  }
0x1: {  	(tag) =	ssettag $0x0;
	lr =	simm.s32 $0x1  }
0x2: {  	[smem:$0x3F9D] =	sst lr;
	_ =	strace $0xD0000000  }
0x3: {  	_ = 	snop  }
0x4: {  	_ = 	snop  }
0x5: {  	_ = 	snop  }
0x6: {  	_ = 	snop  }
0x7: {  	_ = 	snop  }
__scs_overlays_trampoline_lowered:
0x8: {  	[smem:$0x3FAC] =	sst s0  }
0x9: {  	[smem:$0x3FAD] =	sst s1  }
0xa: {  	[smem:$0x3FAE] =	sst s2  }
0xb: {  	[smem:$0x3FAF] =	sst s3  }
0xc: {  	[smem:$0x3FB0] =	sst s4  }
0xd: {  	[smem:$0x3FB1] =	sst s5  }
0xe: {  	[smem:$0x3FB2] =	sst s6  }
0xf: {  	[smem:$0x3FB3] =	sst s7  }
0x10: {  	[smem:$0x3FB4] =	sst s8  }
0x11: {  	[smem:$0x3FB5] =	sst s9;
	s0 =	simm.s32 @!p0 $0x0  }
0x12: {  	s1 =	sld [smem:$0x3F9B];
	s0 =	simm.s32 @p0 $0x1  }
0x13: {  	[smem:$0x3FB6] =	sst s0;
	s0 =	simm.s32 @!p1 $0x0  }
0x14: {  	s2 =	sld [smem:$0x3F9A];
	s0 =	simm.s32 @p1 $0x1  }
0x15: {  	[smem:$0x3FB7] =	sst s0;
	s0 =	simm.s32 @!p2 $0x0  }
0x16: {  	s3 =	sld [smem:$0x3FDB];
	s0 =	simm.s32 @p2 $0x1  }
0x17: {  	s4 =	simm.s32 $0x1BF5;
	[smem:$0x3FB9] =	sst s0  }
0x18: {  	s0 =	sld [smem:$0x3F9C];
	_ =	swait.ge [sflag:s4], $0x0  }
0x19: {  	s7 =	sld [smem:$0x3F9D]  }
0x1a: {  	s8 =	sadd.s32 $0xFFFFE003, lr  }
0x1b: {  	s9 =	sadd.s32 $0xFFFFFEF7, lr;
	s5 =	simm.s32 $0xFFFFFFFF;
	p2 =	slt.u32 s8, $0xFFFFF086  }
0x1c: {  	p1 =	slt.u32 s9, $0xF7A;
	s5 =	simm.s32 @!p2 $0x0  }
0x1d: {  	s5 =	simm.s32 @p1 $0x1;
	p0 =	seq.s32 s7, s2  }
0x1e: {  	s7 =	smul.u32 @!p0 $0xF7A, s2;
	p2 =	seq.s32 @!p0 s5, $0x0  }
0x1f: {  	s9 =	smul.u32 $0xF7A, s1;
	s8 =	simm.s32 @!p0 $0x1BF5;
	p2 =	por !p2, p0  }
0x20: {  	[sflag:s8] =	ssyncset.s32 @!p0 $0xFFFFF086;
	s6 =	sadd.s32 @!p0 s3, s7;
	s7 =	simm.s32 @!p0 $0x108  }
0x21: {  	s3 =	sadd.s32 s3, s9;
	s6 =	sadd.s32 @!p0 $0x88, s6;
	s7 =	simm.s32 @p2 $0x1082  }
0x22: {  	[simem:s7], [sflag:s8] =	dma.local @!p0 [hbm:s6], $0xF7A  }
0x23: {  	s9 =	sor.u32 $0xD0000000, s2;
	s6 =	simm.s32 $0x108;
	_ =	swait.ge @!p0 [sflag:s8], $0x0  }
0x24: {  	s3 =	sadd.s32 $0x88, s3;
	s6 =	simm.s32 @!p1 $0x1082;
	[sflag:s4] =	ssyncset.s32 $0xFFFFF086  }
0x25: {  	[simem:s6], [sflag:s4] =	dma.local [hbm:s3], $0xF7A  }
0x26: {  	[smem:$0x3F9D] =	sst s1;
	(tag) =	ssettag s2;
	_ =	strace s9  }
0x27: {  	s1 =	sld [smem:$0x3FAD]  }
0x28: {  	s2 =	sld [smem:$0x3FAE]  }
0x29: {  	s4 =	sld [smem:$0x3FB0]  }
0x2a: {  	p0 =	seq.s32 s5, $0x0;
	s5 =	sld [smem:$0x3FB1]  }
0x2b: {  	s6 =	sld [smem:$0x3FB2]  }
0x2c: {  	s7 =	sld [smem:$0x3FB3]  }
0x2d: {  	s3 =	simm.s32 $0x108;
	s8 =	sld [smem:$0x3FB4]  }
0x2e: {  	s3 =	simm.s32 @!p0 $0x1082;
	s9 =	sld [smem:$0x3FB5]  }
0x2f: {  	lr =	sadd.s32 s0, s3;
	s0 =	sld [smem:$0x3FAC]  }
0x30: {  	s3 =	sld [smem:$0x3FAF]  }
0x31: {  	[smem:$0x3FB8] =	sst s10  }
0x32: {  	s10 =	sld [smem:$0x3FB6];
	_ =	sdelay $0x3  }
0x33: {  	p0 =	seq.s32 s10, $0x1;
	s10 =	sld [smem:$0x3FB8];
	_ =	sdelay $0x3  }
0x34: {  	[smem:$0x3FB8] =	sst s10  }
0x35: {  	s10 =	sld [smem:$0x3FB7];
	_ =	sdelay $0x3  }
0x36: {  	p1 =	seq.s32 s10, $0x1;
	s10 =	sld [smem:$0x3FB8];
	_ =	sdelay $0x3  }
0x37: {  	[smem:$0x3FB8] =	sst s10  }
0x38: {  	s10 =	sld [smem:$0x3FB9]  }
0x39: {  	_ = 	snop;
	(pc) =	sbr.ind lr, $3  }
0x3a: {  	_ = 	snop  }
0x3b: {  	_ = 	snop  }
0x3c: {  	p2 =	seq.s32 s10, $0x1;
	s10 =	sld [smem:$0x3FB8]  }
0x3d: {  	_ =	shalt  }
0x3e: {  	_ =	shalt  }
0x3f: {  	_ =	shalt  }
0x40: {  	_ =	shalt  }
0x41: {  	_ =	shalt  }
0x42: {  	_ =	shalt  }
0x43: {  	_ =	shalt  }
0x44: {  	_ =	shalt  }
0x45: {  	_ =	shalt  }
0x46: {  	_ =	shalt  }
0x47: {  	_ =	shalt  }
0x48: {  	_ =	shalt  }
0x49: {  	_ =	shalt  }
0x4a: {  	_ =	shalt  }
0x4b: {  	_ =	shalt  }
0x4c: {  	_ =	shalt  }
0x4d: {  	_ =	shalt  }
0x4e: {  	_ =	shalt  }
0x4f: {  	_ =	shalt  }
0x50: {  	_ =	shalt  }
0x51: {  	_ =	shalt  }
0x52: {  	_ =	shalt  }
0x53: {  	_ =	shalt  }
0x54: {  	_ =	shalt  }
0x55: {  	_ =	shalt  }
0x56: {  	_ =	shalt  }
0x57: {  	_ =	shalt  }
0x58: {  	_ =	shalt  }
0x59: {  	_ =	shalt  }
0x5a: {  	_ =	shalt  }
0x5b: {  	_ =	shalt  }
0x5c: {  	_ =	shalt  }
0x5d: {  	_ =	shalt  }
0x5e: {  	_ =	shalt  }
0x5f: {  	_ =	shalt  }
0x60: {  	_ =	shalt  }
0x61: {  	_ =	shalt  }
0x62: {  	_ =	shalt  }
0x63: {  	_ =	shalt  }
0x64: {  	_ =	shalt  }
0x65: {  	_ =	shalt  }
0x66: {  	_ =	shalt  }
0x67: {  	_ =	shalt  }
0x68: {  	_ =	shalt  }
0x69: {  	_ =	shalt  }
0x6a: {  	_ =	shalt  }
0x6b: {  	_ =	shalt  }
0x6c: {  	_ =	shalt  }
0x6d: {  	_ =	shalt  }
0x6e: {  	_ =	shalt  }
0x6f: {  	_ =	shalt  }
0x70: {  	_ =	shalt  }
0x71: {  	_ =	shalt  }
0x72: {  	_ =	shalt  }
0x73: {  	_ =	shalt  }
0x74: {  	_ =	shalt  }
0x75: {  	_ =	shalt  }
0x76: {  	_ =	shalt  }
0x77: {  	_ =	shalt  }
0x78: {  	_ =	shalt  }
0x79: {  	_ =	shalt  }
0x7a: {  	_ =	shalt  }
0x7b: {  	_ =	shalt  }
0x7c: {  	_ =	shalt  }
0x7d: {  	_ =	shalt  }
0x7e: {  	_ =	shalt  }
0x7f: {  	_ =	shalt  }
0x80: {  	_ =	shalt  }
0x81: {  	_ =	shalt  }
0x82: {  	_ =	shalt  }
0x83: {  	_ =	shalt  }
0x84: {  	_ =	shalt  }
0x85: {  	_ =	shalt  }
0x86: {  	_ =	shalt  }
0x87: {  	_ =	shalt  }
.Lfunc_end0:
.L_simem_size_0:
called_computation_lowered:
.L_overlay_start_0:
0x88: {  	s2 =	sld [smem:$0x3FD9]  }
0x89: {  	s3 =	sld [smem:$0x3FFE];
	_ =	sdelay $0x1  }
0x8a: {  	s1 =	srdreg.scid  }
0x8b: {  	s0 =	sand.u32 $0x1, s1  }
0x8c: {  	s17 =	sshll.u32 s0, $0xA;
	s2 =	sadd.s32 s3, s2  }
0x8d: {  	s2 =	sadd.s32 s2, s17  }
0x8e: {  	[smem:$0x3FC4] =	sst s2  }
0x8f: {  	_ = 	snop  }
0x90: {  	s2 =	sld [smem:$0x3FC9]  }
0x91: {  	s18 =	sld [smem:$0x3FD0];
	(tm) =	ssettm $0x1  }
0x92: {  	s4 =	sld [smem:$0x3FFB];
	_ =	sdelay $0x3  }
0x93: {  	_ =	strace s4  }
0x94: {  	s4 =	sld [smem:$0x3FFC];
	_ =	sdelay $0x3  }
0x95: {  	_ =	strace s4  }
0x96: {  	s4 =	sld [smem:$0x3FFD];
	_ =	sdelay $0x3  }
0x97: {  	_ =	strace s4  }
0x98: {  	_ =	strace $0x8FFFFFFF  }
0x99: {  	s19 =	sld [smem:$0x3FDB];
	_ =	sdelay $0x1  }
0x9a: {  	s5 =	simm.s32 $_scs_section_size  }
0x9b: {  	s6 =	simm.s32 $_size__tile_overlayer_lowered;
	s7 =	simm.s32 $_tile_overlayer_lowered  }
0x9c: {  	s22 =	simm.s32 $0x1BFF;
	s21 =	sshll.u32 s7, $0x1;
	s4 =	sadd.s32 s5, s19  }
0x9d: {  	s8 =	simm.s32 $0x0;
	s20 =	sshll.u32 s6, $0x1;
	s6 =	sadd.s32 s21, s4  }
0x9e: {  	[timem:s8], [sflag:s22] =	dma.local [hbm:s6], s20  }
0x9f: {  	_ =	swait.ge [sflag:s22], s20  }
0xa0: {  	s5 =	ssub.s32 $0x0, s20;
	[sflag:s22] =	ssyncset.done $0x0  }
0xa1: {  	[sflag:s22] =	ssyncadd.s32 s5;
	_ =	sdelay $0x1  }
0xa2: {  	s23 =	simm.s32 $0x1B8B  }
0xa3: {  	_ =	swait.ge [sflag:s23], $0x1  }
0xa4: {  	[sflag:s23] =	ssyncset.done $0x0  }
0xa5: {  	s25 =	simm.s32 $0x1B8E;
	s24 =	sld [smem:$0x3FFE];
	[sflag:s23] =	ssyncadd.s32 $0xFFFFFFFF  }
0xa6: {  	s26 =	simm.s32 $execute0_lowered;
	[smem:$0x3FD2] =	sst s25  }
0xa7: {  	s6 =	sshll.u32 s26, $0x1;
	_ =	strace $0x80000046;
	[dreg:$0x1] =	wrdreg $0xFFFFFFFF  }
0xa8: {  	s28 =	simm.s32 $_size_execute0_lowered;
	s4 =	sadd.s32 s4, s6;
	[dreg:$0x0] =	wrdreg $0x0  }
0xa9: {  	s6 =	sshll.u32 s28, $0x1;
	[dreg:$0x2] =	wrdreg s4  }
0xaa: {  	[dreg:$0x3] =	wrdreg s6  }
0xab: {  	[dreg:$0x4] =	wrdreg $0xC0  }
0xac: {  	_ =	task [dreg:s8], $0x5FFFF  }
0xad: {  	[dreg:$0x1] =	wrdreg $0xFFFFFFFF  }
0xae: {  	[dreg:$0x0] =	wrdreg $0x60  }
0xaf: {  	[dreg:$0x2] =	wrdreg s2  }
0xb0: {  	[dreg:$0x3] =	wrdreg s18  }
0xb1: {  	[dreg:$0x4] =	wrdreg s24  }
0xb2: {  	[dreg:$0x5] =	wrdreg $0x84000  }
0xb3: {  	[dreg:$0x6] =	wrdreg $0x9  }
0xb4: {  	_ =	task.clear_ibuf [dreg:s8], $0x7FFFF;
	_ =	strace $0x90000046  }
0xb5: {  	s29 =	simm.s32 $0x9;
	_ =	strace $0x80000048  }
0xb6: {  	_ =	swait.ge [sflag:s29], $0x1  }
0xb7: {  	[sflag:s29] =	ssyncadd.s32 $0xFFFFFFFF  }
0xb8: {  	_ =	strace $0x90000048  }
0xb9: {  	_ =	sfence  }
0xba: {  	s30 =	sld [smem:$0x0];
	_ =	sdelay $0x2  }
0xbb: {  	s31 =	sshll.u32 s1, $0xD;
	s1 =	sshrl.u32 s1, $0x2  }
0xbc: {  	s3 =	sand.u32 $0x4000, s31;
	s1 =	sadd.s32 s1, s30  }
0xbd: {  	s0 =	sor.u32 s3, s0;
	s1 =	sshll.u32 s1, $0x11  }
0xbe: {  	s0 =	sor.u32 s1, s0  }
0xbf: {  	s0 =	sadd.s32 $0x8F2B, s0  }
0xc0: {  	[sflag:s0] =	ssyncadd.remote.s32 $0x1  }
0xc1: {  	_ =	sfence.sel $0xFFFF  }
0xc2: {  	[dreg:$0x0] =	wrdreg $0xFFFFFFFF;
	(pc) =	sbr.abs _section_cstart, $3  }
0xc3: {  	[dreg:$0x1] =	wrdreg $0xFFFFFFFF  }
0xc4: {  	_ =	task.clear_ibuf [dreg:s8], $0x2FFFF;
	_ =	strace $0x9FFFFFFF  }
0xc5: {  	(tm) =	ssettm $0x7FFFFFFF  }
tec
execute0_lowered:
.L_overlay_start_1:
0x0: {  	(tag) =	ssettag $0x1  }
0x1: {  	s3 =	rddreg [dreg:$0x1];
	s2 =	srdreg.scid  }
0x2: {  	s0 =	rddreg [dreg:$0x2];
	s1 =	simm.s32 $0x0;
	s23 =	stileid.u32  }
0x3: {  	s4 =	sand.u32 $0x1, s2;
	[smem:$0x7FF] =	sst s1;
	s7 =	smul.u32 $0x278, s23  }
0x4: {  	s8 =	sadd.s32 $0x2800, s0;
	s10 =	sadd.s32 $0x51800, s0;
	s18 =	sshll.u32 s23, $0x3  }
0x5: {  	s2 =	sshll.u32 s4, $0x4;
	s5 =	ssub.s32 $0x2, s4;
	s26 =	smul.u32 $0x2780, s4  }
0x6: {  	s4 =	smul.u32 $0x4E00, s4;
	s6 =	sor.u32 s23, s2;
	s25 =	sshrl.u32 s5, $0x1  }
0x7: {  	s11 =	sadd.s32 $0x80, s7;
	s12 =	sadd.s32 $0x100, s7;
	s13 =	sadd.s32 $0x180, s7  }
0x8: {  	s14 =	sadd.s32 $0x200, s7;
	s9 =	smul.u32 $0x2700, s6;
	s2 =	ssub.s32 s5, s25  }
0x9: {  	s7 =	sadd.s32 s7, s26;
	s16 =	sadd.s32 s26, s11;
	s21 =	sadd.s32 s26, s13  }
0xa: {  	s5 =	sadd.s32 s26, s14;
	s7 =	sshll.u32 s7, $0x4;
	s16 =	sshll.u32 s16, $0x4  }
0xb: {  	s5 =	sshll.u32 s5, $0x4;
	s9 =	sshrl.u32 s9, $0x3;
	s17 =	sadd.s32 s8, s7  }
0xc: {  	s15 =	sadd.s32 $0x400, s7;
	s25 =	sadd.s32 s8, s5;
	[dreg:$0x7] =	wrdreg s17  }
0xd: {  	s7 =	sadd.s32 s10, s7;
	s28 =	sadd.s32 s3, s9;
	[dreg:$0xf] =	wrdreg s25  }
0xe: {  	s9 =	sadd.s32 s18, s3;
	s19 =	sadd.s32 s8, s15;
	[dreg:$0x11] =	wrdreg s7  }
0xf: {  	s18 =	sadd.s32 s26, s12;
	s26 =	sadd.s32 s10, s15;
	[dreg:$0x8] =	wrdreg s19  }
0x10: {  	s17 =	sadd.s32 $0x400, s16;
	s19 =	sadd.s32 s8, s16;
	[dreg:$0x12] =	wrdreg s26  }
0x11: {  	s3 =	sadd.s32 s4, s3;
	s20 =	sadd.s32 s8, s17;
	[dreg:$0x9] =	wrdreg s19  }
0x12: {  	s18 =	sshll.u32 s18, $0x4;
	s15 =	sadd.s32 s10, s17;
	[dreg:$0xa] =	wrdreg s20  }
0x13: {  	s4 =	sadd.s32 $0x400, s18;
	s20 =	sadd.s32 s8, s18;
	[dreg:$0x14] =	wrdreg s15  }
0x14: {  	s19 =	sshll.u32 s21, $0x4;
	[dreg:$0xb] =	wrdreg s20;
	s22 =	sadd.s32 s8, s4  }
0x15: {  	s21 =	sadd.s32 s8, s19;
	[dreg:$0xc] =	wrdreg s22  }
0x16: {  	s4 =	sadd.s32 s10, s4;
	[dreg:$0xd] =	wrdreg s21  }
0x17: {  	s20 =	sadd.s32 $0x400, s19;
	s17 =	sadd.s32 s10, s19;
	[dreg:$0x16] =	wrdreg s4  }
0x18: {  	s24 =	sadd.s32 s8, s20;
	[dreg:$0x17] =	wrdreg s17  }
0x19: {  	s22 =	sadd.s32 $0x400, s5;
	s5 =	sadd.s32 s10, s5;
	[dreg:$0xe] =	wrdreg s24  }
0x1a: {  	[dreg:$0x19] =	wrdreg s5  }
0x1b: {  	s8 =	sadd.s32 s8, s22;
	s24 =	rddreg [dreg:$0x3]  }
0x1c: {  	s21 =	sadd.s32 s10, s22;
	[dreg:$0x10] =	wrdreg s8  }
0x1d: {  	s8 =	sadd.s32 s10, s16;
	[dreg:$0x1a] =	wrdreg s21  }
0x1e: {  	s16 =	sadd.s32 s10, s18;
	[dreg:$0x13] =	wrdreg s8  }
0x1f: {  	s18 =	sadd.s32 s10, s20;
	[dreg:$0x15] =	wrdreg s16  }
0x20: {  	s25 =	sadd.s32 $0x2000, s0;
	[dreg:$0x18] =	wrdreg s18  }
0x21: {  	s26 =	sadd.s32 $0x1800, s0;
	_ =	strace $0x80000047;
	[dreg:$0x1b] =	wrdreg s25  }
0x22: {  	p0 =	sgt.u32 s6, $0x7;
	s0 =	sadd.s32 $0x2400, s0;
	[dreg:$0x1c] =	wrdreg s26  }
0x23: {  	s7 =	sadd.s32 $0x9C00, s9;
	s19 =	smul.u32 $0x4E0, s23;
	[dreg:$0x1d] =	wrdreg s0  }
0x24: {  	s9 =	sadd.s32 $0x13840, s9;
	s20 =	smul.u32 $0x4F000, s23;
	[smem:$0x7EC] =	sst s7  }
0x25: {  	s23 =	sshll.u32 s11, $0x7;
	s10 =	smax.u32 s2, $0x1;
	[smem:$0x7ED] =	sst s9  }
0x26: {  	s11 =	sadd.s32 $0x9C40, s28;
	s8 =	sadd.s32 s19, s3;
	[smem:$0x7EE] =	sst s10  }
0x27: {  	s3 =	sshll.u32 s12, $0x7;
	s12 =	sadd.s32 $0x8, s28;
	[smem:$0x7EF] =	sst s11  }
0x28: {  	s4 =	sshll.u32 s13, $0x7;
	s13 =	sadd.s32 $0x9C48, s28;
	[smem:$0x7F0] =	sst s12  }
0x29: {  	s6 =	sshll.u32 s14, $0x7;
	s14 =	sadd.s32 $0x10, s28;
	[smem:$0x7F1] =	sst s13  }
0x2a: {  	s5 =	sadd.s32 s23, s24;
	s23 =	sadd.s32 $0x18, s28;
	[smem:$0x7F2] =	sst s14  }
0x2b: {  	[smem:$0x7F4] =	sst s23  }
0x2c: {  	s30 =	simm.s32 $0x40;
	s19 =	sadd.s32 s6, s24;
	[dreg:$0x6] =	wrdreg s28  }
0x2d: {  	s31 =	simm.s32 $0x6;
	s6 =	simm.s32 $0x200;
	[smem:$0x7F8] =	sst s19  }
0x2e: {  	s22 =	sshrl.u32 s20, $0x2;
	s20 =	sadd.s32 $0x9C50, s28;
	[dreg:$0x5] =	wrdreg s8  }
0x2f: {  	s17 =	sadd.s32 s3, s24;
	s25 =	sadd.s32 $0x9C58, s28;
	[smem:$0x7F3] =	sst s20  }
0x30: {  	s28 =	smov.u32 s5;
	s7 =	simm.s32 $0x280;
	[smem:$0x7F5] =	sst s25  }
0x31: {  	s10 =	simm.s32 $0x300;
	s13 =	simm.s32 $0x380;
	[dreg:$0x1f] =	wrdreg s28  }
0x32: {  	s0 =	simm.s32 $0xD;
	s15 =	sadd.s32 s22, s24;
	[smem:$0x7F6] =	sst s17  }
0x33: {  	s9 =	simm.s32 $0xF;
	s22 =	sadd.s32 s4, s24;
	[dreg:$0x1e] =	wrdreg s15  }
0x34: {  	s11 =	simm.s32 $0x10;
	s16 =	sadd.s32 $0x2000, s15;
	[smem:$0x7F7] =	sst s22  }
0x35: {  	s12 =	simm.s32 $0x5;
	s21 =	sadd.s32 $0x6000, s15;
	[smem:$0x7F9] =	sst s16  }
0x36: {  	s23 =	simm.s32 $0x7;
	s29 =	sadd.s32 $0xA000, s15;
	[smem:$0x7FA] =	sst s21  }
0x37: {  	s5 =	simm.s32 $0x8;
	s26 =	sadd.s32 $0xE000, s15;
	[smem:$0x7FB] =	sst s29  }
0x38: {  	s3 =	simm.s32 $0x0;
	s18 =	sadd.s32 $0x12000, s15;
	[smem:$0x7FC] =	sst s26  }
0x39: {  	s20 =	simm.s32 $0x400;
	s4 =	simm.s32 $0xE;
	[smem:$0x7FD] =	sst s18  }
.LBB2_1:
0x3a: {  	[smem:$0x7EB] =	sst s3  }
0x3b: {  	s25 =	simm.s32 $0x11;
	s14 =	rddreg [dreg:$0x1b]  }
0x3c: {  	[tilespmem:s20], [sflag:$0x11] =	stream.linear.gather [hbm4b:s14+s1], $0x2000, $0x38;
	[tilespmem:$0x1C000] =	vst v63  }
0x3d: {  	_ =	swait.ge [sflag:s25], $0x2000  }
0x3e: {  	s2 =	smov.u32 s19;
	[sflag:s25] =	ssyncset.done $0x0  }
0x3f: {  	s19 =	simm.s32 $0x2400;
	s3 =	rddreg [dreg:$0x1d];
	[sflag:s25] =	ssyncadd.s32 $0xFFFFE000  }
0x40: {  	[tilespmem:s19], [sflag:$0x11] =	stream.linear.gather [hbm4b:s3+s1], $0x2000, $0x38;
	[tilespmem:$0x1C000] =	vst v63  }
0x41: {  	_ =	swait.ge [sflag:s25], $0x2000  }
0x42: {  	[sflag:s25] =	ssyncset.done $0x0  }
0x43: {  	[sflag:s25] =	ssyncadd.s32 $0xFFFFE000  }
0x44: {  	[spmem:s15] =	stream.linear.scatter [tilespmem:s20], [sflag:$0x11], $0x2000, $0x38;
	[tilespmem:$0x1C000] =	vst v63  }
0x45: {  	_ =	swait.ge [sflag:s25], $0x2000  }
0x46: {  	[sflag:s25] =	ssyncset.done $0x0  }
0x47: {  	[sflag:s25] =	ssyncadd.s32 $0xFFFFE000  }
0x48: {  	[spmem:s16] =	stream.linear.scatter [tilespmem:s19], [sflag:$0x11], $0x2000, $0x38;
	[tilespmem:$0x1C000] =	vst v63  }
0x49: {  	_ =	swait.ge [sflag:s25], $0x2000  }
0x4a: {  	[sflag:s25] =	ssyncset.done $0x0  }
0x4b: {  	[sflag:s25] =	ssyncadd.s32 $0xFFFFE000  }
0x4c: {  	[spmem:s28] =	stream.linear.scatter [tilespmem:s20], [sflag:$0x11], $0x2000, $0x38;
	[tilespmem:$0x1C000] =	vst v63  }
0x4d: {  	_ =	swait.ge [sflag:s25], $0x2000  }
0x4e: {  	[sflag:s25] =	ssyncset.done $0x0  }
0x4f: {  	[sflag:s25] =	ssyncadd.s32 $0xFFFFE000  }
0x50: {  	[spmem:s21] =	stream.linear.scatter [tilespmem:s19], [sflag:$0x11], $0x2000, $0x38;
	[tilespmem:$0x1C000] =	vst v63  }
0x51: {  	_ =	swait.ge [sflag:s25], $0x2000  }
0x52: {  	[sflag:s25] =	ssyncset.done $0x0  }
0x53: {  	[sflag:s25] =	ssyncadd.s32 $0xFFFFE000  }
0x54: {  	[spmem:s17] =	stream.linear.scatter [tilespmem:s20], [sflag:$0x11], $0x2000, $0x38;
	[tilespmem:$0x1C000] =	vst v63  }
0x55: {  	_ =	swait.ge [sflag:s25], $0x2000  }
0x56: {  	[sflag:s25] =	ssyncset.done $0x0  }
0x57: {  	[sflag:s25] =	ssyncadd.s32 $0xFFFFE000  }
0x58: {  	[spmem:s29] =	stream.linear.scatter [tilespmem:s19], [sflag:$0x11], $0x2000, $0x38;
	[tilespmem:$0x1C000] =	vst v63  }
0x59: {  	_ =	swait.ge [sflag:s25], $0x2000  }
0x5a: {  	[sflag:s25] =	ssyncset.done $0x0  }
0x5b: {  	[sflag:s25] =	ssyncadd.s32 $0xFFFFE000  }
0x5c: {  	[spmem:s22] =	stream.linear.scatter [tilespmem:s20], [sflag:$0x11], $0x2000, $0x38;
	[tilespmem:$0x1C000] =	vst v63  }
0x5d: {  	_ =	swait.ge [sflag:s25], $0x2000  }
0x5e: {  	[sflag:s25] =	ssyncset.done $0x0  }
0x5f: {  	[sflag:s25] =	ssyncadd.s32 $0xFFFFE000  }
0x60: {  	[spmem:s26] =	stream.linear.scatter [tilespmem:s19], [sflag:$0x11], $0x2000, $0x38;
	[tilespmem:$0x1C000] =	vst v63  }
0x61: {  	_ =	swait.ge [sflag:s25], $0x2000  }
0x62: {  	[sflag:s25] =	ssyncset.done $0x0  }
0x63: {  	[sflag:s25] =	ssyncadd.s32 $0xFFFFE000  }
0x64: {  	[spmem:s2] =	stream.linear.scatter [tilespmem:s20], [sflag:$0x11], $0x2000, $0x38;
	[tilespmem:$0x1C000] =	vst v63  }
0x65: {  	_ =	swait.ge [sflag:s25], $0x2000  }
0x66: {  	[sflag:s25] =	ssyncset.done $0x0  }
0x67: {  	[sflag:s25] =	ssyncadd.s32 $0xFFFFE000  }
0x68: {  	[spmem:s18] =	stream.linear.scatter [tilespmem:s19], [sflag:$0x11], $0x1C00, $0x38;
	[tilespmem:$0x1C000] =	vst v63  }
0x69: {  	_ =	swait.ge [sflag:s25], $0x1C00  }
0x6a: {  	[sflag:s25] =	ssyncset.done $0x0  }
0x6b: {  	[sflag:s25] =	ssyncadd.s32 $0xFFFFE400  }
0x6c: {  	[bflag:$0x0] =	sbarrier.arrive $0xFFFF  }
0x6d: {  	s2 =	rddreg [dreg:$0x6]  }
0x6e: {  	s3 =	sld [smem:$0x7EF]  }
0x6f: {  	[tilespmem:s1], [sflag:$0x9] =	stream.linear.gather [hbm4b:s2+s1], $0x40, $0x38;
	[tilespmem:$0x1C000] =	vst v63  }
0x70: {  	_ = 	snop  }
0x71: {  	[tilespmem:s6], [sflag:$0xD] =	stream.linear.gather [hbm4b:s3+s1], $0x40, $0x38;
	[tilespmem:$0x1C000] =	vst v63  }
0x72: {  	s6 =	sld [smem:$0x7F0];
	_ =	sdelay $0x1  }
0x73: {  	s28 =	simm.s32 $0x80;
	s15 =	sld [smem:$0x7F1]  }
0x74: {  	[tilespmem:s28], [sflag:$0xA] =	stream.linear.gather [hbm4b:s6+s1], $0x40, $0x38;
	[tilespmem:$0x1C000] =	vst v63  }
0x75: {  	s16 =	sld [smem:$0x7F2]  }
0x76: {  	[tilespmem:s7], [sflag:$0xE] =	stream.linear.gather [hbm4b:s15+s1], $0x40, $0x38;
	[tilespmem:$0x1C000] =	vst v63  }
0x77: {  	s17 =	sld [smem:$0x7F3];
	s2 =	simm.s32 $0x100  }
0x78: {  	[tilespmem:s2], [sflag:$0xB] =	stream.linear.gather [hbm4b:s16+s1], $0x40, $0x38;
	[tilespmem:$0x1C000] =	vst v63  }
0x79: {  	s18 =	sld [smem:$0x7F4]  }
0x7a: {  	[tilespmem:s10], [sflag:$0xF] =	stream.linear.gather [hbm4b:s17+s1], $0x40, $0x38;
	[tilespmem:$0x1C000] =	vst v63  }
0x7b: {  	s26 =	sld [smem:$0x7F5];
	s6 =	simm.s32 $0x180  }
0x7c: {  	[tilespmem:s6], [sflag:$0xC] =	stream.linear.gather [hbm4b:s18+s1], $0x40, $0x38;
	[tilespmem:$0x1C000] =	vst v63  }
0x7d: {  	_ = 	snop  }
0x7e: {  	[tilespmem:s13], [sflag:$0x10] =	stream.linear.gather [hbm4b:s26+s1], $0x40, $0x38;
	[tilespmem:$0x1C000] =	vst v63  }
0x7f: {  	s13 =	simm.s32 $0x9  }
0x80: {  	_ =	swait.ge [sflag:s13], $0x40  }
0x81: {  	[sflag:s13] =	ssyncset.done $0x0  }
0x82: {  	[sflag:s13] =	ssyncadd.s32 $0xFFFFFFC0  }
0x83: {  	s17 =	simm.s32 $0xA;
	s26 =	rddreg [dreg:$0x0]  }
0x84: {  	[tilespmem:s20], [sflag:$0x1] =	stream.indirect.gather [hbm4b:s26+s30], $0x80, s1, s30, $0xb8;
	[tilespmem:$0x1C000] =	vst v63  }
0x85: {  	_ =	swait.ge [sflag:s17], $0x40  }
0x86: {  	[sflag:s17] =	ssyncset.done $0x0  }
0x87: {  	s22 =	simm.s32 $0xB;
	[sflag:s17] =	ssyncadd.s32 $0xFFFFFFC0  }
0x88: {  	[tilespmem:s19], [sflag:$0x2] =	stream.indirect.gather [hbm4b:s26+s30], $0x80, s28, s30, $0xb8;
	[tilespmem:$0x1C000] =	vst v63  }
0x89: {  	_ =	swait.ge [sflag:s22], $0x40  }
0x8a: {  	s14 =	smov.u32 s8;
	[sflag:s22] =	ssyncset.done $0x0  }
0x8b: {  	s8 =	simm.s32 $0xC;
	s3 =	simm.s32 $0x4400;
	[sflag:s22] =	ssyncadd.s32 $0xFFFFFFC0  }
0x8c: {  	[tilespmem:s3], [sflag:$0x3] =	stream.indirect.gather [hbm4b:s26+s30], $0x80, s2, s30, $0xb8;
	[tilespmem:$0x1C000] =	vst v63  }
0x8d: {  	_ =	swait.ge [sflag:s8], $0x40  }
0x8e: {  	[sflag:s8] =	ssyncset.done $0x0  }
0x8f: {  	s25 =	simm.s32 $0x6400;
	s10 =	simm.s32 $0x1;
	[sflag:s8] =	ssyncadd.s32 $0xFFFFFFC0  }
0x90: {  	[tilespmem:s25], [sflag:$0x4] =	stream.indirect.gather [hbm4b:s26+s30], $0x80, s6, s30, $0xb8;
	[tilespmem:$0x1C000] =	vst v63  }
0x91: {  	_ =	swait.ge [sflag:s10], $0x2000  }
0x92: {  	[sflag:s10] =	ssyncset.done $0x0  }
0x93: {  	[sflag:s10] =	ssyncadd.s32 $0xFFFFE000  }
0x94: {  	_ =	swait.ge [sflag:s0], $0x40  }
0x95: {  	[sflag:s0] =	ssyncset.done $0x0  }
0x96: {  	s21 =	simm.s32 $0x200;
	[sflag:s0] =	ssyncadd.s32 $0xFFFFFFC0  }
0x97: {  	[spmem:s24] =	stream.indirect.scatter.add.f32 [tilespmem:s20], [sflag:$0x5], $0x80, s21, s30, $0xb8;
	[tilespmem:$0x1C000] =	vst v63  }
0x98: {  	s21 =	simm.s32 $0x2  }
0x99: {  	_ =	swait.ge [sflag:s21], $0x2000  }
0x9a: {  	[sflag:s21] =	ssyncset.done $0x0  }
0x9b: {  	[sflag:s21] =	ssyncadd.s32 $0xFFFFE000  }
0x9c: {  	_ =	swait.ge [sflag:s4], $0x40  }
0x9d: {  	[sflag:s4] =	ssyncset.done $0x0  }
0x9e: {  	s29 =	simm.s32 $0x3;
	[sflag:s4] =	ssyncadd.s32 $0xFFFFFFC0  }
0x9f: {  	[spmem:s24] =	stream.indirect.scatter.add.f32 [tilespmem:s19], [sflag:$0x6], $0x80, s7, s30, $0xb8;
	[tilespmem:$0x1C000] =	vst v63  }
0xa0: {  	_ =	swait.ge [sflag:s29], $0x2000  }
0xa1: {  	[sflag:s29] =	ssyncset.done $0x0  }
0xa2: {  	[sflag:s29] =	ssyncadd.s32 $0xFFFFE000  }
0xa3: {  	_ =	swait.ge [sflag:s9], $0x40  }
0xa4: {  	[sflag:s9] =	ssyncset.done $0x0  }
0xa5: {  	s15 =	simm.s32 $0x300;
	s7 =	simm.s32 $0x4;
	[sflag:s9] =	ssyncadd.s32 $0xFFFFFFC0  }
0xa6: {  	[spmem:s24] =	stream.indirect.scatter.add.f32 [tilespmem:s3], [sflag:$0x7], $0x80, s15, s30, $0xb8;
	[tilespmem:$0x1C000] =	vst v63  }
0xa7: {  	_ =	swait.ge [sflag:s7], $0x2000  }
0xa8: {  	[sflag:s7] =	ssyncset.done $0x0  }
0xa9: {  	[sflag:s7] =	ssyncadd.s32 $0xFFFFE000  }
0xaa: {  	_ =	swait.ge [sflag:s11], $0x40  }
0xab: {  	[sflag:s11] =	ssyncset.done $0x0  }
0xac: {  	s18 =	simm.s32 $0x380;
	[sflag:s11] =	ssyncadd.s32 $0xFFFFFFC0  }
0xad: {  	[spmem:s24] =	stream.indirect.scatter.add.f32 [tilespmem:s25], [sflag:$0x8], $0x80, s18, s30, $0xb8;
	[tilespmem:$0x1C000] =	vst v63  }
0xae: {  	_ =	swait.ge [sflag:s12], $0x2000  }
0xaf: {  	s14 =	sadd.s32 $0x0, s14;
	[sflag:s12] =	ssyncset.done $0x0  }
0xb0: {  	s18 =	sadd.s32 $0x20, s14;
	[sflag:s12] =	ssyncadd.s32 $0xFFFFE000  }
0xb1: {  	[tilespmem:s1], [sflag:$0x9] =	stream.linear.gather [hbm4b:s18+s1], $0x40, $0x38;
	[tilespmem:$0x1C000] =	vst v63  }
0xb2: {  	s16 =	simm.s32 $0x200;
	s18 =	sadd.s32 $0x9C60, s14  }
0xb3: {  	[tilespmem:s16], [sflag:$0xD] =	stream.linear.gather [hbm4b:s18+s1], $0x40, $0x38;
	[tilespmem:$0x1C000] =	vst v63  }
0xb4: {  	_ =	swait.ge [sflag:s13], $0x40  }
0xb5: {  	[sflag:s13] =	ssyncset.done $0x0  }
0xb6: {  	[sflag:s13] =	ssyncadd.s32 $0xFFFFFFC0  }
0xb7: {  	[tilespmem:s20], [sflag:$0x1] =	stream.indirect.gather [hbm4b:s26+s30], $0x80, s1, s30, $0xb8;
	[tilespmem:$0x1C000] =	vst v63  }
0xb8: {  	_ =	swait.ge [sflag:s31], $0x2000  }
0xb9: {  	[sflag:s31] =	ssyncset.done $0x0  }
0xba: {  	s18 =	sadd.s32 $0x28, s14;
	[sflag:s31] =	ssyncadd.s32 $0xFFFFE000  }
0xbb: {  	[tilespmem:s28], [sflag:$0xA] =	stream.linear.gather [hbm4b:s18+s1], $0x40, $0x38;
	[tilespmem:$0x1C000] =	vst v63  }
0xbc: {  	s15 =	simm.s32 $0x280;
	s18 =	sadd.s32 $0x9C68, s14  }
0xbd: {  	[tilespmem:s15], [sflag:$0xE] =	stream.linear.gather [hbm4b:s18+s1], $0x40, $0x38;
	[tilespmem:$0x1C000] =	vst v63  }
0xbe: {  	_ =	swait.ge [sflag:s17], $0x40  }
0xbf: {  	[sflag:s17] =	ssyncset.done $0x0  }
0xc0: {  	[sflag:s17] =	ssyncadd.s32 $0xFFFFFFC0  }
0xc1: {  	[tilespmem:s19], [sflag:$0x2] =	stream.indirect.gather [hbm4b:s26+s30], $0x80, s28, s30, $0xb8;
	[tilespmem:$0x1C000] =	vst v63  }
0xc2: {  	_ =	swait.ge [sflag:s23], $0x2000  }
0xc3: {  	[sflag:s23] =	ssyncset.done $0x0  }
0xc4: {  	s28 =	sadd.s32 $0x30, s14;
	[sflag:s23] =	ssyncadd.s32 $0xFFFFE000  }
0xc5: {  	[tilespmem:s2], [sflag:$0xB] =	stream.linear.gather [hbm4b:s28+s1], $0x40, $0x38;
	[tilespmem:$0x1C000] =	vst v63  }
0xc6: {  	s18 =	sadd.s32 $0x9C70, s14;
	s28 =	simm.s32 $0x300  }
0xc7: {  	[tilespmem:s28], [sflag:$0xF] =	stream.linear.gather [hbm4b:s18+s1], $0x40, $0x38;
	[tilespmem:$0x1C000] =	vst v63  }
0xc8: {  	_ =	swait.ge [sflag:s22], $0x40  }
0xc9: {  	[sflag:s22] =	ssyncset.done $0x0  }
0xca: {  	[sflag:s22] =	ssyncadd.s32 $0xFFFFFFC0  }
0xcb: {  	[tilespmem:s3], [sflag:$0x3] =	stream.indirect.gather [hbm4b:s26+s30], $0x80, s2, s30, $0xb8;
	[tilespmem:$0x1C000] =	vst v63  }
0xcc: {  	_ =	swait.ge [sflag:s5], $0x2000  }
0xcd: {  	[sflag:s5] =	ssyncset.done $0x0  }
0xce: {  	s2 =	sadd.s32 $0x38, s14;
	[sflag:s5] =	ssyncadd.s32 $0xFFFFE000  }
0xcf: {  	[tilespmem:s6], [sflag:$0xC] =	stream.linear.gather [hbm4b:s2+s1], $0x40, $0x38;
	[tilespmem:$0x1C000] =	vst v63  }
0xd0: {  	s18 =	simm.s32 $0x380;
	s14 =	sadd.s32 $0x9C78, s14  }
0xd1: {  	[tilespmem:s18], [sflag:$0x10] =	stream.linear.gather [hbm4b:s14+s1], $0x40, $0x38;
	[tilespmem:$0x1C000] =	vst v63  }
0xd2: {  	_ =	swait.ge [sflag:s8], $0x40  }
0xd3: {  	[sflag:s8] =	ssyncset.done $0x0  }
0xd4: {  	[sflag:s8] =	ssyncadd.s32 $0xFFFFFFC0  }
0xd5: {  	[tilespmem:s25], [sflag:$0x4] =	stream.indirect.gather [hbm4b:s26+s30], $0x80, s6, s30, $0xb8;
	[tilespmem:$0x1C000] =	vst v63  }
0xd6: {  	_ =	swait.ge [sflag:s10], $0x2000  }
0xd7: {  	[sflag:s10] =	ssyncset.done $0x0  }
0xd8: {  	[sflag:s10] =	ssyncadd.s32 $0xFFFFE000  }
0xd9: {  	_ =	swait.ge [sflag:s0], $0x40  }
0xda: {  	[sflag:s0] =	ssyncset.done $0x0  }
0xdb: {  	s16 =	simm.s32 $0x200;
	[sflag:s0] =	ssyncadd.s32 $0xFFFFFFC0  }
0xdc: {  	[spmem:s24] =	stream.indirect.scatter.add.f32 [tilespmem:s20], [sflag:$0x5], $0x80, s16, s30, $0xb8;
	[tilespmem:$0x1C000] =	vst v63  }
0xdd: {  	_ =	swait.ge [sflag:s21], $0x2000  }
0xde: {  	[sflag:s21] =	ssyncset.done $0x0  }
0xdf: {  	[sflag:s21] =	ssyncadd.s32 $0xFFFFE000  }
0xe0: {  	_ =	swait.ge [sflag:s4], $0x40  }
0xe1: {  	[sflag:s4] =	ssyncset.done $0x0  }
0xe2: {  	s15 =	simm.s32 $0x280;
	[sflag:s4] =	ssyncadd.s32 $0xFFFFFFC0  }
0xe3: {  	[spmem:s24] =	stream.indirect.scatter.add.f32 [tilespmem:s19], [sflag:$0x6], $0x80, s15, s30, $0xb8;
	[tilespmem:$0x1C000] =	vst v63  }
0xe4: {  	_ =	swait.ge [sflag:s29], $0x2000  }
0xe5: {  	[sflag:s29] =	ssyncset.done $0x0  }
0xe6: {  	[sflag:s29] =	ssyncadd.s32 $0xFFFFE000  }
0xe7: {  	_ =	swait.ge [sflag:s9], $0x40  }
0xe8: {  	[sflag:s9] =	ssyncset.done $0x0  }
0xe9: {  	s28 =	simm.s32 $0x300;
	[sflag:s9] =	ssyncadd.s32 $0xFFFFFFC0  }
0xea: {  	[spmem:s24] =	stream.indirect.scatter.add.f32 [tilespmem:s3], [sflag:$0x7], $0x80, s28, s30, $0xb8;
	[tilespmem:$0x1C000] =	vst v63  }
0xeb: {  	_ =	swait.ge [sflag:s7], $0x2000  }
0xec: {  	[sflag:s7] =	ssyncset.done $0x0  }
0xed: {  	[sflag:s7] =	ssyncadd.s32 $0xFFFFE000  }
0xee: {  	_ =	swait.ge [sflag:s11], $0x40  }
0xef: {  	[sflag:s11] =	ssyncset.done $0x0  }
0xf0: {  	s14 =	simm.s32 $0x20;
	[sflag:s11] =	ssyncadd.s32 $0xFFFFFFC0  }
.LBB2_2:
0xf1: {  	s19 =	simm.s32 $0x380  }
0xf2: {  	[spmem:s24] =	stream.indirect.scatter.add.f32 [tilespmem:s25], [sflag:$0x8], $0x80, s19, s30, $0xb8;
	[tilespmem:$0x1C000] =	vst v63  }
0xf3: {  	_ =	swait.ge [sflag:s12], $0x2000  }
0xf4: {  	s18 =	smov.u32 s14;
	s16 =	rddreg [dreg:$0x5]  }
0xf5: {  	[sflag:s12] =	ssyncset.done $0x0;
	s18 =	sadd.s32 s18, s16  }
0xf6: {  	[sflag:s12] =	ssyncadd.s32 $0xFFFFE000;
	s28 =	sadd.s32 $0x20, s18  }
0xf7: {  	[tilespmem:s1], [sflag:$0x9] =	stream.linear.gather [hbm4b:s28+s1], $0x40, $0x38;
	[tilespmem:$0x1C000] =	vst v63  }
0xf8: {  	s16 =	simm.s32 $0x200;
	s2 =	sadd.s32 $0x9C60, s18  }
0xf9: {  	[tilespmem:s16], [sflag:$0xD] =	stream.linear.gather [hbm4b:s2+s1], $0x40, $0x38;
	[tilespmem:$0x1C000] =	vst v63  }
0xfa: {  	_ =	swait.ge [sflag:s13], $0x40  }
0xfb: {  	[sflag:s13] =	ssyncset.done $0x0  }
0xfc: {  	[sflag:s13] =	ssyncadd.s32 $0xFFFFFFC0  }
0xfd: {  	[tilespmem:s20], [sflag:$0x1] =	stream.indirect.gather [hbm4b:s26+s30], $0x80, s1, s30, $0xb8;
	[tilespmem:$0x1C000] =	vst v63  }
0xfe: {  	_ =	swait.ge [sflag:s31], $0x2000  }
0xff: {  	[sflag:s31] =	ssyncset.done $0x0  }
0x100: {  	s6 =	sadd.s32 $0x28, s18;
	s2 =	simm.s32 $0x80;
	[sflag:s31] =	ssyncadd.s32 $0xFFFFE000  }
0x101: {  	[tilespmem:s2], [sflag:$0xA] =	stream.linear.gather [hbm4b:s6+s1], $0x40, $0x38;
	[tilespmem:$0x1C000] =	vst v63  }
0x102: {  	s15 =	sadd.s32 $0x9C68, s18;
	s28 =	simm.s32 $0x280  }
0x103: {  	[tilespmem:s28], [sflag:$0xE] =	stream.linear.gather [hbm4b:s15+s1], $0x40, $0x38;
	[tilespmem:$0x1C000] =	vst v63  }
0x104: {  	_ =	swait.ge [sflag:s17], $0x40  }
0x105: {  	[sflag:s17] =	ssyncset.done $0x0  }
0x106: {  	s15 =	simm.s32 $0x2400;
	[sflag:s17] =	ssyncadd.s32 $0xFFFFFFC0  }
0x107: {  	[tilespmem:s15], [sflag:$0x2] =	stream.indirect.gather [hbm4b:s26+s30], $0x80, s2, s30, $0xb8;
	[tilespmem:$0x1C000] =	vst v63  }
0x108: {  	_ =	swait.ge [sflag:s23], $0x2000  }
0x109: {  	[sflag:s23] =	ssyncset.done $0x0  }
0x10a: {  	s6 =	simm.s32 $0x100;
	s2 =	sadd.s32 $0x30, s18;
	[sflag:s23] =	ssyncadd.s32 $0xFFFFE000  }
0x10b: {  	[tilespmem:s6], [sflag:$0xB] =	stream.linear.gather [hbm4b:s2+s1], $0x40, $0x38;
	[tilespmem:$0x1C000] =	vst v63  }
0x10c: {  	s25 =	sadd.s32 $0x9C70, s18;
	s2 =	simm.s32 $0x300  }
0x10d: {  	[tilespmem:s2], [sflag:$0xF] =	stream.linear.gather [hbm4b:s25+s1], $0x40, $0x38;
	[tilespmem:$0x1C000] =	vst v63  }
0x10e: {  	_ =	swait.ge [sflag:s22], $0x40  }
0x10f: {  	[sflag:s22] =	ssyncset.done $0x0  }
0x110: {  	[sflag:s22] =	ssyncadd.s32 $0xFFFFFFC0  }
0x111: {  	[tilespmem:s3], [sflag:$0x3] =	stream.indirect.gather [hbm4b:s26+s30], $0x80, s6, s30, $0xb8;
	[tilespmem:$0x1C000] =	vst v63  }
0x112: {  	_ =	swait.ge [sflag:s5], $0x2000  }
0x113: {  	[sflag:s5] =	ssyncset.done $0x0  }
0x114: {  	s25 =	sadd.s32 $0x38, s18;
	s6 =	simm.s32 $0x180;
	[sflag:s5] =	ssyncadd.s32 $0xFFFFE000  }
0x115: {  	[tilespmem:s6], [sflag:$0xC] =	stream.linear.gather [hbm4b:s25+s1], $0x40, $0x38;
	[tilespmem:$0x1C000] =	vst v63  }
0x116: {  	s18 =	sadd.s32 $0x9C78, s18  }
0x117: {  	[tilespmem:s19], [sflag:$0x10] =	stream.linear.gather [hbm4b:s18+s1], $0x40, $0x38;
	[tilespmem:$0x1C000] =	vst v63  }
0x118: {  	_ =	swait.ge [sflag:s8], $0x40  }
0x119: {  	[sflag:s8] =	ssyncset.done $0x0  }
0x11a: {  	s25 =	simm.s32 $0x6400;
	[sflag:s8] =	ssyncadd.s32 $0xFFFFFFC0  }
0x11b: {  	[tilespmem:s25], [sflag:$0x4] =	stream.indirect.gather [hbm4b:s26+s30], $0x80, s6, s30, $0xb8;
	[tilespmem:$0x1C000] =	vst v63  }
0x11c: {  	_ =	swait.ge [sflag:s10], $0x2000  }
0x11d: {  	[sflag:s10] =	ssyncset.done $0x0  }
0x11e: {  	[sflag:s10] =	ssyncadd.s32 $0xFFFFE000  }
0x11f: {  	_ =	swait.ge [sflag:s0], $0x40  }
0x120: {  	[sflag:s0] =	ssyncset.done $0x0  }
0x121: {  	[sflag:s0] =	ssyncadd.s32 $0xFFFFFFC0  }
0x122: {  	[spmem:s24] =	stream.indirect.scatter.add.f32 [tilespmem:s20], [sflag:$0x5], $0x80, s16, s30, $0xb8;
	[tilespmem:$0x1C000] =	vst v63  }
0x123: {  	_ =	swait.ge [sflag:s21], $0x2000  }
0x124: {  	[sflag:s21] =	ssyncset.done $0x0  }
0x125: {  	[sflag:s21] =	ssyncadd.s32 $0xFFFFE000  }
0x126: {  	_ =	swait.ge [sflag:s4], $0x40  }
0x127: {  	[sflag:s4] =	ssyncset.done $0x0  }
0x128: {  	[sflag:s4] =	ssyncadd.s32 $0xFFFFFFC0  }
0x129: {  	[spmem:s24] =	stream.indirect.scatter.add.f32 [tilespmem:s15], [sflag:$0x6], $0x80, s28, s30, $0xb8;
	[tilespmem:$0x1C000] =	vst v63  }
0x12a: {  	_ =	swait.ge [sflag:s29], $0x2000  }
0x12b: {  	[sflag:s29] =	ssyncset.done $0x0  }
0x12c: {  	[sflag:s29] =	ssyncadd.s32 $0xFFFFE000  }
0x12d: {  	_ =	swait.ge [sflag:s9], $0x40  }
0x12e: {  	[sflag:s9] =	ssyncset.done $0x0  }
0x12f: {  	[sflag:s9] =	ssyncadd.s32 $0xFFFFFFC0  }
0x130: {  	[spmem:s24] =	stream.indirect.scatter.add.f32 [tilespmem:s3], [sflag:$0x7], $0x80, s2, s30, $0xb8;
	[tilespmem:$0x1C000] =	vst v63  }
0x131: {  	p1 =	sne.s32 s14, $0x4A0;
	_ =	swait.ge [sflag:s7], $0x2000  }
.Ltmp0:
0x132: {  	[sflag:s7] =	ssyncset.done $0x0;
	(pc) =	sbr.rel @p1 .LBB2_2-.Ltmp0, $4  }
0x133: {  	[sflag:s7] =	ssyncadd.s32 $0xFFFFE000  }
0x134: {  	_ =	swait.ge [sflag:s11], $0x40  }
0x135: {  	[sflag:s11] =	ssyncset.done $0x0  }
0x136: {  	s14 =	sadd.s32 $0x20, s14;
	[sflag:s11] =	ssyncadd.s32 $0xFFFFFFC0  }
0x137: {  	s13 =	simm.s32 $0x380  }
0x138: {  	[spmem:s24] =	stream.indirect.scatter.add.f32 [tilespmem:s25], [sflag:$0x8], $0x80, s13, s30, $0xb8;
	[tilespmem:$0x1C000] =	vst v63  }
0x139: {  	_ =	swait.ge [sflag:s12], $0x2000  }
0x13a: {  	[sflag:s12] =	ssyncset.done $0x0  }
0x13b: {  	[sflag:s12] =	ssyncadd.s32 $0xFFFFE000  }
0x13c: {  	_ =	swait.ge [sflag:s31], $0x2000  }
0x13d: {  	[sflag:s31] =	ssyncset.done $0x0  }
0x13e: {  	[sflag:s31] =	ssyncadd.s32 $0xFFFFE000  }
0x13f: {  	_ =	swait.ge [sflag:s23], $0x2000  }
0x140: {  	[sflag:s23] =	ssyncset.done $0x0  }
0x141: {  	[sflag:s23] =	ssyncadd.s32 $0xFFFFE000  }
0x142: {  	_ =	swait.ge [sflag:s5], $0x2000  }
0x143: {  	s18 =	sld [smem:$0x7EC]  }
0x144: {  	[sflag:s5] =	ssyncset.done $0x0  }
0x145: {  	s14 =	simm.s32 @!p0 $0x0;
	[sflag:s5] =	ssyncadd.s32 $0xFFFFE000  }
0x146: {  	[tilespmem:s14], [sflag:$0x9] =	stream.linear.gather @!p0 [hbm4b:s18+s14], $0x40, $0x38;
	[tilespmem:$0x1C000] =	vst v63  }
0x147: {  	s18 =	sld [smem:$0x7ED];
	_ =	sdelay $0x1  }
0x148: {  	s2 =	simm.s32 @!p0 $0x200;
	s25 =	simm.s32 @!p0 $0x9  }
0x149: {  	[tilespmem:s2], [sflag:$0xD] =	stream.linear.gather @!p0 [hbm4b:s18+s14], $0x40, $0x38;
	[tilespmem:$0x1C000] =	vst v63  }
0x14a: {  	_ =	swait.ge @!p0 [sflag:s25], $0x40  }
0x14b: {  	[sflag:s25] =	ssyncset.done @!p0 $0x0  }
0x14c: {  	[sflag:s25] =	ssyncadd.s32 @!p0 $0xFFFFFFC0;
	s25 =	simm.s32 @!p0 $0xD  }
0x14d: {  	_ =	swait.ge @!p0 [sflag:s25], $0x40  }
0x14e: {  	[sflag:s25] =	ssyncset.done @!p0 $0x0  }
0x14f: {  	s18 =	simm.s32 @!p0 $0x400;
	[sflag:s25] =	ssyncadd.s32 @!p0 $0xFFFFFFC0;
	s25 =	simm.s32 @!p0 $0x40  }
0x150: {  	[tilespmem:s18], [sflag:$0x1] =	stream.indirect.gather @!p0 [hbm4b:s26+s25], $0x80, s14, s25, $0xb8;
	[tilespmem:$0x1C000] =	vst v63  }
0x151: {  	s14 =	simm.s32 @!p0 $0x1  }
0x152: {  	_ =	swait.ge @!p0 [sflag:s14], $0x2000  }
0x153: {  	[sflag:s14] =	ssyncset.done @!p0 $0x0  }
0x154: {  	[sflag:s14] =	ssyncadd.s32 @!p0 $0xFFFFE000;
	s14 =	simm.s32 @!p0 $0x5  }
0x155: {  	[spmem:s24] =	stream.indirect.scatter.add.f32 @!p0 [tilespmem:s18], [sflag:$0x5], $0x80, s2, s25, $0xb8;
	[tilespmem:$0x1C000] =	vst v63  }
0x156: {  	_ =	swait.ge @!p0 [sflag:s14], $0x2000  }
0x157: {  	[sflag:s14] =	ssyncset.done @!p0 $0x0  }
0x158: {  	[sflag:s14] =	ssyncadd.s32 @!p0 $0xFFFFE000  }
0x159: {  	[bflag:$0x0] =	sbarrier.arrive $0xFFFF  }
0x15a: {  	s14 =	simm.s32 $0x11;
	s3 =	rddreg [dreg:$0x1e]  }
0x15b: {  	[tilespmem:s20], [sflag:$0x11] =	stream.linear.gather [spmem:s3], $0x2000, $0x38;
	[tilespmem:$0x1C000] =	vst v63  }
0x15c: {  	_ =	swait.ge [sflag:s14], $0x2000  }
0x15d: {  	[sflag:s14] =	ssyncset.done $0x0  }
0x15e: {  	s25 =	simm.s32 $0x0;
	s7 =	rddreg [dreg:$0x7];
	[sflag:s14] =	ssyncadd.s32 $0xFFFFE000  }
0x15f: {  	[hbm4b:s7+s25] =	stream.linear.scatter [tilespmem:s20], [sflag:$0x11], $0x2000, $0x38;
	[tilespmem:$0x1C000] =	vst v63  }
0x160: {  	_ =	swait.ge [sflag:s14], $0x2000  }
0x161: {  	s6 =	sld [smem:$0x7F9]  }
0x162: {  	[sflag:s14] =	ssyncset.done $0x0  }
0x163: {  	s2 =	simm.s32 $0x2400;
	[sflag:s14] =	ssyncadd.s32 $0xFFFFE000  }
0x164: {  	[tilespmem:s2], [sflag:$0x11] =	stream.linear.gather [spmem:s6], $0x2000, $0x38;
	[tilespmem:$0x1C000] =	vst v63  }
0x165: {  	_ =	swait.ge [sflag:s14], $0x2000  }
0x166: {  	[sflag:s14] =	ssyncset.done $0x0  }
0x167: {  	s8 =	rddreg [dreg:$0x8];
	[sflag:s14] =	ssyncadd.s32 $0xFFFFE000  }
0x168: {  	[hbm4b:s8+s25] =	stream.linear.scatter [tilespmem:s2], [sflag:$0x11], $0x2000, $0x38;
	[tilespmem:$0x1C000] =	vst v63  }
0x169: {  	_ =	swait.ge [sflag:s14], $0x2000  }
0x16a: {  	[sflag:s14] =	ssyncset.done $0x0  }
0x16b: {  	s7 =	rddreg [dreg:$0x1f];
	[sflag:s14] =	ssyncadd.s32 $0xFFFFE000  }
0x16c: {  	[tilespmem:s20], [sflag:$0x11] =	stream.linear.gather [spmem:s7], $0x2000, $0x38;
	[tilespmem:$0x1C000] =	vst v63  }
0x16d: {  	_ =	swait.ge [sflag:s14], $0x2000  }
0x16e: {  	[sflag:s14] =	ssyncset.done $0x0  }
0x16f: {  	s10 =	rddreg [dreg:$0x9];
	[sflag:s14] =	ssyncadd.s32 $0xFFFFE000  }
0x170: {  	[hbm4b:s10+s25] =	stream.linear.scatter [tilespmem:s20], [sflag:$0x11], $0x2000, $0x38;
	[tilespmem:$0x1C000] =	vst v63  }
0x171: {  	_ =	swait.ge [sflag:s14], $0x2000  }
0x172: {  	s8 =	sld [smem:$0x7FA]  }
0x173: {  	[sflag:s14] =	ssyncset.done $0x0  }
0x174: {  	[sflag:s14] =	ssyncadd.s32 $0xFFFFE000  }
0x175: {  	[tilespmem:s2], [sflag:$0x11] =	stream.linear.gather [spmem:s8], $0x2000, $0x38;
	[tilespmem:$0x1C000] =	vst v63  }
0x176: {  	_ =	swait.ge [sflag:s14], $0x2000  }
0x177: {  	[sflag:s14] =	ssyncset.done $0x0  }
0x178: {  	s15 =	rddreg [dreg:$0xa];
	[sflag:s14] =	ssyncadd.s32 $0xFFFFE000  }
0x179: {  	[hbm4b:s15+s25] =	stream.linear.scatter [tilespmem:s2], [sflag:$0x11], $0x2000, $0x38;
	[tilespmem:$0x1C000] =	vst v63  }
0x17a: {  	_ =	swait.ge [sflag:s14], $0x2000  }
0x17b: {  	s10 =	sld [smem:$0x7F6]  }
0x17c: {  	[sflag:s14] =	ssyncset.done $0x0  }
0x17d: {  	[sflag:s14] =	ssyncadd.s32 $0xFFFFE000  }
0x17e: {  	[tilespmem:s20], [sflag:$0x11] =	stream.linear.gather [spmem:s10], $0x2000, $0x38;
	[tilespmem:$0x1C000] =	vst v63  }
0x17f: {  	_ =	swait.ge [sflag:s14], $0x2000  }
0x180: {  	[sflag:s14] =	ssyncset.done $0x0  }
0x181: {  	s16 =	rddreg [dreg:$0xb];
	[sflag:s14] =	ssyncadd.s32 $0xFFFFE000  }
0x182: {  	[hbm4b:s16+s25] =	stream.linear.scatter [tilespmem:s20], [sflag:$0x11], $0x2000, $0x38;
	[tilespmem:$0x1C000] =	vst v63  }
0x183: {  	_ =	swait.ge [sflag:s14], $0x2000  }
0x184: {  	s15 =	sld [smem:$0x7FB]  }
0x185: {  	[sflag:s14] =	ssyncset.done $0x0  }
0x186: {  	[sflag:s14] =	ssyncadd.s32 $0xFFFFE000  }
0x187: {  	[tilespmem:s2], [sflag:$0x11] =	stream.linear.gather [spmem:s15], $0x2000, $0x38;
	[tilespmem:$0x1C000] =	vst v63  }
0x188: {  	_ =	swait.ge [sflag:s14], $0x2000  }
0x189: {  	[sflag:s14] =	ssyncset.done $0x0  }
0x18a: {  	s17 =	rddreg [dreg:$0xc];
	[sflag:s14] =	ssyncadd.s32 $0xFFFFE000  }
0x18b: {  	[hbm4b:s17+s25] =	stream.linear.scatter [tilespmem:s2], [sflag:$0x11], $0x2000, $0x38;
	[tilespmem:$0x1C000] =	vst v63  }
0x18c: {  	_ =	swait.ge [sflag:s14], $0x2000  }
0x18d: {  	s16 =	sld [smem:$0x7F7]  }
0x18e: {  	[sflag:s14] =	ssyncset.done $0x0  }
0x18f: {  	[sflag:s14] =	ssyncadd.s32 $0xFFFFE000  }
0x190: {  	[tilespmem:s20], [sflag:$0x11] =	stream.linear.gather [spmem:s16], $0x2000, $0x38;
	[tilespmem:$0x1C000] =	vst v63  }
0x191: {  	_ =	swait.ge [sflag:s14], $0x2000  }
0x192: {  	[sflag:s14] =	ssyncset.done $0x0  }
0x193: {  	s19 =	rddreg [dreg:$0xd];
	[sflag:s14] =	ssyncadd.s32 $0xFFFFE000  }
0x194: {  	[hbm4b:s19+s25] =	stream.linear.scatter [tilespmem:s20], [sflag:$0x11], $0x2000, $0x38;
	[tilespmem:$0x1C000] =	vst v63  }
0x195: {  	_ =	swait.ge [sflag:s14], $0x2000  }
0x196: {  	s17 =	sld [smem:$0x7FC]  }
0x197: {  	[sflag:s14] =	ssyncset.done $0x0  }
0x198: {  	[sflag:s14] =	ssyncadd.s32 $0xFFFFE000  }
0x199: {  	[tilespmem:s2], [sflag:$0x11] =	stream.linear.gather [spmem:s17], $0x2000, $0x38;
	[tilespmem:$0x1C000] =	vst v63  }
0x19a: {  	_ =	swait.ge [sflag:s14], $0x2000  }
0x19b: {  	[sflag:s14] =	ssyncset.done $0x0  }
0x19c: {  	s21 =	rddreg [dreg:$0xe];
	[sflag:s14] =	ssyncadd.s32 $0xFFFFE000  }
0x19d: {  	[hbm4b:s21+s25] =	stream.linear.scatter [tilespmem:s2], [sflag:$0x11], $0x2000, $0x38;
	[tilespmem:$0x1C000] =	vst v63  }
0x19e: {  	_ =	swait.ge [sflag:s14], $0x2000  }
0x19f: {  	s19 =	sld [smem:$0x7F8]  }
0x1a0: {  	[sflag:s14] =	ssyncset.done $0x0  }
0x1a1: {  	[sflag:s14] =	ssyncadd.s32 $0xFFFFE000  }
0x1a2: {  	[tilespmem:s20], [sflag:$0x11] =	stream.linear.gather [spmem:s19], $0x2000, $0x38;
	[tilespmem:$0x1C000] =	vst v63  }
0x1a3: {  	_ =	swait.ge [sflag:s14], $0x2000  }
0x1a4: {  	[sflag:s14] =	ssyncset.done $0x0  }
0x1a5: {  	s22 =	rddreg [dreg:$0xf];
	[sflag:s14] =	ssyncadd.s32 $0xFFFFE000  }
0x1a6: {  	[hbm4b:s22+s25] =	stream.linear.scatter [tilespmem:s20], [sflag:$0x11], $0x2000, $0x38;
	[tilespmem:$0x1C000] =	vst v63  }
0x1a7: {  	_ =	swait.ge [sflag:s14], $0x2000  }
0x1a8: {  	s21 =	sld [smem:$0x7FD]  }
0x1a9: {  	[sflag:s14] =	ssyncset.done $0x0  }
0x1aa: {  	[sflag:s14] =	ssyncadd.s32 $0xFFFFE000  }
0x1ab: {  	[tilespmem:s2], [sflag:$0x11] =	stream.linear.gather [spmem:s21], $0x1C00, $0x38;
	[tilespmem:$0x1C000] =	vst v63  }
0x1ac: {  	_ =	swait.ge [sflag:s14], $0x1C00  }
0x1ad: {  	[sflag:s14] =	ssyncset.done $0x0  }
0x1ae: {  	s26 =	rddreg [dreg:$0x10];
	[sflag:s14] =	ssyncadd.s32 $0xFFFFE400  }
0x1af: {  	[hbm4b:s26+s25] =	stream.linear.scatter [tilespmem:s2], [sflag:$0x11], $0x1C00, $0x38;
	[tilespmem:$0x1C000] =	vst v63  }
0x1b0: {  	_ =	swait.ge [sflag:s14], $0x1C00  }
0x1b1: {  	[sflag:s14] =	ssyncset.done $0x0  }
0x1b2: {  	s28 =	rddreg [dreg:$0x1b];
	[sflag:s14] =	ssyncadd.s32 $0xFFFFE400  }
0x1b3: {  	[tilespmem:s20], [sflag:$0x11] =	stream.linear.gather [hbm4b:s28+s25], $0x2000, $0x38;
	[tilespmem:$0x1C000] =	vst v63  }
0x1b4: {  	_ =	swait.ge [sflag:s14], $0x2000  }
0x1b5: {  	[sflag:s14] =	ssyncset.done $0x0  }
0x1b6: {  	s29 =	rddreg [dreg:$0x1d];
	[sflag:s14] =	ssyncadd.s32 $0xFFFFE000  }
0x1b7: {  	[tilespmem:s2], [sflag:$0x11] =	stream.linear.gather [hbm4b:s29+s25], $0x2000, $0x38;
	[tilespmem:$0x1C000] =	vst v63  }
0x1b8: {  	_ =	swait.ge [sflag:s14], $0x2000  }
0x1b9: {  	[sflag:s14] =	ssyncset.done $0x0  }
0x1ba: {  	[sflag:s14] =	ssyncadd.s32 $0xFFFFE000  }
0x1bb: {  	[spmem:s3] =	stream.linear.scatter [tilespmem:s20], [sflag:$0x11], $0x2000, $0x38;
	[tilespmem:$0x1C000] =	vst v63  }
0x1bc: {  	_ =	swait.ge [sflag:s14], $0x2000  }
0x1bd: {  	[sflag:s14] =	ssyncset.done $0x0  }
0x1be: {  	[sflag:s14] =	ssyncadd.s32 $0xFFFFE000  }
0x1bf: {  	[spmem:s6] =	stream.linear.scatter [tilespmem:s2], [sflag:$0x11], $0x2000, $0x38;
	[tilespmem:$0x1C000] =	vst v63  }
0x1c0: {  	_ =	swait.ge [sflag:s14], $0x2000  }
0x1c1: {  	[sflag:s14] =	ssyncset.done $0x0  }
0x1c2: {  	[sflag:s14] =	ssyncadd.s32 $0xFFFFE000  }
0x1c3: {  	[spmem:s7] =	stream.linear.scatter [tilespmem:s20], [sflag:$0x11], $0x2000, $0x38;
	[tilespmem:$0x1C000] =	vst v63  }
0x1c4: {  	_ =	swait.ge [sflag:s14], $0x2000  }
0x1c5: {  	[sflag:s14] =	ssyncset.done $0x0  }
0x1c6: {  	[sflag:s14] =	ssyncadd.s32 $0xFFFFE000  }
0x1c7: {  	[spmem:s8] =	stream.linear.scatter [tilespmem:s2], [sflag:$0x11], $0x2000, $0x38;
	[tilespmem:$0x1C000] =	vst v63  }
0x1c8: {  	_ =	swait.ge [sflag:s14], $0x2000  }
0x1c9: {  	[sflag:s14] =	ssyncset.done $0x0  }
0x1ca: {  	[sflag:s14] =	ssyncadd.s32 $0xFFFFE000  }
0x1cb: {  	[spmem:s10] =	stream.linear.scatter [tilespmem:s20], [sflag:$0x11], $0x2000, $0x38;
	[tilespmem:$0x1C000] =	vst v63  }
0x1cc: {  	_ =	swait.ge [sflag:s14], $0x2000  }
0x1cd: {  	[sflag:s14] =	ssyncset.done $0x0  }
0x1ce: {  	[sflag:s14] =	ssyncadd.s32 $0xFFFFE000  }
0x1cf: {  	[spmem:s15] =	stream.linear.scatter [tilespmem:s2], [sflag:$0x11], $0x2000, $0x38;
	[tilespmem:$0x1C000] =	vst v63  }
0x1d0: {  	_ =	swait.ge [sflag:s14], $0x2000  }
0x1d1: {  	[sflag:s14] =	ssyncset.done $0x0  }
0x1d2: {  	[sflag:s14] =	ssyncadd.s32 $0xFFFFE000  }
0x1d3: {  	[spmem:s16] =	stream.linear.scatter [tilespmem:s20], [sflag:$0x11], $0x2000, $0x38;
	[tilespmem:$0x1C000] =	vst v63  }
0x1d4: {  	_ =	swait.ge [sflag:s14], $0x2000  }
0x1d5: {  	[sflag:s14] =	ssyncset.done $0x0  }
0x1d6: {  	[sflag:s14] =	ssyncadd.s32 $0xFFFFE000  }
0x1d7: {  	[spmem:s17] =	stream.linear.scatter [tilespmem:s2], [sflag:$0x11], $0x2000, $0x38;
	[tilespmem:$0x1C000] =	vst v63  }
0x1d8: {  	_ =	swait.ge [sflag:s14], $0x2000  }
0x1d9: {  	[sflag:s14] =	ssyncset.done $0x0  }
0x1da: {  	[sflag:s14] =	ssyncadd.s32 $0xFFFFE000  }
0x1db: {  	[spmem:s19] =	stream.linear.scatter [tilespmem:s20], [sflag:$0x11], $0x2000, $0x38;
	[tilespmem:$0x1C000] =	vst v63  }
0x1dc: {  	_ =	swait.ge [sflag:s14], $0x2000  }
0x1dd: {  	[sflag:s14] =	ssyncset.done $0x0  }
0x1de: {  	[sflag:s14] =	ssyncadd.s32 $0xFFFFE000  }
0x1df: {  	[spmem:s21] =	stream.linear.scatter [tilespmem:s2], [sflag:$0x11], $0x1C00, $0x38;
	[tilespmem:$0x1C000] =	vst v63  }
0x1e0: {  	_ =	swait.ge [sflag:s14], $0x1C00  }
0x1e1: {  	[sflag:s14] =	ssyncset.done $0x0  }
0x1e2: {  	s10 =	rddreg [dreg:$0x1c];
	[sflag:s14] =	ssyncadd.s32 $0xFFFFE400  }
0x1e3: {  	[tilespmem:s20], [sflag:$0x11] =	stream.linear.gather [hbm4b:s10+s25], $0x2000, $0x38;
	[tilespmem:$0x1C000] =	vst v63  }
0x1e4: {  	_ =	swait.ge [sflag:s14], $0x2000  }
0x1e5: {  	[sflag:s14] =	ssyncset.done $0x0  }
0x1e6: {  	[sflag:s14] =	ssyncadd.s32 $0xFFFFE000  }
0x1e7: {  	[bflag:$0x0] =	sbarrier.arrive $0xFFFF  }
0x1e8: {  	s14 =	sld [smem:$0x7EF];
	_ =	sdelay $0x1  }
0x1e9: {  	s15 =	simm.s32 $0x200;
	s16 =	sld [smem:$0x7F1]  }
0x1ea: {  	[tilespmem:s15], [sflag:$0xD] =	stream.linear.gather [hbm4b:s14+s25], $0x40, $0x38;
	[tilespmem:$0x1C000] =	vst v63  }
0x1eb: {  	s17 =	simm.s32 $0x280;
	s19 =	sld [smem:$0x7F3]  }
0x1ec: {  	[tilespmem:s17], [sflag:$0xE] =	stream.linear.gather [hbm4b:s16+s25], $0x40, $0x38;
	[tilespmem:$0x1C000] =	vst v63  }
0x1ed: {  	s21 =	simm.s32 $0x300;
	s22 =	sld [smem:$0x7F5]  }
0x1ee: {  	[tilespmem:s21], [sflag:$0xF] =	stream.linear.gather [hbm4b:s19+s25], $0x40, $0x38;
	[tilespmem:$0x1C000] =	vst v63  }
0x1ef: {  	_ = 	snop  }
0x1f0: {  	[tilespmem:s13], [sflag:$0x10] =	stream.linear.gather [hbm4b:s22+s25], $0x40, $0x38;
	[tilespmem:$0x1C000] =	vst v63  }
0x1f1: {  	_ =	swait.ge [sflag:s0], $0x40  }
0x1f2: {  	[sflag:s0] =	ssyncset.done $0x0  }
0x1f3: {  	[sflag:s0] =	ssyncadd.s32 $0xFFFFFFC0  }
0x1f4: {  	[spmem:s24] =	stream.indirect.scatter.add.f32 [tilespmem:s20], [sflag:$0x5], $0x80, s15, s30, $0xb8;
	[tilespmem:$0x1C000] =	vst v63  }
0x1f5: {  	_ =	swait.ge [sflag:s4], $0x40  }
0x1f6: {  	[sflag:s4] =	ssyncset.done $0x0  }
0x1f7: {  	[sflag:s4] =	ssyncadd.s32 $0xFFFFFFC0  }
0x1f8: {  	[spmem:s24] =	stream.indirect.scatter.add.f32 [tilespmem:s20], [sflag:$0x6], $0x80, s17, s30, $0xb8;
	[tilespmem:$0x1C000] =	vst v63  }
0x1f9: {  	_ =	swait.ge [sflag:s9], $0x40  }
0x1fa: {  	[sflag:s9] =	ssyncset.done $0x0  }
0x1fb: {  	[sflag:s9] =	ssyncadd.s32 $0xFFFFFFC0  }
0x1fc: {  	[spmem:s24] =	stream.indirect.scatter.add.f32 [tilespmem:s20], [sflag:$0x7], $0x80, s21, s30, $0xb8;
	[tilespmem:$0x1C000] =	vst v63  }
0x1fd: {  	_ =	swait.ge [sflag:s11], $0x40  }
0x1fe: {  	[sflag:s11] =	ssyncset.done $0x0  }
0x1ff: {  	[sflag:s11] =	ssyncadd.s32 $0xFFFFFFC0  }
0x200: {  	[spmem:s24] =	stream.indirect.scatter.add.f32 [tilespmem:s20], [sflag:$0x8], $0x80, s13, s30, $0xb8;
	[tilespmem:$0x1C000] =	vst v63  }
0x201: {  	_ =	swait.ge [sflag:s12], $0x2000  }
0x202: {  	s8 =	rddreg [dreg:$0x5]  }
0x203: {  	[sflag:s12] =	ssyncset.done $0x0;
	s25 =	sadd.s32 $0x0, s8  }
0x204: {  	[sflag:s12] =	ssyncadd.s32 $0xFFFFE000;
	s26 =	sadd.s32 $0x9C60, s25  }
0x205: {  	[tilespmem:s15], [sflag:$0xD] =	stream.linear.gather [hbm4b:s26+s1], $0x40, $0x38;
	[tilespmem:$0x1C000] =	vst v63  }
0x206: {  	_ =	swait.ge [sflag:s31], $0x2000  }
0x207: {  	[sflag:s31] =	ssyncset.done $0x0  }
0x208: {  	s28 =	sadd.s32 $0x9C68, s25;
	[sflag:s31] =	ssyncadd.s32 $0xFFFFE000  }
0x209: {  	[tilespmem:s17], [sflag:$0xE] =	stream.linear.gather [hbm4b:s28+s1], $0x40, $0x38;
	[tilespmem:$0x1C000] =	vst v63  }
0x20a: {  	_ =	swait.ge [sflag:s23], $0x2000  }
0x20b: {  	[sflag:s23] =	ssyncset.done $0x0  }
0x20c: {  	s29 =	sadd.s32 $0x9C70, s25;
	[sflag:s23] =	ssyncadd.s32 $0xFFFFE000  }
0x20d: {  	[tilespmem:s21], [sflag:$0xF] =	stream.linear.gather [hbm4b:s29+s1], $0x40, $0x38;
	[tilespmem:$0x1C000] =	vst v63  }
0x20e: {  	_ =	swait.ge [sflag:s5], $0x2000  }
0x20f: {  	[sflag:s5] =	ssyncset.done $0x0  }
0x210: {  	s14 =	sadd.s32 $0x9C78, s25;
	[sflag:s5] =	ssyncadd.s32 $0xFFFFE000  }
0x211: {  	[tilespmem:s13], [sflag:$0x10] =	stream.linear.gather [hbm4b:s14+s1], $0x40, $0x38;
	[tilespmem:$0x1C000] =	vst v63  }
0x212: {  	_ =	swait.ge [sflag:s0], $0x40  }
0x213: {  	[sflag:s0] =	ssyncset.done $0x0  }
0x214: {  	[sflag:s0] =	ssyncadd.s32 $0xFFFFFFC0  }
0x215: {  	[spmem:s24] =	stream.indirect.scatter.add.f32 [tilespmem:s20], [sflag:$0x5], $0x80, s15, s30, $0xb8;
	[tilespmem:$0x1C000] =	vst v63  }
0x216: {  	_ =	swait.ge [sflag:s4], $0x40  }
0x217: {  	[sflag:s4] =	ssyncset.done $0x0  }
0x218: {  	[sflag:s4] =	ssyncadd.s32 $0xFFFFFFC0  }
0x219: {  	[spmem:s24] =	stream.indirect.scatter.add.f32 [tilespmem:s20], [sflag:$0x6], $0x80, s17, s30, $0xb8;
	[tilespmem:$0x1C000] =	vst v63  }
0x21a: {  	_ =	swait.ge [sflag:s9], $0x40  }
0x21b: {  	[sflag:s9] =	ssyncset.done $0x0  }
0x21c: {  	[sflag:s9] =	ssyncadd.s32 $0xFFFFFFC0  }
0x21d: {  	[spmem:s24] =	stream.indirect.scatter.add.f32 [tilespmem:s20], [sflag:$0x7], $0x80, s21, s30, $0xb8;
	[tilespmem:$0x1C000] =	vst v63  }
0x21e: {  	_ =	swait.ge [sflag:s11], $0x40  }
0x21f: {  	s6 =	simm.s32 $0x200;
	s7 =	simm.s32 $0x280;
	[sflag:s11] =	ssyncset.done $0x0  }
0x220: {  	s10 =	simm.s32 $0x300;
	s14 =	simm.s32 $0x20;
	[sflag:s11] =	ssyncadd.s32 $0xFFFFFFC0  }
.LBB2_4:
0x221: {  	[spmem:s24] =	stream.indirect.scatter.add.f32 [tilespmem:s20], [sflag:$0x8], $0x80, s13, s30, $0xb8;
	[tilespmem:$0x1C000] =	vst v63  }
0x222: {  	s18 =	smov.u32 s14  }
0x223: {  	p1 =	sne.s32 s14, $0x4A0;
	s14 =	sadd.s32 $0x20, s14;
	_ =	swait.ge [sflag:s12], $0x2000  }
0x224: {  	s18 =	sadd.s32 s18, s8;
	[sflag:s12] =	ssyncset.done $0x0  }
0x225: {  	s25 =	sadd.s32 $0x9C60, s18;
	[sflag:s12] =	ssyncadd.s32 $0xFFFFE000  }
0x226: {  	[tilespmem:s6], [sflag:$0xD] =	stream.linear.gather [hbm4b:s25+s1], $0x40, $0x38;
	[tilespmem:$0x1C000] =	vst v63  }
0x227: {  	_ =	swait.ge [sflag:s31], $0x2000  }
0x228: {  	[sflag:s31] =	ssyncset.done $0x0  }
0x229: {  	s25 =	sadd.s32 $0x9C68, s18;
	[sflag:s31] =	ssyncadd.s32 $0xFFFFE000  }
0x22a: {  	[tilespmem:s7], [sflag:$0xE] =	stream.linear.gather [hbm4b:s25+s1], $0x40, $0x38;
	[tilespmem:$0x1C000] =	vst v63  }
0x22b: {  	_ =	swait.ge [sflag:s23], $0x2000  }
0x22c: {  	[sflag:s23] =	ssyncset.done $0x0  }
0x22d: {  	s25 =	sadd.s32 $0x9C70, s18;
	[sflag:s23] =	ssyncadd.s32 $0xFFFFE000  }
0x22e: {  	[tilespmem:s10], [sflag:$0xF] =	stream.linear.gather [hbm4b:s25+s1], $0x40, $0x38;
	[tilespmem:$0x1C000] =	vst v63  }
0x22f: {  	_ =	swait.ge [sflag:s5], $0x2000  }
0x230: {  	[sflag:s5] =	ssyncset.done $0x0  }
0x231: {  	s18 =	sadd.s32 $0x9C78, s18;
	[sflag:s5] =	ssyncadd.s32 $0xFFFFE000  }
0x232: {  	[tilespmem:s13], [sflag:$0x10] =	stream.linear.gather [hbm4b:s18+s1], $0x40, $0x38;
	[tilespmem:$0x1C000] =	vst v63  }
0x233: {  	_ =	swait.ge [sflag:s0], $0x40  }
0x234: {  	[sflag:s0] =	ssyncset.done $0x0  }
0x235: {  	[sflag:s0] =	ssyncadd.s32 $0xFFFFFFC0  }
0x236: {  	[spmem:s24] =	stream.indirect.scatter.add.f32 [tilespmem:s20], [sflag:$0x5], $0x80, s6, s30, $0xb8;
	[tilespmem:$0x1C000] =	vst v63  }
0x237: {  	_ =	swait.ge [sflag:s4], $0x40  }
0x238: {  	[sflag:s4] =	ssyncset.done $0x0  }
0x239: {  	[sflag:s4] =	ssyncadd.s32 $0xFFFFFFC0  }
0x23a: {  	[spmem:s24] =	stream.indirect.scatter.add.f32 [tilespmem:s20], [sflag:$0x6], $0x80, s7, s30, $0xb8;
	[tilespmem:$0x1C000] =	vst v63  }
0x23b: {  	_ =	swait.ge [sflag:s9], $0x40  }
0x23c: {  	[sflag:s9] =	ssyncset.done $0x0  }
.Ltmp1:
0x23d: {  	[sflag:s9] =	ssyncadd.s32 $0xFFFFFFC0;
	(pc) =	sbr.rel @p1 .LBB2_4-.Ltmp1, $4  }
0x23e: {  	[spmem:s24] =	stream.indirect.scatter.add.f32 [tilespmem:s20], [sflag:$0x7], $0x80, s10, s30, $0xb8;
	[tilespmem:$0x1C000] =	vst v63  }
0x23f: {  	_ =	swait.ge [sflag:s11], $0x40  }
0x240: {  	[sflag:s11] =	ssyncset.done $0x0  }
0x241: {  	[sflag:s11] =	ssyncadd.s32 $0xFFFFFFC0  }
0x242: {  	[spmem:s24] =	stream.indirect.scatter.add.f32 [tilespmem:s20], [sflag:$0x8], $0x80, s13, s30, $0xb8;
	[tilespmem:$0x1C000] =	vst v63  }
0x243: {  	_ =	swait.ge [sflag:s12], $0x2000  }
0x244: {  	[sflag:s12] =	ssyncset.done $0x0  }
0x245: {  	[sflag:s12] =	ssyncadd.s32 $0xFFFFE000  }
0x246: {  	_ =	swait.ge [sflag:s31], $0x2000  }
0x247: {  	[sflag:s31] =	ssyncset.done $0x0  }
0x248: {  	[sflag:s31] =	ssyncadd.s32 $0xFFFFE000  }
0x249: {  	_ =	swait.ge [sflag:s23], $0x2000  }
0x24a: {  	[sflag:s23] =	ssyncset.done $0x0  }
0x24b: {  	[sflag:s23] =	ssyncadd.s32 $0xFFFFE000  }
0x24c: {  	_ =	swait.ge [sflag:s5], $0x2000  }
0x24d: {  	s25 =	sld [smem:$0x7ED]  }
0x24e: {  	[sflag:s5] =	ssyncset.done $0x0  }
0x24f: {  	s14 =	simm.s32 @!p0 $0x0;
	s18 =	simm.s32 @!p0 $0x200;
	[sflag:s5] =	ssyncadd.s32 $0xFFFFE000  }
0x250: {  	[tilespmem:s18], [sflag:$0xD] =	stream.linear.gather @!p0 [hbm4b:s25+s14], $0x40, $0x38;
	[tilespmem:$0x1C000] =	vst v63  }
0x251: {  	s14 =	simm.s32 @!p0 $0xD  }
0x252: {  	_ =	swait.ge @!p0 [sflag:s14], $0x40  }
0x253: {  	[sflag:s14] =	ssyncset.done @!p0 $0x0  }
0x254: {  	s25 =	simm.s32 @!p0 $0x400;
	[sflag:s14] =	ssyncadd.s32 @!p0 $0xFFFFFFC0;
	s14 =	simm.s32 @!p0 $0x40  }
0x255: {  	[spmem:s24] =	stream.indirect.scatter.add.f32 @!p0 [tilespmem:s25], [sflag:$0x5], $0x80, s18, s14, $0xb8;
	[tilespmem:$0x1C000] =	vst v63  }
0x256: {  	s14 =	simm.s32 @!p0 $0x5  }
0x257: {  	_ =	swait.ge @!p0 [sflag:s14], $0x2000  }
0x258: {  	[sflag:s14] =	ssyncset.done @!p0 $0x0  }
0x259: {  	[sflag:s14] =	ssyncadd.s32 @!p0 $0xFFFFE000  }
0x25a: {  	[bflag:$0x0] =	sbarrier.arrive $0xFFFF  }
0x25b: {  	s2 =	simm.s32 $0x2400;
	s25 =	simm.s32 $0x11;
	s15 =	rddreg [dreg:$0x1e]  }
0x25c: {  	[tilespmem:s2], [sflag:$0x11] =	stream.linear.gather [spmem:s15], $0x2000, $0x38;
	[tilespmem:$0x1C000] =	vst v63  }
0x25d: {  	_ =	swait.ge [sflag:s25], $0x2000  }
0x25e: {  	[sflag:s25] =	ssyncset.done $0x0  }
0x25f: {  	s22 =	rddreg [dreg:$0x11];
	[sflag:s25] =	ssyncadd.s32 $0xFFFFE000  }
0x260: {  	[hbm4b:s22+s1] =	stream.linear.scatter [tilespmem:s2], [sflag:$0x11], $0x2000, $0x38;
	[tilespmem:$0x1C000] =	vst v63  }
0x261: {  	_ =	swait.ge [sflag:s25], $0x2000  }
0x262: {  	s16 =	sld [smem:$0x7F9]  }
0x263: {  	[sflag:s25] =	ssyncset.done $0x0  }
0x264: {  	s3 =	simm.s32 $0x4400;
	[sflag:s25] =	ssyncadd.s32 $0xFFFFE000  }
0x265: {  	[tilespmem:s3], [sflag:$0x11] =	stream.linear.gather [spmem:s16], $0x2000, $0x38;
	[tilespmem:$0x1C000] =	vst v63  }
0x266: {  	_ =	swait.ge [sflag:s25], $0x2000  }
0x267: {  	[sflag:s25] =	ssyncset.done $0x0  }
0x268: {  	s26 =	rddreg [dreg:$0x12];
	[sflag:s25] =	ssyncadd.s32 $0xFFFFE000  }
0x269: {  	[hbm4b:s26+s1] =	stream.linear.scatter [tilespmem:s3], [sflag:$0x11], $0x2000, $0x38;
	[tilespmem:$0x1C000] =	vst v63  }
0x26a: {  	_ =	swait.ge [sflag:s25], $0x2000  }
0x26b: {  	[sflag:s25] =	ssyncset.done $0x0  }
0x26c: {  	s28 =	rddreg [dreg:$0x1f];
	[sflag:s25] =	ssyncadd.s32 $0xFFFFE000  }
0x26d: {  	[tilespmem:s2], [sflag:$0x11] =	stream.linear.gather [spmem:s28], $0x2000, $0x38;
	[tilespmem:$0x1C000] =	vst v63  }
0x26e: {  	_ =	swait.ge [sflag:s25], $0x2000  }
0x26f: {  	[sflag:s25] =	ssyncset.done $0x0  }
0x270: {  	s17 =	rddreg [dreg:$0x13];
	[sflag:s25] =	ssyncadd.s32 $0xFFFFE000  }
0x271: {  	[hbm4b:s17+s1] =	stream.linear.scatter [tilespmem:s2], [sflag:$0x11], $0x2000, $0x38;
	[tilespmem:$0x1C000] =	vst v63  }
0x272: {  	_ =	swait.ge [sflag:s25], $0x2000  }
0x273: {  	s21 =	sld [smem:$0x7FA]  }
0x274: {  	[sflag:s25] =	ssyncset.done $0x0  }
0x275: {  	[sflag:s25] =	ssyncadd.s32 $0xFFFFE000  }
0x276: {  	[tilespmem:s3], [sflag:$0x11] =	stream.linear.gather [spmem:s21], $0x2000, $0x38;
	[tilespmem:$0x1C000] =	vst v63  }
0x277: {  	_ =	swait.ge [sflag:s25], $0x2000  }
0x278: {  	[sflag:s25] =	ssyncset.done $0x0  }
0x279: {  	s18 =	rddreg [dreg:$0x14];
	[sflag:s25] =	ssyncadd.s32 $0xFFFFE000  }
0x27a: {  	[hbm4b:s18+s1] =	stream.linear.scatter [tilespmem:s3], [sflag:$0x11], $0x2000, $0x38;
	[tilespmem:$0x1C000] =	vst v63  }
0x27b: {  	_ =	swait.ge [sflag:s25], $0x2000  }
0x27c: {  	s17 =	sld [smem:$0x7F6]  }
0x27d: {  	[sflag:s25] =	ssyncset.done $0x0  }
0x27e: {  	[sflag:s25] =	ssyncadd.s32 $0xFFFFE000  }
0x27f: {  	[tilespmem:s2], [sflag:$0x11] =	stream.linear.gather [spmem:s17], $0x2000, $0x38;
	[tilespmem:$0x1C000] =	vst v63  }
0x280: {  	_ =	swait.ge [sflag:s25], $0x2000  }
0x281: {  	[sflag:s25] =	ssyncset.done $0x0  }
0x282: {  	s19 =	rddreg [dreg:$0x15];
	[sflag:s25] =	ssyncadd.s32 $0xFFFFE000  }
0x283: {  	[hbm4b:s19+s1] =	stream.linear.scatter [tilespmem:s2], [sflag:$0x11], $0x2000, $0x38;
	[tilespmem:$0x1C000] =	vst v63  }
0x284: {  	_ =	swait.ge [sflag:s25], $0x2000  }
0x285: {  	s29 =	sld [smem:$0x7FB]  }
0x286: {  	[sflag:s25] =	ssyncset.done $0x0  }
0x287: {  	[sflag:s25] =	ssyncadd.s32 $0xFFFFE000  }
0x288: {  	[tilespmem:s3], [sflag:$0x11] =	stream.linear.gather [spmem:s29], $0x2000, $0x38;
	[tilespmem:$0x1C000] =	vst v63  }
0x289: {  	_ =	swait.ge [sflag:s25], $0x2000  }
0x28a: {  	[sflag:s25] =	ssyncset.done $0x0  }
0x28b: {  	s22 =	rddreg [dreg:$0x16];
	[sflag:s25] =	ssyncadd.s32 $0xFFFFE000  }
0x28c: {  	[hbm4b:s22+s1] =	stream.linear.scatter [tilespmem:s3], [sflag:$0x11], $0x2000, $0x38;
	[tilespmem:$0x1C000] =	vst v63  }
0x28d: {  	_ =	swait.ge [sflag:s25], $0x2000  }
0x28e: {  	s22 =	sld [smem:$0x7F7]  }
0x28f: {  	[sflag:s25] =	ssyncset.done $0x0  }
0x290: {  	[sflag:s25] =	ssyncadd.s32 $0xFFFFE000  }
0x291: {  	[tilespmem:s2], [sflag:$0x11] =	stream.linear.gather [spmem:s22], $0x2000, $0x38;
	[tilespmem:$0x1C000] =	vst v63  }
0x292: {  	_ =	swait.ge [sflag:s25], $0x2000  }
0x293: {  	[sflag:s25] =	ssyncset.done $0x0  }
0x294: {  	s26 =	rddreg [dreg:$0x17];
	[sflag:s25] =	ssyncadd.s32 $0xFFFFE000  }
0x295: {  	[hbm4b:s26+s1] =	stream.linear.scatter [tilespmem:s2], [sflag:$0x11], $0x2000, $0x38;
	[tilespmem:$0x1C000] =	vst v63  }
0x296: {  	_ =	swait.ge [sflag:s25], $0x2000  }
0x297: {  	s18 =	sld [smem:$0x7FC]  }
0x298: {  	[sflag:s25] =	ssyncset.done $0x0  }
0x299: {  	[sflag:s25] =	ssyncadd.s32 $0xFFFFE000  }
0x29a: {  	[tilespmem:s3], [sflag:$0x11] =	stream.linear.gather [spmem:s18], $0x2000, $0x38;
	[tilespmem:$0x1C000] =	vst v63  }
0x29b: {  	_ =	swait.ge [sflag:s25], $0x2000  }
0x29c: {  	[sflag:s25] =	ssyncset.done $0x0  }
0x29d: {  	s19 =	rddreg [dreg:$0x18];
	[sflag:s25] =	ssyncadd.s32 $0xFFFFE000  }
0x29e: {  	[hbm4b:s19+s1] =	stream.linear.scatter [tilespmem:s3], [sflag:$0x11], $0x2000, $0x38;
	[tilespmem:$0x1C000] =	vst v63  }
0x29f: {  	_ =	swait.ge [sflag:s25], $0x2000  }
0x2a0: {  	s19 =	sld [smem:$0x7F8]  }
0x2a1: {  	[sflag:s25] =	ssyncset.done $0x0  }
0x2a2: {  	[sflag:s25] =	ssyncadd.s32 $0xFFFFE000  }
0x2a3: {  	[tilespmem:s2], [sflag:$0x11] =	stream.linear.gather [spmem:s19], $0x2000, $0x38;
	[tilespmem:$0x1C000] =	vst v63  }
0x2a4: {  	_ =	swait.ge [sflag:s25], $0x2000  }
0x2a5: {  	[sflag:s25] =	ssyncset.done $0x0  }
0x2a6: {  	s26 =	smov.u32 s18;
	s18 =	rddreg [dreg:$0x19];
	[sflag:s25] =	ssyncadd.s32 $0xFFFFE000  }
0x2a7: {  	[hbm4b:s18+s1] =	stream.linear.scatter [tilespmem:s2], [sflag:$0x11], $0x2000, $0x38;
	[tilespmem:$0x1C000] =	vst v63  }
0x2a8: {  	_ =	swait.ge [sflag:s25], $0x2000  }
0x2a9: {  	s18 =	sld [smem:$0x7FD]  }
0x2aa: {  	[sflag:s25] =	ssyncset.done $0x0  }
0x2ab: {  	[sflag:s25] =	ssyncadd.s32 $0xFFFFE000  }
0x2ac: {  	[tilespmem:s3], [sflag:$0x11] =	stream.linear.gather [spmem:s18], $0x1C00, $0x38;
	[tilespmem:$0x1C000] =	vst v63  }
0x2ad: {  	_ =	swait.ge [sflag:s25], $0x1C00  }
0x2ae: {  	[sflag:s25] =	ssyncset.done $0x0  }
0x2af: {  	s2 =	rddreg [dreg:$0x1a];
	[sflag:s25] =	ssyncadd.s32 $0xFFFFE400  }
0x2b0: {  	[hbm4b:s2+s1] =	stream.linear.scatter [tilespmem:s3], [sflag:$0x11], $0x1C00, $0x38;
	[tilespmem:$0x1C000] =	vst v63  }
0x2b1: {  	_ =	swait.ge [sflag:s25], $0x1C00  }
0x2b2: {  	s14 =	sld [smem:$0x7EB]  }
0x2b3: {  	s2 =	sld [smem:$0x7EE];
	_ =	sdelay $0x1  }
0x2b4: {  	s3 =	sadd.s32 $0x1, s14  }
0x2b5: {  	p1 =	sne.s32 s3, s2  }
.Ltmp2:
0x2b6: {  	_ = 	snop;
	(pc) =	sbr.rel @p1 .LBB2_1-.Ltmp2, $3  }
0x2b7: {  	_ =	sdelay $0x1  }
0x2b8: {  	[sflag:s25] =	ssyncset.done $0x0;
	s25 =	simm.s32 $0x11  }
0x2b9: {  	[sflag:s25] =	ssyncadd.s32 $0xFFFFE400  }
0x2ba: {  	_ =	sfence.sel $0x180000  }
0x2bb: {  	[bflag:$0x0] =	sbarrier.arrive $0xFFFF  }
0x2bc: {  	_ =	strace $0x90000047  }
0x2bd: {  	s0 =	stileid.u32;
	[bflag:$0x2] =	sbarrier.arrive $0xFFFF  }
0x2be: {  	p0 =	sne.s32 s0, $0x0;
	s0 =	rddreg [dreg:$0x4]  }
0x2bf: {  	s0 =	sadd.s32 @!p0 $0x100000, s0  }
0x2c0: {  	[sflag:s0] =	ssyncadd.tile.s32 @!p0 $0x1;
	_ =	shalt  }
.Lfunc_end2:
_tile_overlayer_lowered:
.L_overlay_start_2:
0x2c1: {  	(tag) =	ssettag $0x2  }
0x2c2: {  	s0 =	rddreg [dreg:$0x0];
	s2 =	stileid.u32  }
0x2c3: {  	s1 =	rddreg [dreg:$0x1];
	p0 =	sne.s32 s2, $0x0  }
0x2c4: {  	s3 =	rddreg [dreg:$0x2];
	[bflag:$0x3] =	sbarrier.arrive $0xFFFF;
	s2 =	simm.s32 @!p0 $0x1C11  }
0x2c5: {  	[timem:s3], [sflag:s2] =	dma.local @!p0 [hbm:s0], s1  }
0x2c6: {  	s0 =	simm.s32 @!p0 $0x11  }
0x2c7: {  	_ =	swait.ge @!p0 [sflag:s0], s1  }
0x2c8: {  	s1 =	ssub.s32 @!p0 $0x0, s1;
	[sflag:s0] =	ssyncset.done @!p0 $0x0  }
0x2c9: {  	[sflag:s0] =	ssyncadd.s32 @!p0 s1  }
0x2ca: {  	[bflag:$0x3] =	sbarrier.arrive $0xFFFF  }
0x2cb: {  	_ =	shalt  }

</sc_bundles>
